<compile_context>
chip_gen: v7x
topology: tpu7x:2x2x1
jax: 0.10.2.dev20260603
libtpu: 0.0.44.dev20260713+nightly
codegen_flags: <defaults>
</compile_context>

<pallas_src>
import functools

import jax
import jax.numpy as jnp
from jax import lax
from jax.experimental import pallas as pl
from jax.experimental.pallas import tpu as pltpu
from jax.experimental.pallas import tpu_sc as plsc

N = 10000
E = 320000
D = 16
GD = 128
OUT = 40

NC, NS = 2, 16
NW = NC * NS
EPW = E // NW
CHUNK = 80
NCH = EPW // CHUNK
NBUF = 5
NGRP = NCH // NBUF
HBM_BUFS = 2
RPT = N // NS

_mesh = plsc.VectorSubcoreMesh(core_axis_name="c", subcore_axis_name="s")


@functools.partial(
    pl.kernel,
    out_type=jax.ShapeDtypeStruct((NC, NS, RPT, D), jnp.float32),
    mesh=_mesh,
    scratch_types=[
        pltpu.VMEM((EPW,), jnp.int32),
        pltpu.VMEM((NCH, CHUNK), jnp.int32),
        pltpu.VMEM((NBUF, CHUNK, D), jnp.float32),
        pltpu.VMEM((RPT, D), jnp.float32),
        pltpu.VMEM_SHARED((N, D), jnp.float32),
        pltpu.VMEM_SHARED((N, D), jnp.float32),
        pltpu.SemaphoreType.DMA((NBUF,)),
        pltpu.SemaphoreType.DMA((NBUF,)),
    ],
    compiler_params=pltpu.CompilerParams(use_tc_tiling_on_sc=False),
)
def _sc_segsum(g_hbm, src_hbm, dst_hbm, z_hbm, out_hbm,
               src_v, dst_v, rows_v, stage_v, acc_sh, gtab_sh, sem_g, sem_s):
    cid = lax.axis_index("c")
    sid = lax.axis_index("s")
    wid = sid * NC + cid

    my_rows = pl.ds(sid * RPT, RPT)
    pltpu.sync_copy(z_hbm.at[sid], stage_v)
    pltpu.sync_copy(stage_v, acc_sh.at[my_rows])

    pltpu.sync_copy(g_hbm.at[my_rows], stage_v)
    pltpu.sync_copy(stage_v, gtab_sh.at[my_rows])

    pltpu.sync_copy(src_hbm.at[wid], src_v)
    pltpu.sync_copy(dst_hbm.at[wid], dst_v)
    plsc.subcore_barrier()

    def _tab(b):
        return g_hbm if b < HBM_BUFS else gtab_sh

    def _start_gather(chunk, b):
        idx = src_v.at[pl.ds(chunk * CHUNK, CHUNK)]
        return pltpu.async_copy(_tab(b).at[idx], rows_v.at[b], sem_g.at[b])

    def _wait_gather(b):
        idx = src_v.at[pl.ds(0, CHUNK)]
        pltpu.make_async_copy(_tab(b).at[idx], rows_v.at[b], sem_g.at[b]).wait()

    for b in range(NBUF):
        _start_gather(b, b)

    @pl.loop(0, NGRP - 1)
    def _grp(g):
        base = g * NBUF
        sd = []
        for b in range(NBUF):
            _wait_gather(b)
            sd.append(pltpu.async_copy(rows_v.at[b], acc_sh.at[dst_v.at[base + b]],
                                       sem_s.at[b], add=True))
        for b in range(NBUF):
            sd[b].wait()
            _start_gather(base + NBUF + b, b)

    base = (NGRP - 1) * NBUF
    sd = []
    for b in range(NBUF):
        _wait_gather(b)
        sd.append(pltpu.async_copy(rows_v.at[b], acc_sh.at[dst_v.at[base + b]],
                                   sem_s.at[b], add=True))
    for b in range(NBUF):
        sd[b].wait()

    plsc.subcore_barrier()
    pltpu.sync_copy(acc_sh.at[my_rows], stage_v)
    pltpu.sync_copy(stage_v, out_hbm.at[cid, sid])


@functools.partial(
    pl.kernel,
    out_type=jax.ShapeDtypeStruct((NC, NS, RPT, D), jnp.float32),
    mesh=_mesh,
    scratch_types=[
        pltpu.VMEM((NCH, CHUNK), jnp.int32),
        pltpu.VMEM((CHUNK, D), jnp.float32),
        pltpu.VMEM((RPT, D), jnp.float32),
        pltpu.VMEM_SHARED((N, D), jnp.float32),
        pltpu.SemaphoreType.DMA((NBUF,)),
    ],
    compiler_params=pltpu.CompilerParams(use_tc_tiling_on_sc=False),
)
def _sc_degree(dst_hbm, ones_hbm, z_hbm, out_hbm,
               dst_v, ones_v, stage_v, acc_sh, sem_s):
    cid = lax.axis_index("c")
    sid = lax.axis_index("s")
    wid = sid * NC + cid

    my_rows = pl.ds(sid * RPT, RPT)
    pltpu.sync_copy(z_hbm.at[sid], stage_v)
    pltpu.sync_copy(stage_v, acc_sh.at[my_rows])
    pltpu.sync_copy(ones_hbm, ones_v)
    pltpu.sync_copy(dst_hbm.at[wid], dst_v)
    plsc.subcore_barrier()

    @pl.loop(0, NGRP)
    def _grp(g):
        base = g * NBUF
        sd = []
        for b in range(NBUF):
            sd.append(pltpu.async_copy(ones_v, acc_sh.at[dst_v.at[base + b]],
                                       sem_s.at[b], add=True))
        for b in range(NBUF):
            sd[b].wait()

    plsc.subcore_barrier()
    pltpu.sync_copy(acc_sh.at[my_rows], stage_v)
    pltpu.sync_copy(stage_v, out_hbm.at[cid, sid])


BLK = 2000
GRID = (N // BLK,)


def _row_spec(d):
    return pl.BlockSpec((BLK, d), lambda i: (i, 0))


def _part_spec(d):
    return pl.BlockSpec((NC, BLK, d), lambda i: (0, i, 0))


def _full_spec(shape):
    nd = len(shape)
    return pl.BlockSpec(shape, lambda i: (0,) * nd)


def _tc1_body(degp, x, w1, dis_o, g1_o):
    deg = degp[0, :, 0:1] + degp[1, :, 0:1] + 1.0
    dis = lax.rsqrt(deg)
    h1 = jnp.dot(x[...], w1[...], preferred_element_type=jnp.float32)
    dis_o[...] = dis
    g1_o[...] = h1 * dis


def _tc2_body(s1, g1, dis_r, b1, w2, x1_o, g2_o):
    dis = dis_r[...]
    a1 = (s1[0, :, :] + s1[1, :, :] + dis * g1[...]) * dis + b1[...]
    x1 = jnp.maximum(a1, 0.0)
    x1_o[...] = x1
    g2_o[...] = jnp.dot(x1, w2[...], preferred_element_type=jnp.float32) * dis


def _lstm_step(xt, h, c, wih, whh, b):
    gates = lax.dot_general(xt, wih[...], (((1,), (1,)), ((), ())),
                            preferred_element_type=jnp.float32)
    gates = gates + lax.dot_general(h, whh[...], (((1,), (1,)), ((), ())),
                                    preferred_element_type=jnp.float32)
    gates = gates + b
    i = jax.nn.sigmoid(gates[:, 0:32])
    f = jax.nn.sigmoid(gates[:, 32:64])
    g = jnp.tanh(gates[:, 64:96])
    o = jax.nn.sigmoid(gates[:, 96:128])
    c2 = f * c + i * g
    h2 = o * jnp.tanh(c2)
    return h2, c2


def _tc3_body(s2, g2, dis_r, b2, x1_r, wih_f, whh_f, bih_f, bhh_f,
              wih_b, whh_b, bih_b, bhh_b, attw, attb, gjk_o):
    dis = dis_r[...]
    x1 = x1_r[...]
    a2 = (s2[0, :, :] + s2[1, :, :] + dis * g2[...]) * dis + b2[...]
    x2 = jnp.maximum(a2, 0.0)

    zh = jnp.zeros((BLK, 32), jnp.float32)
    bf = bih_f[...] + bhh_f[...]
    bb = bih_b[...] + bhh_b[...]
    hf0, cf0 = _lstm_step(x1, zh, zh, wih_f, whh_f, bf)
    hf1, _ = _lstm_step(x2, hf0, cf0, wih_f, whh_f, bf)
    hb0, cb0 = _lstm_step(x2, zh, zh, wih_b, whh_b, bb)
    hb1, _ = _lstm_step(x1, hb0, cb0, wih_b, whh_b, bb)

    seq0 = jnp.concatenate([hf0, hb1], axis=1)
    seq1 = jnp.concatenate([hf1, hb0], axis=1)
    a0 = jnp.dot(seq0, attw[...], preferred_element_type=jnp.float32) + attb[...]
    a1 = jnp.dot(seq1, attw[...], preferred_element_type=jnp.float32) + attb[...]
    m = jnp.maximum(a0, a1)
    e0 = jnp.exp(a0 - m)
    e1 = jnp.exp(a1 - m)
    xjk = (e0 * x1 + e1 * x2) / (e0 + e1)
    gjk_o[...] = xjk * dis


def _tc4_body(s3, gjk, dis_r, w3, b3, out_o):
    dis = dis_r[...]
    xp = (s3[0, :, :] + s3[1, :, :] + dis * gjk[...]) * dis
    logits = jnp.dot(xp, w3[...], preferred_element_type=jnp.float32) + b3[...]
    m = jnp.max(logits, axis=1, keepdims=True)
    lse = jnp.log(jnp.sum(jnp.exp(logits - m), axis=1, keepdims=True)) + m
    out_o[...] = logits - lse


def kernel(x, edge_index, W1, b1, W2, b2, Wih_f, Whh_f, bih_f, bhh_f,
           Wih_b, Whh_b, bih_b, bhh_b, attW, attb, W3, b3):
    src = edge_index[0].reshape(NW, EPW)
    dst = edge_index[1].reshape(NW, NCH, CHUNK)
    z16 = jnp.zeros((NS, RPT, D), jnp.float32)
    ones = jnp.ones((CHUNK, D), jnp.float32)

    degp = _sc_degree(dst, ones, z16).reshape(NC, N, D)

    dis, g1 = pl.pallas_call(
        _tc1_body,
        grid=GRID,
        in_specs=[_part_spec(D), _row_spec(128), _full_spec((128, D))],
        out_specs=[_row_spec(1), _row_spec(D)],
        out_shape=[jax.ShapeDtypeStruct((N, 1), jnp.float32),
                   jax.ShapeDtypeStruct((N, D), jnp.float32)],
    )(degp, x, W1)

    s1 = _sc_segsum(g1, src, dst, z16).reshape(NC, N, D)

    x1, g2 = pl.pallas_call(
        _tc2_body,
        grid=GRID,
        in_specs=[_part_spec(D), _row_spec(D), _row_spec(1),
                  _full_spec((1, D)), _full_spec((D, D))],
        out_specs=[_row_spec(D), _row_spec(D)],
        out_shape=[jax.ShapeDtypeStruct((N, D), jnp.float32),
                   jax.ShapeDtypeStruct((N, D), jnp.float32)],
    )(s1, g1, dis, b1.reshape(1, D), W2)

    s2 = _sc_segsum(g2, src, dst, z16).reshape(NC, N, D)

    gjk = pl.pallas_call(
        _tc3_body,
        grid=GRID,
        in_specs=[_part_spec(D), _row_spec(D), _row_spec(1),
                  _full_spec((1, D)), _row_spec(D),
                  _full_spec((GD, D)), _full_spec((GD, 32)),
                  _full_spec((1, GD)), _full_spec((1, GD)),
                  _full_spec((GD, D)), _full_spec((GD, 32)),
                  _full_spec((1, GD)), _full_spec((1, GD)),
                  _full_spec((64, 1)), _full_spec((1, 1))],
        out_specs=[_row_spec(D)],
        out_shape=[jax.ShapeDtypeStruct((N, D), jnp.float32)],
    )(s2, g2, dis, b2.reshape(1, D), x1, Wih_f, Whh_f,
      bih_f.reshape(1, GD), bhh_f.reshape(1, GD), Wih_b, Whh_b,
      bih_b.reshape(1, GD), bhh_b.reshape(1, GD), attW, attb.reshape(1, 1))[0]

    s3 = _sc_segsum(gjk, src, dst, z16).reshape(NC, N, D)

    out = pl.pallas_call(
        _tc4_body,
        grid=GRID,
        in_specs=[_part_spec(D), _row_spec(D), _row_spec(1),
                  _full_spec((D, OUT)), _full_spec((1, OUT))],
        out_specs=[_row_spec(OUT)],
        out_shape=[jax.ShapeDtypeStruct((N, OUT), jnp.float32)],
    )(s3, gjk, dis, W3, b3.reshape(1, OUT))[0]

    return out

# --- scband reference (transcript-rebuilt; emitter-appended) ---
"""Pipeline reference for scband-gcn-jknet-4209067950745 (READ-ONLY COPY).

The authoritative reference and input builder live on the scoring server;
editing this copy changes nothing except your own understanding.
"""

import jax, jax.numpy as jnp
import numpy as np

N_NODES = 10000
N_EDGES = 320000
IN_DIM = 128
HID = 16
LSTM_H = 32  # (num_layers * channels) // 2 = (4*16)//2
OUT_DIM = 40


def _gcn_norm(edge_index, num_nodes):
    loop = jnp.arange(num_nodes, dtype=edge_index.dtype)
    src = jnp.concatenate([edge_index[0], loop])
    dst = jnp.concatenate([edge_index[1], loop])
    deg = jnp.zeros((num_nodes,), jnp.float32).at[dst].add(1.0)
    dis = jnp.where(deg > 0, jax.lax.rsqrt(jnp.maximum(deg, 1e-12)), 0.0)
    norm = dis[src] * dis[dst]
    return src, dst, norm


def _gcn_conv(x, src, dst, norm, W, b, num_nodes):
    h = x @ W
    msg = h[src] * norm[:, None]
    out = jnp.zeros((num_nodes, h.shape[1]), h.dtype).at[dst].add(msg)
    return out + b


def _lstm_dir(xs, Wih, Whh, bih, bhh):
    n = xs[0].shape[0]
    H = Whh.shape[1]
    h = jnp.zeros((n, H), xs[0].dtype)
    c = jnp.zeros((n, H), xs[0].dtype)
    outs = []
    for xt in xs:
        gates = xt @ Wih.T + h @ Whh.T + bih + bhh
        i, f, g, o = jnp.split(gates, 4, axis=-1)
        i = jax.nn.sigmoid(i)
        f = jax.nn.sigmoid(f)
        g = jnp.tanh(g)
        o = jax.nn.sigmoid(o)
        c = f * c + i * g
        h = o * jnp.tanh(c)
        outs.append(h)
    return outs


def setup_inputs(seed: int = 0) -> dict:
    key = jax.random.key(seed)
    ks = jax.random.split(key, 20)
    x = jax.random.normal(ks[0], (N_NODES, IN_DIM), jnp.float32)
    edge_index = jax.random.randint(ks[1], (2, N_EDGES), 0, N_NODES, dtype=jnp.int32)
    s = 0.1
    W1 = jax.random.normal(ks[2], (IN_DIM, HID), jnp.float32) * s
    b1 = jnp.zeros((HID,), jnp.float32)
    W2 = jax.random.normal(ks[3], (HID, HID), jnp.float32) * s
    b2 = jnp.zeros((HID,), jnp.float32)
    Wih_f = jax.random.normal(ks[4], (4 * LSTM_H, HID), jnp.float32) * s
    Whh_f = jax.random.normal(ks[5], (4 * LSTM_H, LSTM_H), jnp.float32) * s
    bih_f = jnp.zeros((4 * LSTM_H,), jnp.float32)
    bhh_f = jnp.zeros((4 * LSTM_H,), jnp.float32)
    Wih_b = jax.random.normal(ks[6], (4 * LSTM_H, HID), jnp.float32) * s
    Whh_b = jax.random.normal(ks[7], (4 * LSTM_H, LSTM_H), jnp.float32) * s
    bih_b = jnp.zeros((4 * LSTM_H,), jnp.float32)
    bhh_b = jnp.zeros((4 * LSTM_H,), jnp.float32)
    attW = jax.random.normal(ks[8], (2 * LSTM_H, 1), jnp.float32) * s
    attb = jnp.zeros((1,), jnp.float32)
    W3 = jax.random.normal(ks[9], (HID, OUT_DIM), jnp.float32) * s
    b3 = jnp.zeros((OUT_DIM,), jnp.float32)
    return {"x": x, "edge_index": edge_index, "W1": W1, "b1": b1, "W2": W2, "b2": b2,
            "Wih_f": Wih_f, "Whh_f": Whh_f, "bih_f": bih_f, "bhh_f": bhh_f,
            "Wih_b": Wih_b, "Whh_b": Whh_b, "bih_b": bih_b, "bhh_b": bhh_b,
            "attW": attW, "attb": attb, "W3": W3, "b3": b3}


def reference(x, edge_index, W1, b1, W2, b2, Wih_f, Whh_f, bih_f, bhh_f,
              Wih_b, Whh_b, bih_b, bhh_b, attW, attb, W3, b3):
    num_nodes = x.shape[0]
    src, dst, norm = _gcn_norm(edge_index, num_nodes)
    # GCNConv(in, 16) + ReLU (+ Dropout in eval -> identity)
    x1 = jax.nn.relu(_gcn_conv(x, src, dst, norm, W1, b1, num_nodes))
    # GCNConv(16, 16) + ReLU (+ Dropout eval)
    x2 = jax.nn.relu(_gcn_conv(x1, src, dst, norm, W2, b2, num_nodes))
    # JumpingKnowledge('lstm', 16, num_layers=4): bidirectional LSTM attention over layer stack
    f_outs = _lstm_dir([x1, x2], Wih_f, Whh_f, bih_f, bhh_f)
    b_outs = _lstm_dir([x2, x1], Wih_b, Whh_b, bih_b, bhh_b)
    seq0 = jnp.concatenate([f_outs[0], b_outs[1]], axis=-1)
    seq1 = jnp.concatenate([f_outs[1], b_outs[0]], axis=-1)
    seq = jnp.stack([seq0, seq1], axis=1)  # [N, 2, 2*LSTM_H]
    alpha = (seq @ attW + attb)[..., 0]  # [N, 2]
    alpha = jax.nn.softmax(alpha, axis=-1)
    xstack = jnp.stack([x1, x2], axis=1)  # [N, 2, HID]
    xjk = jnp.sum(xstack * alpha[..., None], axis=1)
    # APPNP(K=1, alpha=0): one symmetric-normalized propagation
    msg = xjk[src] * norm[:, None]
    xp = jnp.zeros((num_nodes, xjk.shape[1]), xjk.dtype).at[dst].add(msg)
    logits = xp @ W3 + b3
    return jax.nn.log_softmax(logits, axis=1)

if __name__ == "__main__":
    import jax
    _d = setup_inputs()
    print(jax.jit(kernel)(*tuple(_d.values())))

</pallas_src>

<mosaic_0001>
#map = affine_map<(d0, d1) -> (0, 0)>
#map1 = affine_map<(d0, d1) -> (0, 0, 0)>
#map2 = affine_map<(d0, d1) -> (0, 0, 0, 0)>
module attributes {stable_mosaic.version = 14 : i64} {
  func.func @_sc_segsum(%arg0: i32, %arg1: i32, %arg2: memref<10000x16xf32, #tpu.memory_space<hbm>>, %arg3: memref<32x10000xi32, #tpu.memory_space<hbm>>, %arg4: memref<32x125x80xi32, #tpu.memory_space<hbm>>, %arg5: memref<16x625x16xf32, #tpu.memory_space<hbm>>, %arg6: memref<2x16x625x16xf32, #tpu.memory_space<hbm>>, %arg7: memref<10000xi32, #tpu.memory_space<vmem>>, %arg8: memref<125x80xi32, #tpu.memory_space<vmem>>, %arg9: memref<5x80x16xf32, #tpu.memory_space<vmem>>, %arg10: memref<625x16xf32, #tpu.memory_space<vmem>>, %arg11: memref<10000x16xf32, #tpu.memory_space<vmem_shared>>, %arg12: memref<10000x16xf32, #tpu.memory_space<vmem_shared>>, %arg13: memref<5x!tpu.dma_semaphore, #tpu.memory_space<semaphore_mem>>, %arg14: memref<5x!tpu.dma_semaphore, #tpu.memory_space<semaphore_mem>>) attributes {dimension_semantics = [#tpu.dimension_semantics<core_parallel>, #tpu.dimension_semantics<subcore_parallel>], iteration_bounds = array<i64: 2, 16>, scalar_prefetch = 0 : i64, scratch_operands = 8 : i64, tpu.core_type = #tpu.core_type<sc_vector_subcore>, window_params = [{transform_indices = #map}, {transform_indices = #map}, {transform_indices = #map1}, {transform_indices = #map1}, {transform_indices = #map2}]} {
    %mul3A = arith.constant 2 : i32
    %mul3A_0 = arith.muli %arg1, %mul3A : i32
    %add3A = arith.addi %mul3A_0, %arg0 : i32
    %mul3A_1 = arith.constant 625 : i32
    %mul3A_2 = arith.muli %arg1, %mul3A_1 : i32
    "tpu.region"() ({
      %run_scoped3A = tpu.sem_alloc : memref<!tpu.dma_semaphore, #tpu.memory_space<semaphore_mem>>
      %dma_start3A_286 = arith.constant 0 : i32
      %dma_start3A_287 = arith.constant 0 : i32
      %dma_start3A_288 = tpu.memref_slice %arg5[%arg1, %dma_start3A_286, %dma_start3A_287] : memref<16x625x16xf32, #tpu.memory_space<hbm>> -> memref<1x625x16xf32, #tpu.memory_space<hbm>>
      %dma_start3A_289 = tpu.memref_squeeze %dma_start3A_288 : memref<1x625x16xf32, #tpu.memory_space<hbm>> -> memref<625x16xf32, #tpu.memory_space<hbm>>
      %dma_start3A_290 = arith.constant 0 : i32
      %dma_start3A_291 = arith.constant 0 : i32
      %dma_start3A_292 = tpu.memref_slice %arg5[%arg1, %dma_start3A_290, %dma_start3A_291] : memref<16x625x16xf32, #tpu.memory_space<hbm>> -> memref<1x625x16xf32, #tpu.memory_space<hbm>>
      %dma_start3A_293 = tpu.memref_squeeze %dma_start3A_292 : memref<1x625x16xf32, #tpu.memory_space<hbm>> -> memref<625x16xf32, #tpu.memory_space<hbm>>
      tpu.enqueue_dma source(%dma_start3A_293 : memref<625x16xf32, #tpu.memory_space<hbm>>) target(%arg10 : memref<625x16xf32, #tpu.memory_space<vmem>>) target_semaphore(%run_scoped3A : memref<!tpu.dma_semaphore, #tpu.memory_space<semaphore_mem>>)
      %dma_wait3A_294 = arith.constant 0 : i32
      %dma_wait3A_295 = arith.constant 0 : i32
      %dma_wait3A_296 = tpu.memref_slice %arg5[%arg1, %dma_wait3A_294, %dma_wait3A_295] : memref<16x625x16xf32, #tpu.memory_space<hbm>> -> memref<1x625x16xf32, #tpu.memory_space<hbm>>
      %dma_wait3A_297 = tpu.memref_squeeze %dma_wait3A_296 : memref<1x625x16xf32, #tpu.memory_space<hbm>> -> memref<625x16xf32, #tpu.memory_space<hbm>>
      %dma_wait3A_298 = arith.constant 0 : i32
      %dma_wait3A_299 = arith.constant 0 : i32
      %dma_wait3A_300 = tpu.memref_slice %arg5[%arg1, %dma_wait3A_298, %dma_wait3A_299] : memref<16x625x16xf32, #tpu.memory_space<hbm>> -> memref<1x625x16xf32, #tpu.memory_space<hbm>>
      %dma_wait3A_301 = tpu.memref_squeeze %dma_wait3A_300 : memref<1x625x16xf32, #tpu.memory_space<hbm>> -> memref<625x16xf32, #tpu.memory_space<hbm>>
      tpu.wait_dma2 semaphore(%run_scoped3A : memref<!tpu.dma_semaphore, #tpu.memory_space<semaphore_mem>>) src(%dma_wait3A_301 : memref<625x16xf32, #tpu.memory_space<hbm>>) dst(%arg10 : memref<625x16xf32, #tpu.memory_space<vmem>>)
      tpu.yield
    }) : () -> ()
    "tpu.region"() ({
      %run_scoped3A = tpu.sem_alloc : memref<!tpu.dma_semaphore, #tpu.memory_space<semaphore_mem>>
      %dma_start3A_286 = arith.constant 0 : i32
      %dma_start3A_287 = tpu.memref_slice %arg11[%mul3A_2, %dma_start3A_286] : memref<10000x16xf32, #tpu.memory_space<vmem_shared>> -> memref<625x16xf32, #tpu.memory_space<vmem_shared>>
      %dma_start3A_288 = arith.constant 0 : i32
      %dma_start3A_289 = tpu.memref_slice %arg11[%mul3A_2, %dma_start3A_288] : memref<10000x16xf32, #tpu.memory_space<vmem_shared>> -> memref<625x16xf32, #tpu.memory_space<vmem_shared>>
      tpu.enqueue_dma source(%arg10 : memref<625x16xf32, #tpu.memory_space<vmem>>) target(%dma_start3A_289 : memref<625x16xf32, #tpu.memory_space<vmem_shared>>) target_semaphore(%run_scoped3A : memref<!tpu.dma_semaphore, #tpu.memory_space<semaphore_mem>>)
      %dma_wait3A_290 = arith.constant 0 : i32
      %dma_wait3A_291 = tpu.memref_slice %arg11[%mul3A_2, %dma_wait3A_290] : memref<10000x16xf32, #tpu.memory_space<vmem_shared>> -> memref<625x16xf32, #tpu.memory_space<vmem_shared>>
      %dma_wait3A_292 = arith.constant 0 : i32
      %dma_wait3A_293 = tpu.memref_slice %arg11[%mul3A_2, %dma_wait3A_292] : memref<10000x16xf32, #tpu.memory_space<vmem_shared>> -> memref<625x16xf32, #tpu.memory_space<vmem_shared>>
      tpu.wait_dma2 semaphore(%run_scoped3A : memref<!tpu.dma_semaphore, #tpu.memory_space<semaphore_mem>>) src(%arg10 : memref<625x16xf32, #tpu.memory_space<vmem>>) dst(%dma_wait3A_293 : memref<625x16xf32, #tpu.memory_space<vmem_shared>>)
      tpu.yield
    }) : () -> ()
    "tpu.region"() ({
      %run_scoped3A = tpu.sem_alloc : memref<!tpu.dma_semaphore, #tpu.memory_space<semaphore_mem>>
      %dma_start3A_286 = arith.constant 0 : i32
      %dma_start3A_287 = tpu.memref_slice %arg2[%mul3A_2, %dma_start3A_286] : memref<10000x16xf32, #tpu.memory_space<hbm>> -> memref<625x16xf32, #tpu.memory_space<hbm>>
      %dma_start3A_288 = arith.constant 0 : i32
      %dma_start3A_289 = tpu.memref_slice %arg2[%mul3A_2, %dma_start3A_288] : memref<10000x16xf32, #tpu.memory_space<hbm>> -> memref<625x16xf32, #tpu.memory_space<hbm>>
      tpu.enqueue_dma source(%dma_start3A_289 : memref<625x16xf32, #tpu.memory_space<hbm>>) target(%arg10 : memref<625x16xf32, #tpu.memory_space<vmem>>) target_semaphore(%run_scoped3A : memref<!tpu.dma_semaphore, #tpu.memory_space<semaphore_mem>>)
      %dma_wait3A_290 = arith.constant 0 : i32
      %dma_wait3A_291 = tpu.memref_slice %arg2[%mul3A_2, %dma_wait3A_290] : memref<10000x16xf32, #tpu.memory_space<hbm>> -> memref<625x16xf32, #tpu.memory_space<hbm>>
      %dma_wait3A_292 = arith.constant 0 : i32
      %dma_wait3A_293 = tpu.memref_slice %arg2[%mul3A_2, %dma_wait3A_292] : memref<10000x16xf32, #tpu.memory_space<hbm>> -> memref<625x16xf32, #tpu.memory_space<hbm>>
      tpu.wait_dma2 semaphore(%run_scoped3A : memref<!tpu.dma_semaphore, #tpu.memory_space<semaphore_mem>>) src(%dma_wait3A_293 : memref<625x16xf32, #tpu.memory_space<hbm>>) dst(%arg10 : memref<625x16xf32, #tpu.memory_space<vmem>>)
      tpu.yield
    }) : () -> ()
    "tpu.region"() ({
      %run_scoped3A = tpu.sem_alloc : memref<!tpu.dma_semaphore, #tpu.memory_space<semaphore_mem>>
      %dma_start3A_286 = arith.constant 0 : i32
      %dma_start3A_287 = tpu.memref_slice %arg12[%mul3A_2, %dma_start3A_286] : memref<10000x16xf32, #tpu.memory_space<vmem_shared>> -> memref<625x16xf32, #tpu.memory_space<vmem_shared>>
      %dma_start3A_288 = arith.constant 0 : i32
      %dma_start3A_289 = tpu.memref_slice %arg12[%mul3A_2, %dma_start3A_288] : memref<10000x16xf32, #tpu.memory_space<vmem_shared>> -> memref<625x16xf32, #tpu.memory_space<vmem_shared>>
      tpu.enqueue_dma source(%arg10 : memref<625x16xf32, #tpu.memory_space<vmem>>) target(%dma_start3A_289 : memref<625x16xf32, #tpu.memory_space<vmem_shared>>) target_semaphore(%run_scoped3A : memref<!tpu.dma_semaphore, #tpu.memory_space<semaphore_mem>>)
      %dma_wait3A_290 = arith.constant 0 : i32
      %dma_wait3A_291 = tpu.memref_slice %arg12[%mul3A_2, %dma_wait3A_290] : memref<10000x16xf32, #tpu.memory_space<vmem_shared>> -> memref<625x16xf32, #tpu.memory_space<vmem_shared>>
      %dma_wait3A_292 = arith.constant 0 : i32
      %dma_wait3A_293 = tpu.memref_slice %arg12[%mul3A_2, %dma_wait3A_292] : memref<10000x16xf32, #tpu.memory_space<vmem_shared>> -> memref<625x16xf32, #tpu.memory_space<vmem_shared>>
      tpu.wait_dma2 semaphore(%run_scoped3A : memref<!tpu.dma_semaphore, #tpu.memory_space<semaphore_mem>>) src(%arg10 : memref<625x16xf32, #tpu.memory_space<vmem>>) dst(%dma_wait3A_293 : memref<625x16xf32, #tpu.memory_space<vmem_shared>>)
      tpu.yield
    }) : () -> ()
    "tpu.region"() ({
      %run_scoped3A = tpu.sem_alloc : memref<!tpu.dma_semaphore, #tpu.memory_space<semaphore_mem>>
      %dma_start3A_286 = arith.constant 0 : i32
      %dma_start3A_287 = tpu.memref_slice %arg3[%add3A, %dma_start3A_286] : memref<32x10000xi32, #tpu.memory_space<hbm>> -> memref<1x10000xi32, #tpu.memory_space<hbm>>
      %dma_start3A_288 = tpu.memref_squeeze %dma_start3A_287 : memref<1x10000xi32, #tpu.memory_space<hbm>> -> memref<10000xi32, #tpu.memory_space<hbm>>
      %dma_start3A_289 = arith.constant 0 : i32
      %dma_start3A_290 = tpu.memref_slice %arg3[%add3A, %dma_start3A_289] : memref<32x10000xi32, #tpu.memory_space<hbm>> -> memref<1x10000xi32, #tpu.memory_space<hbm>>
      %dma_start3A_291 = tpu.memref_squeeze %dma_start3A_290 : memref<1x10000xi32, #tpu.memory_space<hbm>> -> memref<10000xi32, #tpu.memory_space<hbm>>
      tpu.enqueue_dma source(%dma_start3A_291 : memref<10000xi32, #tpu.memory_space<hbm>>) target(%arg7 : memref<10000xi32, #tpu.memory_space<vmem>>) target_semaphore(%run_scoped3A : memref<!tpu.dma_semaphore, #tpu.memory_space<semaphore_mem>>)
      %dma_wait3A_292 = arith.constant 0 : i32
      %dma_wait3A_293 = tpu.memref_slice %arg3[%add3A, %dma_wait3A_292] : memref<32x10000xi32, #tpu.memory_space<hbm>> -> memref<1x10000xi32, #tpu.memory_space<hbm>>
      %dma_wait3A_294 = tpu.memref_squeeze %dma_wait3A_293 : memref<1x10000xi32, #tpu.memory_space<hbm>> -> memref<10000xi32, #tpu.memory_space<hbm>>
      %dma_wait3A_295 = arith.constant 0 : i32
      %dma_wait3A_296 = tpu.memref_slice %arg3[%add3A, %dma_wait3A_295] : memref<32x10000xi32, #tpu.memory_space<hbm>> -> memref<1x10000xi32, #tpu.memory_space<hbm>>
      %dma_wait3A_297 = tpu.memref_squeeze %dma_wait3A_296 : memref<1x10000xi32, #tpu.memory_space<hbm>> -> memref<10000xi32, #tpu.memory_space<hbm>>
      tpu.wait_dma2 semaphore(%run_scoped3A : memref<!tpu.dma_semaphore, #tpu.memory_space<semaphore_mem>>) src(%dma_wait3A_297 : memref<10000xi32, #tpu.memory_space<hbm>>) dst(%arg7 : memref<10000xi32, #tpu.memory_space<vmem>>)
      tpu.yield
    }) : () -> ()
    "tpu.region"() ({
      %run_scoped3A = tpu.sem_alloc : memref<!tpu.dma_semaphore, #tpu.memory_space<semaphore_mem>>
      %dma_start3A_286 = arith.constant 0 : i32
      %dma_start3A_287 = arith.constant 0 : i32
      %dma_start3A_288 = tpu.memref_slice %arg4[%add3A, %dma_start3A_286, %dma_start3A_287] : memref<32x125x80xi32, #tpu.memory_space<hbm>> -> memref<1x125x80xi32, #tpu.memory_space<hbm>>
      %dma_start3A_289 = tpu.memref_squeeze %dma_start3A_288 : memref<1x125x80xi32, #tpu.memory_space<hbm>> -> memref<125x80xi32, #tpu.memory_space<hbm>>
      %dma_start3A_290 = arith.constant 0 : i32
      %dma_start3A_291 = arith.constant 0 : i32
      %dma_start3A_292 = tpu.memref_slice %arg4[%add3A, %dma_start3A_290, %dma_start3A_291] : memref<32x125x80xi32, #tpu.memory_space<hbm>> -> memref<1x125x80xi32, #tpu.memory_space<hbm>>
      %dma_start3A_293 = tpu.memref_squeeze %dma_start3A_292 : memref<1x125x80xi32, #tpu.memory_space<hbm>> -> memref<125x80xi32, #tpu.memory_space<hbm>>
      tpu.enqueue_dma source(%dma_start3A_293 : memref<125x80xi32, #tpu.memory_space<hbm>>) target(%arg8 : memref<125x80xi32, #tpu.memory_space<vmem>>) target_semaphore(%run_scoped3A : memref<!tpu.dma_semaphore, #tpu.memory_space<semaphore_mem>>)
      %dma_wait3A_294 = arith.constant 0 : i32
      %dma_wait3A_295 = arith.constant 0 : i32
      %dma_wait3A_296 = tpu.memref_slice %arg4[%add3A, %dma_wait3A_294, %dma_wait3A_295] : memref<32x125x80xi32, #tpu.memory_space<hbm>> -> memref<1x125x80xi32, #tpu.memory_space<hbm>>
      %dma_wait3A_297 = tpu.memref_squeeze %dma_wait3A_296 : memref<1x125x80xi32, #tpu.memory_space<hbm>> -> memref<125x80xi32, #tpu.memory_space<hbm>>
      %dma_wait3A_298 = arith.constant 0 : i32
      %dma_wait3A_299 = arith.constant 0 : i32
      %dma_wait3A_300 = tpu.memref_slice %arg4[%add3A, %dma_wait3A_298, %dma_wait3A_299] : memref<32x125x80xi32, #tpu.memory_space<hbm>> -> memref<1x125x80xi32, #tpu.memory_space<hbm>>
      %dma_wait3A_301 = tpu.memref_squeeze %dma_wait3A_300 : memref<1x125x80xi32, #tpu.memory_space<hbm>> -> memref<125x80xi32, #tpu.memory_space<hbm>>
      tpu.wait_dma2 semaphore(%run_scoped3A : memref<!tpu.dma_semaphore, #tpu.memory_space<semaphore_mem>>) src(%dma_wait3A_301 : memref<125x80xi32, #tpu.memory_space<hbm>>) dst(%arg8 : memref<125x80xi32, #tpu.memory_space<vmem>>)
      tpu.yield
    }) : () -> ()
    %barrier3A = arith.constant 0 : index
    tpu.barrier barrier_id(%barrier3A)
    %dma_start3A = arith.constant 0 : i32
    %dma_start3A_3 = arith.constant 0 : i32
    %dma_start3A_4 = arith.constant 0 : i32
    %dma_start3A_5 = arith.constant 0 : i32
    %dma_start3A_6 = tpu.memref_slice %arg9[%dma_start3A, %dma_start3A_4, %dma_start3A_5] : memref<5x80x16xf32, #tpu.memory_space<vmem>> -> memref<1x80x16xf32, #tpu.memory_space<vmem>>
    %dma_start3A_7 = tpu.memref_squeeze %dma_start3A_6 : memref<1x80x16xf32, #tpu.memory_space<vmem>> -> memref<80x16xf32, #tpu.memory_space<vmem>>
    %dma_start3A_8 = arith.constant 0 : i32
    %dma_start3A_9 = tpu.memref_slice %arg7[%dma_start3A_8] : memref<10000xi32, #tpu.memory_space<vmem>> -> memref<80xi32, #tpu.memory_space<vmem>>
    %dma_start3A_10 = arith.constant 0 : i32
    %dma_start3A_11 = arith.constant 0 : i32
    %dma_start3A_12 = tpu.memref_slice %arg2[%dma_start3A_10, %dma_start3A_11] : memref<10000x16xf32, #tpu.memory_space<hbm>> -> memref<10000x16xf32, #tpu.memory_space<hbm>>
    %dma_start3A_13 = tpu.memref_slice %arg13[%dma_start3A_3] : memref<5x!tpu.dma_semaphore, #tpu.memory_space<semaphore_mem>> -> memref<1x!tpu.dma_semaphore, #tpu.memory_space<semaphore_mem>>
    %dma_start3A_14 = tpu.memref_squeeze %dma_start3A_13 : memref<1x!tpu.dma_semaphore, #tpu.memory_space<semaphore_mem>> -> memref<!tpu.dma_semaphore, #tpu.memory_space<semaphore_mem>>
    tpu.enqueue_indirect_dma source(%dma_start3A_12 : memref<10000x16xf32, #tpu.memory_space<hbm>>) target(%dma_start3A_7 : memref<80x16xf32, #tpu.memory_space<vmem>>) offsets(%dma_start3A_9 : memref<80xi32, #tpu.memory_space<vmem>>) semaphore(%dma_start3A_14 : memref<!tpu.dma_semaphore, #tpu.memory_space<semaphore_mem>>)
    %dma_start3A_15 = arith.constant 1 : i32
    %dma_start3A_16 = arith.constant 1 : i32
    %dma_start3A_17 = arith.constant 0 : i32
    %dma_start3A_18 = arith.constant 0 : i32
    %dma_start3A_19 = tpu.memref_slice %arg9[%dma_start3A_15, %dma_start3A_17, %dma_start3A_18] : memref<5x80x16xf32, #tpu.memory_space<vmem>> -> memref<1x80x16xf32, #tpu.memory_space<vmem>>
    %dma_start3A_20 = tpu.memref_squeeze %dma_start3A_19 : memref<1x80x16xf32, #tpu.memory_space<vmem>> -> memref<80x16xf32, #tpu.memory_space<vmem>>
    %dma_start3A_21 = arith.constant 80 : i32
    %dma_start3A_22 = tpu.memref_slice %arg7[%dma_start3A_21] : memref<10000xi32, #tpu.memory_space<vmem>> -> memref<80xi32, #tpu.memory_space<vmem>>
    %dma_start3A_23 = arith.constant 0 : i32
    %dma_start3A_24 = arith.constant 0 : i32
    %dma_start3A_25 = tpu.memref_slice %arg2[%dma_start3A_23, %dma_start3A_24] : memref<10000x16xf32, #tpu.memory_space<hbm>> -> memref<10000x16xf32, #tpu.memory_space<hbm>>
    %dma_start3A_26 = tpu.memref_slice %arg13[%dma_start3A_16] : memref<5x!tpu.dma_semaphore, #tpu.memory_space<semaphore_mem>> -> memref<1x!tpu.dma_semaphore, #tpu.memory_space<semaphore_mem>>
    %dma_start3A_27 = tpu.memref_squeeze %dma_start3A_26 : memref<1x!tpu.dma_semaphore, #tpu.memory_space<semaphore_mem>> -> memref<!tpu.dma_semaphore, #tpu.memory_space<semaphore_mem>>
    tpu.enqueue_indirect_dma source(%dma_start3A_25 : memref<10000x16xf32, #tpu.memory_space<hbm>>) target(%dma_start3A_20 : memref<80x16xf32, #tpu.memory_space<vmem>>) offsets(%dma_start3A_22 : memref<80xi32, #tpu.memory_space<vmem>>) semaphore(%dma_start3A_27 : memref<!tpu.dma_semaphore, #tpu.memory_space<semaphore_mem>>)
    %dma_start3A_28 = arith.constant 2 : i32
    %dma_start3A_29 = arith.constant 2 : i32
    %dma_start3A_30 = arith.constant 0 : i32
    %dma_start3A_31 = arith.constant 0 : i32
    %dma_start3A_32 = tpu.memref_slice %arg9[%dma_start3A_28, %dma_start3A_30, %dma_start3A_31] : memref<5x80x16xf32, #tpu.memory_space<vmem>> -> memref<1x80x16xf32, #tpu.memory_space<vmem>>
    %dma_start3A_33 = tpu.memref_squeeze %dma_start3A_32 : memref<1x80x16xf32, #tpu.memory_space<vmem>> -> memref<80x16xf32, #tpu.memory_space<vmem>>
    %dma_start3A_34 = arith.constant 160 : i32
    %dma_start3A_35 = tpu.memref_slice %arg7[%dma_start3A_34] : memref<10000xi32, #tpu.memory_space<vmem>> -> memref<80xi32, #tpu.memory_space<vmem>>
    %dma_start3A_36 = arith.constant 0 : i32
    %dma_start3A_37 = arith.constant 0 : i32
    %dma_start3A_38 = tpu.memref_slice %arg12[%dma_start3A_36, %dma_start3A_37] : memref<10000x16xf32, #tpu.memory_space<vmem_shared>> -> memref<10000x16xf32, #tpu.memory_space<vmem_shared>>
    %dma_start3A_39 = tpu.memref_slice %arg13[%dma_start3A_29] : memref<5x!tpu.dma_semaphore, #tpu.memory_space<semaphore_mem>> -> memref<1x!tpu.dma_semaphore, #tpu.memory_space<semaphore_mem>>
    %dma_start3A_40 = tpu.memref_squeeze %dma_start3A_39 : memref<1x!tpu.dma_semaphore, #tpu.memory_space<semaphore_mem>> -> memref<!tpu.dma_semaphore, #tpu.memory_space<semaphore_mem>>
    tpu.enqueue_indirect_dma source(%dma_start3A_38 : memref<10000x16xf32, #tpu.memory_space<vmem_shared>>) target(%dma_start3A_33 : memref<80x16xf32, #tpu.memory_space<vmem>>) offsets(%dma_start3A_35 : memref<80xi32, #tpu.memory_space<vmem>>) semaphore(%dma_start3A_40 : memref<!tpu.dma_semaphore, #tpu.memory_space<semaphore_mem>>)
    %dma_start3A_41 = arith.constant 3 : i32
    %dma_start3A_42 = arith.constant 3 : i32
    %dma_start3A_43 = arith.constant 0 : i32
    %dma_start3A_44 = arith.constant 0 : i32
    %dma_start3A_45 = tpu.memref_slice %arg9[%dma_start3A_41, %dma_start3A_43, %dma_start3A_44] : memref<5x80x16xf32, #tpu.memory_space<vmem>> -> memref<1x80x16xf32, #tpu.memory_space<vmem>>
    %dma_start3A_46 = tpu.memref_squeeze %dma_start3A_45 : memref<1x80x16xf32, #tpu.memory_space<vmem>> -> memref<80x16xf32, #tpu.memory_space<vmem>>
    %dma_start3A_47 = arith.constant 240 : i32
    %dma_start3A_48 = tpu.memref_slice %arg7[%dma_start3A_47] : memref<10000xi32, #tpu.memory_space<vmem>> -> memref<80xi32, #tpu.memory_space<vmem>>
    %dma_start3A_49 = arith.constant 0 : i32
    %dma_start3A_50 = arith.constant 0 : i32
    %dma_start3A_51 = tpu.memref_slice %arg12[%dma_start3A_49, %dma_start3A_50] : memref<10000x16xf32, #tpu.memory_space<vmem_shared>> -> memref<10000x16xf32, #tpu.memory_space<vmem_shared>>
    %dma_start3A_52 = tpu.memref_slice %arg13[%dma_start3A_42] : memref<5x!tpu.dma_semaphore, #tpu.memory_space<semaphore_mem>> -> memref<1x!tpu.dma_semaphore, #tpu.memory_space<semaphore_mem>>
    %dma_start3A_53 = tpu.memref_squeeze %dma_start3A_52 : memref<1x!tpu.dma_semaphore, #tpu.memory_space<semaphore_mem>> -> memref<!tpu.dma_semaphore, #tpu.memory_space<semaphore_mem>>
    tpu.enqueue_indirect_dma source(%dma_start3A_51 : memref<10000x16xf32, #tpu.memory_space<vmem_shared>>) target(%dma_start3A_46 : memref<80x16xf32, #tpu.memory_space<vmem>>) offsets(%dma_start3A_48 : memref<80xi32, #tpu.memory_space<vmem>>) semaphore(%dma_start3A_53 : memref<!tpu.dma_semaphore, #tpu.memory_space<semaphore_mem>>)
    %dma_start3A_54 = arith.constant 4 : i32
    %dma_start3A_55 = arith.constant 4 : i32
    %dma_start3A_56 = arith.constant 0 : i32
    %dma_start3A_57 = arith.constant 0 : i32
    %dma_start3A_58 = tpu.memref_slice %arg9[%dma_start3A_54, %dma_start3A_56, %dma_start3A_57] : memref<5x80x16xf32, #tpu.memory_space<vmem>> -> memref<1x80x16xf32, #tpu.memory_space<vmem>>
    %dma_start3A_59 = tpu.memref_squeeze %dma_start3A_58 : memref<1x80x16xf32, #tpu.memory_space<vmem>> -> memref<80x16xf32, #tpu.memory_space<vmem>>
    %dma_start3A_60 = arith.constant 320 : i32
    %dma_start3A_61 = tpu.memref_slice %arg7[%dma_start3A_60] : memref<10000xi32, #tpu.memory_space<vmem>> -> memref<80xi32, #tpu.memory_space<vmem>>
    %dma_start3A_62 = arith.constant 0 : i32
    %dma_start3A_63 = arith.constant 0 : i32
    %dma_start3A_64 = tpu.memref_slice %arg12[%dma_start3A_62, %dma_start3A_63] : memref<10000x16xf32, #tpu.memory_space<vmem_shared>> -> memref<10000x16xf32, #tpu.memory_space<vmem_shared>>
    %dma_start3A_65 = tpu.memref_slice %arg13[%dma_start3A_55] : memref<5x!tpu.dma_semaphore, #tpu.memory_space<semaphore_mem>> -> memref<1x!tpu.dma_semaphore, #tpu.memory_space<semaphore_mem>>
    %dma_start3A_66 = tpu.memref_squeeze %dma_start3A_65 : memref<1x!tpu.dma_semaphore, #tpu.memory_space<semaphore_mem>> -> memref<!tpu.dma_semaphore, #tpu.memory_space<semaphore_mem>>
    tpu.enqueue_indirect_dma source(%dma_start3A_64 : memref<10000x16xf32, #tpu.memory_space<vmem_shared>>) target(%dma_start3A_59 : memref<80x16xf32, #tpu.memory_space<vmem>>) offsets(%dma_start3A_61 : memref<80xi32, #tpu.memory_space<vmem>>) semaphore(%dma_start3A_66 : memref<!tpu.dma_semaphore, #tpu.memory_space<semaphore_mem>>)
    %scan3A = arith.constant 0 : i32
    %scan3A_67 = arith.constant 24 : i32
    %scan3A_68 = arith.addi %scan3A, %scan3A_67 : i32
    %scan3A_69 = arith.constant 1 : i32
    scf.for %scan3A_286 = %scan3A to %scan3A_68 step %scan3A_69  : i32 {
      %mul3A_287 = arith.constant 1 : i32
      %mul3A_288 = arith.muli %scan3A_286, %mul3A_287 : i32
      %add3A_289 = arith.constant 0 : i32
      %add3A_290 = arith.addi %add3A_289, %mul3A_288 : i32
      %mul3A_291 = arith.constant 5 : i32
      %mul3A_292 = arith.muli %add3A_290, %mul3A_291 : i32
      %dma_wait3A_293 = arith.constant 0 : i32
      %dma_wait3A_294 = arith.constant 0 : i32
      %dma_wait3A_295 = arith.constant 0 : i32
      %dma_wait3A_296 = arith.constant 0 : i32
      %dma_wait3A_297 = tpu.memref_slice %arg9[%dma_wait3A_293, %dma_wait3A_295, %dma_wait3A_296] : memref<5x80x16xf32, #tpu.memory_space<vmem>> -> memref<1x80x16xf32, #tpu.memory_space<vmem>>
      %dma_wait3A_298 = tpu.memref_squeeze %dma_wait3A_297 : memref<1x80x16xf32, #tpu.memory_space<vmem>> -> memref<80x16xf32, #tpu.memory_space<vmem>>
      %dma_wait3A_299 = arith.constant 0 : i32
      %dma_wait3A_300 = tpu.memref_slice %arg7[%dma_wait3A_299] : memref<10000xi32, #tpu.memory_space<vmem>> -> memref<80xi32, #tpu.memory_space<vmem>>
      %dma_wait3A_301 = arith.constant 0 : i32
      %dma_wait3A_302 = arith.constant 0 : i32
      %dma_wait3A_303 = tpu.memref_slice %arg2[%dma_wait3A_301, %dma_wait3A_302] : memref<10000x16xf32, #tpu.memory_space<hbm>> -> memref<10000x16xf32, #tpu.memory_space<hbm>>
      %dma_wait3A_304 = tpu.memref_slice %arg13[%dma_wait3A_294] : memref<5x!tpu.dma_semaphore, #tpu.memory_space<semaphore_mem>> -> memref<1x!tpu.dma_semaphore, #tpu.memory_space<semaphore_mem>>
      %dma_wait3A_305 = tpu.memref_squeeze %dma_wait3A_304 : memref<1x!tpu.dma_semaphore, #tpu.memory_space<semaphore_mem>> -> memref<!tpu.dma_semaphore, #tpu.memory_space<semaphore_mem>>
      tpu.wait_indirect_dma semaphore(%dma_wait3A_305 : memref<!tpu.dma_semaphore, #tpu.memory_space<semaphore_mem>>) src(%dma_wait3A_303 : memref<10000x16xf32, #tpu.memory_space<hbm>>) dst(%dma_wait3A_298 : memref<80x16xf32, #tpu.memory_space<vmem>>)
      %add3A_306 = arith.constant 0 : i32
      %add3A_307 = arith.addi %mul3A_292, %add3A_306 : i32
      %dma_start3A_308 = arith.constant 0 : i32
      %dma_start3A_309 = arith.constant 0 : i32
      %dma_start3A_310 = arith.constant 0 : i32
      %dma_start3A_311 = arith.constant 0 : i32
      %dma_start3A_312 = tpu.memref_slice %arg9[%dma_start3A_308, %dma_start3A_310, %dma_start3A_311] : memref<5x80x16xf32, #tpu.memory_space<vmem>> -> memref<1x80x16xf32, #tpu.memory_space<vmem>>
      %dma_start3A_313 = tpu.memref_squeeze %dma_start3A_312 : memref<1x80x16xf32, #tpu.memory_space<vmem>> -> memref<80x16xf32, #tpu.memory_space<vmem>>
      %dma_start3A_314 = arith.constant 0 : i32
      %dma_start3A_315 = tpu.memref_slice %arg8[%add3A_307, %dma_start3A_314] : memref<125x80xi32, #tpu.memory_space<vmem>> -> memref<1x80xi32, #tpu.memory_space<vmem>>
      %dma_start3A_316 = tpu.memref_squeeze %dma_start3A_315 : memref<1x80xi32, #tpu.memory_space<vmem>> -> memref<80xi32, #tpu.memory_space<vmem>>
      %dma_start3A_317 = arith.constant 0 : i32
      %dma_start3A_318 = arith.constant 0 : i32
      %dma_start3A_319 = tpu.memref_slice %arg11[%dma_start3A_317, %dma_start3A_318] : memref<10000x16xf32, #tpu.memory_space<vmem_shared>> -> memref<10000x16xf32, #tpu.memory_space<vmem_shared>>
      %dma_start3A_320 = tpu.memref_slice %arg14[%dma_start3A_309] : memref<5x!tpu.dma_semaphore, #tpu.memory_space<semaphore_mem>> -> memref<1x!tpu.dma_semaphore, #tpu.memory_space<semaphore_mem>>
      %dma_start3A_321 = tpu.memref_squeeze %dma_start3A_320 : memref<1x!tpu.dma_semaphore, #tpu.memory_space<semaphore_mem>> -> memref<!tpu.dma_semaphore, #tpu.memory_space<semaphore_mem>>
      tpu.enqueue_indirect_dma source(%dma_start3A_313 : memref<80x16xf32, #tpu.memory_space<vmem>>) target(%dma_start3A_319 : memref<10000x16xf32, #tpu.memory_space<vmem_shared>>) offsets(%dma_start3A_316 : memref<80xi32, #tpu.memory_space<vmem>>) semaphore(%dma_start3A_321 : memref<!tpu.dma_semaphore, #tpu.memory_space<semaphore_mem>>) {add = true}
      %dma_wait3A_322 = arith.constant 1 : i32
      %dma_wait3A_323 = arith.constant 1 : i32
      %dma_wait3A_324 = arith.constant 0 : i32
      %dma_wait3A_325 = arith.constant 0 : i32
      %dma_wait3A_326 = tpu.memref_slice %arg9[%dma_wait3A_322, %dma_wait3A_324, %dma_wait3A_325] : memref<5x80x16xf32, #tpu.memory_space<vmem>> -> memref<1x80x16xf32, #tpu.memory_space<vmem>>
      %dma_wait3A_327 = tpu.memref_squeeze %dma_wait3A_326 : memref<1x80x16xf32, #tpu.memory_space<vmem>> -> memref<80x16xf32, #tpu.memory_space<vmem>>
      %dma_wait3A_328 = arith.constant 0 : i32
      %dma_wait3A_329 = tpu.memref_slice %arg7[%dma_wait3A_328] : memref<10000xi32, #tpu.memory_space<vmem>> -> memref<80xi32, #tpu.memory_space<vmem>>
      %dma_wait3A_330 = arith.constant 0 : i32
      %dma_wait3A_331 = arith.constant 0 : i32
      %dma_wait3A_332 = tpu.memref_slice %arg2[%dma_wait3A_330, %dma_wait3A_331] : memref<10000x16xf32, #tpu.memory_space<hbm>> -> memref<10000x16xf32, #tpu.memory_space<hbm>>
      %dma_wait3A_333 = tpu.memref_slice %arg13[%dma_wait3A_323] : memref<5x!tpu.dma_semaphore, #tpu.memory_space<semaphore_mem>> -> memref<1x!tpu.dma_semaphore, #tpu.memory_space<semaphore_mem>>
      %dma_wait3A_334 = tpu.memref_squeeze %dma_wait3A_333 : memref<1x!tpu.dma_semaphore, #tpu.memory_space<semaphore_mem>> -> memref<!tpu.dma_semaphore, #tpu.memory_space<semaphore_mem>>
      tpu.wait_indirect_dma semaphore(%dma_wait3A_334 : memref<!tpu.dma_semaphore, #tpu.memory_space<semaphore_mem>>) src(%dma_wait3A_332 : memref<10000x16xf32, #tpu.memory_space<hbm>>) dst(%dma_wait3A_327 : memref<80x16xf32, #tpu.memory_space<vmem>>)
      %add3A_335 = arith.constant 1 : i32
      %add3A_336 = arith.addi %mul3A_292, %add3A_335 : i32
      %dma_start3A_337 = arith.constant 1 : i32
      %dma_start3A_338 = arith.constant 1 : i32
      %dma_start3A_339 = arith.constant 0 : i32
      %dma_start3A_340 = arith.constant 0 : i32
      %dma_start3A_341 = tpu.memref_slice %arg9[%dma_start3A_337, %dma_start3A_339, %dma_start3A_340] : memref<5x80x16xf32, #tpu.memory_space<vmem>> -> memref<1x80x16xf32, #tpu.memory_space<vmem>>
      %dma_start3A_342 = tpu.memref_squeeze %dma_start3A_341 : memref<1x80x16xf32, #tpu.memory_space<vmem>> -> memref<80x16xf32, #tpu.memory_space<vmem>>
      %dma_start3A_343 = arith.constant 0 : i32
      %dma_start3A_344 = tpu.memref_slice %arg8[%add3A_336, %dma_start3A_343] : memref<125x80xi32, #tpu.memory_space<vmem>> -> memref<1x80xi32, #tpu.memory_space<vmem>>
      %dma_start3A_345 = tpu.memref_squeeze %dma_start3A_344 : memref<1x80xi32, #tpu.memory_space<vmem>> -> memref<80xi32, #tpu.memory_space<vmem>>
      %dma_start3A_346 = arith.constant 0 : i32
      %dma_start3A_347 = arith.constant 0 : i32
      %dma_start3A_348 = tpu.memref_slice %arg11[%dma_start3A_346, %dma_start3A_347] : memref<10000x16xf32, #tpu.memory_space<vmem_shared>> -> memref<10000x16xf32, #tpu.memory_space<vmem_shared>>
      %dma_start3A_349 = tpu.memref_slice %arg14[%dma_start3A_338] : memref<5x!tpu.dma_semaphore, #tpu.memory_space<semaphore_mem>> -> memref<1x!tpu.dma_semaphore, #tpu.memory_space<semaphore_mem>>
      %dma_start3A_350 = tpu.memref_squeeze %dma_start3A_349 : memref<1x!tpu.dma_semaphore, #tpu.memory_space<semaphore_mem>> -> memref<!tpu.dma_semaphore, #tpu.memory_space<semaphore_mem>>
      tpu.enqueue_indirect_dma source(%dma_start3A_342 : memref<80x16xf32, #tpu.memory_space<vmem>>) target(%dma_start3A_348 : memref<10000x16xf32, #tpu.memory_space<vmem_shared>>) offsets(%dma_start3A_345 : memref<80xi32, #tpu.memory_space<vmem>>) semaphore(%dma_start3A_350 : memref<!tpu.dma_semaphore, #tpu.memory_space<semaphore_mem>>) {add = true}
      %dma_wait3A_351 = arith.constant 2 : i32
      %dma_wait3A_352 = arith.constant 2 : i32
      %dma_wait3A_353 = arith.constant 0 : i32
      %dma_wait3A_354 = arith.constant 0 : i32
      %dma_wait3A_355 = tpu.memref_slice %arg9[%dma_wait3A_351, %dma_wait3A_353, %dma_wait3A_354] : memref<5x80x16xf32, #tpu.memory_space<vmem>> -> memref<1x80x16xf32, #tpu.memory_space<vmem>>
      %dma_wait3A_356 = tpu.memref_squeeze %dma_wait3A_355 : memref<1x80x16xf32, #tpu.memory_space<vmem>> -> memref<80x16xf32, #tpu.memory_space<vmem>>
      %dma_wait3A_357 = arith.constant 0 : i32
      %dma_wait3A_358 = tpu.memref_slice %arg7[%dma_wait3A_357] : memref<10000xi32, #tpu.memory_space<vmem>> -> memref<80xi32, #tpu.memory_space<vmem>>
      %dma_wait3A_359 = arith.constant 0 : i32
      %dma_wait3A_360 = arith.constant 0 : i32
      %dma_wait3A_361 = tpu.memref_slice %arg12[%dma_wait3A_359, %dma_wait3A_360] : memref<10000x16xf32, #tpu.memory_space<vmem_shared>> -> memref<10000x16xf32, #tpu.memory_space<vmem_shared>>
      %dma_wait3A_362 = tpu.memref_slice %arg13[%dma_wait3A_352] : memref<5x!tpu.dma_semaphore, #tpu.memory_space<semaphore_mem>> -> memref<1x!tpu.dma_semaphore, #tpu.memory_space<semaphore_mem>>
      %dma_wait3A_363 = tpu.memref_squeeze %dma_wait3A_362 : memref<1x!tpu.dma_semaphore, #tpu.memory_space<semaphore_mem>> -> memref<!tpu.dma_semaphore, #tpu.memory_space<semaphore_mem>>
      tpu.wait_indirect_dma semaphore(%dma_wait3A_363 : memref<!tpu.dma_semaphore, #tpu.memory_space<semaphore_mem>>) src(%dma_wait3A_361 : memref<10000x16xf32, #tpu.memory_space<vmem_shared>>) dst(%dma_wait3A_356 : memref<80x16xf32, #tpu.memory_space<vmem>>)
      %add3A_364 = arith.constant 2 : i32
      %add3A_365 = arith.addi %mul3A_292, %add3A_364 : i32
      %dma_start3A_366 = arith.constant 2 : i32
      %dma_start3A_367 = arith.constant 2 : i32
      %dma_start3A_368 = arith.constant 0 : i32
      %dma_start3A_369 = arith.constant 0 : i32
      %dma_start3A_370 = tpu.memref_slice %arg9[%dma_start3A_366, %dma_start3A_368, %dma_start3A_369] : memref<5x80x16xf32, #tpu.memory_space<vmem>> -> memref<1x80x16xf32, #tpu.memory_space<vmem>>
      %dma_start3A_371 = tpu.memref_squeeze %dma_start3A_370 : memref<1x80x16xf32, #tpu.memory_space<vmem>> -> memref<80x16xf32, #tpu.memory_space<vmem>>
      %dma_start3A_372 = arith.constant 0 : i32
      %dma_start3A_373 = tpu.memref_slice %arg8[%add3A_365, %dma_start3A_372] : memref<125x80xi32, #tpu.memory_space<vmem>> -> memref<1x80xi32, #tpu.memory_space<vmem>>
      %dma_start3A_374 = tpu.memref_squeeze %dma_start3A_373 : memref<1x80xi32, #tpu.memory_space<vmem>> -> memref<80xi32, #tpu.memory_space<vmem>>
      %dma_start3A_375 = arith.constant 0 : i32
      %dma_start3A_376 = arith.constant 0 : i32
      %dma_start3A_377 = tpu.memref_slice %arg11[%dma_start3A_375, %dma_start3A_376] : memref<10000x16xf32, #tpu.memory_space<vmem_shared>> -> memref<10000x16xf32, #tpu.memory_space<vmem_shared>>
      %dma_start3A_378 = tpu.memref_slice %arg14[%dma_start3A_367] : memref<5x!tpu.dma_semaphore, #tpu.memory_space<semaphore_mem>> -> memref<1x!tpu.dma_semaphore, #tpu.memory_space<semaphore_mem>>
      %dma_start3A_379 = tpu.memref_squeeze %dma_start3A_378 : memref<1x!tpu.dma_semaphore, #tpu.memory_space<semaphore_mem>> -> memref<!tpu.dma_semaphore, #tpu.memory_space<semaphore_mem>>
      tpu.enqueue_indirect_dma source(%dma_start3A_371 : memref<80x16xf32, #tpu.memory_space<vmem>>) target(%dma_start3A_377 : memref<10000x16xf32, #tpu.memory_space<vmem_shared>>) offsets(%dma_start3A_374 : memref<80xi32, #tpu.memory_space<vmem>>) semaphore(%dma_start3A_379 : memref<!tpu.dma_semaphore, #tpu.memory_space<semaphore_mem>>) {add = true}
      %dma_wait3A_380 = arith.constant 3 : i32
      %dma_wait3A_381 = arith.constant 3 : i32
      %dma_wait3A_382 = arith.constant 0 : i32
      %dma_wait3A_383 = arith.constant 0 : i32
      %dma_wait3A_384 = tpu.memref_slice %arg9[%dma_wait3A_380, %dma_wait3A_382, %dma_wait3A_383] : memref<5x80x16xf32, #tpu.memory_space<vmem>> -> memref<1x80x16xf32, #tpu.memory_space<vmem>>
      %dma_wait3A_385 = tpu.memref_squeeze %dma_wait3A_384 : memref<1x80x16xf32, #tpu.memory_space<vmem>> -> memref<80x16xf32, #tpu.memory_space<vmem>>
      %dma_wait3A_386 = arith.constant 0 : i32
      %dma_wait3A_387 = tpu.memref_slice %arg7[%dma_wait3A_386] : memref<10000xi32, #tpu.memory_space<vmem>> -> memref<80xi32, #tpu.memory_space<vmem>>
      %dma_wait3A_388 = arith.constant 0 : i32
      %dma_wait3A_389 = arith.constant 0 : i32
      %dma_wait3A_390 = tpu.memref_slice %arg12[%dma_wait3A_388, %dma_wait3A_389] : memref<10000x16xf32, #tpu.memory_space<vmem_shared>> -> memref<10000x16xf32, #tpu.memory_space<vmem_shared>>
      %dma_wait3A_391 = tpu.memref_slice %arg13[%dma_wait3A_381] : memref<5x!tpu.dma_semaphore, #tpu.memory_space<semaphore_mem>> -> memref<1x!tpu.dma_semaphore, #tpu.memory_space<semaphore_mem>>
      %dma_wait3A_392 = tpu.memref_squeeze %dma_wait3A_391 : memref<1x!tpu.dma_semaphore, #tpu.memory_space<semaphore_mem>> -> memref<!tpu.dma_semaphore, #tpu.memory_space<semaphore_mem>>
      tpu.wait_indirect_dma semaphore(%dma_wait3A_392 : memref<!tpu.dma_semaphore, #tpu.memory_space<semaphore_mem>>) src(%dma_wait3A_390 : memref<10000x16xf32, #tpu.memory_space<vmem_shared>>) dst(%dma_wait3A_385 : memref<80x16xf32, #tpu.memory_space<vmem>>)
      %add3A_393 = arith.constant 3 : i32
      %add3A_394 = arith.addi %mul3A_292, %add3A_393 : i32
      %dma_start3A_395 = arith.constant 3 : i32
      %dma_start3A_396 = arith.constant 3 : i32
      %dma_start3A_397 = arith.constant 0 : i32
      %dma_start3A_398 = arith.constant 0 : i32
      %dma_start3A_399 = tpu.memref_slice %arg9[%dma_start3A_395, %dma_start3A_397, %dma_start3A_398] : memref<5x80x16xf32, #tpu.memory_space<vmem>> -> memref<1x80x16xf32, #tpu.memory_space<vmem>>
      %dma_start3A_400 = tpu.memref_squeeze %dma_start3A_399 : memref<1x80x16xf32, #tpu.memory_space<vmem>> -> memref<80x16xf32, #tpu.memory_space<vmem>>
      %dma_start3A_401 = arith.constant 0 : i32
      %dma_start3A_402 = tpu.memref_slice %arg8[%add3A_394, %dma_start3A_401] : memref<125x80xi32, #tpu.memory_space<vmem>> -> memref<1x80xi32, #tpu.memory_space<vmem>>
      %dma_start3A_403 = tpu.memref_squeeze %dma_start3A_402 : memref<1x80xi32, #tpu.memory_space<vmem>> -> memref<80xi32, #tpu.memory_space<vmem>>
      %dma_start3A_404 = arith.constant 0 : i32
      %dma_start3A_405 = arith.constant 0 : i32
      %dma_start3A_406 = tpu.memref_slice %arg11[%dma_start3A_404, %dma_start3A_405] : memref<10000x16xf32, #tpu.memory_space<vmem_shared>> -> memref<10000x16xf32, #tpu.memory_space<vmem_shared>>
      %dma_start3A_407 = tpu.memref_slice %arg14[%dma_start3A_396] : memref<5x!tpu.dma_semaphore, #tpu.memory_space<semaphore_mem>> -> memref<1x!tpu.dma_semaphore, #tpu.memory_space<semaphore_mem>>
      %dma_start3A_408 = tpu.memref_squeeze %dma_start3A_407 : memref<1x!tpu.dma_semaphore, #tpu.memory_space<semaphore_mem>> -> memref<!tpu.dma_semaphore, #tpu.memory_space<semaphore_mem>>
      tpu.enqueue_indirect_dma source(%dma_start3A_400 : memref<80x16xf32, #tpu.memory_space<vmem>>) target(%dma_start3A_406 : memref<10000x16xf32, #tpu.memory_space<vmem_shared>>) offsets(%dma_start3A_403 : memref<80xi32, #tpu.memory_space<vmem>>) semaphore(%dma_start3A_408 : memref<!tpu.dma_semaphore, #tpu.memory_space<semaphore_mem>>) {add = true}
      %dma_wait3A_409 = arith.constant 4 : i32
      %dma_wait3A_410 = arith.constant 4 : i32
      %dma_wait3A_411 = arith.constant 0 : i32
      %dma_wait3A_412 = arith.constant 0 : i32
      %dma_wait3A_413 = tpu.memref_slice %arg9[%dma_wait3A_409, %dma_wait3A_411, %dma_wait3A_412] : memref<5x80x16xf32, #tpu.memory_space<vmem>> -> memref<1x80x16xf32, #tpu.memory_space<vmem>>
      %dma_wait3A_414 = tpu.memref_squeeze %dma_wait3A_413 : memref<1x80x16xf32, #tpu.memory_space<vmem>> -> memref<80x16xf32, #tpu.memory_space<vmem>>
      %dma_wait3A_415 = arith.constant 0 : i32
      %dma_wait3A_416 = tpu.memref_slice %arg7[%dma_wait3A_415] : memref<10000xi32, #tpu.memory_space<vmem>> -> memref<80xi32, #tpu.memory_space<vmem>>
      %dma_wait3A_417 = arith.constant 0 : i32
      %dma_wait3A_418 = arith.constant 0 : i32
      %dma_wait3A_419 = tpu.memref_slice %arg12[%dma_wait3A_417, %dma_wait3A_418] : memref<10000x16xf32, #tpu.memory_space<vmem_shared>> -> memref<10000x16xf32, #tpu.memory_space<vmem_shared>>
      %dma_wait3A_420 = tpu.memref_slice %arg13[%dma_wait3A_410] : memref<5x!tpu.dma_semaphore, #tpu.memory_space<semaphore_mem>> -> memref<1x!tpu.dma_semaphore, #tpu.memory_space<semaphore_mem>>
      %dma_wait3A_421 = tpu.memref_squeeze %dma_wait3A_420 : memref<1x!tpu.dma_semaphore, #tpu.memory_space<semaphore_mem>> -> memref<!tpu.dma_semaphore, #tpu.memory_space<semaphore_mem>>
      tpu.wait_indirect_dma semaphore(%dma_wait3A_421 : memref<!tpu.dma_semaphore, #tpu.memory_space<semaphore_mem>>) src(%dma_wait3A_419 : memref<10000x16xf32, #tpu.memory_space<vmem_shared>>) dst(%dma_wait3A_414 : memref<80x16xf32, #tpu.memory_space<vmem>>)
      %add3A_422 = arith.constant 4 : i32
      %add3A_423 = arith.addi %mul3A_292, %add3A_422 : i32
      %dma_start3A_424 = arith.constant 4 : i32
      %dma_start3A_425 = arith.constant 4 : i32
      %dma_start3A_426 = arith.constant 0 : i32
      %dma_start3A_427 = arith.constant 0 : i32
      %dma_start3A_428 = tpu.memref_slice %arg9[%dma_start3A_424, %dma_start3A_426, %dma_start3A_427] : memref<5x80x16xf32, #tpu.memory_space<vmem>> -> memref<1x80x16xf32, #tpu.memory_space<vmem>>
      %dma_start3A_429 = tpu.memref_squeeze %dma_start3A_428 : memref<1x80x16xf32, #tpu.memory_space<vmem>> -> memref<80x16xf32, #tpu.memory_space<vmem>>
      %dma_start3A_430 = arith.constant 0 : i32
      %dma_start3A_431 = tpu.memref_slice %arg8[%add3A_423, %dma_start3A_430] : memref<125x80xi32, #tpu.memory_space<vmem>> -> memref<1x80xi32, #tpu.memory_space<vmem>>
      %dma_start3A_432 = tpu.memref_squeeze %dma_start3A_431 : memref<1x80xi32, #tpu.memory_space<vmem>> -> memref<80xi32, #tpu.memory_space<vmem>>
      %dma_start3A_433 = arith.constant 0 : i32
      %dma_start3A_434 = arith.constant 0 : i32
      %dma_start3A_435 = tpu.memref_slice %arg11[%dma_start3A_433, %dma_start3A_434] : memref<10000x16xf32, #tpu.memory_space<vmem_shared>> -> memref<10000x16xf32, #tpu.memory_space<vmem_shared>>
      %dma_start3A_436 = tpu.memref_slice %arg14[%dma_start3A_425] : memref<5x!tpu.dma_semaphore, #tpu.memory_space<semaphore_mem>> -> memref<1x!tpu.dma_semaphore, #tpu.memory_space<semaphore_mem>>
      %dma_start3A_437 = tpu.memref_squeeze %dma_start3A_436 : memref<1x!tpu.dma_semaphore, #tpu.memory_space<semaphore_mem>> -> memref<!tpu.dma_semaphore, #tpu.memory_space<semaphore_mem>>
      tpu.enqueue_indirect_dma source(%dma_start3A_429 : memref<80x16xf32, #tpu.memory_space<vmem>>) target(%dma_start3A_435 : memref<10000x16xf32, #tpu.memory_space<vmem_shared>>) offsets(%dma_start3A_432 : memref<80xi32, #tpu.memory_space<vmem>>) semaphore(%dma_start3A_437 : memref<!tpu.dma_semaphore, #tpu.memory_space<semaphore_mem>>) {add = true}
      %dma_wait3A_438 = arith.constant 0 : i32
      %dma_wait3A_439 = arith.constant 0 : i32
      %dma_wait3A_440 = arith.constant 0 : i32
      %dma_wait3A_441 = arith.constant 0 : i32
      %dma_wait3A_442 = tpu.memref_slice %arg9[%dma_wait3A_438, %dma_wait3A_440, %dma_wait3A_441] : memref<5x80x16xf32, #tpu.memory_space<vmem>> -> memref<1x80x16xf32, #tpu.memory_space<vmem>>
      %dma_wait3A_443 = tpu.memref_squeeze %dma_wait3A_442 : memref<1x80x16xf32, #tpu.memory_space<vmem>> -> memref<80x16xf32, #tpu.memory_space<vmem>>
      %dma_wait3A_444 = arith.constant 0 : i32
      %dma_wait3A_445 = tpu.memref_slice %arg8[%add3A_307, %dma_wait3A_444] : memref<125x80xi32, #tpu.memory_space<vmem>> -> memref<1x80xi32, #tpu.memory_space<vmem>>
      %dma_wait3A_446 = tpu.memref_squeeze %dma_wait3A_445 : memref<1x80xi32, #tpu.memory_space<vmem>> -> memref<80xi32, #tpu.memory_space<vmem>>
      %dma_wait3A_447 = arith.constant 0 : i32
      %dma_wait3A_448 = arith.constant 0 : i32
      %dma_wait3A_449 = tpu.memref_slice %arg11[%dma_wait3A_447, %dma_wait3A_448] : memref<10000x16xf32, #tpu.memory_space<vmem_shared>> -> memref<10000x16xf32, #tpu.memory_space<vmem_shared>>
      %dma_wait3A_450 = tpu.memref_slice %arg14[%dma_wait3A_439] : memref<5x!tpu.dma_semaphore, #tpu.memory_space<semaphore_mem>> -> memref<1x!tpu.dma_semaphore, #tpu.memory_space<semaphore_mem>>
      %dma_wait3A_451 = tpu.memref_squeeze %dma_wait3A_450 : memref<1x!tpu.dma_semaphore, #tpu.memory_space<semaphore_mem>> -> memref<!tpu.dma_semaphore, #tpu.memory_space<semaphore_mem>>
      tpu.wait_indirect_dma semaphore(%dma_wait3A_451 : memref<!tpu.dma_semaphore, #tpu.memory_space<semaphore_mem>>) src(%dma_wait3A_443 : memref<80x16xf32, #tpu.memory_space<vmem>>) dst(%dma_wait3A_449 : memref<10000x16xf32, #tpu.memory_space<vmem_shared>>)
      %add3A_452 = arith.constant 5 : i32
      %add3A_453 = arith.addi %mul3A_292, %add3A_452 : i32
      %add3A_454 = arith.constant 0 : i32
      %add3A_455 = arith.addi %add3A_453, %add3A_454 : i32
      %mul3A_456 = arith.constant 80 : i32
      %mul3A_457 = arith.muli %add3A_455, %mul3A_456 : i32
      %dma_start3A_458 = arith.constant 0 : i32
      %dma_start3A_459 = arith.constant 0 : i32
      %dma_start3A_460 = arith.constant 0 : i32
      %dma_start3A_461 = arith.constant 0 : i32
      %dma_start3A_462 = tpu.memref_slice %arg9[%dma_start3A_458, %dma_start3A_460, %dma_start3A_461] : memref<5x80x16xf32, #tpu.memory_space<vmem>> -> memref<1x80x16xf32, #tpu.memory_space<vmem>>
      %dma_start3A_463 = tpu.memref_squeeze %dma_start3A_462 : memref<1x80x16xf32, #tpu.memory_space<vmem>> -> memref<80x16xf32, #tpu.memory_space<vmem>>
      %dma_start3A_464 = tpu.memref_slice %arg7[%mul3A_457] : memref<10000xi32, #tpu.memory_space<vmem>> -> memref<80xi32, #tpu.memory_space<vmem>>
      %dma_start3A_465 = arith.constant 0 : i32
      %dma_start3A_466 = arith.constant 0 : i32
      %dma_start3A_467 = tpu.memref_slice %arg2[%dma_start3A_465, %dma_start3A_466] : memref<10000x16xf32, #tpu.memory_space<hbm>> -> memref<10000x16xf32, #tpu.memory_space<hbm>>
      %dma_start3A_468 = tpu.memref_slice %arg13[%dma_start3A_459] : memref<5x!tpu.dma_semaphore, #tpu.memory_space<semaphore_mem>> -> memref<1x!tpu.dma_semaphore, #tpu.memory_space<semaphore_mem>>
      %dma_start3A_469 = tpu.memref_squeeze %dma_start3A_468 : memref<1x!tpu.dma_semaphore, #tpu.memory_space<semaphore_mem>> -> memref<!tpu.dma_semaphore, #tpu.memory_space<semaphore_mem>>
      tpu.enqueue_indirect_dma source(%dma_start3A_467 : memref<10000x16xf32, #tpu.memory_space<hbm>>) target(%dma_start3A_463 : memref<80x16xf32, #tpu.memory_space<vmem>>) offsets(%dma_start3A_464 : memref<80xi32, #tpu.memory_space<vmem>>) semaphore(%dma_start3A_469 : memref<!tpu.dma_semaphore, #tpu.memory_space<semaphore_mem>>)
      %dma_wait3A_470 = arith.constant 1 : i32
      %dma_wait3A_471 = arith.constant 1 : i32
      %dma_wait3A_472 = arith.constant 0 : i32
      %dma_wait3A_473 = arith.constant 0 : i32
      %dma_wait3A_474 = tpu.memref_slice %arg9[%dma_wait3A_470, %dma_wait3A_472, %dma_wait3A_473] : memref<5x80x16xf32, #tpu.memory_space<vmem>> -> memref<1x80x16xf32, #tpu.memory_space<vmem>>
      %dma_wait3A_475 = tpu.memref_squeeze %dma_wait3A_474 : memref<1x80x16xf32, #tpu.memory_space<vmem>> -> memref<80x16xf32, #tpu.memory_space<vmem>>
      %dma_wait3A_476 = arith.constant 0 : i32
      %dma_wait3A_477 = tpu.memref_slice %arg8[%add3A_336, %dma_wait3A_476] : memref<125x80xi32, #tpu.memory_space<vmem>> -> memref<1x80xi32, #tpu.memory_space<vmem>>
      %dma_wait3A_478 = tpu.memref_squeeze %dma_wait3A_477 : memref<1x80xi32, #tpu.memory_space<vmem>> -> memref<80xi32, #tpu.memory_space<vmem>>
      %dma_wait3A_479 = arith.constant 0 : i32
      %dma_wait3A_480 = arith.constant 0 : i32
      %dma_wait3A_481 = tpu.memref_slice %arg11[%dma_wait3A_479, %dma_wait3A_480] : memref<10000x16xf32, #tpu.memory_space<vmem_shared>> -> memref<10000x16xf32, #tpu.memory_space<vmem_shared>>
      %dma_wait3A_482 = tpu.memref_slice %arg14[%dma_wait3A_471] : memref<5x!tpu.dma_semaphore, #tpu.memory_space<semaphore_mem>> -> memref<1x!tpu.dma_semaphore, #tpu.memory_space<semaphore_mem>>
      %dma_wait3A_483 = tpu.memref_squeeze %dma_wait3A_482 : memref<1x!tpu.dma_semaphore, #tpu.memory_space<semaphore_mem>> -> memref<!tpu.dma_semaphore, #tpu.memory_space<semaphore_mem>>
      tpu.wait_indirect_dma semaphore(%dma_wait3A_483 : memref<!tpu.dma_semaphore, #tpu.memory_space<semaphore_mem>>) src(%dma_wait3A_475 : memref<80x16xf32, #tpu.memory_space<vmem>>) dst(%dma_wait3A_481 : memref<10000x16xf32, #tpu.memory_space<vmem_shared>>)
      %add3A_484 = arith.constant 5 : i32
      %add3A_485 = arith.addi %mul3A_292, %add3A_484 : i32
      %add3A_486 = arith.constant 1 : i32
      %add3A_487 = arith.addi %add3A_485, %add3A_486 : i32
      %mul3A_488 = arith.constant 80 : i32
      %mul3A_489 = arith.muli %add3A_487, %mul3A_488 : i32
      %dma_start3A_490 = arith.constant 1 : i32
      %dma_start3A_491 = arith.constant 1 : i32
      %dma_start3A_492 = arith.constant 0 : i32
      %dma_start3A_493 = arith.constant 0 : i32
      %dma_start3A_494 = tpu.memref_slice %arg9[%dma_start3A_490, %dma_start3A_492, %dma_start3A_493] : memref<5x80x16xf32, #tpu.memory_space<vmem>> -> memref<1x80x16xf32, #tpu.memory_space<vmem>>
      %dma_start3A_495 = tpu.memref_squeeze %dma_start3A_494 : memref<1x80x16xf32, #tpu.memory_space<vmem>> -> memref<80x16xf32, #tpu.memory_space<vmem>>
      %dma_start3A_496 = tpu.memref_slice %arg7[%mul3A_489] : memref<10000xi32, #tpu.memory_space<vmem>> -> memref<80xi32, #tpu.memory_space<vmem>>
      %dma_start3A_497 = arith.constant 0 : i32
      %dma_start3A_498 = arith.constant 0 : i32
      %dma_start3A_499 = tpu.memref_slice %arg2[%dma_start3A_497, %dma_start3A_498] : memref<10000x16xf32, #tpu.memory_space<hbm>> -> memref<10000x16xf32, #tpu.memory_space<hbm>>
      %dma_start3A_500 = tpu.memref_slice %arg13[%dma_start3A_491] : memref<5x!tpu.dma_semaphore, #tpu.memory_space<semaphore_mem>> -> memref<1x!tpu.dma_semaphore, #tpu.memory_space<semaphore_mem>>
      %dma_start3A_501 = tpu.memref_squeeze %dma_start3A_500 : memref<1x!tpu.dma_semaphore, #tpu.memory_space<semaphore_mem>> -> memref<!tpu.dma_semaphore, #tpu.memory_space<semaphore_mem>>
      tpu.enqueue_indirect_dma source(%dma_start3A_499 : memref<10000x16xf32, #tpu.memory_space<hbm>>) target(%dma_start3A_495 : memref<80x16xf32, #tpu.memory_space<vmem>>) offsets(%dma_start3A_496 : memref<80xi32, #tpu.memory_space<vmem>>) semaphore(%dma_start3A_501 : memref<!tpu.dma_semaphore, #tpu.memory_space<semaphore_mem>>)
      %dma_wait3A_502 = arith.constant 2 : i32
      %dma_wait3A_503 = arith.constant 2 : i32
      %dma_wait3A_504 = arith.constant 0 : i32
      %dma_wait3A_505 = arith.constant 0 : i32
      %dma_wait3A_506 = tpu.memref_slice %arg9[%dma_wait3A_502, %dma_wait3A_504, %dma_wait3A_505] : memref<5x80x16xf32, #tpu.memory_space<vmem>> -> memref<1x80x16xf32, #tpu.memory_space<vmem>>
      %dma_wait3A_507 = tpu.memref_squeeze %dma_wait3A_506 : memref<1x80x16xf32, #tpu.memory_space<vmem>> -> memref<80x16xf32, #tpu.memory_space<vmem>>
      %dma_wait3A_508 = arith.constant 0 : i32
      %dma_wait3A_509 = tpu.memref_slice %arg8[%add3A_365, %dma_wait3A_508] : memref<125x80xi32, #tpu.memory_space<vmem>> -> memref<1x80xi32, #tpu.memory_space<vmem>>
      %dma_wait3A_510 = tpu.memref_squeeze %dma_wait3A_509 : memref<1x80xi32, #tpu.memory_space<vmem>> -> memref<80xi32, #tpu.memory_space<vmem>>
      %dma_wait3A_511 = arith.constant 0 : i32
      %dma_wait3A_512 = arith.constant 0 : i32
      %dma_wait3A_513 = tpu.memref_slice %arg11[%dma_wait3A_511, %dma_wait3A_512] : memref<10000x16xf32, #tpu.memory_space<vmem_shared>> -> memref<10000x16xf32, #tpu.memory_space<vmem_shared>>
      %dma_wait3A_514 = tpu.memref_slice %arg14[%dma_wait3A_503] : memref<5x!tpu.dma_semaphore, #tpu.memory_space<semaphore_mem>> -> memref<1x!tpu.dma_semaphore, #tpu.memory_space<semaphore_mem>>
      %dma_wait3A_515 = tpu.memref_squeeze %dma_wait3A_514 : memref<1x!tpu.dma_semaphore, #tpu.memory_space<semaphore_mem>> -> memref<!tpu.dma_semaphore, #tpu.memory_space<semaphore_mem>>
      tpu.wait_indirect_dma semaphore(%dma_wait3A_515 : memref<!tpu.dma_semaphore, #tpu.memory_space<semaphore_mem>>) src(%dma_wait3A_507 : memref<80x16xf32, #tpu.memory_space<vmem>>) dst(%dma_wait3A_513 : memref<10000x16xf32, #tpu.memory_space<vmem_shared>>)
      %add3A_516 = arith.constant 5 : i32
      %add3A_517 = arith.addi %mul3A_292, %add3A_516 : i32
      %add3A_518 = arith.constant 2 : i32
      %add3A_519 = arith.addi %add3A_517, %add3A_518 : i32
      %mul3A_520 = arith.constant 80 : i32
      %mul3A_521 = arith.muli %add3A_519, %mul3A_520 : i32
      %dma_start3A_522 = arith.constant 2 : i32
      %dma_start3A_523 = arith.constant 2 : i32
      %dma_start3A_524 = arith.constant 0 : i32
      %dma_start3A_525 = arith.constant 0 : i32
      %dma_start3A_526 = tpu.memref_slice %arg9[%dma_start3A_522, %dma_start3A_524, %dma_start3A_525] : memref<5x80x16xf32, #tpu.memory_space<vmem>> -> memref<1x80x16xf32, #tpu.memory_space<vmem>>
      %dma_start3A_527 = tpu.memref_squeeze %dma_start3A_526 : memref<1x80x16xf32, #tpu.memory_space<vmem>> -> memref<80x16xf32, #tpu.memory_space<vmem>>
      %dma_start3A_528 = tpu.memref_slice %arg7[%mul3A_521] : memref<10000xi32, #tpu.memory_space<vmem>> -> memref<80xi32, #tpu.memory_space<vmem>>
      %dma_start3A_529 = arith.constant 0 : i32
      %dma_start3A_530 = arith.constant 0 : i32
      %dma_start3A_531 = tpu.memref_slice %arg12[%dma_start3A_529, %dma_start3A_530] : memref<10000x16xf32, #tpu.memory_space<vmem_shared>> -> memref<10000x16xf32, #tpu.memory_space<vmem_shared>>
      %dma_start3A_532 = tpu.memref_slice %arg13[%dma_start3A_523] : memref<5x!tpu.dma_semaphore, #tpu.memory_space<semaphore_mem>> -> memref<1x!tpu.dma_semaphore, #tpu.memory_space<semaphore_mem>>
      %dma_start3A_533 = tpu.memref_squeeze %dma_start3A_532 : memref<1x!tpu.dma_semaphore, #tpu.memory_space<semaphore_mem>> -> memref<!tpu.dma_semaphore, #tpu.memory_space<semaphore_mem>>
      tpu.enqueue_indirect_dma source(%dma_start3A_531 : memref<10000x16xf32, #tpu.memory_space<vmem_shared>>) target(%dma_start3A_527 : memref<80x16xf32, #tpu.memory_space<vmem>>) offsets(%dma_start3A_528 : memref<80xi32, #tpu.memory_space<vmem>>) semaphore(%dma_start3A_533 : memref<!tpu.dma_semaphore, #tpu.memory_space<semaphore_mem>>)
      %dma_wait3A_534 = arith.constant 3 : i32
      %dma_wait3A_535 = arith.constant 3 : i32
      %dma_wait3A_536 = arith.constant 0 : i32
      %dma_wait3A_537 = arith.constant 0 : i32
      %dma_wait3A_538 = tpu.memref_slice %arg9[%dma_wait3A_534, %dma_wait3A_536, %dma_wait3A_537] : memref<5x80x16xf32, #tpu.memory_space<vmem>> -> memref<1x80x16xf32, #tpu.memory_space<vmem>>
      %dma_wait3A_539 = tpu.memref_squeeze %dma_wait3A_538 : memref<1x80x16xf32, #tpu.memory_space<vmem>> -> memref<80x16xf32, #tpu.memory_space<vmem>>
      %dma_wait3A_540 = arith.constant 0 : i32
      %dma_wait3A_541 = tpu.memref_slice %arg8[%add3A_394, %dma_wait3A_540] : memref<125x80xi32, #tpu.memory_space<vmem>> -> memref<1x80xi32, #tpu.memory_space<vmem>>
      %dma_wait3A_542 = tpu.memref_squeeze %dma_wait3A_541 : memref<1x80xi32, #tpu.memory_space<vmem>> -> memref<80xi32, #tpu.memory_space<vmem>>
      %dma_wait3A_543 = arith.constant 0 : i32
      %dma_wait3A_544 = arith.constant 0 : i32
      %dma_wait3A_545 = tpu.memref_slice %arg11[%dma_wait3A_543, %dma_wait3A_544] : memref<10000x16xf32, #tpu.memory_space<vmem_shared>> -> memref<10000x16xf32, #tpu.memory_space<vmem_shared>>
      %dma_wait3A_546 = tpu.memref_slice %arg14[%dma_wait3A_535] : memref<5x!tpu.dma_semaphore, #tpu.memory_space<semaphore_mem>> -> memref<1x!tpu.dma_semaphore, #tpu.memory_space<semaphore_mem>>
      %dma_wait3A_547 = tpu.memref_squeeze %dma_wait3A_546 : memref<1x!tpu.dma_semaphore, #tpu.memory_space<semaphore_mem>> -> memref<!tpu.dma_semaphore, #tpu.memory_space<semaphore_mem>>
      tpu.wait_indirect_dma semaphore(%dma_wait3A_547 : memref<!tpu.dma_semaphore, #tpu.memory_space<semaphore_mem>>) src(%dma_wait3A_539 : memref<80x16xf32, #tpu.memory_space<vmem>>) dst(%dma_wait3A_545 : memref<10000x16xf32, #tpu.memory_space<vmem_shared>>)
      %add3A_548 = arith.constant 5 : i32
      %add3A_549 = arith.addi %mul3A_292, %add3A_548 : i32
      %add3A_550 = arith.constant 3 : i32
      %add3A_551 = arith.addi %add3A_549, %add3A_550 : i32
      %mul3A_552 = arith.constant 80 : i32
      %mul3A_553 = arith.muli %add3A_551, %mul3A_552 : i32
      %dma_start3A_554 = arith.constant 3 : i32
      %dma_start3A_555 = arith.constant 3 : i32
      %dma_start3A_556 = arith.constant 0 : i32
      %dma_start3A_557 = arith.constant 0 : i32
      %dma_start3A_558 = tpu.memref_slice %arg9[%dma_start3A_554, %dma_start3A_556, %dma_start3A_557] : memref<5x80x16xf32, #tpu.memory_space<vmem>> -> memref<1x80x16xf32, #tpu.memory_space<vmem>>
      %dma_start3A_559 = tpu.memref_squeeze %dma_start3A_558 : memref<1x80x16xf32, #tpu.memory_space<vmem>> -> memref<80x16xf32, #tpu.memory_space<vmem>>
      %dma_start3A_560 = tpu.memref_slice %arg7[%mul3A_553] : memref<10000xi32, #tpu.memory_space<vmem>> -> memref<80xi32, #tpu.memory_space<vmem>>
      %dma_start3A_561 = arith.constant 0 : i32
      %dma_start3A_562 = arith.constant 0 : i32
      %dma_start3A_563 = tpu.memref_slice %arg12[%dma_start3A_561, %dma_start3A_562] : memref<10000x16xf32, #tpu.memory_space<vmem_shared>> -> memref<10000x16xf32, #tpu.memory_space<vmem_shared>>
      %dma_start3A_564 = tpu.memref_slice %arg13[%dma_start3A_555] : memref<5x!tpu.dma_semaphore, #tpu.memory_space<semaphore_mem>> -> memref<1x!tpu.dma_semaphore, #tpu.memory_space<semaphore_mem>>
      %dma_start3A_565 = tpu.memref_squeeze %dma_start3A_564 : memref<1x!tpu.dma_semaphore, #tpu.memory_space<semaphore_mem>> -> memref<!tpu.dma_semaphore, #tpu.memory_space<semaphore_mem>>
      tpu.enqueue_indirect_dma source(%dma_start3A_563 : memref<10000x16xf32, #tpu.memory_space<vmem_shared>>) target(%dma_start3A_559 : memref<80x16xf32, #tpu.memory_space<vmem>>) offsets(%dma_start3A_560 : memref<80xi32, #tpu.memory_space<vmem>>) semaphore(%dma_start3A_565 : memref<!tpu.dma_semaphore, #tpu.memory_space<semaphore_mem>>)
      %dma_wait3A_566 = arith.constant 4 : i32
      %dma_wait3A_567 = arith.constant 4 : i32
      %dma_wait3A_568 = arith.constant 0 : i32
      %dma_wait3A_569 = arith.constant 0 : i32
      %dma_wait3A_570 = tpu.memref_slice %arg9[%dma_wait3A_566, %dma_wait3A_568, %dma_wait3A_569] : memref<5x80x16xf32, #tpu.memory_space<vmem>> -> memref<1x80x16xf32, #tpu.memory_space<vmem>>
      %dma_wait3A_571 = tpu.memref_squeeze %dma_wait3A_570 : memref<1x80x16xf32, #tpu.memory_space<vmem>> -> memref<80x16xf32, #tpu.memory_space<vmem>>
      %dma_wait3A_572 = arith.constant 0 : i32
      %dma_wait3A_573 = tpu.memref_slice %arg8[%add3A_423, %dma_wait3A_572] : memref<125x80xi32, #tpu.memory_space<vmem>> -> memref<1x80xi32, #tpu.memory_space<vmem>>
      %dma_wait3A_574 = tpu.memref_squeeze %dma_wait3A_573 : memref<1x80xi32, #tpu.memory_space<vmem>> -> memref<80xi32, #tpu.memory_space<vmem>>
      %dma_wait3A_575 = arith.constant 0 : i32
      %dma_wait3A_576 = arith.constant 0 : i32
      %dma_wait3A_577 = tpu.memref_slice %arg11[%dma_wait3A_575, %dma_wait3A_576] : memref<10000x16xf32, #tpu.memory_space<vmem_shared>> -> memref<10000x16xf32, #tpu.memory_space<vmem_shared>>
      %dma_wait3A_578 = tpu.memref_slice %arg14[%dma_wait3A_567] : memref<5x!tpu.dma_semaphore, #tpu.memory_space<semaphore_mem>> -> memref<1x!tpu.dma_semaphore, #tpu.memory_space<semaphore_mem>>
      %dma_wait3A_579 = tpu.memref_squeeze %dma_wait3A_578 : memref<1x!tpu.dma_semaphore, #tpu.memory_space<semaphore_mem>> -> memref<!tpu.dma_semaphore, #tpu.memory_space<semaphore_mem>>
      tpu.wait_indirect_dma semaphore(%dma_wait3A_579 : memref<!tpu.dma_semaphore, #tpu.memory_space<semaphore_mem>>) src(%dma_wait3A_571 : memref<80x16xf32, #tpu.memory_space<vmem>>) dst(%dma_wait3A_577 : memref<10000x16xf32, #tpu.memory_space<vmem_shared>>)
      %add3A_580 = arith.constant 5 : i32
      %add3A_581 = arith.addi %mul3A_292, %add3A_580 : i32
      %add3A_582 = arith.constant 4 : i32
      %add3A_583 = arith.addi %add3A_581, %add3A_582 : i32
      %mul3A_584 = arith.constant 80 : i32
      %mul3A_585 = arith.muli %add3A_583, %mul3A_584 : i32
      %dma_start3A_586 = arith.constant 4 : i32
      %dma_start3A_587 = arith.constant 4 : i32
      %dma_start3A_588 = arith.constant 0 : i32
      %dma_start3A_589 = arith.constant 0 : i32
      %dma_start3A_590 = tpu.memref_slice %arg9[%dma_start3A_586, %dma_start3A_588, %dma_start3A_589] : memref<5x80x16xf32, #tpu.memory_space<vmem>> -> memref<1x80x16xf32, #tpu.memory_space<vmem>>
      %dma_start3A_591 = tpu.memref_squeeze %dma_start3A_590 : memref<1x80x16xf32, #tpu.memory_space<vmem>> -> memref<80x16xf32, #tpu.memory_space<vmem>>
      %dma_start3A_592 = tpu.memref_slice %arg7[%mul3A_585] : memref<10000xi32, #tpu.memory_space<vmem>> -> memref<80xi32, #tpu.memory_space<vmem>>
      %dma_start3A_593 = arith.constant 0 : i32
      %dma_start3A_594 = arith.constant 0 : i32
      %dma_start3A_595 = tpu.memref_slice %arg12[%dma_start3A_593, %dma_start3A_594] : memref<10000x16xf32, #tpu.memory_space<vmem_shared>> -> memref<10000x16xf32, #tpu.memory_space<vmem_shared>>
      %dma_start3A_596 = tpu.memref_slice %arg13[%dma_start3A_587] : memref<5x!tpu.dma_semaphore, #tpu.memory_space<semaphore_mem>> -> memref<1x!tpu.dma_semaphore, #tpu.memory_space<semaphore_mem>>
      %dma_start3A_597 = tpu.memref_squeeze %dma_start3A_596 : memref<1x!tpu.dma_semaphore, #tpu.memory_space<semaphore_mem>> -> memref<!tpu.dma_semaphore, #tpu.memory_space<semaphore_mem>>
      tpu.enqueue_indirect_dma source(%dma_start3A_595 : memref<10000x16xf32, #tpu.memory_space<vmem_shared>>) target(%dma_start3A_591 : memref<80x16xf32, #tpu.memory_space<vmem>>) offsets(%dma_start3A_592 : memref<80xi32, #tpu.memory_space<vmem>>) semaphore(%dma_start3A_597 : memref<!tpu.dma_semaphore, #tpu.memory_space<semaphore_mem>>)
    }
    %scan3A_70 = arith.constant 24 : i32
    %dma_wait3A = arith.constant 0 : i32
    %dma_wait3A_71 = arith.constant 0 : i32
    %dma_wait3A_72 = arith.constant 0 : i32
    %dma_wait3A_73 = arith.constant 0 : i32
    %dma_wait3A_74 = tpu.memref_slice %arg9[%dma_wait3A, %dma_wait3A_72, %dma_wait3A_73] : memref<5x80x16xf32, #tpu.memory_space<vmem>> -> memref<1x80x16xf32, #tpu.memory_space<vmem>>
    %dma_wait3A_75 = tpu.memref_squeeze %dma_wait3A_74 : memref<1x80x16xf32, #tpu.memory_space<vmem>> -> memref<80x16xf32, #tpu.memory_space<vmem>>
    %dma_wait3A_76 = arith.constant 0 : i32
    %dma_wait3A_77 = tpu.memref_slice %arg7[%dma_wait3A_76] : memref<10000xi32, #tpu.memory_space<vmem>> -> memref<80xi32, #tpu.memory_space<vmem>>
    %dma_wait3A_78 = arith.constant 0 : i32
    %dma_wait3A_79 = arith.constant 0 : i32
    %dma_wait3A_80 = tpu.memref_slice %arg2[%dma_wait3A_78, %dma_wait3A_79] : memref<10000x16xf32, #tpu.memory_space<hbm>> -> memref<10000x16xf32, #tpu.memory_space<hbm>>
    %dma_wait3A_81 = tpu.memref_slice %arg13[%dma_wait3A_71] : memref<5x!tpu.dma_semaphore, #tpu.memory_space<semaphore_mem>> -> memref<1x!tpu.dma_semaphore, #tpu.memory_space<semaphore_mem>>
    %dma_wait3A_82 = tpu.memref_squeeze %dma_wait3A_81 : memref<1x!tpu.dma_semaphore, #tpu.memory_space<semaphore_mem>> -> memref<!tpu.dma_semaphore, #tpu.memory_space<semaphore_mem>>
    tpu.wait_indirect_dma semaphore(%dma_wait3A_82 : memref<!tpu.dma_semaphore, #tpu.memory_space<semaphore_mem>>) src(%dma_wait3A_80 : memref<10000x16xf32, #tpu.memory_space<hbm>>) dst(%dma_wait3A_75 : memref<80x16xf32, #tpu.memory_space<vmem>>)
    %dma_start3A_83 = arith.constant 0 : i32
    %dma_start3A_84 = arith.constant 120 : i32
    %dma_start3A_85 = arith.constant 0 : i32
    %dma_start3A_86 = arith.constant 0 : i32
    %dma_start3A_87 = arith.constant 0 : i32
    %dma_start3A_88 = tpu.memref_slice %arg9[%dma_start3A_83, %dma_start3A_86, %dma_start3A_87] : memref<5x80x16xf32, #tpu.memory_space<vmem>> -> memref<1x80x16xf32, #tpu.memory_space<vmem>>
    %dma_start3A_89 = tpu.memref_squeeze %dma_start3A_88 : memref<1x80x16xf32, #tpu.memory_space<vmem>> -> memref<80x16xf32, #tpu.memory_space<vmem>>
    %dma_start3A_90 = arith.constant 0 : i32
    %dma_start3A_91 = tpu.memref_slice %arg8[%dma_start3A_84, %dma_start3A_90] : memref<125x80xi32, #tpu.memory_space<vmem>> -> memref<1x80xi32, #tpu.memory_space<vmem>>
    %dma_start3A_92 = tpu.memref_squeeze %dma_start3A_91 : memref<1x80xi32, #tpu.memory_space<vmem>> -> memref<80xi32, #tpu.memory_space<vmem>>
    %dma_start3A_93 = arith.constant 0 : i32
    %dma_start3A_94 = arith.constant 0 : i32
    %dma_start3A_95 = tpu.memref_slice %arg11[%dma_start3A_93, %dma_start3A_94] : memref<10000x16xf32, #tpu.memory_space<vmem_shared>> -> memref<10000x16xf32, #tpu.memory_space<vmem_shared>>
    %dma_start3A_96 = tpu.memref_slice %arg14[%dma_start3A_85] : memref<5x!tpu.dma_semaphore, #tpu.memory_space<semaphore_mem>> -> memref<1x!tpu.dma_semaphore, #tpu.memory_space<semaphore_mem>>
    %dma_start3A_97 = tpu.memref_squeeze %dma_start3A_96 : memref<1x!tpu.dma_semaphore, #tpu.memory_space<semaphore_mem>> -> memref<!tpu.dma_semaphore, #tpu.memory_space<semaphore_mem>>
    tpu.enqueue_indirect_dma source(%dma_start3A_89 : memref<80x16xf32, #tpu.memory_space<vmem>>) target(%dma_start3A_95 : memref<10000x16xf32, #tpu.memory_space<vmem_shared>>) offsets(%dma_start3A_92 : memref<80xi32, #tpu.memory_space<vmem>>) semaphore(%dma_start3A_97 : memref<!tpu.dma_semaphore, #tpu.memory_space<semaphore_mem>>) {add = true}
    %dma_wait3A_98 = arith.constant 1 : i32
    %dma_wait3A_99 = arith.constant 1 : i32
    %dma_wait3A_100 = arith.constant 0 : i32
    %dma_wait3A_101 = arith.constant 0 : i32
    %dma_wait3A_102 = tpu.memref_slice %arg9[%dma_wait3A_98, %dma_wait3A_100, %dma_wait3A_101] : memref<5x80x16xf32, #tpu.memory_space<vmem>> -> memref<1x80x16xf32, #tpu.memory_space<vmem>>
    %dma_wait3A_103 = tpu.memref_squeeze %dma_wait3A_102 : memref<1x80x16xf32, #tpu.memory_space<vmem>> -> memref<80x16xf32, #tpu.memory_space<vmem>>
    %dma_wait3A_104 = arith.constant 0 : i32
    %dma_wait3A_105 = tpu.memref_slice %arg7[%dma_wait3A_104] : memref<10000xi32, #tpu.memory_space<vmem>> -> memref<80xi32, #tpu.memory_space<vmem>>
    %dma_wait3A_106 = arith.constant 0 : i32
    %dma_wait3A_107 = arith.constant 0 : i32
    %dma_wait3A_108 = tpu.memref_slice %arg2[%dma_wait3A_106, %dma_wait3A_107] : memref<10000x16xf32, #tpu.memory_space<hbm>> -> memref<10000x16xf32, #tpu.memory_space<hbm>>
    %dma_wait3A_109 = tpu.memref_slice %arg13[%dma_wait3A_99] : memref<5x!tpu.dma_semaphore, #tpu.memory_space<semaphore_mem>> -> memref<1x!tpu.dma_semaphore, #tpu.memory_space<semaphore_mem>>
    %dma_wait3A_110 = tpu.memref_squeeze %dma_wait3A_109 : memref<1x!tpu.dma_semaphore, #tpu.memory_space<semaphore_mem>> -> memref<!tpu.dma_semaphore, #tpu.memory_space<semaphore_mem>>
    tpu.wait_indirect_dma semaphore(%dma_wait3A_110 : memref<!tpu.dma_semaphore, #tpu.memory_space<semaphore_mem>>) src(%dma_wait3A_108 : memref<10000x16xf32, #tpu.memory_space<hbm>>) dst(%dma_wait3A_103 : memref<80x16xf32, #tpu.memory_space<vmem>>)
    %dma_start3A_111 = arith.constant 1 : i32
    %dma_start3A_112 = arith.constant 121 : i32
    %dma_start3A_113 = arith.constant 1 : i32
    %dma_start3A_114 = arith.constant 0 : i32
    %dma_start3A_115 = arith.constant 0 : i32
    %dma_start3A_116 = tpu.memref_slice %arg9[%dma_start3A_111, %dma_start3A_114, %dma_start3A_115] : memref<5x80x16xf32, #tpu.memory_space<vmem>> -> memref<1x80x16xf32, #tpu.memory_space<vmem>>
    %dma_start3A_117 = tpu.memref_squeeze %dma_start3A_116 : memref<1x80x16xf32, #tpu.memory_space<vmem>> -> memref<80x16xf32, #tpu.memory_space<vmem>>
    %dma_start3A_118 = arith.constant 0 : i32
    %dma_start3A_119 = tpu.memref_slice %arg8[%dma_start3A_112, %dma_start3A_118] : memref<125x80xi32, #tpu.memory_space<vmem>> -> memref<1x80xi32, #tpu.memory_space<vmem>>
    %dma_start3A_120 = tpu.memref_squeeze %dma_start3A_119 : memref<1x80xi32, #tpu.memory_space<vmem>> -> memref<80xi32, #tpu.memory_space<vmem>>
    %dma_start3A_121 = arith.constant 0 : i32
    %dma_start3A_122 = arith.constant 0 : i32
    %dma_start3A_123 = tpu.memref_slice %arg11[%dma_start3A_121, %dma_start3A_122] : memref<10000x16xf32, #tpu.memory_space<vmem_shared>> -> memref<10000x16xf32, #tpu.memory_space<vmem_shared>>
    %dma_start3A_124 = tpu.memref_slice %arg14[%dma_start3A_113] : memref<5x!tpu.dma_semaphore, #tpu.memory_space<semaphore_mem>> -> memref<1x!tpu.dma_semaphore, #tpu.memory_space<semaphore_mem>>
    %dma_start3A_125 = tpu.memref_squeeze %dma_start3A_124 : memref<1x!tpu.dma_semaphore, #tpu.memory_space<semaphore_mem>> -> memref<!tpu.dma_semaphore, #tpu.memory_space<semaphore_mem>>
    tpu.enqueue_indirect_dma source(%dma_start3A_117 : memref<80x16xf32, #tpu.memory_space<vmem>>) target(%dma_start3A_123 : memref<10000x16xf32, #tpu.memory_space<vmem_shared>>) offsets(%dma_start3A_120 : memref<80xi32, #tpu.memory_space<vmem>>) semaphore(%dma_start3A_125 : memref<!tpu.dma_semaphore, #tpu.memory_space<semaphore_mem>>) {add = true}
    %dma_wait3A_126 = arith.constant 2 : i32
    %dma_wait3A_127 = arith.constant 2 : i32
    %dma_wait3A_128 = arith.constant 0 : i32
    %dma_wait3A_129 = arith.constant 0 : i32
    %dma_wait3A_130 = tpu.memref_slice %arg9[%dma_wait3A_126, %dma_wait3A_128, %dma_wait3A_129] : memref<5x80x16xf32, #tpu.memory_space<vmem>> -> memref<1x80x16xf32, #tpu.memory_space<vmem>>
    %dma_wait3A_131 = tpu.memref_squeeze %dma_wait3A_130 : memref<1x80x16xf32, #tpu.memory_space<vmem>> -> memref<80x16xf32, #tpu.memory_space<vmem>>
    %dma_wait3A_132 = arith.constant 0 : i32
    %dma_wait3A_133 = tpu.memref_slice %arg7[%dma_wait3A_132] : memref<10000xi32, #tpu.memory_space<vmem>> -> memref<80xi32, #tpu.memory_space<vmem>>
    %dma_wait3A_134 = arith.constant 0 : i32
    %dma_wait3A_135 = arith.constant 0 : i32
    %dma_wait3A_136 = tpu.memref_slice %arg12[%dma_wait3A_134, %dma_wait3A_135] : memref<10000x16xf32, #tpu.memory_space<vmem_shared>> -> memref<10000x16xf32, #tpu.memory_space<vmem_shared>>
    %dma_wait3A_137 = tpu.memref_slice %arg13[%dma_wait3A_127] : memref<5x!tpu.dma_semaphore, #tpu.memory_space<semaphore_mem>> -> memref<1x!tpu.dma_semaphore, #tpu.memory_space<semaphore_mem>>
    %dma_wait3A_138 = tpu.memref_squeeze %dma_wait3A_137 : memref<1x!tpu.dma_semaphore, #tpu.memory_space<semaphore_mem>> -> memref<!tpu.dma_semaphore, #tpu.memory_space<semaphore_mem>>
    tpu.wait_indirect_dma semaphore(%dma_wait3A_138 : memref<!tpu.dma_semaphore, #tpu.memory_space<semaphore_mem>>) src(%dma_wait3A_136 : memref<10000x16xf32, #tpu.memory_space<vmem_shared>>) dst(%dma_wait3A_131 : memref<80x16xf32, #tpu.memory_space<vmem>>)
    %dma_start3A_139 = arith.constant 2 : i32
    %dma_start3A_140 = arith.constant 122 : i32
    %dma_start3A_141 = arith.constant 2 : i32
    %dma_start3A_142 = arith.constant 0 : i32
    %dma_start3A_143 = arith.constant 0 : i32
    %dma_start3A_144 = tpu.memref_slice %arg9[%dma_start3A_139, %dma_start3A_142, %dma_start3A_143] : memref<5x80x16xf32, #tpu.memory_space<vmem>> -> memref<1x80x16xf32, #tpu.memory_space<vmem>>
    %dma_start3A_145 = tpu.memref_squeeze %dma_start3A_144 : memref<1x80x16xf32, #tpu.memory_space<vmem>> -> memref<80x16xf32, #tpu.memory_space<vmem>>
    %dma_start3A_146 = arith.constant 0 : i32
    %dma_start3A_147 = tpu.memref_slice %arg8[%dma_start3A_140, %dma_start3A_146] : memref<125x80xi32, #tpu.memory_space<vmem>> -> memref<1x80xi32, #tpu.memory_space<vmem>>
    %dma_start3A_148 = tpu.memref_squeeze %dma_start3A_147 : memref<1x80xi32, #tpu.memory_space<vmem>> -> memref<80xi32, #tpu.memory_space<vmem>>
    %dma_start3A_149 = arith.constant 0 : i32
    %dma_start3A_150 = arith.constant 0 : i32
    %dma_start3A_151 = tpu.memref_slice %arg11[%dma_start3A_149, %dma_start3A_150] : memref<10000x16xf32, #tpu.memory_space<vmem_shared>> -> memref<10000x16xf32, #tpu.memory_space<vmem_shared>>
    %dma_start3A_152 = tpu.memref_slice %arg14[%dma_start3A_141] : memref<5x!tpu.dma_semaphore, #tpu.memory_space<semaphore_mem>> -> memref<1x!tpu.dma_semaphore, #tpu.memory_space<semaphore_mem>>
    %dma_start3A_153 = tpu.memref_squeeze %dma_start3A_152 : memref<1x!tpu.dma_semaphore, #tpu.memory_space<semaphore_mem>> -> memref<!tpu.dma_semaphore, #tpu.memory_space<semaphore_mem>>
    tpu.enqueue_indirect_dma source(%dma_start3A_145 : memref<80x16xf32, #tpu.memory_space<vmem>>) target(%dma_start3A_151 : memref<10000x16xf32, #tpu.memory_space<vmem_shared>>) offsets(%dma_start3A_148 : memref<80xi32, #tpu.memory_space<vmem>>) semaphore(%dma_start3A_153 : memref<!tpu.dma_semaphore, #tpu.memory_space<semaphore_mem>>) {add = true}
    %dma_wait3A_154 = arith.constant 3 : i32
    %dma_wait3A_155 = arith.constant 3 : i32
    %dma_wait3A_156 = arith.constant 0 : i32
    %dma_wait3A_157 = arith.constant 0 : i32
    %dma_wait3A_158 = tpu.memref_slice %arg9[%dma_wait3A_154, %dma_wait3A_156, %dma_wait3A_157] : memref<5x80x16xf32, #tpu.memory_space<vmem>> -> memref<1x80x16xf32, #tpu.memory_space<vmem>>
    %dma_wait3A_159 = tpu.memref_squeeze %dma_wait3A_158 : memref<1x80x16xf32, #tpu.memory_space<vmem>> -> memref<80x16xf32, #tpu.memory_space<vmem>>
    %dma_wait3A_160 = arith.constant 0 : i32
    %dma_wait3A_161 = tpu.memref_slice %arg7[%dma_wait3A_160] : memref<10000xi32, #tpu.memory_space<vmem>> -> memref<80xi32, #tpu.memory_space<vmem>>
    %dma_wait3A_162 = arith.constant 0 : i32
    %dma_wait3A_163 = arith.constant 0 : i32
    %dma_wait3A_164 = tpu.memref_slice %arg12[%dma_wait3A_162, %dma_wait3A_163] : memref<10000x16xf32, #tpu.memory_space<vmem_shared>> -> memref<10000x16xf32, #tpu.memory_space<vmem_shared>>
    %dma_wait3A_165 = tpu.memref_slice %arg13[%dma_wait3A_155] : memref<5x!tpu.dma_semaphore, #tpu.memory_space<semaphore_mem>> -> memref<1x!tpu.dma_semaphore, #tpu.memory_space<semaphore_mem>>
    %dma_wait3A_166 = tpu.memref_squeeze %dma_wait3A_165 : memref<1x!tpu.dma_semaphore, #tpu.memory_space<semaphore_mem>> -> memref<!tpu.dma_semaphore, #tpu.memory_space<semaphore_mem>>
    tpu.wait_indirect_dma semaphore(%dma_wait3A_166 : memref<!tpu.dma_semaphore, #tpu.memory_space<semaphore_mem>>) src(%dma_wait3A_164 : memref<10000x16xf32, #tpu.memory_space<vmem_shared>>) dst(%dma_wait3A_159 : memref<80x16xf32, #tpu.memory_space<vmem>>)
    %dma_start3A_167 = arith.constant 3 : i32
    %dma_start3A_168 = arith.constant 123 : i32
    %dma_start3A_169 = arith.constant 3 : i32
    %dma_start3A_170 = arith.constant 0 : i32
    %dma_start3A_171 = arith.constant 0 : i32
    %dma_start3A_172 = tpu.memref_slice %arg9[%dma_start3A_167, %dma_start3A_170, %dma_start3A_171] : memref<5x80x16xf32, #tpu.memory_space<vmem>> -> memref<1x80x16xf32, #tpu.memory_space<vmem>>
    %dma_start3A_173 = tpu.memref_squeeze %dma_start3A_172 : memref<1x80x16xf32, #tpu.memory_space<vmem>> -> memref<80x16xf32, #tpu.memory_space<vmem>>
    %dma_start3A_174 = arith.constant 0 : i32
    %dma_start3A_175 = tpu.memref_slice %arg8[%dma_start3A_168, %dma_start3A_174] : memref<125x80xi32, #tpu.memory_space<vmem>> -> memref<1x80xi32, #tpu.memory_space<vmem>>
    %dma_start3A_176 = tpu.memref_squeeze %dma_start3A_175 : memref<1x80xi32, #tpu.memory_space<vmem>> -> memref<80xi32, #tpu.memory_space<vmem>>
    %dma_start3A_177 = arith.constant 0 : i32
    %dma_start3A_178 = arith.constant 0 : i32
    %dma_start3A_179 = tpu.memref_slice %arg11[%dma_start3A_177, %dma_start3A_178] : memref<10000x16xf32, #tpu.memory_space<vmem_shared>> -> memref<10000x16xf32, #tpu.memory_space<vmem_shared>>
    %dma_start3A_180 = tpu.memref_slice %arg14[%dma_start3A_169] : memref<5x!tpu.dma_semaphore, #tpu.memory_space<semaphore_mem>> -> memref<1x!tpu.dma_semaphore, #tpu.memory_space<semaphore_mem>>
    %dma_start3A_181 = tpu.memref_squeeze %dma_start3A_180 : memref<1x!tpu.dma_semaphore, #tpu.memory_space<semaphore_mem>> -> memref<!tpu.dma_semaphore, #tpu.memory_space<semaphore_mem>>
    tpu.enqueue_indirect_dma source(%dma_start3A_173 : memref<80x16xf32, #tpu.memory_space<vmem>>) target(%dma_start3A_179 : memref<10000x16xf32, #tpu.memory_space<vmem_shared>>) offsets(%dma_start3A_176 : memref<80xi32, #tpu.memory_space<vmem>>) semaphore(%dma_start3A_181 : memref<!tpu.dma_semaphore, #tpu.memory_space<semaphore_mem>>) {add = true}
    %dma_wait3A_182 = arith.constant 4 : i32
    %dma_wait3A_183 = arith.constant 4 : i32
    %dma_wait3A_184 = arith.constant 0 : i32
    %dma_wait3A_185 = arith.constant 0 : i32
    %dma_wait3A_186 = tpu.memref_slice %arg9[%dma_wait3A_182, %dma_wait3A_184, %dma_wait3A_185] : memref<5x80x16xf32, #tpu.memory_space<vmem>> -> memref<1x80x16xf32, #tpu.memory_space<vmem>>
    %dma_wait3A_187 = tpu.memref_squeeze %dma_wait3A_186 : memref<1x80x16xf32, #tpu.memory_space<vmem>> -> memref<80x16xf32, #tpu.memory_space<vmem>>
    %dma_wait3A_188 = arith.constant 0 : i32
    %dma_wait3A_189 = tpu.memref_slice %arg7[%dma_wait3A_188] : memref<10000xi32, #tpu.memory_space<vmem>> -> memref<80xi32, #tpu.memory_space<vmem>>
    %dma_wait3A_190 = arith.constant 0 : i32
    %dma_wait3A_191 = arith.constant 0 : i32
    %dma_wait3A_192 = tpu.memref_slice %arg12[%dma_wait3A_190, %dma_wait3A_191] : memref<10000x16xf32, #tpu.memory_space<vmem_shared>> -> memref<10000x16xf32, #tpu.memory_space<vmem_shared>>
    %dma_wait3A_193 = tpu.memref_slice %arg13[%dma_wait3A_183] : memref<5x!tpu.dma_semaphore, #tpu.memory_space<semaphore_mem>> -> memref<1x!tpu.dma_semaphore, #tpu.memory_space<semaphore_mem>>
    %dma_wait3A_194 = tpu.memref_squeeze %dma_wait3A_193 : memref<1x!tpu.dma_semaphore, #tpu.memory_space<semaphore_mem>> -> memref<!tpu.dma_semaphore, #tpu.memory_space<semaphore_mem>>
    tpu.wait_indirect_dma semaphore(%dma_wait3A_194 : memref<!tpu.dma_semaphore, #tpu.memory_space<semaphore_mem>>) src(%dma_wait3A_192 : memref<10000x16xf32, #tpu.memory_space<vmem_shared>>) dst(%dma_wait3A_187 : memref<80x16xf32, #tpu.memory_space<vmem>>)
    %dma_start3A_195 = arith.constant 4 : i32
    %dma_start3A_196 = arith.constant 124 : i32
    %dma_start3A_197 = arith.constant 4 : i32
    %dma_start3A_198 = arith.constant 0 : i32
    %dma_start3A_199 = arith.constant 0 : i32
    %dma_start3A_200 = tpu.memref_slice %arg9[%dma_start3A_195, %dma_start3A_198, %dma_start3A_199] : memref<5x80x16xf32, #tpu.memory_space<vmem>> -> memref<1x80x16xf32, #tpu.memory_space<vmem>>
    %dma_start3A_201 = tpu.memref_squeeze %dma_start3A_200 : memref<1x80x16xf32, #tpu.memory_space<vmem>> -> memref<80x16xf32, #tpu.memory_space<vmem>>
    %dma_start3A_202 = arith.constant 0 : i32
    %dma_start3A_203 = tpu.memref_slice %arg8[%dma_start3A_196, %dma_start3A_202] : memref<125x80xi32, #tpu.memory_space<vmem>> -> memref<1x80xi32, #tpu.memory_space<vmem>>
    %dma_start3A_204 = tpu.memref_squeeze %dma_start3A_203 : memref<1x80xi32, #tpu.memory_space<vmem>> -> memref<80xi32, #tpu.memory_space<vmem>>
    %dma_start3A_205 = arith.constant 0 : i32
    %dma_start3A_206 = arith.constant 0 : i32
    %dma_start3A_207 = tpu.memref_slice %arg11[%dma_start3A_205, %dma_start3A_206] : memref<10000x16xf32, #tpu.memory_space<vmem_shared>> -> memref<10000x16xf32, #tpu.memory_space<vmem_shared>>
    %dma_start3A_208 = tpu.memref_slice %arg14[%dma_start3A_197] : memref<5x!tpu.dma_semaphore, #tpu.memory_space<semaphore_mem>> -> memref<1x!tpu.dma_semaphore, #tpu.memory_space<semaphore_mem>>
    %dma_start3A_209 = tpu.memref_squeeze %dma_start3A_208 : memref<1x!tpu.dma_semaphore, #tpu.memory_space<semaphore_mem>> -> memref<!tpu.dma_semaphore, #tpu.memory_space<semaphore_mem>>
    tpu.enqueue_indirect_dma source(%dma_start3A_201 : memref<80x16xf32, #tpu.memory_space<vmem>>) target(%dma_start3A_207 : memref<10000x16xf32, #tpu.memory_space<vmem_shared>>) offsets(%dma_start3A_204 : memref<80xi32, #tpu.memory_space<vmem>>) semaphore(%dma_start3A_209 : memref<!tpu.dma_semaphore, #tpu.memory_space<semaphore_mem>>) {add = true}
    %dma_wait3A_210 = arith.constant 0 : i32
    %dma_wait3A_211 = arith.constant 120 : i32
    %dma_wait3A_212 = arith.constant 0 : i32
    %dma_wait3A_213 = arith.constant 0 : i32
    %dma_wait3A_214 = arith.constant 0 : i32
    %dma_wait3A_215 = tpu.memref_slice %arg9[%dma_wait3A_210, %dma_wait3A_213, %dma_wait3A_214] : memref<5x80x16xf32, #tpu.memory_space<vmem>> -> memref<1x80x16xf32, #tpu.memory_space<vmem>>
    %dma_wait3A_216 = tpu.memref_squeeze %dma_wait3A_215 : memref<1x80x16xf32, #tpu.memory_space<vmem>> -> memref<80x16xf32, #tpu.memory_space<vmem>>
    %dma_wait3A_217 = arith.constant 0 : i32
    %dma_wait3A_218 = tpu.memref_slice %arg8[%dma_wait3A_211, %dma_wait3A_217] : memref<125x80xi32, #tpu.memory_space<vmem>> -> memref<1x80xi32, #tpu.memory_space<vmem>>
    %dma_wait3A_219 = tpu.memref_squeeze %dma_wait3A_218 : memref<1x80xi32, #tpu.memory_space<vmem>> -> memref<80xi32, #tpu.memory_space<vmem>>
    %dma_wait3A_220 = arith.constant 0 : i32
    %dma_wait3A_221 = arith.constant 0 : i32
    %dma_wait3A_222 = tpu.memref_slice %arg11[%dma_wait3A_220, %dma_wait3A_221] : memref<10000x16xf32, #tpu.memory_space<vmem_shared>> -> memref<10000x16xf32, #tpu.memory_space<vmem_shared>>
    %dma_wait3A_223 = tpu.memref_slice %arg14[%dma_wait3A_212] : memref<5x!tpu.dma_semaphore, #tpu.memory_space<semaphore_mem>> -> memref<1x!tpu.dma_semaphore, #tpu.memory_space<semaphore_mem>>
    %dma_wait3A_224 = tpu.memref_squeeze %dma_wait3A_223 : memref<1x!tpu.dma_semaphore, #tpu.memory_space<semaphore_mem>> -> memref<!tpu.dma_semaphore, #tpu.memory_space<semaphore_mem>>
    tpu.wait_indirect_dma semaphore(%dma_wait3A_224 : memref<!tpu.dma_semaphore, #tpu.memory_space<semaphore_mem>>) src(%dma_wait3A_216 : memref<80x16xf32, #tpu.memory_space<vmem>>) dst(%dma_wait3A_222 : memref<10000x16xf32, #tpu.memory_space<vmem_shared>>)
    %dma_wait3A_225 = arith.constant 1 : i32
    %dma_wait3A_226 = arith.constant 121 : i32
    %dma_wait3A_227 = arith.constant 1 : i32
    %dma_wait3A_228 = arith.constant 0 : i32
    %dma_wait3A_229 = arith.constant 0 : i32
    %dma_wait3A_230 = tpu.memref_slice %arg9[%dma_wait3A_225, %dma_wait3A_228, %dma_wait3A_229] : memref<5x80x16xf32, #tpu.memory_space<vmem>> -> memref<1x80x16xf32, #tpu.memory_space<vmem>>
    %dma_wait3A_231 = tpu.memref_squeeze %dma_wait3A_230 : memref<1x80x16xf32, #tpu.memory_space<vmem>> -> memref<80x16xf32, #tpu.memory_space<vmem>>
    %dma_wait3A_232 = arith.constant 0 : i32
    %dma_wait3A_233 = tpu.memref_slice %arg8[%dma_wait3A_226, %dma_wait3A_232] : memref<125x80xi32, #tpu.memory_space<vmem>> -> memref<1x80xi32, #tpu.memory_space<vmem>>
    %dma_wait3A_234 = tpu.memref_squeeze %dma_wait3A_233 : memref<1x80xi32, #tpu.memory_space<vmem>> -> memref<80xi32, #tpu.memory_space<vmem>>
    %dma_wait3A_235 = arith.constant 0 : i32
    %dma_wait3A_236 = arith.constant 0 : i32
    %dma_wait3A_237 = tpu.memref_slice %arg11[%dma_wait3A_235, %dma_wait3A_236] : memref<10000x16xf32, #tpu.memory_space<vmem_shared>> -> memref<10000x16xf32, #tpu.memory_space<vmem_shared>>
    %dma_wait3A_238 = tpu.memref_slice %arg14[%dma_wait3A_227] : memref<5x!tpu.dma_semaphore, #tpu.memory_space<semaphore_mem>> -> memref<1x!tpu.dma_semaphore, #tpu.memory_space<semaphore_mem>>
    %dma_wait3A_239 = tpu.memref_squeeze %dma_wait3A_238 : memref<1x!tpu.dma_semaphore, #tpu.memory_space<semaphore_mem>> -> memref<!tpu.dma_semaphore, #tpu.memory_space<semaphore_mem>>
    tpu.wait_indirect_dma semaphore(%dma_wait3A_239 : memref<!tpu.dma_semaphore, #tpu.memory_space<semaphore_mem>>) src(%dma_wait3A_231 : memref<80x16xf32, #tpu.memory_space<vmem>>) dst(%dma_wait3A_237 : memref<10000x16xf32, #tpu.memory_space<vmem_shared>>)
    %dma_wait3A_240 = arith.constant 2 : i32
    %dma_wait3A_241 = arith.constant 122 : i32
    %dma_wait3A_242 = arith.constant 2 : i32
    %dma_wait3A_243 = arith.constant 0 : i32
    %dma_wait3A_244 = arith.constant 0 : i32
    %dma_wait3A_245 = tpu.memref_slice %arg9[%dma_wait3A_240, %dma_wait3A_243, %dma_wait3A_244] : memref<5x80x16xf32, #tpu.memory_space<vmem>> -> memref<1x80x16xf32, #tpu.memory_space<vmem>>
    %dma_wait3A_246 = tpu.memref_squeeze %dma_wait3A_245 : memref<1x80x16xf32, #tpu.memory_space<vmem>> -> memref<80x16xf32, #tpu.memory_space<vmem>>
    %dma_wait3A_247 = arith.constant 0 : i32
    %dma_wait3A_248 = tpu.memref_slice %arg8[%dma_wait3A_241, %dma_wait3A_247] : memref<125x80xi32, #tpu.memory_space<vmem>> -> memref<1x80xi32, #tpu.memory_space<vmem>>
    %dma_wait3A_249 = tpu.memref_squeeze %dma_wait3A_248 : memref<1x80xi32, #tpu.memory_space<vmem>> -> memref<80xi32, #tpu.memory_space<vmem>>
    %dma_wait3A_250 = arith.constant 0 : i32
    %dma_wait3A_251 = arith.constant 0 : i32
    %dma_wait3A_252 = tpu.memref_slice %arg11[%dma_wait3A_250, %dma_wait3A_251] : memref<10000x16xf32, #tpu.memory_space<vmem_shared>> -> memref<10000x16xf32, #tpu.memory_space<vmem_shared>>
    %dma_wait3A_253 = tpu.memref_slice %arg14[%dma_wait3A_242] : memref<5x!tpu.dma_semaphore, #tpu.memory_space<semaphore_mem>> -> memref<1x!tpu.dma_semaphore, #tpu.memory_space<semaphore_mem>>
    %dma_wait3A_254 = tpu.memref_squeeze %dma_wait3A_253 : memref<1x!tpu.dma_semaphore, #tpu.memory_space<semaphore_mem>> -> memref<!tpu.dma_semaphore, #tpu.memory_space<semaphore_mem>>
    tpu.wait_indirect_dma semaphore(%dma_wait3A_254 : memref<!tpu.dma_semaphore, #tpu.memory_space<semaphore_mem>>) src(%dma_wait3A_246 : memref<80x16xf32, #tpu.memory_space<vmem>>) dst(%dma_wait3A_252 : memref<10000x16xf32, #tpu.memory_space<vmem_shared>>)
    %dma_wait3A_255 = arith.constant 3 : i32
    %dma_wait3A_256 = arith.constant 123 : i32
    %dma_wait3A_257 = arith.constant 3 : i32
    %dma_wait3A_258 = arith.constant 0 : i32
    %dma_wait3A_259 = arith.constant 0 : i32
    %dma_wait3A_260 = tpu.memref_slice %arg9[%dma_wait3A_255, %dma_wait3A_258, %dma_wait3A_259] : memref<5x80x16xf32, #tpu.memory_space<vmem>> -> memref<1x80x16xf32, #tpu.memory_space<vmem>>
    %dma_wait3A_261 = tpu.memref_squeeze %dma_wait3A_260 : memref<1x80x16xf32, #tpu.memory_space<vmem>> -> memref<80x16xf32, #tpu.memory_space<vmem>>
    %dma_wait3A_262 = arith.constant 0 : i32
    %dma_wait3A_263 = tpu.memref_slice %arg8[%dma_wait3A_256, %dma_wait3A_262] : memref<125x80xi32, #tpu.memory_space<vmem>> -> memref<1x80xi32, #tpu.memory_space<vmem>>
    %dma_wait3A_264 = tpu.memref_squeeze %dma_wait3A_263 : memref<1x80xi32, #tpu.memory_space<vmem>> -> memref<80xi32, #tpu.memory_space<vmem>>
    %dma_wait3A_265 = arith.constant 0 : i32
    %dma_wait3A_266 = arith.constant 0 : i32
    %dma_wait3A_267 = tpu.memref_slice %arg11[%dma_wait3A_265, %dma_wait3A_266] : memref<10000x16xf32, #tpu.memory_space<vmem_shared>> -> memref<10000x16xf32, #tpu.memory_space<vmem_shared>>
    %dma_wait3A_268 = tpu.memref_slice %arg14[%dma_wait3A_257] : memref<5x!tpu.dma_semaphore, #tpu.memory_space<semaphore_mem>> -> memref<1x!tpu.dma_semaphore, #tpu.memory_space<semaphore_mem>>
    %dma_wait3A_269 = tpu.memref_squeeze %dma_wait3A_268 : memref<1x!tpu.dma_semaphore, #tpu.memory_space<semaphore_mem>> -> memref<!tpu.dma_semaphore, #tpu.memory_space<semaphore_mem>>
    tpu.wait_indirect_dma semaphore(%dma_wait3A_269 : memref<!tpu.dma_semaphore, #tpu.memory_space<semaphore_mem>>) src(%dma_wait3A_261 : memref<80x16xf32, #tpu.memory_space<vmem>>) dst(%dma_wait3A_267 : memref<10000x16xf32, #tpu.memory_space<vmem_shared>>)
    %dma_wait3A_270 = arith.constant 4 : i32
    %dma_wait3A_271 = arith.constant 124 : i32
    %dma_wait3A_272 = arith.constant 4 : i32
    %dma_wait3A_273 = arith.constant 0 : i32
    %dma_wait3A_274 = arith.constant 0 : i32
    %dma_wait3A_275 = tpu.memref_slice %arg9[%dma_wait3A_270, %dma_wait3A_273, %dma_wait3A_274] : memref<5x80x16xf32, #tpu.memory_space<vmem>> -> memref<1x80x16xf32, #tpu.memory_space<vmem>>
    %dma_wait3A_276 = tpu.memref_squeeze %dma_wait3A_275 : memref<1x80x16xf32, #tpu.memory_space<vmem>> -> memref<80x16xf32, #tpu.memory_space<vmem>>
    %dma_wait3A_277 = arith.constant 0 : i32
    %dma_wait3A_278 = tpu.memref_slice %arg8[%dma_wait3A_271, %dma_wait3A_277] : memref<125x80xi32, #tpu.memory_space<vmem>> -> memref<1x80xi32, #tpu.memory_space<vmem>>
    %dma_wait3A_279 = tpu.memref_squeeze %dma_wait3A_278 : memref<1x80xi32, #tpu.memory_space<vmem>> -> memref<80xi32, #tpu.memory_space<vmem>>
    %dma_wait3A_280 = arith.constant 0 : i32
    %dma_wait3A_281 = arith.constant 0 : i32
    %dma_wait3A_282 = tpu.memref_slice %arg11[%dma_wait3A_280, %dma_wait3A_281] : memref<10000x16xf32, #tpu.memory_space<vmem_shared>> -> memref<10000x16xf32, #tpu.memory_space<vmem_shared>>
    %dma_wait3A_283 = tpu.memref_slice %arg14[%dma_wait3A_272] : memref<5x!tpu.dma_semaphore, #tpu.memory_space<semaphore_mem>> -> memref<1x!tpu.dma_semaphore, #tpu.memory_space<semaphore_mem>>
    %dma_wait3A_284 = tpu.memref_squeeze %dma_wait3A_283 : memref<1x!tpu.dma_semaphore, #tpu.memory_space<semaphore_mem>> -> memref<!tpu.dma_semaphore, #tpu.memory_space<semaphore_mem>>
    tpu.wait_indirect_dma semaphore(%dma_wait3A_284 : memref<!tpu.dma_semaphore, #tpu.memory_space<semaphore_mem>>) src(%dma_wait3A_276 : memref<80x16xf32, #tpu.memory_space<vmem>>) dst(%dma_wait3A_282 : memref<10000x16xf32, #tpu.memory_space<vmem_shared>>)
    %barrier3A_285 = arith.constant 0 : index
    tpu.barrier barrier_id(%barrier3A_285)
    "tpu.region"() ({
      %run_scoped3A = tpu.sem_alloc : memref<!tpu.dma_semaphore, #tpu.memory_space<semaphore_mem>>
      %dma_start3A_286 = arith.constant 0 : i32
      %dma_start3A_287 = tpu.memref_slice %arg11[%mul3A_2, %dma_start3A_286] : memref<10000x16xf32, #tpu.memory_space<vmem_shared>> -> memref<625x16xf32, #tpu.memory_space<vmem_shared>>
      %dma_start3A_288 = arith.constant 0 : i32
      %dma_start3A_289 = tpu.memref_slice %arg11[%mul3A_2, %dma_start3A_288] : memref<10000x16xf32, #tpu.memory_space<vmem_shared>> -> memref<625x16xf32, #tpu.memory_space<vmem_shared>>
      tpu.enqueue_dma source(%dma_start3A_289 : memref<625x16xf32, #tpu.memory_space<vmem_shared>>) target(%arg10 : memref<625x16xf32, #tpu.memory_space<vmem>>) target_semaphore(%run_scoped3A : memref<!tpu.dma_semaphore, #tpu.memory_space<semaphore_mem>>)
      %dma_wait3A_290 = arith.constant 0 : i32
      %dma_wait3A_291 = tpu.memref_slice %arg11[%mul3A_2, %dma_wait3A_290] : memref<10000x16xf32, #tpu.memory_space<vmem_shared>> -> memref<625x16xf32, #tpu.memory_space<vmem_shared>>
      %dma_wait3A_292 = arith.constant 0 : i32
      %dma_wait3A_293 = tpu.memref_slice %arg11[%mul3A_2, %dma_wait3A_292] : memref<10000x16xf32, #tpu.memory_space<vmem_shared>> -> memref<625x16xf32, #tpu.memory_space<vmem_shared>>
      tpu.wait_dma2 semaphore(%run_scoped3A : memref<!tpu.dma_semaphore, #tpu.memory_space<semaphore_mem>>) src(%dma_wait3A_293 : memref<625x16xf32, #tpu.memory_space<vmem_shared>>) dst(%arg10 : memref<625x16xf32, #tpu.memory_space<vmem>>)
      tpu.yield
    }) : () -> ()
    "tpu.region"() ({
      %run_scoped3A = tpu.sem_alloc : memref<!tpu.dma_semaphore, #tpu.memory_space<semaphore_mem>>
      %dma_start3A_286 = arith.constant 0 : i32
      %dma_start3A_287 = arith.constant 0 : i32
      %dma_start3A_288 = tpu.memref_slice %arg6[%arg0, %arg1, %dma_start3A_286, %dma_start3A_287] : memref<2x16x625x16xf32, #tpu.memory_space<hbm>> -> memref<1x1x625x16xf32, #tpu.memory_space<hbm>>
      %dma_start3A_289 = tpu.memref_squeeze %dma_start3A_288 : memref<1x1x625x16xf32, #tpu.memory_space<hbm>> -> memref<625x16xf32, #tpu.memory_space<hbm>>
      %dma_start3A_290 = arith.constant 0 : i32
      %dma_start3A_291 = arith.constant 0 : i32
      %dma_start3A_292 = tpu.memref_slice %arg6[%arg0, %arg1, %dma_start3A_290, %dma_start3A_291] : memref<2x16x625x16xf32, #tpu.memory_space<hbm>> -> memref<1x1x625x16xf32, #tpu.memory_space<hbm>>
      %dma_start3A_293 = tpu.memref_squeeze %dma_start3A_292 : memref<1x1x625x16xf32, #tpu.memory_space<hbm>> -> memref<625x16xf32, #tpu.memory_space<hbm>>
      tpu.enqueue_dma source(%arg10 : memref<625x16xf32, #tpu.memory_space<vmem>>) target(%dma_start3A_293 : memref<625x16xf32, #tpu.memory_space<hbm>>) target_semaphore(%run_scoped3A : memref<!tpu.dma_semaphore, #tpu.memory_space<semaphore_mem>>)
      %dma_wait3A_294 = arith.constant 0 : i32
      %dma_wait3A_295 = arith.constant 0 : i32
      %dma_wait3A_296 = tpu.memref_slice %arg6[%arg0, %arg1, %dma_wait3A_294, %dma_wait3A_295] : memref<2x16x625x16xf32, #tpu.memory_space<hbm>> -> memref<1x1x625x16xf32, #tpu.memory_space<hbm>>
      %dma_wait3A_297 = tpu.memref_squeeze %dma_wait3A_296 : memref<1x1x625x16xf32, #tpu.memory_space<hbm>> -> memref<625x16xf32, #tpu.memory_space<hbm>>
      %dma_wait3A_298 = arith.constant 0 : i32
      %dma_wait3A_299 = arith.constant 0 : i32
      %dma_wait3A_300 = tpu.memref_slice %arg6[%arg0, %arg1, %dma_wait3A_298, %dma_wait3A_299] : memref<2x16x625x16xf32, #tpu.memory_space<hbm>> -> memref<1x1x625x16xf32, #tpu.memory_space<hbm>>
      %dma_wait3A_301 = tpu.memref_squeeze %dma_wait3A_300 : memref<1x1x625x16xf32, #tpu.memory_space<hbm>> -> memref<625x16xf32, #tpu.memory_space<hbm>>
      tpu.wait_dma2 semaphore(%run_scoped3A : memref<!tpu.dma_semaphore, #tpu.memory_space<semaphore_mem>>) src(%arg10 : memref<625x16xf32, #tpu.memory_space<vmem>>) dst(%dma_wait3A_301 : memref<625x16xf32, #tpu.memory_space<hbm>>)
      tpu.yield
    }) : () -> ()
    return
  }
}

#map = affine_map<(d0, d1) -> (0, 0)>
#map1 = affine_map<(d0, d1) -> (0, 0, 0)>
#map2 = affine_map<(d0, d1) -> (0, 0, 0, 0)>
module attributes {stable_mosaic.version = 14 : i64} {
  func.func @_sc_segsum(%arg0: i32, %arg1: i32, %arg2: memref<10000x16xf32, #tpu.memory_space<hbm>>, %arg3: memref<32x10000xi32, #tpu.memory_space<hbm>>, %arg4: memref<32x125x80xi32, #tpu.memory_space<hbm>>, %arg5: memref<16x625x16xf32, #tpu.memory_space<hbm>>, %arg6: memref<2x16x625x16xf32, #tpu.memory_space<hbm>>, %arg7: memref<10000xi32, #tpu.memory_space<vmem>>, %arg8: memref<125x80xi32, #tpu.memory_space<vmem>>, %arg9: memref<5x80x16xf32, #tpu.memory_space<vmem>>, %arg10: memref<625x16xf32, #tpu.memory_space<vmem>>, %arg11: memref<10000x16xf32, #tpu.memory_space<vmem_shared>>, %arg12: memref<10000x16xf32, #tpu.memory_space<vmem_shared>>, %arg13: memref<5x!tpu.dma_semaphore, #tpu.memory_space<semaphore_mem>>, %arg14: memref<5x!tpu.dma_semaphore, #tpu.memory_space<semaphore_mem>>) attributes {dimension_semantics = [#tpu.dimension_semantics<core_parallel>, #tpu.dimension_semantics<subcore_parallel>], iteration_bounds = array<i64: 2, 16>, scalar_prefetch = 0 : i64, scratch_operands = 8 : i64, tpu.core_type = #tpu.core_type<sc_vector_subcore>, window_params = [{transform_indices = #map}, {transform_indices = #map}, {transform_indices = #map1}, {transform_indices = #map1}, {transform_indices = #map2}]} {
    %mul3A = arith.constant 2 : i32
    %mul3A_0 = arith.muli %arg1, %mul3A : i32
    %add3A = arith.addi %mul3A_0, %arg0 : i32
    %mul3A_1 = arith.constant 625 : i32
    %mul3A_2 = arith.muli %arg1, %mul3A_1 : i32
    "tpu.region"() ({
      %run_scoped3A = tpu.sem_alloc : memref<!tpu.dma_semaphore, #tpu.memory_space<semaphore_mem>>
      %dma_start3A_286 = arith.constant 0 : i32
      %dma_start3A_287 = arith.constant 0 : i32
      %dma_start3A_288 = tpu.memref_slice %arg5[%arg1, %dma_start3A_286, %dma_start3A_287] : memref<16x625x16xf32, #tpu.memory_space<hbm>> -> memref<1x625x16xf32, #tpu.memory_space<hbm>>
      %dma_start3A_289 = tpu.memref_squeeze %dma_start3A_288 : memref<1x625x16xf32, #tpu.memory_space<hbm>> -> memref<625x16xf32, #tpu.memory_space<hbm>>
      %dma_start3A_290 = arith.constant 0 : i32
      %dma_start3A_291 = arith.constant 0 : i32
      %dma_start3A_292 = tpu.memref_slice %arg5[%arg1, %dma_start3A_290, %dma_start3A_291] : memref<16x625x16xf32, #tpu.memory_space<hbm>> -> memref<1x625x16xf32, #tpu.memory_space<hbm>>
      %dma_start3A_293 = tpu.memref_squeeze %dma_start3A_292 : memref<1x625x16xf32, #tpu.memory_space<hbm>> -> memref<625x16xf32, #tpu.memory_space<hbm>>
      tpu.enqueue_dma source(%dma_start3A_293 : memref<625x16xf32, #tpu.memory_space<hbm>>) target(%arg10 : memref<625x16xf32, #tpu.memory_space<vmem>>) target_semaphore(%run_scoped3A : memref<!tpu.dma_semaphore, #tpu.memory_space<semaphore_mem>>)
      %dma_wait3A_294 = arith.constant 0 : i32
      %dma_wait3A_295 = arith.constant 0 : i32
      %dma_wait3A_296 = tpu.memref_slice %arg5[%arg1, %dma_wait3A_294, %dma_wait3A_295] : memref<16x625x16xf32, #tpu.memory_space<hbm>> -> memref<1x625x16xf32, #tpu.memory_space<hbm>>
      %dma_wait3A_297 = tpu.memref_squeeze %dma_wait3A_296 : memref<1x625x16xf32, #tpu.memory_space<hbm>> -> memref<625x16xf32, #tpu.memory_space<hbm>>
      %dma_wait3A_298 = arith.constant 0 : i32
      %dma_wait3A_299 = arith.constant 0 : i32
      %dma_wait3A_300 = tpu.memref_slice %arg5[%arg1, %dma_wait3A_298, %dma_wait3A_299] : memref<16x625x16xf32, #tpu.memory_space<hbm>> -> memref<1x625x16xf32, #tpu.memory_space<hbm>>
      %dma_wait3A_301 = tpu.memref_squeeze %dma_wait3A_300 : memref<1x625x16xf32, #tpu.memory_space<hbm>> -> memref<625x16xf32, #tpu.memory_space<hbm>>
      tpu.wait_dma2 semaphore(%run_scoped3A : memref<!tpu.dma_semaphore, #tpu.memory_space<semaphore_mem>>) src(%dma_wait3A_301 : memref<625x16xf32, #tpu.memory_space<hbm>>) dst(%arg10 : memref<625x16xf32, #tpu.memory_space<vmem>>)
      tpu.yield
    }) : () -> ()
    "tpu.region"() ({
      %run_scoped3A = tpu.sem_alloc : memref<!tpu.dma_semaphore, #tpu.memory_space<semaphore_mem>>
      %dma_start3A_286 = arith.constant 0 : i32
      %dma_start3A_287 = tpu.memref_slice %arg11[%mul3A_2, %dma_start3A_286] : memref<10000x16xf32, #tpu.memory_space<vmem_shared>> -> memref<625x16xf32, #tpu.memory_space<vmem_shared>>
      %dma_start3A_288 = arith.constant 0 : i32
      %dma_start3A_289 = tpu.memref_slice %arg11[%mul3A_2, %dma_start3A_288] : memref<10000x16xf32, #tpu.memory_space<vmem_shared>> -> memref<625x16xf32, #tpu.memory_space<vmem_shared>>
      tpu.enqueue_dma source(%arg10 : memref<625x16xf32, #tpu.memory_space<vmem>>) target(%dma_start3A_289 : memref<625x16xf32, #tpu.memory_space<vmem_shared>>) target_semaphore(%run_scoped3A : memref<!tpu.dma_semaphore, #tpu.memory_space<semaphore_mem>>)
      %dma_wait3A_290 = arith.constant 0 : i32
      %dma_wait3A_291 = tpu.memref_slice %arg11[%mul3A_2, %dma_wait3A_290] : memref<10000x16xf32, #tpu.memory_space<vmem_shared>> -> memref<625x16xf32, #tpu.memory_space<vmem_shared>>
      %dma_wait3A_292 = arith.constant 0 : i32
      %dma_wait3A_293 = tpu.memref_slice %arg11[%mul3A_2, %dma_wait3A_292] : memref<10000x16xf32, #tpu.memory_space<vmem_shared>> -> memref<625x16xf32, #tpu.memory_space<vmem_shared>>
      tpu.wait_dma2 semaphore(%run_scoped3A : memref<!tpu.dma_semaphore, #tpu.memory_space<semaphore_mem>>) src(%arg10 : memref<625x16xf32, #tpu.memory_space<vmem>>) dst(%dma_wait3A_293 : memref<625x16xf32, #tpu.memory_space<vmem_shared>>)
      tpu.yield
    }) : () -> ()
    "tpu.region"() ({
      %run_scoped3A = tpu.sem_alloc : memref<!tpu.dma_semaphore, #tpu.memory_space<semaphore_mem>>
      %dma_start3A_286 = arith.constant 0 : i32
      %dma_start3A_287 = tpu.memref_slice %arg2[%mul3A_2, %dma_start3A_286] : memref<10000x16xf32, #tpu.memory_space<hbm>> -> memref<625x16xf32, #tpu.memory_space<hbm>>
      %dma_start3A_288 = arith.constant 0 : i32
      %dma_start3A_289 = tpu.memref_slice %arg2[%mul3A_2, %dma_start3A_288] : memref<10000x16xf32, #tpu.memory_space<hbm>> -> memref<625x16xf32, #tpu.memory_space<hbm>>
      tpu.enqueue_dma source(%dma_start3A_289 : memref<625x16xf32, #tpu.memory_space<hbm>>) target(%arg10 : memref<625x16xf32, #tpu.memory_space<vmem>>) target_semaphore(%run_scoped3A : memref<!tpu.dma_semaphore, #tpu.memory_space<semaphore_mem>>)
      %dma_wait3A_290 = arith.constant 0 : i32
      %dma_wait3A_291 = tpu.memref_slice %arg2[%mul3A_2, %dma_wait3A_290] : memref<10000x16xf32, #tpu.memory_space<hbm>> -> memref<625x16xf32, #tpu.memory_space<hbm>>
      %dma_wait3A_292 = arith.constant 0 : i32
      %dma_wait3A_293 = tpu.memref_slice %arg2[%mul3A_2, %dma_wait3A_292] : memref<10000x16xf32, #tpu.memory_space<hbm>> -> memref<625x16xf32, #tpu.memory_space<hbm>>
      tpu.wait_dma2 semaphore(%run_scoped3A : memref<!tpu.dma_semaphore, #tpu.memory_space<semaphore_mem>>) src(%dma_wait3A_293 : memref<625x16xf32, #tpu.memory_space<hbm>>) dst(%arg10 : memref<625x16xf32, #tpu.memory_space<vmem>>)
      tpu.yield
    }) : () -> ()
    "tpu.region"() ({
      %run_scoped3A = tpu.sem_alloc : memref<!tpu.dma_semaphore, #tpu.memory_space<semaphore_mem>>
      %dma_start3A_286 = arith.constant 0 : i32
      %dma_start3A_287 = tpu.memref_slice %arg12[%mul3A_2, %dma_start3A_286] : memref<10000x16xf32, #tpu.memory_space<vmem_shared>> -> memref<625x16xf32, #tpu.memory_space<vmem_shared>>
      %dma_start3A_288 = arith.constant 0 : i32
      %dma_start3A_289 = tpu.memref_slice %arg12[%mul3A_2, %dma_start3A_288] : memref<10000x16xf32, #tpu.memory_space<vmem_shared>> -> memref<625x16xf32, #tpu.memory_space<vmem_shared>>
      tpu.enqueue_dma source(%arg10 : memref<625x16xf32, #tpu.memory_space<vmem>>) target(%dma_start3A_289 : memref<625x16xf32, #tpu.memory_space<vmem_shared>>) target_semaphore(%run_scoped3A : memref<!tpu.dma_semaphore, #tpu.memory_space<semaphore_mem>>)
      %dma_wait3A_290 = arith.constant 0 : i32
      %dma_wait3A_291 = tpu.memref_slice %arg12[%mul3A_2, %dma_wait3A_290] : memref<10000x16xf32, #tpu.memory_space<vmem_shared>> -> memref<625x16xf32, #tpu.memory_space<vmem_shared>>
      %dma_wait3A_292 = arith.constant 0 : i32
      %dma_wait3A_293 = tpu.memref_slice %arg12[%mul3A_2, %dma_wait3A_292] : memref<10000x16xf32, #tpu.memory_space<vmem_shared>> -> memref<625x16xf32, #tpu.memory_space<vmem_shared>>
      tpu.wait_dma2 semaphore(%run_scoped3A : memref<!tpu.dma_semaphore, #tpu.memory_space<semaphore_mem>>) src(%arg10 : memref<625x16xf32, #tpu.memory_space<vmem>>) dst(%dma_wait3A_293 : memref<625x16xf32, #tpu.memory_space<vmem_shared>>)
      tpu.yield
    }) : () -> ()
    "tpu.region"() ({
      %run_scoped3A = tpu.sem_alloc : memref<!tpu.dma_semaphore, #tpu.memory_space<semaphore_mem>>
      %dma_start3A_286 = arith.constant 0 : i32
      %dma_start3A_287 = tpu.memref_slice %arg3[%add3A, %dma_start3A_286] : memref<32x10000xi32, #tpu.memory_space<hbm>> -> memref<1x10000xi32, #tpu.memory_space<hbm>>
      %dma_start3A_288 = tpu.memref_squeeze %dma_start3A_287 : memref<1x10000xi32, #tpu.memory_space<hbm>> -> memref<10000xi32, #tpu.memory_space<hbm>>
      %dma_start3A_289 = arith.constant 0 : i32
      %dma_start3A_290 = tpu.memref_slice %arg3[%add3A, %dma_start3A_289] : memref<32x10000xi32, #tpu.memory_space<hbm>> -> memref<1x10000xi32, #tpu.memory_space<hbm>>
      %dma_start3A_291 = tpu.memref_squeeze %dma_start3A_290 : memref<1x10000xi32, #tpu.memory_space<hbm>> -> memref<10000xi32, #tpu.memory_space<hbm>>
      tpu.enqueue_dma source(%dma_start3A_291 : memref<10000xi32, #tpu.memory_space<hbm>>) target(%arg7 : memref<10000xi32, #tpu.memory_space<vmem>>) target_semaphore(%run_scoped3A : memref<!tpu.dma_semaphore, #tpu.memory_space<semaphore_mem>>)
      %dma_wait3A_292 = arith.constant 0 : i32
      %dma_wait3A_293 = tpu.memref_slice %arg3[%add3A, %dma_wait3A_292] : memref<32x10000xi32, #tpu.memory_space<hbm>> -> memref<1x10000xi32, #tpu.memory_space<hbm>>
      %dma_wait3A_294 = tpu.memref_squeeze %dma_wait3A_293 : memref<1x10000xi32, #tpu.memory_space<hbm>> -> memref<10000xi32, #tpu.memory_space<hbm>>
      %dma_wait3A_295 = arith.constant 0 : i32
      %dma_wait3A_296 = tpu.memref_slice %arg3[%add3A, %dma_wait3A_295] : memref<32x10000xi32, #tpu.memory_space<hbm>> -> memref<1x10000xi32, #tpu.memory_space<hbm>>
      %dma_wait3A_297 = tpu.memref_squeeze %dma_wait3A_296 : memref<1x10000xi32, #tpu.memory_space<hbm>> -> memref<10000xi32, #tpu.memory_space<hbm>>
      tpu.wait_dma2 semaphore(%run_scoped3A : memref<!tpu.dma_semaphore, #tpu.memory_space<semaphore_mem>>) src(%dma_wait3A_297 : memref<10000xi32, #tpu.memory_space<hbm>>) dst(%arg7 : memref<10000xi32, #tpu.memory_space<vmem>>)
      tpu.yield
    }) : () -> ()
    "tpu.region"() ({
      %run_scoped3A = tpu.sem_alloc : memref<!tpu.dma_semaphore, #tpu.memory_space<semaphore_mem>>
      %dma_start3A_286 = arith.constant 0 : i32
      %dma_start3A_287 = arith.constant 0 : i32
      %dma_start3A_288 = tpu.memref_slice %arg4[%add3A, %dma_start3A_286, %dma_start3A_287] : memref<32x125x80xi32, #tpu.memory_space<hbm>> -> memref<1x125x80xi32, #tpu.memory_space<hbm>>
      %dma_start3A_289 = tpu.memref_squeeze %dma_start3A_288 : memref<1x125x80xi32, #tpu.memory_space<hbm>> -> memref<125x80xi32, #tpu.memory_space<hbm>>
      %dma_start3A_290 = arith.constant 0 : i32
      %dma_start3A_291 = arith.constant 0 : i32
      %dma_start3A_292 = tpu.memref_slice %arg4[%add3A, %dma_start3A_290, %dma_start3A_291] : memref<32x125x80xi32, #tpu.memory_space<hbm>> -> memref<1x125x80xi32, #tpu.memory_space<hbm>>
      %dma_start3A_293 = tpu.memref_squeeze %dma_start3A_292 : memref<1x125x80xi32, #tpu.memory_space<hbm>> -> memref<125x80xi32, #tpu.memory_space<hbm>>
      tpu.enqueue_dma source(%dma_start3A_293 : memref<125x80xi32, #tpu.memory_space<hbm>>) target(%arg8 : memref<125x80xi32, #tpu.memory_space<vmem>>) target_semaphore(%run_scoped3A : memref<!tpu.dma_semaphore, #tpu.memory_space<semaphore_mem>>)
      %dma_wait3A_294 = arith.constant 0 : i32
      %dma_wait3A_295 = arith.constant 0 : i32
      %dma_wait3A_296 = tpu.memref_slice %arg4[%add3A, %dma_wait3A_294, %dma_wait3A_295] : memref<32x125x80xi32, #tpu.memory_space<hbm>> -> memref<1x125x80xi32, #tpu.memory_space<hbm>>
      %dma_wait3A_297 = tpu.memref_squeeze %dma_wait3A_296 : memref<1x125x80xi32, #tpu.memory_space<hbm>> -> memref<125x80xi32, #tpu.memory_space<hbm>>
      %dma_wait3A_298 = arith.constant 0 : i32
      %dma_wait3A_299 = arith.constant 0 : i32
      %dma_wait3A_300 = tpu.memref_slice %arg4[%add3A, %dma_wait3A_298, %dma_wait3A_299] : memref<32x125x80xi32, #tpu.memory_space<hbm>> -> memref<1x125x80xi32, #tpu.memory_space<hbm>>
      %dma_wait3A_301 = tpu.memref_squeeze %dma_wait3A_300 : memref<1x125x80xi32, #tpu.memory_space<hbm>> -> memref<125x80xi32, #tpu.memory_space<hbm>>
      tpu.wait_dma2 semaphore(%run_scoped3A : memref<!tpu.dma_semaphore, #tpu.memory_space<semaphore_mem>>) src(%dma_wait3A_301 : memref<125x80xi32, #tpu.memory_space<hbm>>) dst(%arg8 : memref<125x80xi32, #tpu.memory_space<vmem>>)
      tpu.yield
    }) : () -> ()
    %barrier3A = arith.constant 0 : index
    tpu.barrier barrier_id(%barrier3A)
    %dma_start3A = arith.constant 0 : i32
    %dma_start3A_3 = arith.constant 0 : i32
    %dma_start3A_4 = arith.constant 0 : i32
    %dma_start3A_5 = arith.constant 0 : i32
    %dma_start3A_6 = tpu.memref_slice %arg9[%dma_start3A, %dma_start3A_4, %dma_start3A_5] : memref<5x80x16xf32, #tpu.memory_space<vmem>> -> memref<1x80x16xf32, #tpu.memory_space<vmem>>
    %dma_start3A_7 = tpu.memref_squeeze %dma_start3A_6 : memref<1x80x16xf32, #tpu.memory_space<vmem>> -> memref<80x16xf32, #tpu.memory_space<vmem>>
    %dma_start3A_8 = arith.constant 0 : i32
    %dma_start3A_9 = tpu.memref_slice %arg7[%dma_start3A_8] : memref<10000xi32, #tpu.memory_space<vmem>> -> memref<80xi32, #tpu.memory_space<vmem>>
    %dma_start3A_10 = arith.constant 0 : i32
    %dma_start3A_11 = arith.constant 0 : i32
    %dma_start3A_12 = tpu.memref_slice %arg2[%dma_start3A_10, %dma_start3A_11] : memref<10000x16xf32, #tpu.memory_space<hbm>> -> memref<10000x16xf32, #tpu.memory_space<hbm>>
    %dma_start3A_13 = tpu.memref_slice %arg13[%dma_start3A_3] : memref<5x!tpu.dma_semaphore, #tpu.memory_space<semaphore_mem>> -> memref<1x!tpu.dma_semaphore, #tpu.memory_space<semaphore_mem>>
    %dma_start3A_14 = tpu.memref_squeeze %dma_start3A_13 : memref<1x!tpu.dma_semaphore, #tpu.memory_space<semaphore_mem>> -> memref<!tpu.dma_semaphore, #tpu.memory_space<semaphore_mem>>
    tpu.enqueue_indirect_dma source(%dma_start3A_12 : memref<10000x16xf32, #tpu.memory_space<hbm>>) target(%dma_start3A_7 : memref<80x16xf32, #tpu.memory_space<vmem>>) offsets(%dma_start3A_9 : memref<80xi32, #tpu.memory_space<vmem>>) semaphore(%dma_start3A_14 : memref<!tpu.dma_semaphore, #tpu.memory_space<semaphore_mem>>)
    %dma_start3A_15 = arith.constant 1 : i32
    %dma_start3A_16 = arith.constant 1 : i32
    %dma_start3A_17 = arith.constant 0 : i32
    %dma_start3A_18 = arith.constant 0 : i32
    %dma_start3A_19 = tpu.memref_slice %arg9[%dma_start3A_15, %dma_start3A_17, %dma_start3A_18] : memref<5x80x16xf32, #tpu.memory_space<vmem>> -> memref<1x80x16xf32, #tpu.memory_space<vmem>>
    %dma_start3A_20 = tpu.memref_squeeze %dma_start3A_19 : memref<1x80x16xf32, #tpu.memory_space<vmem>> -> memref<80x16xf32, #tpu.memory_space<vmem>>
    %dma_start3A_21 = arith.constant 80 : i32
    %dma_start3A_22 = tpu.memref_slice %arg7[%dma_start3A_21] : memref<10000xi32, #tpu.memory_space<vmem>> -> memref<80xi32, #tpu.memory_space<vmem>>
    %dma_start3A_23 = arith.constant 0 : i32
    %dma_start3A_24 = arith.constant 0 : i32
    %dma_start3A_25 = tpu.memref_slice %arg2[%dma_start3A_23, %dma_start3A_24] : memref<10000x16xf32, #tpu.memory_space<hbm>> -> memref<10000x16xf32, #tpu.memory_space<hbm>>
    %dma_start3A_26 = tpu.memref_slice %arg13[%dma_start3A_16] : memref<5x!tpu.dma_semaphore, #tpu.memory_space<semaphore_mem>> -> memref<1x!tpu.dma_semaphore, #tpu.memory_space<semaphore_mem>>
    %dma_start3A_27 = tpu.memref_squeeze %dma_start3A_26 : memref<1x!tpu.dma_semaphore, #tpu.memory_space<semaphore_mem>> -> memref<!tpu.dma_semaphore, #tpu.memory_space<semaphore_mem>>
    tpu.enqueue_indirect_dma source(%dma_start3A_25 : memref<10000x16xf32, #tpu.memory_space<hbm>>) target(%dma_start3A_20 : memref<80x16xf32, #tpu.memory_space<vmem>>) offsets(%dma_start3A_22 : memref<80xi32, #tpu.memory_space<vmem>>) semaphore(%dma_start3A_27 : memref<!tpu.dma_semaphore, #tpu.memory_space<semaphore_mem>>)
    %dma_start3A_28 = arith.constant 2 : i32
    %dma_start3A_29 = arith.constant 2 : i32
    %dma_start3A_30 = arith.constant 0 : i32
    %dma_start3A_31 = arith.constant 0 : i32
    %dma_start3A_32 = tpu.memref_slice %arg9[%dma_start3A_28, %dma_start3A_30, %dma_start3A_31] : memref<5x80x16xf32, #tpu.memory_space<vmem>> -> memref<1x80x16xf32, #tpu.memory_space<vmem>>
    %dma_start3A_33 = tpu.memref_squeeze %dma_start3A_32 : memref<1x80x16xf32, #tpu.memory_space<vmem>> -> memref<80x16xf32, #tpu.memory_space<vmem>>
    %dma_start3A_34 = arith.constant 160 : i32
    %dma_start3A_35 = tpu.memref_slice %arg7[%dma_start3A_34] : memref<10000xi32, #tpu.memory_space<vmem>> -> memref<80xi32, #tpu.memory_space<vmem>>
    %dma_start3A_36 = arith.constant 0 : i32
    %dma_start3A_37 = arith.constant 0 : i32
    %dma_start3A_38 = tpu.memref_slice %arg12[%dma_start3A_36, %dma_start3A_37] : memref<10000x16xf32, #tpu.memory_space<vmem_shared>> -> memref<10000x16xf32, #tpu.memory_space<vmem_shared>>
    %dma_start3A_39 = tpu.memref_slice %arg13[%dma_start3A_29] : memref<5x!tpu.dma_semaphore, #tpu.memory_space<semaphore_mem>> -> memref<1x!tpu.dma_semaphore, #tpu.memory_space<semaphore_mem>>
    %dma_start3A_40 = tpu.memref_squeeze %dma_start3A_39 : memref<1x!tpu.dma_semaphore, #tpu.memory_space<semaphore_mem>> -> memref<!tpu.dma_semaphore, #tpu.memory_space<semaphore_mem>>
    tpu.enqueue_indirect_dma source(%dma_start3A_38 : memref<10000x16xf32, #tpu.memory_space<vmem_shared>>) target(%dma_start3A_33 : memref<80x16xf32, #tpu.memory_space<vmem>>) offsets(%dma_start3A_35 : memref<80xi32, #tpu.memory_space<vmem>>) semaphore(%dma_start3A_40 : memref<!tpu.dma_semaphore, #tpu.memory_space<semaphore_mem>>)
    %dma_start3A_41 = arith.constant 3 : i32
    %dma_start3A_42 = arith.constant 3 : i32
    %dma_start3A_43 = arith.constant 0 : i32
    %dma_start3A_44 = arith.constant 0 : i32
    %dma_start3A_45 = tpu.memref_slice %arg9[%dma_start3A_41, %dma_start3A_43, %dma_start3A_44] : memref<5x80x16xf32, #tpu.memory_space<vmem>> -> memref<1x80x16xf32, #tpu.memory_space<vmem>>
    %dma_start3A_46 = tpu.memref_squeeze %dma_start3A_45 : memref<1x80x16xf32, #tpu.memory_space<vmem>> -> memref<80x16xf32, #tpu.memory_space<vmem>>
    %dma_start3A_47 = arith.constant 240 : i32
    %dma_start3A_48 = tpu.memref_slice %arg7[%dma_start3A_47] : memref<10000xi32, #tpu.memory_space<vmem>> -> memref<80xi32, #tpu.memory_space<vmem>>
    %dma_start3A_49 = arith.constant 0 : i32
    %dma_start3A_50 = arith.constant 0 : i32
    %dma_start3A_51 = tpu.memref_slice %arg12[%dma_start3A_49, %dma_start3A_50] : memref<10000x16xf32, #tpu.memory_space<vmem_shared>> -> memref<10000x16xf32, #tpu.memory_space<vmem_shared>>
    %dma_start3A_52 = tpu.memref_slice %arg13[%dma_start3A_42] : memref<5x!tpu.dma_semaphore, #tpu.memory_space<semaphore_mem>> -> memref<1x!tpu.dma_semaphore, #tpu.memory_space<semaphore_mem>>
    %dma_start3A_53 = tpu.memref_squeeze %dma_start3A_52 : memref<1x!tpu.dma_semaphore, #tpu.memory_space<semaphore_mem>> -> memref<!tpu.dma_semaphore, #tpu.memory_space<semaphore_mem>>
    tpu.enqueue_indirect_dma source(%dma_start3A_51 : memref<10000x16xf32, #tpu.memory_space<vmem_shared>>) target(%dma_start3A_46 : memref<80x16xf32, #tpu.memory_space<vmem>>) offsets(%dma_start3A_48 : memref<80xi32, #tpu.memory_space<vmem>>) semaphore(%dma_start3A_53 : memref<!tpu.dma_semaphore, #tpu.memory_space<semaphore_mem>>)
    %dma_start3A_54 = arith.constant 4 : i32
    %dma_start3A_55 = arith.constant 4 : i32
    %dma_start3A_56 = arith.constant 0 : i32
    %dma_start3A_57 = arith.constant 0 : i32
    %dma_start3A_58 = tpu.memref_slice %arg9[%dma_start3A_54, %dma_start3A_56, %dma_start3A_57] : memref<5x80x16xf32, #tpu.memory_space<vmem>> -> memref<1x80x16xf32, #tpu.memory_space<vmem>>
    %dma_start3A_59 = tpu.memref_squeeze %dma_start3A_58 : memref<1x80x16xf32, #tpu.memory_space<vmem>> -> memref<80x16xf32, #tpu.memory_space<vmem>>
    %dma_start3A_60 = arith.constant 320 : i32
    %dma_start3A_61 = tpu.memref_slice %arg7[%dma_start3A_60] : memref<10000xi32, #tpu.memory_space<vmem>> -> memref<80xi32, #tpu.memory_space<vmem>>
    %dma_start3A_62 = arith.constant 0 : i32
    %dma_start3A_63 = arith.constant 0 : i32
    %dma_start3A_64 = tpu.memref_slice %arg12[%dma_start3A_62, %dma_start3A_63] : memref<10000x16xf32, #tpu.memory_space<vmem_shared>> -> memref<10000x16xf32, #tpu.memory_space<vmem_shared>>
    %dma_start3A_65 = tpu.memref_slice %arg13[%dma_start3A_55] : memref<5x!tpu.dma_semaphore, #tpu.memory_space<semaphore_mem>> -> memref<1x!tpu.dma_semaphore, #tpu.memory_space<semaphore_mem>>
    %dma_start3A_66 = tpu.memref_squeeze %dma_start3A_65 : memref<1x!tpu.dma_semaphore, #tpu.memory_space<semaphore_mem>> -> memref<!tpu.dma_semaphore, #tpu.memory_space<semaphore_mem>>
    tpu.enqueue_indirect_dma source(%dma_start3A_64 : memref<10000x16xf32, #tpu.memory_space<vmem_shared>>) target(%dma_start3A_59 : memref<80x16xf32, #tpu.memory_space<vmem>>) offsets(%dma_start3A_61 : memref<80xi32, #tpu.memory_space<vmem>>) semaphore(%dma_start3A_66 : memref<!tpu.dma_semaphore, #tpu.memory_space<semaphore_mem>>)
    %scan3A = arith.constant 0 : i32
    %scan3A_67 = arith.constant 24 : i32
    %scan3A_68 = arith.addi %scan3A, %scan3A_67 : i32
    %scan3A_69 = arith.constant 1 : i32
    scf.for %scan3A_286 = %scan3A to %scan3A_68 step %scan3A_69  : i32 {
      %mul3A_287 = arith.constant 1 : i32
      %mul3A_288 = arith.muli %scan3A_286, %mul3A_287 : i32
      %add3A_289 = arith.constant 0 : i32
      %add3A_290 = arith.addi %add3A_289, %mul3A_288 : i32
      %mul3A_291 = arith.constant 5 : i32
      %mul3A_292 = arith.muli %add3A_290, %mul3A_291 : i32
      %dma_wait3A_293 = arith.constant 0 : i32
      %dma_wait3A_294 = arith.constant 0 : i32
      %dma_wait3A_295 = arith.constant 0 : i32
      %dma_wait3A_296 = arith.constant 0 : i32
      %dma_wait3A_297 = tpu.memref_slice %arg9[%dma_wait3A_293, %dma_wait3A_295, %dma_wait3A_296] : memref<5x80x16xf32, #tpu.memory_space<vmem>> -> memref<1x80x16xf32, #tpu.memory_space<vmem>>
      %dma_wait3A_298 = tpu.memref_squeeze %dma_wait3A_297 : memref<1x80x16xf32, #tpu.memory_space<vmem>> -> memref<80x16xf32, #tpu.memory_space<vmem>>
      %dma_wait3A_299 = arith.constant 0 : i32
      %dma_wait3A_300 = tpu.memref_slice %arg7[%dma_wait3A_299] : memref<10000xi32, #tpu.memory_space<vmem>> -> memref<80xi32, #tpu.memory_space<vmem>>
      %dma_wait3A_301 = arith.constant 0 : i32
      %dma_wait3A_302 = arith.constant 0 : i32
      %dma_wait3A_303 = tpu.memref_slice %arg2[%dma_wait3A_301, %dma_wait3A_302] : memref<10000x16xf32, #tpu.memory_space<hbm>> -> memref<10000x16xf32, #tpu.memory_space<hbm>>
      %dma_wait3A_304 = tpu.memref_slice %arg13[%dma_wait3A_294] : memref<5x!tpu.dma_semaphore, #tpu.memory_space<semaphore_mem>> -> memref<1x!tpu.dma_semaphore, #tpu.memory_space<semaphore_mem>>
      %dma_wait3A_305 = tpu.memref_squeeze %dma_wait3A_304 : memref<1x!tpu.dma_semaphore, #tpu.memory_space<semaphore_mem>> -> memref<!tpu.dma_semaphore, #tpu.memory_space<semaphore_mem>>
      tpu.wait_indirect_dma semaphore(%dma_wait3A_305 : memref<!tpu.dma_semaphore, #tpu.memory_space<semaphore_mem>>) src(%dma_wait3A_303 : memref<10000x16xf32, #tpu.memory_space<hbm>>) dst(%dma_wait3A_298 : memref<80x16xf32, #tpu.memory_space<vmem>>)
      %add3A_306 = arith.constant 0 : i32
      %add3A_307 = arith.addi %mul3A_292, %add3A_306 : i32
      %dma_start3A_308 = arith.constant 0 : i32
      %dma_start3A_309 = arith.constant 0 : i32
      %dma_start3A_310 = arith.constant 0 : i32
      %dma_start3A_311 = arith.constant 0 : i32
      %dma_start3A_312 = tpu.memref_slice %arg9[%dma_start3A_308, %dma_start3A_310, %dma_start3A_311] : memref<5x80x16xf32, #tpu.memory_space<vmem>> -> memref<1x80x16xf32, #tpu.memory_space<vmem>>
      %dma_start3A_313 = tpu.memref_squeeze %dma_start3A_312 : memref<1x80x16xf32, #tpu.memory_space<vmem>> -> memref<80x16xf32, #tpu.memory_space<vmem>>
      %dma_start3A_314 = arith.constant 0 : i32
      %dma_start3A_315 = tpu.memref_slice %arg8[%add3A_307, %dma_start3A_314] : memref<125x80xi32, #tpu.memory_space<vmem>> -> memref<1x80xi32, #tpu.memory_space<vmem>>
      %dma_start3A_316 = tpu.memref_squeeze %dma_start3A_315 : memref<1x80xi32, #tpu.memory_space<vmem>> -> memref<80xi32, #tpu.memory_space<vmem>>
      %dma_start3A_317 = arith.constant 0 : i32
      %dma_start3A_318 = arith.constant 0 : i32
      %dma_start3A_319 = tpu.memref_slice %arg11[%dma_start3A_317, %dma_start3A_318] : memref<10000x16xf32, #tpu.memory_space<vmem_shared>> -> memref<10000x16xf32, #tpu.memory_space<vmem_shared>>
      %dma_start3A_320 = tpu.memref_slice %arg14[%dma_start3A_309] : memref<5x!tpu.dma_semaphore, #tpu.memory_space<semaphore_mem>> -> memref<1x!tpu.dma_semaphore, #tpu.memory_space<semaphore_mem>>
      %dma_start3A_321 = tpu.memref_squeeze %dma_start3A_320 : memref<1x!tpu.dma_semaphore, #tpu.memory_space<semaphore_mem>> -> memref<!tpu.dma_semaphore, #tpu.memory_space<semaphore_mem>>
      tpu.enqueue_indirect_dma source(%dma_start3A_313 : memref<80x16xf32, #tpu.memory_space<vmem>>) target(%dma_start3A_319 : memref<10000x16xf32, #tpu.memory_space<vmem_shared>>) offsets(%dma_start3A_316 : memref<80xi32, #tpu.memory_space<vmem>>) semaphore(%dma_start3A_321 : memref<!tpu.dma_semaphore, #tpu.memory_space<semaphore_mem>>) {add = true}
      %dma_wait3A_322 = arith.constant 1 : i32
      %dma_wait3A_323 = arith.constant 1 : i32
      %dma_wait3A_324 = arith.constant 0 : i32
      %dma_wait3A_325 = arith.constant 0 : i32
      %dma_wait3A_326 = tpu.memref_slice %arg9[%dma_wait3A_322, %dma_wait3A_324, %dma_wait3A_325] : memref<5x80x16xf32, #tpu.memory_space<vmem>> -> memref<1x80x16xf32, #tpu.memory_space<vmem>>
      %dma_wait3A_327 = tpu.memref_squeeze %dma_wait3A_326 : memref<1x80x16xf32, #tpu.memory_space<vmem>> -> memref<80x16xf32, #tpu.memory_space<vmem>>
      %dma_wait3A_328 = arith.constant 0 : i32
      %dma_wait3A_329 = tpu.memref_slice %arg7[%dma_wait3A_328] : memref<10000xi32, #tpu.memory_space<vmem>> -> memref<80xi32, #tpu.memory_space<vmem>>
      %dma_wait3A_330 = arith.constant 0 : i32
      %dma_wait3A_331 = arith.constant 0 : i32
      %dma_wait3A_332 = tpu.memref_slice %arg2[%dma_wait3A_330, %dma_wait3A_331] : memref<10000x16xf32, #tpu.memory_space<hbm>> -> memref<10000x16xf32, #tpu.memory_space<hbm>>
      %dma_wait3A_333 = tpu.memref_slice %arg13[%dma_wait3A_323] : memref<5x!tpu.dma_semaphore, #tpu.memory_space<semaphore_mem>> -> memref<1x!tpu.dma_semaphore, #tpu.memory_space<semaphore_mem>>
      %dma_wait3A_334 = tpu.memref_squeeze %dma_wait3A_333 : memref<1x!tpu.dma_semaphore, #tpu.memory_space<semaphore_mem>> -> memref<!tpu.dma_semaphore, #tpu.memory_space<semaphore_mem>>
      tpu.wait_indirect_dma semaphore(%dma_wait3A_334 : memref<!tpu.dma_semaphore, #tpu.memory_space<semaphore_mem>>) src(%dma_wait3A_332 : memref<10000x16xf32, #tpu.memory_space<hbm>>) dst(%dma_wait3A_327 : memref<80x16xf32, #tpu.memory_space<vmem>>)
      %add3A_335 = arith.constant 1 : i32
      %add3A_336 = arith.addi %mul3A_292, %add3A_335 : i32
      %dma_start3A_337 = arith.constant 1 : i32
      %dma_start3A_338 = arith.constant 1 : i32
      %dma_start3A_339 = arith.constant 0 : i32
      %dma_start3A_340 = arith.constant 0 : i32
      %dma_start3A_341 = tpu.memref_slice %arg9[%dma_start3A_337, %dma_start3A_339, %dma_start3A_340] : memref<5x80x16xf32, #tpu.memory_space<vmem>> -> memref<1x80x16xf32, #tpu.memory_space<vmem>>
      %dma_start3A_342 = tpu.memref_squeeze %dma_start3A_341 : memref<1x80x16xf32, #tpu.memory_space<vmem>> -> memref<80x16xf32, #tpu.memory_space<vmem>>
      %dma_start3A_343 = arith.constant 0 : i32
      %dma_start3A_344 = tpu.memref_slice %arg8[%add3A_336, %dma_start3A_343] : memref<125x80xi32, #tpu.memory_space<vmem>> -> memref<1x80xi32, #tpu.memory_space<vmem>>
      %dma_start3A_345 = tpu.memref_squeeze %dma_start3A_344 : memref<1x80xi32, #tpu.memory_space<vmem>> -> memref<80xi32, #tpu.memory_space<vmem>>
      %dma_start3A_346 = arith.constant 0 : i32
      %dma_start3A_347 = arith.constant 0 : i32
      %dma_start3A_348 = tpu.memref_slice %arg11[%dma_start3A_346, %dma_start3A_347] : memref<10000x16xf32, #tpu.memory_space<vmem_shared>> -> memref<10000x16xf32, #tpu.memory_space<vmem_shared>>
      %dma_start3A_349 = tpu.memref_slice %arg14[%dma_start3A_338] : memref<5x!tpu.dma_semaphore, #tpu.memory_space<semaphore_mem>> -> memref<1x!tpu.dma_semaphore, #tpu.memory_space<semaphore_mem>>
      %dma_start3A_350 = tpu.memref_squeeze %dma_start3A_349 : memref<1x!tpu.dma_semaphore, #tpu.memory_space<semaphore_mem>> -> memref<!tpu.dma_semaphore, #tpu.memory_space<semaphore_mem>>
      tpu.enqueue_indirect_dma source(%dma_start3A_342 : memref<80x16xf32, #tpu.memory_space<vmem>>) target(%dma_start3A_348 : memref<10000x16xf32, #tpu.memory_space<vmem_shared>>) offsets(%dma_start3A_345 : memref<80xi32, #tpu.memory_space<vmem>>) semaphore(%dma_start3A_350 : memref<!tpu.dma_semaphore, #tpu.memory_space<semaphore_mem>>) {add = true}
      %dma_wait3A_351 = arith.constant 2 : i32
      %dma_wait3A_352 = arith.constant 2 : i32
      %dma_wait3A_353 = arith.constant 0 : i32
      %dma_wait3A_354 = arith.constant 0 : i32
      %dma_wait3A_355 = tpu.memref_slice %arg9[%dma_wait3A_351, %dma_wait3A_353, %dma_wait3A_354] : memref<5x80x16xf32, #tpu.memory_space<vmem>> -> memref<1x80x16xf32, #tpu.memory_space<vmem>>
      %dma_wait3A_356 = tpu.memref_squeeze %dma_wait3A_355 : memref<1x80x16xf32, #tpu.memory_space<vmem>> -> memref<80x16xf32, #tpu.memory_space<vmem>>
      %dma_wait3A_357 = arith.constant 0 : i32
      %dma_wait3A_358 = tpu.memref_slice %arg7[%dma_wait3A_357] : memref<10000xi32, #tpu.memory_space<vmem>> -> memref<80xi32, #tpu.memory_space<vmem>>
      %dma_wait3A_359 = arith.constant 0 : i32
      %dma_wait3A_360 = arith.constant 0 : i32
      %dma_wait3A_361 = tpu.memref_slice %arg12[%dma_wait3A_359, %dma_wait3A_360] : memref<10000x16xf32, #tpu.memory_space<vmem_shared>> -> memref<10000x16xf32, #tpu.memory_space<vmem_shared>>
      %dma_wait3A_362 = tpu.memref_slice %arg13[%dma_wait3A_352] : memref<5x!tpu.dma_semaphore, #tpu.memory_space<semaphore_mem>> -> memref<1x!tpu.dma_semaphore, #tpu.memory_space<semaphore_mem>>
      %dma_wait3A_363 = tpu.memref_squeeze %dma_wait3A_362 : memref<1x!tpu.dma_semaphore, #tpu.memory_space<semaphore_mem>> -> memref<!tpu.dma_semaphore, #tpu.memory_space<semaphore_mem>>
      tpu.wait_indirect_dma semaphore(%dma_wait3A_363 : memref<!tpu.dma_semaphore, #tpu.memory_space<semaphore_mem>>) src(%dma_wait3A_361 : memref<10000x16xf32, #tpu.memory_space<vmem_shared>>) dst(%dma_wait3A_356 : memref<80x16xf32, #tpu.memory_space<vmem>>)
      %add3A_364 = arith.constant 2 : i32
      %add3A_365 = arith.addi %mul3A_292, %add3A_364 : i32
      %dma_start3A_366 = arith.constant 2 : i32
      %dma_start3A_367 = arith.constant 2 : i32
      %dma_start3A_368 = arith.constant 0 : i32
      %dma_start3A_369 = arith.constant 0 : i32
      %dma_start3A_370 = tpu.memref_slice %arg9[%dma_start3A_366, %dma_start3A_368, %dma_start3A_369] : memref<5x80x16xf32, #tpu.memory_space<vmem>> -> memref<1x80x16xf32, #tpu.memory_space<vmem>>
      %dma_start3A_371 = tpu.memref_squeeze %dma_start3A_370 : memref<1x80x16xf32, #tpu.memory_space<vmem>> -> memref<80x16xf32, #tpu.memory_space<vmem>>
      %dma_start3A_372 = arith.constant 0 : i32
      %dma_start3A_373 = tpu.memref_slice %arg8[%add3A_365, %dma_start3A_372] : memref<125x80xi32, #tpu.memory_space<vmem>> -> memref<1x80xi32, #tpu.memory_space<vmem>>
      %dma_start3A_374 = tpu.memref_squeeze %dma_start3A_373 : memref<1x80xi32, #tpu.memory_space<vmem>> -> memref<80xi32, #tpu.memory_space<vmem>>
      %dma_start3A_375 = arith.constant 0 : i32
      %dma_start3A_376 = arith.constant 0 : i32
      %dma_start3A_377 = tpu.memref_slice %arg11[%dma_start3A_375, %dma_start3A_376] : memref<10000x16xf32, #tpu.memory_space<vmem_shared>> -> memref<10000x16xf32, #tpu.memory_space<vmem_shared>>
      %dma_start3A_378 = tpu.memref_slice %arg14[%dma_start3A_367] : memref<5x!tpu.dma_semaphore, #tpu.memory_space<semaphore_mem>> -> memref<1x!tpu.dma_semaphore, #tpu.memory_space<semaphore_mem>>
      %dma_start3A_379 = tpu.memref_squeeze %dma_start3A_378 : memref<1x!tpu.dma_semaphore, #tpu.memory_space<semaphore_mem>> -> memref<!tpu.dma_semaphore, #tpu.memory_space<semaphore_mem>>
      tpu.enqueue_indirect_dma source(%dma_start3A_371 : memref<80x16xf32, #tpu.memory_space<vmem>>) target(%dma_start3A_377 : memref<10000x16xf32, #tpu.memory_space<vmem_shared>>) offsets(%dma_start3A_374 : memref<80xi32, #tpu.memory_space<vmem>>) semaphore(%dma_start3A_379 : memref<!tpu.dma_semaphore, #tpu.memory_space<semaphore_mem>>) {add = true}
      %dma_wait3A_380 = arith.constant 3 : i32
      %dma_wait3A_381 = arith.constant 3 : i32
      %dma_wait3A_382 = arith.constant 0 : i32
      %dma_wait3A_383 = arith.constant 0 : i32
      %dma_wait3A_384 = tpu.memref_slice %arg9[%dma_wait3A_380, %dma_wait3A_382, %dma_wait3A_383] : memref<5x80x16xf32, #tpu.memory_space<vmem>> -> memref<1x80x16xf32, #tpu.memory_space<vmem>>
      %dma_wait3A_385 = tpu.memref_squeeze %dma_wait3A_384 : memref<1x80x16xf32, #tpu.memory_space<vmem>> -> memref<80x16xf32, #tpu.memory_space<vmem>>
      %dma_wait3A_386 = arith.constant 0 : i32
      %dma_wait3A_387 = tpu.memref_slice %arg7[%dma_wait3A_386] : memref<10000xi32, #tpu.memory_space<vmem>> -> memref<80xi32, #tpu.memory_space<vmem>>
      %dma_wait3A_388 = arith.constant 0 : i32
      %dma_wait3A_389 = arith.constant 0 : i32
      %dma_wait3A_390 = tpu.memref_slice %arg12[%dma_wait3A_388, %dma_wait3A_389] : memref<10000x16xf32, #tpu.memory_space<vmem_shared>> -> memref<10000x16xf32, #tpu.memory_space<vmem_shared>>
      %dma_wait3A_391 = tpu.memref_slice %arg13[%dma_wait3A_381] : memref<5x!tpu.dma_semaphore, #tpu.memory_space<semaphore_mem>> -> memref<1x!tpu.dma_semaphore, #tpu.memory_space<semaphore_mem>>
      %dma_wait3A_392 = tpu.memref_squeeze %dma_wait3A_391 : memref<1x!tpu.dma_semaphore, #tpu.memory_space<semaphore_mem>> -> memref<!tpu.dma_semaphore, #tpu.memory_space<semaphore_mem>>
      tpu.wait_indirect_dma semaphore(%dma_wait3A_392 : memref<!tpu.dma_semaphore, #tpu.memory_space<semaphore_mem>>) src(%dma_wait3A_390 : memref<10000x16xf32, #tpu.memory_space<vmem_shared>>) dst(%dma_wait3A_385 : memref<80x16xf32, #tpu.memory_space<vmem>>)
      %add3A_393 = arith.constant 3 : i32
      %add3A_394 = arith.addi %mul3A_292, %add3A_393 : i32
      %dma_start3A_395 = arith.constant 3 : i32
      %dma_start3A_396 = arith.constant 3 : i32
      %dma_start3A_397 = arith.constant 0 : i32
      %dma_start3A_398 = arith.constant 0 : i32
      %dma_start3A_399 = tpu.memref_slice %arg9[%dma_start3A_395, %dma_start3A_397, %dma_start3A_398] : memref<5x80x16xf32, #tpu.memory_space<vmem>> -> memref<1x80x16xf32, #tpu.memory_space<vmem>>
      %dma_start3A_400 = tpu.memref_squeeze %dma_start3A_399 : memref<1x80x16xf32, #tpu.memory_space<vmem>> -> memref<80x16xf32, #tpu.memory_space<vmem>>
      %dma_start3A_401 = arith.constant 0 : i32
      %dma_start3A_402 = tpu.memref_slice %arg8[%add3A_394, %dma_start3A_401] : memref<125x80xi32, #tpu.memory_space<vmem>> -> memref<1x80xi32, #tpu.memory_space<vmem>>
      %dma_start3A_403 = tpu.memref_squeeze %dma_start3A_402 : memref<1x80xi32, #tpu.memory_space<vmem>> -> memref<80xi32, #tpu.memory_space<vmem>>
      %dma_start3A_404 = arith.constant 0 : i32
      %dma_start3A_405 = arith.constant 0 : i32
      %dma_start3A_406 = tpu.memref_slice %arg11[%dma_start3A_404, %dma_start3A_405] : memref<10000x16xf32, #tpu.memory_space<vmem_shared>> -> memref<10000x16xf32, #tpu.memory_space<vmem_shared>>
      %dma_start3A_407 = tpu.memref_slice %arg14[%dma_start3A_396] : memref<5x!tpu.dma_semaphore, #tpu.memory_space<semaphore_mem>> -> memref<1x!tpu.dma_semaphore, #tpu.memory_space<semaphore_mem>>
      %dma_start3A_408 = tpu.memref_squeeze %dma_start3A_407 : memref<1x!tpu.dma_semaphore, #tpu.memory_space<semaphore_mem>> -> memref<!tpu.dma_semaphore, #tpu.memory_space<semaphore_mem>>
      tpu.enqueue_indirect_dma source(%dma_start3A_400 : memref<80x16xf32, #tpu.memory_space<vmem>>) target(%dma_start3A_406 : memref<10000x16xf32, #tpu.memory_space<vmem_shared>>) offsets(%dma_start3A_403 : memref<80xi32, #tpu.memory_space<vmem>>) semaphore(%dma_start3A_408 : memref<!tpu.dma_semaphore, #tpu.memory_space<semaphore_mem>>) {add = true}
      %dma_wait3A_409 = arith.constant 4 : i32
      %dma_wait3A_410 = arith.constant 4 : i32
      %dma_wait3A_411 = arith.constant 0 : i32
      %dma_wait3A_412 = arith.constant 0 : i32
      %dma_wait3A_413 = tpu.memref_slice %arg9[%dma_wait3A_409, %dma_wait3A_411, %dma_wait3A_412] : memref<5x80x16xf32, #tpu.memory_space<vmem>> -> memref<1x80x16xf32, #tpu.memory_space<vmem>>
      %dma_wait3A_414 = tpu.memref_squeeze %dma_wait3A_413 : memref<1x80x16xf32, #tpu.memory_space<vmem>> -> memref<80x16xf32, #tpu.memory_space<vmem>>
      %dma_wait3A_415 = arith.constant 0 : i32
      %dma_wait3A_416 = tpu.memref_slice %arg7[%dma_wait3A_415] : memref<10000xi32, #tpu.memory_space<vmem>> -> memref<80xi32, #tpu.memory_space<vmem>>
      %dma_wait3A_417 = arith.constant 0 : i32
      %dma_wait3A_418 = arith.constant 0 : i32
      %dma_wait3A_419 = tpu.memref_slice %arg12[%dma_wait3A_417, %dma_wait3A_418] : memref<10000x16xf32, #tpu.memory_space<vmem_shared>> -> memref<10000x16xf32, #tpu.memory_space<vmem_shared>>
      %dma_wait3A_420 = tpu.memref_slice %arg13[%dma_wait3A_410] : memref<5x!tpu.dma_semaphore, #tpu.memory_space<semaphore_mem>> -> memref<1x!tpu.dma_semaphore, #tpu.memory_space<semaphore_mem>>
      %dma_wait3A_421 = tpu.memref_squeeze %dma_wait3A_420 : memref<1x!tpu.dma_semaphore, #tpu.memory_space<semaphore_mem>> -> memref<!tpu.dma_semaphore, #tpu.memory_space<semaphore_mem>>
      tpu.wait_indirect_dma semaphore(%dma_wait3A_421 : memref<!tpu.dma_semaphore, #tpu.memory_space<semaphore_mem>>) src(%dma_wait3A_419 : memref<10000x16xf32, #tpu.memory_space<vmem_shared>>) dst(%dma_wait3A_414 : memref<80x16xf32, #tpu.memory_space<vmem>>)
      %add3A_422 = arith.constant 4 : i32
      %add3A_423 = arith.addi %mul3A_292, %add3A_422 : i32
      %dma_start3A_424 = arith.constant 4 : i32
      %dma_start3A_425 = arith.constant 4 : i32
      %dma_start3A_426 = arith.constant 0 : i32
      %dma_start3A_427 = arith.constant 0 : i32
      %dma_start3A_428 = tpu.memref_slice %arg9[%dma_start3A_424, %dma_start3A_426, %dma_start3A_427] : memref<5x80x16xf32, #tpu.memory_space<vmem>> -> memref<1x80x16xf32, #tpu.memory_space<vmem>>
      %dma_start3A_429 = tpu.memref_squeeze %dma_start3A_428 : memref<1x80x16xf32, #tpu.memory_space<vmem>> -> memref<80x16xf32, #tpu.memory_space<vmem>>
      %dma_start3A_430 = arith.constant 0 : i32
      %dma_start3A_431 = tpu.memref_slice %arg8[%add3A_423, %dma_start3A_430] : memref<125x80xi32, #tpu.memory_space<vmem>> -> memref<1x80xi32, #tpu.memory_space<vmem>>
      %dma_start3A_432 = tpu.memref_squeeze %dma_start3A_431 : memref<1x80xi32, #tpu.memory_space<vmem>> -> memref<80xi32, #tpu.memory_space<vmem>>
      %dma_start3A_433 = arith.constant 0 : i32
      %dma_start3A_434 = arith.constant 0 : i32
      %dma_start3A_435 = tpu.memref_slice %arg11[%dma_start3A_433, %dma_start3A_434] : memref<10000x16xf32, #tpu.memory_space<vmem_shared>> -> memref<10000x16xf32, #tpu.memory_space<vmem_shared>>
      %dma_start3A_436 = tpu.memref_slice %arg14[%dma_start3A_425] : memref<5x!tpu.dma_semaphore, #tpu.memory_space<semaphore_mem>> -> memref<1x!tpu.dma_semaphore, #tpu.memory_space<semaphore_mem>>
      %dma_start3A_437 = tpu.memref_squeeze %dma_start3A_436 : memref<1x!tpu.dma_semaphore, #tpu.memory_space<semaphore_mem>> -> memref<!tpu.dma_semaphore, #tpu.memory_space<semaphore_mem>>
      tpu.enqueue_indirect_dma source(%dma_start3A_429 : memref<80x16xf32, #tpu.memory_space<vmem>>) target(%dma_start3A_435 : memref<10000x16xf32, #tpu.memory_space<vmem_shared>>) offsets(%dma_start3A_432 : memref<80xi32, #tpu.memory_space<vmem>>) semaphore(%dma_start3A_437 : memref<!tpu.dma_semaphore, #tpu.memory_space<semaphore_mem>>) {add = true}
      %dma_wait3A_438 = arith.constant 0 : i32
      %dma_wait3A_439 = arith.constant 0 : i32
      %dma_wait3A_440 = arith.constant 0 : i32
      %dma_wait3A_441 = arith.constant 0 : i32
      %dma_wait3A_442 = tpu.memref_slice %arg9[%dma_wait3A_438, %dma_wait3A_440, %dma_wait3A_441] : memref<5x80x16xf32, #tpu.memory_space<vmem>> -> memref<1x80x16xf32, #tpu.memory_space<vmem>>
      %dma_wait3A_443 = tpu.memref_squeeze %dma_wait3A_442 : memref<1x80x16xf32, #tpu.memory_space<vmem>> -> memref<80x16xf32, #tpu.memory_space<vmem>>
      %dma_wait3A_444 = arith.constant 0 : i32
      %dma_wait3A_445 = tpu.memref_slice %arg8[%add3A_307, %dma_wait3A_444] : memref<125x80xi32, #tpu.memory_space<vmem>> -> memref<1x80xi32, #tpu.memory_space<vmem>>
      %dma_wait3A_446 = tpu.memref_squeeze %dma_wait3A_445 : memref<1x80xi32, #tpu.memory_space<vmem>> -> memref<80xi32, #tpu.memory_space<vmem>>
      %dma_wait3A_447 = arith.constant 0 : i32
      %dma_wait3A_448 = arith.constant 0 : i32
      %dma_wait3A_449 = tpu.memref_slice %arg11[%dma_wait3A_447, %dma_wait3A_448] : memref<10000x16xf32, #tpu.memory_space<vmem_shared>> -> memref<10000x16xf32, #tpu.memory_space<vmem_shared>>
      %dma_wait3A_450 = tpu.memref_slice %arg14[%dma_wait3A_439] : memref<5x!tpu.dma_semaphore, #tpu.memory_space<semaphore_mem>> -> memref<1x!tpu.dma_semaphore, #tpu.memory_space<semaphore_mem>>
      %dma_wait3A_451 = tpu.memref_squeeze %dma_wait3A_450 : memref<1x!tpu.dma_semaphore, #tpu.memory_space<semaphore_mem>> -> memref<!tpu.dma_semaphore, #tpu.memory_space<semaphore_mem>>
      tpu.wait_indirect_dma semaphore(%dma_wait3A_451 : memref<!tpu.dma_semaphore, #tpu.memory_space<semaphore_mem>>) src(%dma_wait3A_443 : memref<80x16xf32, #tpu.memory_space<vmem>>) dst(%dma_wait3A_449 : memref<10000x16xf32, #tpu.memory_space<vmem_shared>>)
      %add3A_452 = arith.constant 5 : i32
      %add3A_453 = arith.addi %mul3A_292, %add3A_452 : i32
      %add3A_454 = arith.constant 0 : i32
      %add3A_455 = arith.addi %add3A_453, %add3A_454 : i32
      %mul3A_456 = arith.constant 80 : i32
      %mul3A_457 = arith.muli %add3A_455, %mul3A_456 : i32
      %dma_start3A_458 = arith.constant 0 : i32
      %dma_start3A_459 = arith.constant 0 : i32
      %dma_start3A_460 = arith.constant 0 : i32
      %dma_start3A_461 = arith.constant 0 : i32
      %dma_start3A_462 = tpu.memref_slice %arg9[%dma_start3A_458, %dma_start3A_460, %dma_start3A_461] : memref<5x80x16xf32, #tpu.memory_space<vmem>> -> memref<1x80x16xf32, #tpu.memory_space<vmem>>
      %dma_start3A_463 = tpu.memref_squeeze %dma_start3A_462 : memref<1x80x16xf32, #tpu.memory_space<vmem>> -> memref<80x16xf32, #tpu.memory_space<vmem>>
      %dma_start3A_464 = tpu.memref_slice %arg7[%mul3A_457] : memref<10000xi32, #tpu.memory_space<vmem>> -> memref<80xi32, #tpu.memory_space<vmem>>
      %dma_start3A_465 = arith.constant 0 : i32
      %dma_start3A_466 = arith.constant 0 : i32
      %dma_start3A_467 = tpu.memref_slice %arg2[%dma_start3A_465, %dma_start3A_466] : memref<10000x16xf32, #tpu.memory_space<hbm>> -> memref<10000x16xf32, #tpu.memory_space<hbm>>
      %dma_start3A_468 = tpu.memref_slice %arg13[%dma_start3A_459] : memref<5x!tpu.dma_semaphore, #tpu.memory_space<semaphore_mem>> -> memref<1x!tpu.dma_semaphore, #tpu.memory_space<semaphore_mem>>
      %dma_start3A_469 = tpu.memref_squeeze %dma_start3A_468 : memref<1x!tpu.dma_semaphore, #tpu.memory_space<semaphore_mem>> -> memref<!tpu.dma_semaphore, #tpu.memory_space<semaphore_mem>>
      tpu.enqueue_indirect_dma source(%dma_start3A_467 : memref<10000x16xf32, #tpu.memory_space<hbm>>) target(%dma_start3A_463 : memref<80x16xf32, #tpu.memory_space<vmem>>) offsets(%dma_start3A_464 : memref<80xi32, #tpu.memory_space<vmem>>) semaphore(%dma_start3A_469 : memref<!tpu.dma_semaphore, #tpu.memory_space<semaphore_mem>>)
      %dma_wait3A_470 = arith.constant 1 : i32
      %dma_wait3A_471 = arith.constant 1 : i32
      %dma_wait3A_472 = arith.constant 0 : i32
      %dma_wait3A_473 = arith.constant 0 : i32
      %dma_wait3A_474 = tpu.memref_slice %arg9[%dma_wait3A_470, %dma_wait3A_472, %dma_wait3A_473] : memref<5x80x16xf32, #tpu.memory_space<vmem>> -> memref<1x80x16xf32, #tpu.memory_space<vmem>>
      %dma_wait3A_475 = tpu.memref_squeeze %dma_wait3A_474 : memref<1x80x16xf32, #tpu.memory_space<vmem>> -> memref<80x16xf32, #tpu.memory_space<vmem>>
      %dma_wait3A_476 = arith.constant 0 : i32
      %dma_wait3A_477 = tpu.memref_slice %arg8[%add3A_336, %dma_wait3A_476] : memref<125x80xi32, #tpu.memory_space<vmem>> -> memref<1x80xi32, #tpu.memory_space<vmem>>
      %dma_wait3A_478 = tpu.memref_squeeze %dma_wait3A_477 : memref<1x80xi32, #tpu.memory_space<vmem>> -> memref<80xi32, #tpu.memory_space<vmem>>
      %dma_wait3A_479 = arith.constant 0 : i32
      %dma_wait3A_480 = arith.constant 0 : i32
      %dma_wait3A_481 = tpu.memref_slice %arg11[%dma_wait3A_479, %dma_wait3A_480] : memref<10000x16xf32, #tpu.memory_space<vmem_shared>> -> memref<10000x16xf32, #tpu.memory_space<vmem_shared>>
      %dma_wait3A_482 = tpu.memref_slice %arg14[%dma_wait3A_471] : memref<5x!tpu.dma_semaphore, #tpu.memory_space<semaphore_mem>> -> memref<1x!tpu.dma_semaphore, #tpu.memory_space<semaphore_mem>>
      %dma_wait3A_483 = tpu.memref_squeeze %dma_wait3A_482 : memref<1x!tpu.dma_semaphore, #tpu.memory_space<semaphore_mem>> -> memref<!tpu.dma_semaphore, #tpu.memory_space<semaphore_mem>>
      tpu.wait_indirect_dma semaphore(%dma_wait3A_483 : memref<!tpu.dma_semaphore, #tpu.memory_space<semaphore_mem>>) src(%dma_wait3A_475 : memref<80x16xf32, #tpu.memory_space<vmem>>) dst(%dma_wait3A_481 : memref<10000x16xf32, #tpu.memory_space<vmem_shared>>)
      %add3A_484 = arith.constant 5 : i32
      %add3A_485 = arith.addi %mul3A_292, %add3A_484 : i32
      %add3A_486 = arith.constant 1 : i32
      %add3A_487 = arith.addi %add3A_485, %add3A_486 : i32
      %mul3A_488 = arith.constant 80 : i32
      %mul3A_489 = arith.muli %add3A_487, %mul3A_488 : i32
      %dma_start3A_490 = arith.constant 1 : i32
      %dma_start3A_491 = arith.constant 1 : i32
      %dma_start3A_492 = arith.constant 0 : i32
      %dma_start3A_493 = arith.constant 0 : i32
      %dma_start3A_494 = tpu.memref_slice %arg9[%dma_start3A_490, %dma_start3A_492, %dma_start3A_493] : memref<5x80x16xf32, #tpu.memory_space<vmem>> -> memref<1x80x16xf32, #tpu.memory_space<vmem>>
      %dma_start3A_495 = tpu.memref_squeeze %dma_start3A_494 : memref<1x80x16xf32, #tpu.memory_space<vmem>> -> memref<80x16xf32, #tpu.memory_space<vmem>>
      %dma_start3A_496 = tpu.memref_slice %arg7[%mul3A_489] : memref<10000xi32, #tpu.memory_space<vmem>> -> memref<80xi32, #tpu.memory_space<vmem>>
      %dma_start3A_497 = arith.constant 0 : i32
      %dma_start3A_498 = arith.constant 0 : i32
      %dma_start3A_499 = tpu.memref_slice %arg2[%dma_start3A_497, %dma_start3A_498] : memref<10000x16xf32, #tpu.memory_space<hbm>> -> memref<10000x16xf32, #tpu.memory_space<hbm>>
      %dma_start3A_500 = tpu.memref_slice %arg13[%dma_start3A_491] : memref<5x!tpu.dma_semaphore, #tpu.memory_space<semaphore_mem>> -> memref<1x!tpu.dma_semaphore, #tpu.memory_space<semaphore_mem>>
      %dma_start3A_501 = tpu.memref_squeeze %dma_start3A_500 : memref<1x!tpu.dma_semaphore, #tpu.memory_space<semaphore_mem>> -> memref<!tpu.dma_semaphore, #tpu.memory_space<semaphore_mem>>
      tpu.enqueue_indirect_dma source(%dma_start3A_499 : memref<10000x16xf32, #tpu.memory_space<hbm>>) target(%dma_start3A_495 : memref<80x16xf32, #tpu.memory_space<vmem>>) offsets(%dma_start3A_496 : memref<80xi32, #tpu.memory_space<vmem>>) semaphore(%dma_start3A_501 : memref<!tpu.dma_semaphore, #tpu.memory_space<semaphore_mem>>)
      %dma_wait3A_502 = arith.constant 2 : i32
      %dma_wait3A_503 = arith.constant 2 : i32
      %dma_wait3A_504 = arith.constant 0 : i32
      %dma_wait3A_505 = arith.constant 0 : i32
      %dma_wait3A_506 = tpu.memref_slice %arg9[%dma_wait3A_502, %dma_wait3A_504, %dma_wait3A_505] : memref<5x80x16xf32, #tpu.memory_space<vmem>> -> memref<1x80x16xf32, #tpu.memory_space<vmem>>
      %dma_wait3A_507 = tpu.memref_squeeze %dma_wait3A_506 : memref<1x80x16xf32, #tpu.memory_space<vmem>> -> memref<80x16xf32, #tpu.memory_space<vmem>>
      %dma_wait3A_508 = arith.constant 0 : i32
      %dma_wait3A_509 = tpu.memref_slice %arg8[%add3A_365, %dma_wait3A_508] : memref<125x80xi32, #tpu.memory_space<vmem>> -> memref<1x80xi32, #tpu.memory_space<vmem>>
      %dma_wait3A_510 = tpu.memref_squeeze %dma_wait3A_509 : memref<1x80xi32, #tpu.memory_space<vmem>> -> memref<80xi32, #tpu.memory_space<vmem>>
      %dma_wait3A_511 = arith.constant 0 : i32
      %dma_wait3A_512 = arith.constant 0 : i32
      %dma_wait3A_513 = tpu.memref_slice %arg11[%dma_wait3A_511, %dma_wait3A_512] : memref<10000x16xf32, #tpu.memory_space<vmem_shared>> -> memref<10000x16xf32, #tpu.memory_space<vmem_shared>>
      %dma_wait3A_514 = tpu.memref_slice %arg14[%dma_wait3A_503] : memref<5x!tpu.dma_semaphore, #tpu.memory_space<semaphore_mem>> -> memref<1x!tpu.dma_semaphore, #tpu.memory_space<semaphore_mem>>
      %dma_wait3A_515 = tpu.memref_squeeze %dma_wait3A_514 : memref<1x!tpu.dma_semaphore, #tpu.memory_space<semaphore_mem>> -> memref<!tpu.dma_semaphore, #tpu.memory_space<semaphore_mem>>
      tpu.wait_indirect_dma semaphore(%dma_wait3A_515 : memref<!tpu.dma_semaphore, #tpu.memory_space<semaphore_mem>>) src(%dma_wait3A_507 : memref<80x16xf32, #tpu.memory_space<vmem>>) dst(%dma_wait3A_513 : memref<10000x16xf32, #tpu.memory_space<vmem_shared>>)
      %add3A_516 = arith.constant 5 : i32
      %add3A_517 = arith.addi %mul3A_292, %add3A_516 : i32
      %add3A_518 = arith.constant 2 : i32
      %add3A_519 = arith.addi %add3A_517, %add3A_518 : i32
      %mul3A_520 = arith.constant 80 : i32
      %mul3A_521 = arith.muli %add3A_519, %mul3A_520 : i32
      %dma_start3A_522 = arith.constant 2 : i32
      %dma_start3A_523 = arith.constant 2 : i32
      %dma_start3A_524 = arith.constant 0 : i32
      %dma_start3A_525 = arith.constant 0 : i32
      %dma_start3A_526 = tpu.memref_slice %arg9[%dma_start3A_522, %dma_start3A_524, %dma_start3A_525] : memref<5x80x16xf32, #tpu.memory_space<vmem>> -> memref<1x80x16xf32, #tpu.memory_space<vmem>>
      %dma_start3A_527 = tpu.memref_squeeze %dma_start3A_526 : memref<1x80x16xf32, #tpu.memory_space<vmem>> -> memref<80x16xf32, #tpu.memory_space<vmem>>
      %dma_start3A_528 = tpu.memref_slice %arg7[%mul3A_521] : memref<10000xi32, #tpu.memory_space<vmem>> -> memref<80xi32, #tpu.memory_space<vmem>>
      %dma_start3A_529 = arith.constant 0 : i32
      %dma_start3A_530 = arith.constant 0 : i32
      %dma_start3A_531 = tpu.memref_slice %arg12[%dma_start3A_529, %dma_start3A_530] : memref<10000x16xf32, #tpu.memory_space<vmem_shared>> -> memref<10000x16xf32, #tpu.memory_space<vmem_shared>>
      %dma_start3A_532 = tpu.memref_slice %arg13[%dma_start3A_523] : memref<5x!tpu.dma_semaphore, #tpu.memory_space<semaphore_mem>> -> memref<1x!tpu.dma_semaphore, #tpu.memory_space<semaphore_mem>>
      %dma_start3A_533 = tpu.memref_squeeze %dma_start3A_532 : memref<1x!tpu.dma_semaphore, #tpu.memory_space<semaphore_mem>> -> memref<!tpu.dma_semaphore, #tpu.memory_space<semaphore_mem>>
      tpu.enqueue_indirect_dma source(%dma_start3A_531 : memref<10000x16xf32, #tpu.memory_space<vmem_shared>>) target(%dma_start3A_527 : memref<80x16xf32, #tpu.memory_space<vmem>>) offsets(%dma_start3A_528 : memref<80xi32, #tpu.memory_space<vmem>>) semaphore(%dma_start3A_533 : memref<!tpu.dma_semaphore, #tpu.memory_space<semaphore_mem>>)
      %dma_wait3A_534 = arith.constant 3 : i32
      %dma_wait3A_535 = arith.constant 3 : i32
      %dma_wait3A_536 = arith.constant 0 : i32
      %dma_wait3A_537 = arith.constant 0 : i32
      %dma_wait3A_538 = tpu.memref_slice %arg9[%dma_wait3A_534, %dma_wait3A_536, %dma_wait3A_537] : memref<5x80x16xf32, #tpu.memory_space<vmem>> -> memref<1x80x16xf32, #tpu.memory_space<vmem>>
      %dma_wait3A_539 = tpu.memref_squeeze %dma_wait3A_538 : memref<1x80x16xf32, #tpu.memory_space<vmem>> -> memref<80x16xf32, #tpu.memory_space<vmem>>
      %dma_wait3A_540 = arith.constant 0 : i32
      %dma_wait3A_541 = tpu.memref_slice %arg8[%add3A_394, %dma_wait3A_540] : memref<125x80xi32, #tpu.memory_space<vmem>> -> memref<1x80xi32, #tpu.memory_space<vmem>>
      %dma_wait3A_542 = tpu.memref_squeeze %dma_wait3A_541 : memref<1x80xi32, #tpu.memory_space<vmem>> -> memref<80xi32, #tpu.memory_space<vmem>>
      %dma_wait3A_543 = arith.constant 0 : i32
      %dma_wait3A_544 = arith.constant 0 : i32
      %dma_wait3A_545 = tpu.memref_slice %arg11[%dma_wait3A_543, %dma_wait3A_544] : memref<10000x16xf32, #tpu.memory_space<vmem_shared>> -> memref<10000x16xf32, #tpu.memory_space<vmem_shared>>
      %dma_wait3A_546 = tpu.memref_slice %arg14[%dma_wait3A_535] : memref<5x!tpu.dma_semaphore, #tpu.memory_space<semaphore_mem>> -> memref<1x!tpu.dma_semaphore, #tpu.memory_space<semaphore_mem>>
      %dma_wait3A_547 = tpu.memref_squeeze %dma_wait3A_546 : memref<1x!tpu.dma_semaphore, #tpu.memory_space<semaphore_mem>> -> memref<!tpu.dma_semaphore, #tpu.memory_space<semaphore_mem>>
      tpu.wait_indirect_dma semaphore(%dma_wait3A_547 : memref<!tpu.dma_semaphore, #tpu.memory_space<semaphore_mem>>) src(%dma_wait3A_539 : memref<80x16xf32, #tpu.memory_space<vmem>>) dst(%dma_wait3A_545 : memref<10000x16xf32, #tpu.memory_space<vmem_shared>>)
      %add3A_548 = arith.constant 5 : i32
      %add3A_549 = arith.addi %mul3A_292, %add3A_548 : i32
      %add3A_550 = arith.constant 3 : i32
      %add3A_551 = arith.addi %add3A_549, %add3A_550 : i32
      %mul3A_552 = arith.constant 80 : i32
      %mul3A_553 = arith.muli %add3A_551, %mul3A_552 : i32
      %dma_start3A_554 = arith.constant 3 : i32
      %dma_start3A_555 = arith.constant 3 : i32
      %dma_start3A_556 = arith.constant 0 : i32
      %dma_start3A_557 = arith.constant 0 : i32
      %dma_start3A_558 = tpu.memref_slice %arg9[%dma_start3A_554, %dma_start3A_556, %dma_start3A_557] : memref<5x80x16xf32, #tpu.memory_space<vmem>> -> memref<1x80x16xf32, #tpu.memory_space<vmem>>
      %dma_start3A_559 = tpu.memref_squeeze %dma_start3A_558 : memref<1x80x16xf32, #tpu.memory_space<vmem>> -> memref<80x16xf32, #tpu.memory_space<vmem>>
      %dma_start3A_560 = tpu.memref_slice %arg7[%mul3A_553] : memref<10000xi32, #tpu.memory_space<vmem>> -> memref<80xi32, #tpu.memory_space<vmem>>
      %dma_start3A_561 = arith.constant 0 : i32
      %dma_start3A_562 = arith.constant 0 : i32
      %dma_start3A_563 = tpu.memref_slice %arg12[%dma_start3A_561, %dma_start3A_562] : memref<10000x16xf32, #tpu.memory_space<vmem_shared>> -> memref<10000x16xf32, #tpu.memory_space<vmem_shared>>
      %dma_start3A_564 = tpu.memref_slice %arg13[%dma_start3A_555] : memref<5x!tpu.dma_semaphore, #tpu.memory_space<semaphore_mem>> -> memref<1x!tpu.dma_semaphore, #tpu.memory_space<semaphore_mem>>
      %dma_start3A_565 = tpu.memref_squeeze %dma_start3A_564 : memref<1x!tpu.dma_semaphore, #tpu.memory_space<semaphore_mem>> -> memref<!tpu.dma_semaphore, #tpu.memory_space<semaphore_mem>>
      tpu.enqueue_indirect_dma source(%dma_start3A_563 : memref<10000x16xf32, #tpu.memory_space<vmem_shared>>) target(%dma_start3A_559 : memref<80x16xf32, #tpu.memory_space<vmem>>) offsets(%dma_start3A_560 : memref<80xi32, #tpu.memory_space<vmem>>) semaphore(%dma_start3A_565 : memref<!tpu.dma_semaphore, #tpu.memory_space<semaphore_mem>>)
      %dma_wait3A_566 = arith.constant 4 : i32
      %dma_wait3A_567 = arith.constant 4 : i32
      %dma_wait3A_568 = arith.constant 0 : i32
      %dma_wait3A_569 = arith.constant 0 : i32
      %dma_wait3A_570 = tpu.memref_slice %arg9[%dma_wait3A_566, %dma_wait3A_568, %dma_wait3A_569] : memref<5x80x16xf32, #tpu.memory_space<vmem>> -> memref<1x80x16xf32, #tpu.memory_space<vmem>>
      %dma_wait3A_571 = tpu.memref_squeeze %dma_wait3A_570 : memref<1x80x16xf32, #tpu.memory_space<vmem>> -> memref<80x16xf32, #tpu.memory_space<vmem>>
      %dma_wait3A_572 = arith.constant 0 : i32
      %dma_wait3A_573 = tpu.memref_slice %arg8[%add3A_423, %dma_wait3A_572] : memref<125x80xi32, #tpu.memory_space<vmem>> -> memref<1x80xi32, #tpu.memory_space<vmem>>
      %dma_wait3A_574 = tpu.memref_squeeze %dma_wait3A_573 : memref<1x80xi32, #tpu.memory_space<vmem>> -> memref<80xi32, #tpu.memory_space<vmem>>
      %dma_wait3A_575 = arith.constant 0 : i32
      %dma_wait3A_576 = arith.constant 0 : i32
      %dma_wait3A_577 = tpu.memref_slice %arg11[%dma_wait3A_575, %dma_wait3A_576] : memref<10000x16xf32, #tpu.memory_space<vmem_shared>> -> memref<10000x16xf32, #tpu.memory_space<vmem_shared>>
      %dma_wait3A_578 = tpu.memref_slice %arg14[%dma_wait3A_567] : memref<5x!tpu.dma_semaphore, #tpu.memory_space<semaphore_mem>> -> memref<1x!tpu.dma_semaphore, #tpu.memory_space<semaphore_mem>>
      %dma_wait3A_579 = tpu.memref_squeeze %dma_wait3A_578 : memref<1x!tpu.dma_semaphore, #tpu.memory_space<semaphore_mem>> -> memref<!tpu.dma_semaphore, #tpu.memory_space<semaphore_mem>>
      tpu.wait_indirect_dma semaphore(%dma_wait3A_579 : memref<!tpu.dma_semaphore, #tpu.memory_space<semaphore_mem>>) src(%dma_wait3A_571 : memref<80x16xf32, #tpu.memory_space<vmem>>) dst(%dma_wait3A_577 : memref<10000x16xf32, #tpu.memory_space<vmem_shared>>)
      %add3A_580 = arith.constant 5 : i32
      %add3A_581 = arith.addi %mul3A_292, %add3A_580 : i32
      %add3A_582 = arith.constant 4 : i32
      %add3A_583 = arith.addi %add3A_581, %add3A_582 : i32
      %mul3A_584 = arith.constant 80 : i32
      %mul3A_585 = arith.muli %add3A_583, %mul3A_584 : i32
      %dma_start3A_586 = arith.constant 4 : i32
      %dma_start3A_587 = arith.constant 4 : i32
      %dma_start3A_588 = arith.constant 0 : i32
      %dma_start3A_589 = arith.constant 0 : i32
      %dma_start3A_590 = tpu.memref_slice %arg9[%dma_start3A_586, %dma_start3A_588, %dma_start3A_589] : memref<5x80x16xf32, #tpu.memory_space<vmem>> -> memref<1x80x16xf32, #tpu.memory_space<vmem>>
      %dma_start3A_591 = tpu.memref_squeeze %dma_start3A_590 : memref<1x80x16xf32, #tpu.memory_space<vmem>> -> memref<80x16xf32, #tpu.memory_space<vmem>>
      %dma_start3A_592 = tpu.memref_slice %arg7[%mul3A_585] : memref<10000xi32, #tpu.memory_space<vmem>> -> memref<80xi32, #tpu.memory_space<vmem>>
      %dma_start3A_593 = arith.constant 0 : i32
      %dma_start3A_594 = arith.constant 0 : i32
      %dma_start3A_595 = tpu.memref_slice %arg12[%dma_start3A_593, %dma_start3A_594] : memref<10000x16xf32, #tpu.memory_space<vmem_shared>> -> memref<10000x16xf32, #tpu.memory_space<vmem_shared>>
      %dma_start3A_596 = tpu.memref_slice %arg13[%dma_start3A_587] : memref<5x!tpu.dma_semaphore, #tpu.memory_space<semaphore_mem>> -> memref<1x!tpu.dma_semaphore, #tpu.memory_space<semaphore_mem>>
      %dma_start3A_597 = tpu.memref_squeeze %dma_start3A_596 : memref<1x!tpu.dma_semaphore, #tpu.memory_space<semaphore_mem>> -> memref<!tpu.dma_semaphore, #tpu.memory_space<semaphore_mem>>
      tpu.enqueue_indirect_dma source(%dma_start3A_595 : memref<10000x16xf32, #tpu.memory_space<vmem_shared>>) target(%dma_start3A_591 : memref<80x16xf32, #tpu.memory_space<vmem>>) offsets(%dma_start3A_592 : memref<80xi32, #tpu.memory_space<vmem>>) semaphore(%dma_start3A_597 : memref<!tpu.dma_semaphore, #tpu.memory_space<semaphore_mem>>)
    }
    %scan3A_70 = arith.constant 24 : i32
    %dma_wait3A = arith.constant 0 : i32
    %dma_wait3A_71 = arith.constant 0 : i32
    %dma_wait3A_72 = arith.constant 0 : i32
    %dma_wait3A_73 = arith.constant 0 : i32
    %dma_wait3A_74 = tpu.memref_slice %arg9[%dma_wait3A, %dma_wait3A_72, %dma_wait3A_73] : memref<5x80x16xf32, #tpu.memory_space<vmem>> -> memref<1x80x16xf32, #tpu.memory_space<vmem>>
    %dma_wait3A_75 = tpu.memref_squeeze %dma_wait3A_74 : memref<1x80x16xf32, #tpu.memory_space<vmem>> -> memref<80x16xf32, #tpu.memory_space<vmem>>
    %dma_wait3A_76 = arith.constant 0 : i32
    %dma_wait3A_77 = tpu.memref_slice %arg7[%dma_wait3A_76] : memref<10000xi32, #tpu.memory_space<vmem>> -> memref<80xi32, #tpu.memory_space<vmem>>
    %dma_wait3A_78 = arith.constant 0 : i32
    %dma_wait3A_79 = arith.constant 0 : i32
    %dma_wait3A_80 = tpu.memref_slice %arg2[%dma_wait3A_78, %dma_wait3A_79] : memref<10000x16xf32, #tpu.memory_space<hbm>> -> memref<10000x16xf32, #tpu.memory_space<hbm>>
    %dma_wait3A_81 = tpu.memref_slice %arg13[%dma_wait3A_71] : memref<5x!tpu.dma_semaphore, #tpu.memory_space<semaphore_mem>> -> memref<1x!tpu.dma_semaphore, #tpu.memory_space<semaphore_mem>>
    %dma_wait3A_82 = tpu.memref_squeeze %dma_wait3A_81 : memref<1x!tpu.dma_semaphore, #tpu.memory_space<semaphore_mem>> -> memref<!tpu.dma_semaphore, #tpu.memory_space<semaphore_mem>>
    tpu.wait_indirect_dma semaphore(%dma_wait3A_82 : memref<!tpu.dma_semaphore, #tpu.memory_space<semaphore_mem>>) src(%dma_wait3A_80 : memref<10000x16xf32, #tpu.memory_space<hbm>>) dst(%dma_wait3A_75 : memref<80x16xf32, #tpu.memory_space<vmem>>)
    %dma_start3A_83 = arith.constant 0 : i32
    %dma_start3A_84 = arith.constant 120 : i32
    %dma_start3A_85 = arith.constant 0 : i32
    %dma_start3A_86 = arith.constant 0 : i32
    %dma_start3A_87 = arith.constant 0 : i32
    %dma_start3A_88 = tpu.memref_slice %arg9[%dma_start3A_83, %dma_start3A_86, %dma_start3A_87] : memref<5x80x16xf32, #tpu.memory_space<vmem>> -> memref<1x80x16xf32, #tpu.memory_space<vmem>>
    %dma_start3A_89 = tpu.memref_squeeze %dma_start3A_88 : memref<1x80x16xf32, #tpu.memory_space<vmem>> -> memref<80x16xf32, #tpu.memory_space<vmem>>
    %dma_start3A_90 = arith.constant 0 : i32
    %dma_start3A_91 = tpu.memref_slice %arg8[%dma_start3A_84, %dma_start3A_90] : memref<125x80xi32, #tpu.memory_space<vmem>> -> memref<1x80xi32, #tpu.memory_space<vmem>>
    %dma_start3A_92 = tpu.memref_squeeze %dma_start3A_91 : memref<1x80xi32, #tpu.memory_space<vmem>> -> memref<80xi32, #tpu.memory_space<vmem>>
    %dma_start3A_93 = arith.constant 0 : i32
    %dma_start3A_94 = arith.constant 0 : i32
    %dma_start3A_95 = tpu.memref_slice %arg11[%dma_start3A_93, %dma_start3A_94] : memref<10000x16xf32, #tpu.memory_space<vmem_shared>> -> memref<10000x16xf32, #tpu.memory_space<vmem_shared>>
    %dma_start3A_96 = tpu.memref_slice %arg14[%dma_start3A_85] : memref<5x!tpu.dma_semaphore, #tpu.memory_space<semaphore_mem>> -> memref<1x!tpu.dma_semaphore, #tpu.memory_space<semaphore_mem>>
    %dma_start3A_97 = tpu.memref_squeeze %dma_start3A_96 : memref<1x!tpu.dma_semaphore, #tpu.memory_space<semaphore_mem>> -> memref<!tpu.dma_semaphore, #tpu.memory_space<semaphore_mem>>
    tpu.enqueue_indirect_dma source(%dma_start3A_89 : memref<80x16xf32, #tpu.memory_space<vmem>>) target(%dma_start3A_95 : memref<10000x16xf32, #tpu.memory_space<vmem_shared>>) offsets(%dma_start3A_92 : memref<80xi32, #tpu.memory_space<vmem>>) semaphore(%dma_start3A_97 : memref<!tpu.dma_semaphore, #tpu.memory_space<semaphore_mem>>) {add = true}
    %dma_wait3A_98 = arith.constant 1 : i32
    %dma_wait3A_99 = arith.constant 1 : i32
    %dma_wait3A_100 = arith.constant 0 : i32
    %dma_wait3A_101 = arith.constant 0 : i32
    %dma_wait3A_102 = tpu.memref_slice %arg9[%dma_wait3A_98, %dma_wait3A_100, %dma_wait3A_101] : memref<5x80x16xf32, #tpu.memory_space<vmem>> -> memref<1x80x16xf32, #tpu.memory_space<vmem>>
    %dma_wait3A_103 = tpu.memref_squeeze %dma_wait3A_102 : memref<1x80x16xf32, #tpu.memory_space<vmem>> -> memref<80x16xf32, #tpu.memory_space<vmem>>
    %dma_wait3A_104 = arith.constant 0 : i32
    %dma_wait3A_105 = tpu.memref_slice %arg7[%dma_wait3A_104] : memref<10000xi32, #tpu.memory_space<vmem>> -> memref<80xi32, #tpu.memory_space<vmem>>
    %dma_wait3A_106 = arith.constant 0 : i32
    %dma_wait3A_107 = arith.constant 0 : i32
    %dma_wait3A_108 = tpu.memref_slice %arg2[%dma_wait3A_106, %dma_wait3A_107] : memref<10000x16xf32, #tpu.memory_space<hbm>> -> memref<10000x16xf32, #tpu.memory_space<hbm>>
    %dma_wait3A_109 = tpu.memref_slice %arg13[%dma_wait3A_99] : memref<5x!tpu.dma_semaphore, #tpu.memory_space<semaphore_mem>> -> memref<1x!tpu.dma_semaphore, #tpu.memory_space<semaphore_mem>>
    %dma_wait3A_110 = tpu.memref_squeeze %dma_wait3A_109 : memref<1x!tpu.dma_semaphore, #tpu.memory_space<semaphore_mem>> -> memref<!tpu.dma_semaphore, #tpu.memory_space<semaphore_mem>>
    tpu.wait_indirect_dma semaphore(%dma_wait3A_110 : memref<!tpu.dma_semaphore, #tpu.memory_space<semaphore_mem>>) src(%dma_wait3A_108 : memref<10000x16xf32, #tpu.memory_space<hbm>>) dst(%dma_wait3A_103 : memref<80x16xf32, #tpu.memory_space<vmem>>)
    %dma_start3A_111 = arith.constant 1 : i32
    %dma_start3A_112 = arith.constant 121 : i32
    %dma_start3A_113 = arith.constant 1 : i32
    %dma_start3A_114 = arith.constant 0 : i32
    %dma_start3A_115 = arith.constant 0 : i32
    %dma_start3A_116 = tpu.memref_slice %arg9[%dma_start3A_111, %dma_start3A_114, %dma_start3A_115] : memref<5x80x16xf32, #tpu.memory_space<vmem>> -> memref<1x80x16xf32, #tpu.memory_space<vmem>>
    %dma_start3A_117 = tpu.memref_squeeze %dma_start3A_116 : memref<1x80x16xf32, #tpu.memory_space<vmem>> -> memref<80x16xf32, #tpu.memory_space<vmem>>
    %dma_start3A_118 = arith.constant 0 : i32
    %dma_start3A_119 = tpu.memref_slice %arg8[%dma_start3A_112, %dma_start3A_118] : memref<125x80xi32, #tpu.memory_space<vmem>> -> memref<1x80xi32, #tpu.memory_space<vmem>>
    %dma_start3A_120 = tpu.memref_squeeze %dma_start3A_119 : memref<1x80xi32, #tpu.memory_space<vmem>> -> memref<80xi32, #tpu.memory_space<vmem>>
    %dma_start3A_121 = arith.constant 0 : i32
    %dma_start3A_122 = arith.constant 0 : i32
    %dma_start3A_123 = tpu.memref_slice %arg11[%dma_start3A_121, %dma_start3A_122] : memref<10000x16xf32, #tpu.memory_space<vmem_shared>> -> memref<10000x16xf32, #tpu.memory_space<vmem_shared>>
    %dma_start3A_124 = tpu.memref_slice %arg14[%dma_start3A_113] : memref<5x!tpu.dma_semaphore, #tpu.memory_space<semaphore_mem>> -> memref<1x!tpu.dma_semaphore, #tpu.memory_space<semaphore_mem>>
    %dma_start3A_125 = tpu.memref_squeeze %dma_start3A_124 : memref<1x!tpu.dma_semaphore, #tpu.memory_space<semaphore_mem>> -> memref<!tpu.dma_semaphore, #tpu.memory_space<semaphore_mem>>
    tpu.enqueue_indirect_dma source(%dma_start3A_117 : memref<80x16xf32, #tpu.memory_space<vmem>>) target(%dma_start3A_123 : memref<10000x16xf32, #tpu.memory_space<vmem_shared>>) offsets(%dma_start3A_120 : memref<80xi32, #tpu.memory_space<vmem>>) semaphore(%dma_start3A_125 : memref<!tpu.dma_semaphore, #tpu.memory_space<semaphore_mem>>) {add = true}
    %dma_wait3A_126 = arith.constant 2 : i32
    %dma_wait3A_127 = arith.constant 2 : i32
    %dma_wait3A_128 = arith.constant 0 : i32
    %dma_wait3A_129 = arith.constant 0 : i32
    %dma_wait3A_130 = tpu.memref_slice %arg9[%dma_wait3A_126, %dma_wait3A_128, %dma_wait3A_129] : memref<5x80x16xf32, #tpu.memory_space<vmem>> -> memref<1x80x16xf32, #tpu.memory_space<vmem>>
    %dma_wait3A_131 = tpu.memref_squeeze %dma_wait3A_130 : memref<1x80x16xf32, #tpu.memory_space<vmem>> -> memref<80x16xf32, #tpu.memory_space<vmem>>
    %dma_wait3A_132 = arith.constant 0 : i32
    %dma_wait3A_133 = tpu.memref_slice %arg7[%dma_wait3A_132] : memref<10000xi32, #tpu.memory_space<vmem>> -> memref<80xi32, #tpu.memory_space<vmem>>
    %dma_wait3A_134 = arith.constant 0 : i32
    %dma_wait3A_135 = arith.constant 0 : i32
    %dma_wait3A_136 = tpu.memref_slice %arg12[%dma_wait3A_134, %dma_wait3A_135] : memref<10000x16xf32, #tpu.memory_space<vmem_shared>> -> memref<10000x16xf32, #tpu.memory_space<vmem_shared>>
    %dma_wait3A_137 = tpu.memref_slice %arg13[%dma_wait3A_127] : memref<5x!tpu.dma_semaphore, #tpu.memory_space<semaphore_mem>> -> memref<1x!tpu.dma_semaphore, #tpu.memory_space<semaphore_mem>>
    %dma_wait3A_138 = tpu.memref_squeeze %dma_wait3A_137 : memref<1x!tpu.dma_semaphore, #tpu.memory_space<semaphore_mem>> -> memref<!tpu.dma_semaphore, #tpu.memory_space<semaphore_mem>>
    tpu.wait_indirect_dma semaphore(%dma_wait3A_138 : memref<!tpu.dma_semaphore, #tpu.memory_space<semaphore_mem>>) src(%dma_wait3A_136 : memref<10000x16xf32, #tpu.memory_space<vmem_shared>>) dst(%dma_wait3A_131 : memref<80x16xf32, #tpu.memory_space<vmem>>)
    %dma_start3A_139 = arith.constant 2 : i32
    %dma_start3A_140 = arith.constant 122 : i32
    %dma_start3A_141 = arith.constant 2 : i32
    %dma_start3A_142 = arith.constant 0 : i32
    %dma_start3A_143 = arith.constant 0 : i32
    %dma_start3A_144 = tpu.memref_slice %arg9[%dma_start3A_139, %dma_start3A_142, %dma_start3A_143] : memref<5x80x16xf32, #tpu.memory_space<vmem>> -> memref<1x80x16xf32, #tpu.memory_space<vmem>>
    %dma_start3A_145 = tpu.memref_squeeze %dma_start3A_144 : memref<1x80x16xf32, #tpu.memory_space<vmem>> -> memref<80x16xf32, #tpu.memory_space<vmem>>
    %dma_start3A_146 = arith.constant 0 : i32
    %dma_start3A_147 = tpu.memref_slice %arg8[%dma_start3A_140, %dma_start3A_146] : memref<125x80xi32, #tpu.memory_space<vmem>> -> memref<1x80xi32, #tpu.memory_space<vmem>>
    %dma_start3A_148 = tpu.memref_squeeze %dma_start3A_147 : memref<1x80xi32, #tpu.memory_space<vmem>> -> memref<80xi32, #tpu.memory_space<vmem>>
    %dma_start3A_149 = arith.constant 0 : i32
    %dma_start3A_150 = arith.constant 0 : i32
    %dma_start3A_151 = tpu.memref_slice %arg11[%dma_start3A_149, %dma_start3A_150] : memref<10000x16xf32, #tpu.memory_space<vmem_shared>> -> memref<10000x16xf32, #tpu.memory_space<vmem_shared>>
    %dma_start3A_152 = tpu.memref_slice %arg14[%dma_start3A_141] : memref<5x!tpu.dma_semaphore, #tpu.memory_space<semaphore_mem>> -> memref<1x!tpu.dma_semaphore, #tpu.memory_space<semaphore_mem>>
    %dma_start3A_153 = tpu.memref_squeeze %dma_start3A_152 : memref<1x!tpu.dma_semaphore, #tpu.memory_space<semaphore_mem>> -> memref<!tpu.dma_semaphore, #tpu.memory_space<semaphore_mem>>
    tpu.enqueue_indirect_dma source(%dma_start3A_145 : memref<80x16xf32, #tpu.memory_space<vmem>>) target(%dma_start3A_151 : memref<10000x16xf32, #tpu.memory_space<vmem_shared>>) offsets(%dma_start3A_148 : memref<80xi32, #tpu.memory_space<vmem>>) semaphore(%dma_start3A_153 : memref<!tpu.dma_semaphore, #tpu.memory_space<semaphore_mem>>) {add = true}
    %dma_wait3A_154 = arith.constant 3 : i32
    %dma_wait3A_155 = arith.constant 3 : i32
    %dma_wait3A_156 = arith.constant 0 : i32
    %dma_wait3A_157 = arith.constant 0 : i32
    %dma_wait3A_158 = tpu.memref_slice %arg9[%dma_wait3A_154, %dma_wait3A_156, %dma_wait3A_157] : memref<5x80x16xf32, #tpu.memory_space<vmem>> -> memref<1x80x16xf32, #tpu.memory_space<vmem>>
    %dma_wait3A_159 = tpu.memref_squeeze %dma_wait3A_158 : memref<1x80x16xf32, #tpu.memory_space<vmem>> -> memref<80x16xf32, #tpu.memory_space<vmem>>
    %dma_wait3A_160 = arith.constant 0 : i32
    %dma_wait3A_161 = tpu.memref_slice %arg7[%dma_wait3A_160] : memref<10000xi32, #tpu.memory_space<vmem>> -> memref<80xi32, #tpu.memory_space<vmem>>
    %dma_wait3A_162 = arith.constant 0 : i32
    %dma_wait3A_163 = arith.constant 0 : i32
    %dma_wait3A_164 = tpu.memref_slice %arg12[%dma_wait3A_162, %dma_wait3A_163] : memref<10000x16xf32, #tpu.memory_space<vmem_shared>> -> memref<10000x16xf32, #tpu.memory_space<vmem_shared>>
    %dma_wait3A_165 = tpu.memref_slice %arg13[%dma_wait3A_155] : memref<5x!tpu.dma_semaphore, #tpu.memory_space<semaphore_mem>> -> memref<1x!tpu.dma_semaphore, #tpu.memory_space<semaphore_mem>>
    %dma_wait3A_166 = tpu.memref_squeeze %dma_wait3A_165 : memref<1x!tpu.dma_semaphore, #tpu.memory_space<semaphore_mem>> -> memref<!tpu.dma_semaphore, #tpu.memory_space<semaphore_mem>>
    tpu.wait_indirect_dma semaphore(%dma_wait3A_166 : memref<!tpu.dma_semaphore, #tpu.memory_space<semaphore_mem>>) src(%dma_wait3A_164 : memref<10000x16xf32, #tpu.memory_space<vmem_shared>>) dst(%dma_wait3A_159 : memref<80x16xf32, #tpu.memory_space<vmem>>)
    %dma_start3A_167 = arith.constant 3 : i32
    %dma_start3A_168 = arith.constant 123 : i32
    %dma_start3A_169 = arith.constant 3 : i32
    %dma_start3A_170 = arith.constant 0 : i32
    %dma_start3A_171 = arith.constant 0 : i32
    %dma_start3A_172 = tpu.memref_slice %arg9[%dma_start3A_167, %dma_start3A_170, %dma_start3A_171] : memref<5x80x16xf32, #tpu.memory_space<vmem>> -> memref<1x80x16xf32, #tpu.memory_space<vmem>>
    %dma_start3A_173 = tpu.memref_squeeze %dma_start3A_172 : memref<1x80x16xf32, #tpu.memory_space<vmem>> -> memref<80x16xf32, #tpu.memory_space<vmem>>
    %dma_start3A_174 = arith.constant 0 : i32
    %dma_start3A_175 = tpu.memref_slice %arg8[%dma_start3A_168, %dma_start3A_174] : memref<125x80xi32, #tpu.memory_space<vmem>> -> memref<1x80xi32, #tpu.memory_space<vmem>>
    %dma_start3A_176 = tpu.memref_squeeze %dma_start3A_175 : memref<1x80xi32, #tpu.memory_space<vmem>> -> memref<80xi32, #tpu.memory_space<vmem>>
    %dma_start3A_177 = arith.constant 0 : i32
    %dma_start3A_178 = arith.constant 0 : i32
    %dma_start3A_179 = tpu.memref_slice %arg11[%dma_start3A_177, %dma_start3A_178] : memref<10000x16xf32, #tpu.memory_space<vmem_shared>> -> memref<10000x16xf32, #tpu.memory_space<vmem_shared>>
    %dma_start3A_180 = tpu.memref_slice %arg14[%dma_start3A_169] : memref<5x!tpu.dma_semaphore, #tpu.memory_space<semaphore_mem>> -> memref<1x!tpu.dma_semaphore, #tpu.memory_space<semaphore_mem>>
    %dma_start3A_181 = tpu.memref_squeeze %dma_start3A_180 : memref<1x!tpu.dma_semaphore, #tpu.memory_space<semaphore_mem>> -> memref<!tpu.dma_semaphore, #tpu.memory_space<semaphore_mem>>
    tpu.enqueue_indirect_dma source(%dma_start3A_173 : memref<80x16xf32, #tpu.memory_space<vmem>>) target(%dma_start3A_179 : memref<10000x16xf32, #tpu.memory_space<vmem_shared>>) offsets(%dma_start3A_176 : memref<80xi32, #tpu.memory_space<vmem>>) semaphore(%dma_start3A_181 : memref<!tpu.dma_semaphore, #tpu.memory_space<semaphore_mem>>) {add = true}
    %dma_wait3A_182 = arith.constant 4 : i32
    %dma_wait3A_183 = arith.constant 4 : i32
    %dma_wait3A_184 = arith.constant 0 : i32
    %dma_wait3A_185 = arith.constant 0 : i32
    %dma_wait3A_186 = tpu.memref_slice %arg9[%dma_wait3A_182, %dma_wait3A_184, %dma_wait3A_185] : memref<5x80x16xf32, #tpu.memory_space<vmem>> -> memref<1x80x16xf32, #tpu.memory_space<vmem>>
    %dma_wait3A_187 = tpu.memref_squeeze %dma_wait3A_186 : memref<1x80x16xf32, #tpu.memory_space<vmem>> -> memref<80x16xf32, #tpu.memory_space<vmem>>
    %dma_wait3A_188 = arith.constant 0 : i32
    %dma_wait3A_189 = tpu.memref_slice %arg7[%dma_wait3A_188] : memref<10000xi32, #tpu.memory_space<vmem>> -> memref<80xi32, #tpu.memory_space<vmem>>
    %dma_wait3A_190 = arith.constant 0 : i32
    %dma_wait3A_191 = arith.constant 0 : i32
    %dma_wait3A_192 = tpu.memref_slice %arg12[%dma_wait3A_190, %dma_wait3A_191] : memref<10000x16xf32, #tpu.memory_space<vmem_shared>> -> memref<10000x16xf32, #tpu.memory_space<vmem_shared>>
    %dma_wait3A_193 = tpu.memref_slice %arg13[%dma_wait3A_183] : memref<5x!tpu.dma_semaphore, #tpu.memory_space<semaphore_mem>> -> memref<1x!tpu.dma_semaphore, #tpu.memory_space<semaphore_mem>>
    %dma_wait3A_194 = tpu.memref_squeeze %dma_wait3A_193 : memref<1x!tpu.dma_semaphore, #tpu.memory_space<semaphore_mem>> -> memref<!tpu.dma_semaphore, #tpu.memory_space<semaphore_mem>>
    tpu.wait_indirect_dma semaphore(%dma_wait3A_194 : memref<!tpu.dma_semaphore, #tpu.memory_space<semaphore_mem>>) src(%dma_wait3A_192 : memref<10000x16xf32, #tpu.memory_space<vmem_shared>>) dst(%dma_wait3A_187 : memref<80x16xf32, #tpu.memory_space<vmem>>)
    %dma_start3A_195 = arith.constant 4 : i32
    %dma_start3A_196 = arith.constant 124 : i32
    %dma_start3A_197 = arith.constant 4 : i32
    %dma_start3A_198 = arith.constant 0 : i32
    %dma_start3A_199 = arith.constant 0 : i32
    %dma_start3A_200 = tpu.memref_slice %arg9[%dma_start3A_195, %dma_start3A_198, %dma_start3A_199] : memref<5x80x16xf32, #tpu.memory_space<vmem>> -> memref<1x80x16xf32, #tpu.memory_space<vmem>>
    %dma_start3A_201 = tpu.memref_squeeze %dma_start3A_200 : memref<1x80x16xf32, #tpu.memory_space<vmem>> -> memref<80x16xf32, #tpu.memory_space<vmem>>
    %dma_start3A_202 = arith.constant 0 : i32
    %dma_start3A_203 = tpu.memref_slice %arg8[%dma_start3A_196, %dma_start3A_202] : memref<125x80xi32, #tpu.memory_space<vmem>> -> memref<1x80xi32, #tpu.memory_space<vmem>>
    %dma_start3A_204 = tpu.memref_squeeze %dma_start3A_203 : memref<1x80xi32, #tpu.memory_space<vmem>> -> memref<80xi32, #tpu.memory_space<vmem>>
    %dma_start3A_205 = arith.constant 0 : i32
    %dma_start3A_206 = arith.constant 0 : i32
    %dma_start3A_207 = tpu.memref_slice %arg11[%dma_start3A_205, %dma_start3A_206] : memref<10000x16xf32, #tpu.memory_space<vmem_shared>> -> memref<10000x16xf32, #tpu.memory_space<vmem_shared>>
    %dma_start3A_208 = tpu.memref_slice %arg14[%dma_start3A_197] : memref<5x!tpu.dma_semaphore, #tpu.memory_space<semaphore_mem>> -> memref<1x!tpu.dma_semaphore, #tpu.memory_space<semaphore_mem>>
    %dma_start3A_209 = tpu.memref_squeeze %dma_start3A_208 : memref<1x!tpu.dma_semaphore, #tpu.memory_space<semaphore_mem>> -> memref<!tpu.dma_semaphore, #tpu.memory_space<semaphore_mem>>
    tpu.enqueue_indirect_dma source(%dma_start3A_201 : memref<80x16xf32, #tpu.memory_space<vmem>>) target(%dma_start3A_207 : memref<10000x16xf32, #tpu.memory_space<vmem_shared>>) offsets(%dma_start3A_204 : memref<80xi32, #tpu.memory_space<vmem>>) semaphore(%dma_start3A_209 : memref<!tpu.dma_semaphore, #tpu.memory_space<semaphore_mem>>) {add = true}
    %dma_wait3A_210 = arith.constant 0 : i32
    %dma_wait3A_211 = arith.constant 120 : i32
    %dma_wait3A_212 = arith.constant 0 : i32
    %dma_wait3A_213 = arith.constant 0 : i32
    %dma_wait3A_214 = arith.constant 0 : i32
    %dma_wait3A_215 = tpu.memref_slice %arg9[%dma_wait3A_210, %dma_wait3A_213, %dma_wait3A_214] : memref<5x80x16xf32, #tpu.memory_space<vmem>> -> memref<1x80x16xf32, #tpu.memory_space<vmem>>
    %dma_wait3A_216 = tpu.memref_squeeze %dma_wait3A_215 : memref<1x80x16xf32, #tpu.memory_space<vmem>> -> memref<80x16xf32, #tpu.memory_space<vmem>>
    %dma_wait3A_217 = arith.constant 0 : i32
    %dma_wait3A_218 = tpu.memref_slice %arg8[%dma_wait3A_211, %dma_wait3A_217] : memref<125x80xi32, #tpu.memory_space<vmem>> -> memref<1x80xi32, #tpu.memory_space<vmem>>
    %dma_wait3A_219 = tpu.memref_squeeze %dma_wait3A_218 : memref<1x80xi32, #tpu.memory_space<vmem>> -> memref<80xi32, #tpu.memory_space<vmem>>
    %dma_wait3A_220 = arith.constant 0 : i32
    %dma_wait3A_221 = arith.constant 0 : i32
    %dma_wait3A_222 = tpu.memref_slice %arg11[%dma_wait3A_220, %dma_wait3A_221] : memref<10000x16xf32, #tpu.memory_space<vmem_shared>> -> memref<10000x16xf32, #tpu.memory_space<vmem_shared>>
    %dma_wait3A_223 = tpu.memref_slice %arg14[%dma_wait3A_212] : memref<5x!tpu.dma_semaphore, #tpu.memory_space<semaphore_mem>> -> memref<1x!tpu.dma_semaphore, #tpu.memory_space<semaphore_mem>>
    %dma_wait3A_224 = tpu.memref_squeeze %dma_wait3A_223 : memref<1x!tpu.dma_semaphore, #tpu.memory_space<semaphore_mem>> -> memref<!tpu.dma_semaphore, #tpu.memory_space<semaphore_mem>>
    tpu.wait_indirect_dma semaphore(%dma_wait3A_224 : memref<!tpu.dma_semaphore, #tpu.memory_space<semaphore_mem>>) src(%dma_wait3A_216 : memref<80x16xf32, #tpu.memory_space<vmem>>) dst(%dma_wait3A_222 : memref<10000x16xf32, #tpu.memory_space<vmem_shared>>)
    %dma_wait3A_225 = arith.constant 1 : i32
    %dma_wait3A_226 = arith.constant 121 : i32
    %dma_wait3A_227 = arith.constant 1 : i32
    %dma_wait3A_228 = arith.constant 0 : i32
    %dma_wait3A_229 = arith.constant 0 : i32
    %dma_wait3A_230 = tpu.memref_slice %arg9[%dma_wait3A_225, %dma_wait3A_228, %dma_wait3A_229] : memref<5x80x16xf32, #tpu.memory_space<vmem>> -> memref<1x80x16xf32, #tpu.memory_space<vmem>>
    %dma_wait3A_231 = tpu.memref_squeeze %dma_wait3A_230 : memref<1x80x16xf32, #tpu.memory_space<vmem>> -> memref<80x16xf32, #tpu.memory_space<vmem>>
    %dma_wait3A_232 = arith.constant 0 : i32
    %dma_wait3A_233 = tpu.memref_slice %arg8[%dma_wait3A_226, %dma_wait3A_232] : memref<125x80xi32, #tpu.memory_space<vmem>> -> memref<1x80xi32, #tpu.memory_space<vmem>>
    %dma_wait3A_234 = tpu.memref_squeeze %dma_wait3A_233 : memref<1x80xi32, #tpu.memory_space<vmem>> -> memref<80xi32, #tpu.memory_space<vmem>>
    %dma_wait3A_235 = arith.constant 0 : i32
    %dma_wait3A_236 = arith.constant 0 : i32
    %dma_wait3A_237 = tpu.memref_slice %arg11[%dma_wait3A_235, %dma_wait3A_236] : memref<10000x16xf32, #tpu.memory_space<vmem_shared>> -> memref<10000x16xf32, #tpu.memory_space<vmem_shared>>
    %dma_wait3A_238 = tpu.memref_slice %arg14[%dma_wait3A_227] : memref<5x!tpu.dma_semaphore, #tpu.memory_space<semaphore_mem>> -> memref<1x!tpu.dma_semaphore, #tpu.memory_space<semaphore_mem>>
    %dma_wait3A_239 = tpu.memref_squeeze %dma_wait3A_238 : memref<1x!tpu.dma_semaphore, #tpu.memory_space<semaphore_mem>> -> memref<!tpu.dma_semaphore, #tpu.memory_space<semaphore_mem>>
    tpu.wait_indirect_dma semaphore(%dma_wait3A_239 : memref<!tpu.dma_semaphore, #tpu.memory_space<semaphore_mem>>) src(%dma_wait3A_231 : memref<80x16xf32, #tpu.memory_space<vmem>>) dst(%dma_wait3A_237 : memref<10000x16xf32, #tpu.memory_space<vmem_shared>>)
    %dma_wait3A_240 = arith.constant 2 : i32
    %dma_wait3A_241 = arith.constant 122 : i32
    %dma_wait3A_242 = arith.constant 2 : i32
    %dma_wait3A_243 = arith.constant 0 : i32
    %dma_wait3A_244 = arith.constant 0 : i32
    %dma_wait3A_245 = tpu.memref_slice %arg9[%dma_wait3A_240, %dma_wait3A_243, %dma_wait3A_244] : memref<5x80x16xf32, #tpu.memory_space<vmem>> -> memref<1x80x16xf32, #tpu.memory_space<vmem>>
    %dma_wait3A_246 = tpu.memref_squeeze %dma_wait3A_245 : memref<1x80x16xf32, #tpu.memory_space<vmem>> -> memref<80x16xf32, #tpu.memory_space<vmem>>
    %dma_wait3A_247 = arith.constant 0 : i32
    %dma_wait3A_248 = tpu.memref_slice %arg8[%dma_wait3A_241, %dma_wait3A_247] : memref<125x80xi32, #tpu.memory_space<vmem>> -> memref<1x80xi32, #tpu.memory_space<vmem>>
    %dma_wait3A_249 = tpu.memref_squeeze %dma_wait3A_248 : memref<1x80xi32, #tpu.memory_space<vmem>> -> memref<80xi32, #tpu.memory_space<vmem>>
    %dma_wait3A_250 = arith.constant 0 : i32
    %dma_wait3A_251 = arith.constant 0 : i32
    %dma_wait3A_252 = tpu.memref_slice %arg11[%dma_wait3A_250, %dma_wait3A_251] : memref<10000x16xf32, #tpu.memory_space<vmem_shared>> -> memref<10000x16xf32, #tpu.memory_space<vmem_shared>>
    %dma_wait3A_253 = tpu.memref_slice %arg14[%dma_wait3A_242] : memref<5x!tpu.dma_semaphore, #tpu.memory_space<semaphore_mem>> -> memref<1x!tpu.dma_semaphore, #tpu.memory_space<semaphore_mem>>
    %dma_wait3A_254 = tpu.memref_squeeze %dma_wait3A_253 : memref<1x!tpu.dma_semaphore, #tpu.memory_space<semaphore_mem>> -> memref<!tpu.dma_semaphore, #tpu.memory_space<semaphore_mem>>
    tpu.wait_indirect_dma semaphore(%dma_wait3A_254 : memref<!tpu.dma_semaphore, #tpu.memory_space<semaphore_mem>>) src(%dma_wait3A_246 : memref<80x16xf32, #tpu.memory_space<vmem>>) dst(%dma_wait3A_252 : memref<10000x16xf32, #tpu.memory_space<vmem_shared>>)
    %dma_wait3A_255 = arith.constant 3 : i32
    %dma_wait3A_256 = arith.constant 123 : i32
    %dma_wait3A_257 = arith.constant 3 : i32
    %dma_wait3A_258 = arith.constant 0 : i32
    %dma_wait3A_259 = arith.constant 0 : i32
    %dma_wait3A_260 = tpu.memref_slice %arg9[%dma_wait3A_255, %dma_wait3A_258, %dma_wait3A_259] : memref<5x80x16xf32, #tpu.memory_space<vmem>> -> memref<1x80x16xf32, #tpu.memory_space<vmem>>
    %dma_wait3A_261 = tpu.memref_squeeze %dma_wait3A_260 : memref<1x80x16xf32, #tpu.memory_space<vmem>> -> memref<80x16xf32, #tpu.memory_space<vmem>>
    %dma_wait3A_262 = arith.constant 0 : i32
    %dma_wait3A_263 = tpu.memref_slice %arg8[%dma_wait3A_256, %dma_wait3A_262] : memref<125x80xi32, #tpu.memory_space<vmem>> -> memref<1x80xi32, #tpu.memory_space<vmem>>
    %dma_wait3A_264 = tpu.memref_squeeze %dma_wait3A_263 : memref<1x80xi32, #tpu.memory_space<vmem>> -> memref<80xi32, #tpu.memory_space<vmem>>
    %dma_wait3A_265 = arith.constant 0 : i32
    %dma_wait3A_266 = arith.constant 0 : i32
    %dma_wait3A_267 = tpu.memref_slice %arg11[%dma_wait3A_265, %dma_wait3A_266] : memref<10000x16xf32, #tpu.memory_space<vmem_shared>> -> memref<10000x16xf32, #tpu.memory_space<vmem_shared>>
    %dma_wait3A_268 = tpu.memref_slice %arg14[%dma_wait3A_257] : memref<5x!tpu.dma_semaphore, #tpu.memory_space<semaphore_mem>> -> memref<1x!tpu.dma_semaphore, #tpu.memory_space<semaphore_mem>>
    %dma_wait3A_269 = tpu.memref_squeeze %dma_wait3A_268 : memref<1x!tpu.dma_semaphore, #tpu.memory_space<semaphore_mem>> -> memref<!tpu.dma_semaphore, #tpu.memory_space<semaphore_mem>>
    tpu.wait_indirect_dma semaphore(%dma_wait3A_269 : memref<!tpu.dma_semaphore, #tpu.memory_space<semaphore_mem>>) src(%dma_wait3A_261 : memref<80x16xf32, #tpu.memory_space<vmem>>) dst(%dma_wait3A_267 : memref<10000x16xf32, #tpu.memory_space<vmem_shared>>)
    %dma_wait3A_270 = arith.constant 4 : i32
    %dma_wait3A_271 = arith.constant 124 : i32
    %dma_wait3A_272 = arith.constant 4 : i32
    %dma_wait3A_273 = arith.constant 0 : i32
    %dma_wait3A_274 = arith.constant 0 : i32
    %dma_wait3A_275 = tpu.memref_slice %arg9[%dma_wait3A_270, %dma_wait3A_273, %dma_wait3A_274] : memref<5x80x16xf32, #tpu.memory_space<vmem>> -> memref<1x80x16xf32, #tpu.memory_space<vmem>>
    %dma_wait3A_276 = tpu.memref_squeeze %dma_wait3A_275 : memref<1x80x16xf32, #tpu.memory_space<vmem>> -> memref<80x16xf32, #tpu.memory_space<vmem>>
    %dma_wait3A_277 = arith.constant 0 : i32
    %dma_wait3A_278 = tpu.memref_slice %arg8[%dma_wait3A_271, %dma_wait3A_277] : memref<125x80xi32, #tpu.memory_space<vmem>> -> memref<1x80xi32, #tpu.memory_space<vmem>>
    %dma_wait3A_279 = tpu.memref_squeeze %dma_wait3A_278 : memref<1x80xi32, #tpu.memory_space<vmem>> -> memref<80xi32, #tpu.memory_space<vmem>>
    %dma_wait3A_280 = arith.constant 0 : i32
    %dma_wait3A_281 = arith.constant 0 : i32
    %dma_wait3A_282 = tpu.memref_slice %arg11[%dma_wait3A_280, %dma_wait3A_281] : memref<10000x16xf32, #tpu.memory_space<vmem_shared>> -> memref<10000x16xf32, #tpu.memory_space<vmem_shared>>
    %dma_wait3A_283 = tpu.memref_slice %arg14[%dma_wait3A_272] : memref<5x!tpu.dma_semaphore, #tpu.memory_space<semaphore_mem>> -> memref<1x!tpu.dma_semaphore, #tpu.memory_space<semaphore_mem>>
    %dma_wait3A_284 = tpu.memref_squeeze %dma_wait3A_283 : memref<1x!tpu.dma_semaphore, #tpu.memory_space<semaphore_mem>> -> memref<!tpu.dma_semaphore, #tpu.memory_space<semaphore_mem>>
    tpu.wait_indirect_dma semaphore(%dma_wait3A_284 : memref<!tpu.dma_semaphore, #tpu.memory_space<semaphore_mem>>) src(%dma_wait3A_276 : memref<80x16xf32, #tpu.memory_space<vmem>>) dst(%dma_wait3A_282 : memref<10000x16xf32, #tpu.memory_space<vmem_shared>>)
    %barrier3A_285 = arith.constant 0 : index
    tpu.barrier barrier_id(%barrier3A_285)
    "tpu.region"() ({
      %run_scoped3A = tpu.sem_alloc : memref<!tpu.dma_semaphore, #tpu.memory_space<semaphore_mem>>
      %dma_start3A_286 = arith.constant 0 : i32
      %dma_start3A_287 = tpu.memref_slice %arg11[%mul3A_2, %dma_start3A_286] : memref<10000x16xf32, #tpu.memory_space<vmem_shared>> -> memref<625x16xf32, #tpu.memory_space<vmem_shared>>
      %dma_start3A_288 = arith.constant 0 : i32
      %dma_start3A_289 = tpu.memref_slice %arg11[%mul3A_2, %dma_start3A_288] : memref<10000x16xf32, #tpu.memory_space<vmem_shared>> -> memref<625x16xf32, #tpu.memory_space<vmem_shared>>
      tpu.enqueue_dma source(%dma_start3A_289 : memref<625x16xf32, #tpu.memory_space<vmem_shared>>) target(%arg10 : memref<625x16xf32, #tpu.memory_space<vmem>>) target_semaphore(%run_scoped3A : memref<!tpu.dma_semaphore, #tpu.memory_space<semaphore_mem>>)
      %dma_wait3A_290 = arith.constant 0 : i32
      %dma_wait3A_291 = tpu.memref_slice %arg11[%mul3A_2, %dma_wait3A_290] : memref<10000x16xf32, #tpu.memory_space<vmem_shared>> -> memref<625x16xf32, #tpu.memory_space<vmem_shared>>
      %dma_wait3A_292 = arith.constant 0 : i32
      %dma_wait3A_293 = tpu.memref_slice %arg11[%mul3A_2, %dma_wait3A_292] : memref<10000x16xf32, #tpu.memory_space<vmem_shared>> -> memref<625x16xf32, #tpu.memory_space<vmem_shared>>
      tpu.wait_dma2 semaphore(%run_scoped3A : memref<!tpu.dma_semaphore, #tpu.memory_space<semaphore_mem>>) src(%dma_wait3A_293 : memref<625x16xf32, #tpu.memory_space<vmem_shared>>) dst(%arg10 : memref<625x16xf32, #tpu.memory_space<vmem>>)
      tpu.yield
    }) : () -> ()
    "tpu.region"() ({
      %run_scoped3A = tpu.sem_alloc : memref<!tpu.dma_semaphore, #tpu.memory_space<semaphore_mem>>
      %dma_start3A_286 = arith.constant 0 : i32
      %dma_start3A_287 = arith.constant 0 : i32
      %dma_start3A_288 = tpu.memref_slice %arg6[%arg0, %arg1, %dma_start3A_286, %dma_start3A_287] : memref<2x16x625x16xf32, #tpu.memory_space<hbm>> -> memref<1x1x625x16xf32, #tpu.memory_space<hbm>>
      %dma_start3A_289 = tpu.memref_squeeze %dma_start3A_288 : memref<1x1x625x16xf32, #tpu.memory_space<hbm>> -> memref<625x16xf32, #tpu.memory_space<hbm>>
      %dma_start3A_290 = arith.constant 0 : i32
      %dma_start3A_291 = arith.constant 0 : i32
      %dma_start3A_292 = tpu.memref_slice %arg6[%arg0, %arg1, %dma_start3A_290, %dma_start3A_291] : memref<2x16x625x16xf32, #tpu.memory_space<hbm>> -> memref<1x1x625x16xf32, #tpu.memory_space<hbm>>
      %dma_start3A_293 = tpu.memref_squeeze %dma_start3A_292 : memref<1x1x625x16xf32, #tpu.memory_space<hbm>> -> memref<625x16xf32, #tpu.memory_space<hbm>>
      tpu.enqueue_dma source(%arg10 : memref<625x16xf32, #tpu.memory_space<vmem>>) target(%dma_start3A_293 : memref<625x16xf32, #tpu.memory_space<hbm>>) target_semaphore(%run_scoped3A : memref<!tpu.dma_semaphore, #tpu.memory_space<semaphore_mem>>)
      %dma_wait3A_294 = arith.constant 0 : i32
      %dma_wait3A_295 = arith.constant 0 : i32
      %dma_wait3A_296 = tpu.memref_slice %arg6[%arg0, %arg1, %dma_wait3A_294, %dma_wait3A_295] : memref<2x16x625x16xf32, #tpu.memory_space<hbm>> -> memref<1x1x625x16xf32, #tpu.memory_space<hbm>>
      %dma_wait3A_297 = tpu.memref_squeeze %dma_wait3A_296 : memref<1x1x625x16xf32, #tpu.memory_space<hbm>> -> memref<625x16xf32, #tpu.memory_space<hbm>>
      %dma_wait3A_298 = arith.constant 0 : i32
      %dma_wait3A_299 = arith.constant 0 : i32
      %dma_wait3A_300 = tpu.memref_slice %arg6[%arg0, %arg1, %dma_wait3A_298, %dma_wait3A_299] : memref<2x16x625x16xf32, #tpu.memory_space<hbm>> -> memref<1x1x625x16xf32, #tpu.memory_space<hbm>>
      %dma_wait3A_301 = tpu.memref_squeeze %dma_wait3A_300 : memref<1x1x625x16xf32, #tpu.memory_space<hbm>> -> memref<625x16xf32, #tpu.memory_space<hbm>>
      tpu.wait_dma2 semaphore(%run_scoped3A : memref<!tpu.dma_semaphore, #tpu.memory_space<semaphore_mem>>) src(%arg10 : memref<625x16xf32, #tpu.memory_space<vmem>>) dst(%dma_wait3A_301 : memref<625x16xf32, #tpu.memory_space<hbm>>)
      tpu.yield
    }) : () -> ()
    return
  }
}

#map = affine_map<(d0, d1) -> (0, 0, 0)>
#map1 = affine_map<(d0, d1) -> (0, 0)>
#map2 = affine_map<(d0, d1) -> (0, 0, 0, 0)>
module attributes {stable_mosaic.version = 14 : i64} {
  func.func @_sc_degree(%arg0: i32, %arg1: i32, %arg2: memref<32x125x80xi32, #tpu.memory_space<hbm>>, %arg3: memref<80x16xf32, #tpu.memory_space<hbm>>, %arg4: memref<16x625x16xf32, #tpu.memory_space<hbm>>, %arg5: memref<2x16x625x16xf32, #tpu.memory_space<hbm>>, %arg6: memref<125x80xi32, #tpu.memory_space<vmem>>, %arg7: memref<80x16xf32, #tpu.memory_space<vmem>>, %arg8: memref<625x16xf32, #tpu.memory_space<vmem>>, %arg9: memref<10000x16xf32, #tpu.memory_space<vmem_shared>>, %arg10: memref<5x!tpu.dma_semaphore, #tpu.memory_space<semaphore_mem>>) attributes {dimension_semantics = [#tpu.dimension_semantics<core_parallel>, #tpu.dimension_semantics<subcore_parallel>], iteration_bounds = array<i64: 2, 16>, scalar_prefetch = 0 : i64, scratch_operands = 5 : i64, tpu.core_type = #tpu.core_type<sc_vector_subcore>, window_params = [{transform_indices = #map}, {transform_indices = #map1}, {transform_indices = #map}, {transform_indices = #map2}]} {
    %mul3A = arith.constant 2 : i32
    %mul3A_0 = arith.muli %arg1, %mul3A : i32
    %add3A = arith.addi %mul3A_0, %arg0 : i32
    %mul3A_1 = arith.constant 625 : i32
    %mul3A_2 = arith.muli %arg1, %mul3A_1 : i32
    "tpu.region"() ({
      %run_scoped3A = tpu.sem_alloc : memref<!tpu.dma_semaphore, #tpu.memory_space<semaphore_mem>>
      %dma_start3A = arith.constant 0 : i32
      %dma_start3A_8 = arith.constant 0 : i32
      %dma_start3A_9 = tpu.memref_slice %arg4[%arg1, %dma_start3A, %dma_start3A_8] : memref<16x625x16xf32, #tpu.memory_space<hbm>> -> memref<1x625x16xf32, #tpu.memory_space<hbm>>
      %dma_start3A_10 = tpu.memref_squeeze %dma_start3A_9 : memref<1x625x16xf32, #tpu.memory_space<hbm>> -> memref<625x16xf32, #tpu.memory_space<hbm>>
      %dma_start3A_11 = arith.constant 0 : i32
      %dma_start3A_12 = arith.constant 0 : i32
      %dma_start3A_13 = tpu.memref_slice %arg4[%arg1, %dma_start3A_11, %dma_start3A_12] : memref<16x625x16xf32, #tpu.memory_space<hbm>> -> memref<1x625x16xf32, #tpu.memory_space<hbm>>
      %dma_start3A_14 = tpu.memref_squeeze %dma_start3A_13 : memref<1x625x16xf32, #tpu.memory_space<hbm>> -> memref<625x16xf32, #tpu.memory_space<hbm>>
      tpu.enqueue_dma source(%dma_start3A_14 : memref<625x16xf32, #tpu.memory_space<hbm>>) target(%arg8 : memref<625x16xf32, #tpu.memory_space<vmem>>) target_semaphore(%run_scoped3A : memref<!tpu.dma_semaphore, #tpu.memory_space<semaphore_mem>>)
      %dma_wait3A = arith.constant 0 : i32
      %dma_wait3A_15 = arith.constant 0 : i32
      %dma_wait3A_16 = tpu.memref_slice %arg4[%arg1, %dma_wait3A, %dma_wait3A_15] : memref<16x625x16xf32, #tpu.memory_space<hbm>> -> memref<1x625x16xf32, #tpu.memory_space<hbm>>
      %dma_wait3A_17 = tpu.memref_squeeze %dma_wait3A_16 : memref<1x625x16xf32, #tpu.memory_space<hbm>> -> memref<625x16xf32, #tpu.memory_space<hbm>>
      %dma_wait3A_18 = arith.constant 0 : i32
      %dma_wait3A_19 = arith.constant 0 : i32
      %dma_wait3A_20 = tpu.memref_slice %arg4[%arg1, %dma_wait3A_18, %dma_wait3A_19] : memref<16x625x16xf32, #tpu.memory_space<hbm>> -> memref<1x625x16xf32, #tpu.memory_space<hbm>>
      %dma_wait3A_21 = tpu.memref_squeeze %dma_wait3A_20 : memref<1x625x16xf32, #tpu.memory_space<hbm>> -> memref<625x16xf32, #tpu.memory_space<hbm>>
      tpu.wait_dma2 semaphore(%run_scoped3A : memref<!tpu.dma_semaphore, #tpu.memory_space<semaphore_mem>>) src(%dma_wait3A_21 : memref<625x16xf32, #tpu.memory_space<hbm>>) dst(%arg8 : memref<625x16xf32, #tpu.memory_space<vmem>>)
      tpu.yield
    }) : () -> ()
    "tpu.region"() ({
      %run_scoped3A = tpu.sem_alloc : memref<!tpu.dma_semaphore, #tpu.memory_space<semaphore_mem>>
      %dma_start3A = arith.constant 0 : i32
      %dma_start3A_8 = tpu.memref_slice %arg9[%mul3A_2, %dma_start3A] : memref<10000x16xf32, #tpu.memory_space<vmem_shared>> -> memref<625x16xf32, #tpu.memory_space<vmem_shared>>
      %dma_start3A_9 = arith.constant 0 : i32
      %dma_start3A_10 = tpu.memref_slice %arg9[%mul3A_2, %dma_start3A_9] : memref<10000x16xf32, #tpu.memory_space<vmem_shared>> -> memref<625x16xf32, #tpu.memory_space<vmem_shared>>
      tpu.enqueue_dma source(%arg8 : memref<625x16xf32, #tpu.memory_space<vmem>>) target(%dma_start3A_10 : memref<625x16xf32, #tpu.memory_space<vmem_shared>>) target_semaphore(%run_scoped3A : memref<!tpu.dma_semaphore, #tpu.memory_space<semaphore_mem>>)
      %dma_wait3A = arith.constant 0 : i32
      %dma_wait3A_11 = tpu.memref_slice %arg9[%mul3A_2, %dma_wait3A] : memref<10000x16xf32, #tpu.memory_space<vmem_shared>> -> memref<625x16xf32, #tpu.memory_space<vmem_shared>>
      %dma_wait3A_12 = arith.constant 0 : i32
      %dma_wait3A_13 = tpu.memref_slice %arg9[%mul3A_2, %dma_wait3A_12] : memref<10000x16xf32, #tpu.memory_space<vmem_shared>> -> memref<625x16xf32, #tpu.memory_space<vmem_shared>>
      tpu.wait_dma2 semaphore(%run_scoped3A : memref<!tpu.dma_semaphore, #tpu.memory_space<semaphore_mem>>) src(%arg8 : memref<625x16xf32, #tpu.memory_space<vmem>>) dst(%dma_wait3A_13 : memref<625x16xf32, #tpu.memory_space<vmem_shared>>)
      tpu.yield
    }) : () -> ()
    "tpu.region"() ({
      %run_scoped3A = tpu.sem_alloc : memref<!tpu.dma_semaphore, #tpu.memory_space<semaphore_mem>>
      tpu.enqueue_dma source(%arg3 : memref<80x16xf32, #tpu.memory_space<hbm>>) target(%arg7 : memref<80x16xf32, #tpu.memory_space<vmem>>) target_semaphore(%run_scoped3A : memref<!tpu.dma_semaphore, #tpu.memory_space<semaphore_mem>>)
      tpu.wait_dma2 semaphore(%run_scoped3A : memref<!tpu.dma_semaphore, #tpu.memory_space<semaphore_mem>>) src(%arg3 : memref<80x16xf32, #tpu.memory_space<hbm>>) dst(%arg7 : memref<80x16xf32, #tpu.memory_space<vmem>>)
      tpu.yield
    }) : () -> ()
    "tpu.region"() ({
      %run_scoped3A = tpu.sem_alloc : memref<!tpu.dma_semaphore, #tpu.memory_space<semaphore_mem>>
      %dma_start3A = arith.constant 0 : i32
      %dma_start3A_8 = arith.constant 0 : i32
      %dma_start3A_9 = tpu.memref_slice %arg2[%add3A, %dma_start3A, %dma_start3A_8] : memref<32x125x80xi32, #tpu.memory_space<hbm>> -> memref<1x125x80xi32, #tpu.memory_space<hbm>>
      %dma_start3A_10 = tpu.memref_squeeze %dma_start3A_9 : memref<1x125x80xi32, #tpu.memory_space<hbm>> -> memref<125x80xi32, #tpu.memory_space<hbm>>
      %dma_start3A_11 = arith.constant 0 : i32
      %dma_start3A_12 = arith.constant 0 : i32
      %dma_start3A_13 = tpu.memref_slice %arg2[%add3A, %dma_start3A_11, %dma_start3A_12] : memref<32x125x80xi32, #tpu.memory_space<hbm>> -> memref<1x125x80xi32, #tpu.memory_space<hbm>>
      %dma_start3A_14 = tpu.memref_squeeze %dma_start3A_13 : memref<1x125x80xi32, #tpu.memory_space<hbm>> -> memref<125x80xi32, #tpu.memory_space<hbm>>
      tpu.enqueue_dma source(%dma_start3A_14 : memref<125x80xi32, #tpu.memory_space<hbm>>) target(%arg6 : memref<125x80xi32, #tpu.memory_space<vmem>>) target_semaphore(%run_scoped3A : memref<!tpu.dma_semaphore, #tpu.memory_space<semaphore_mem>>)
      %dma_wait3A = arith.constant 0 : i32
      %dma_wait3A_15 = arith.constant 0 : i32
      %dma_wait3A_16 = tpu.memref_slice %arg2[%add3A, %dma_wait3A, %dma_wait3A_15] : memref<32x125x80xi32, #tpu.memory_space<hbm>> -> memref<1x125x80xi32, #tpu.memory_space<hbm>>
      %dma_wait3A_17 = tpu.memref_squeeze %dma_wait3A_16 : memref<1x125x80xi32, #tpu.memory_space<hbm>> -> memref<125x80xi32, #tpu.memory_space<hbm>>
      %dma_wait3A_18 = arith.constant 0 : i32
      %dma_wait3A_19 = arith.constant 0 : i32
      %dma_wait3A_20 = tpu.memref_slice %arg2[%add3A, %dma_wait3A_18, %dma_wait3A_19] : memref<32x125x80xi32, #tpu.memory_space<hbm>> -> memref<1x125x80xi32, #tpu.memory_space<hbm>>
      %dma_wait3A_21 = tpu.memref_squeeze %dma_wait3A_20 : memref<1x125x80xi32, #tpu.memory_space<hbm>> -> memref<125x80xi32, #tpu.memory_space<hbm>>
      tpu.wait_dma2 semaphore(%run_scoped3A : memref<!tpu.dma_semaphore, #tpu.memory_space<semaphore_mem>>) src(%dma_wait3A_21 : memref<125x80xi32, #tpu.memory_space<hbm>>) dst(%arg6 : memref<125x80xi32, #tpu.memory_space<vmem>>)
      tpu.yield
    }) : () -> ()
    %barrier3A = arith.constant 0 : index
    tpu.barrier barrier_id(%barrier3A)
    %scan3A = arith.constant 0 : i32
    %scan3A_3 = arith.constant 25 : i32
    %scan3A_4 = arith.addi %scan3A, %scan3A_3 : i32
    %scan3A_5 = arith.constant 1 : i32
    scf.for %scan3A_8 = %scan3A to %scan3A_4 step %scan3A_5  : i32 {
      %mul3A_9 = arith.constant 1 : i32
      %mul3A_10 = arith.muli %scan3A_8, %mul3A_9 : i32
      %add3A_11 = arith.constant 0 : i32
      %add3A_12 = arith.addi %add3A_11, %mul3A_10 : i32
      %mul3A_13 = arith.constant 5 : i32
      %mul3A_14 = arith.muli %add3A_12, %mul3A_13 : i32
      %add3A_15 = arith.constant 0 : i32
      %add3A_16 = arith.addi %mul3A_14, %add3A_15 : i32
      %dma_start3A = arith.constant 0 : i32
      %dma_start3A_17 = arith.constant 0 : i32
      %dma_start3A_18 = tpu.memref_slice %arg6[%add3A_16, %dma_start3A_17] : memref<125x80xi32, #tpu.memory_space<vmem>> -> memref<1x80xi32, #tpu.memory_space<vmem>>
      %dma_start3A_19 = tpu.memref_squeeze %dma_start3A_18 : memref<1x80xi32, #tpu.memory_space<vmem>> -> memref<80xi32, #tpu.memory_space<vmem>>
      %dma_start3A_20 = arith.constant 0 : i32
      %dma_start3A_21 = arith.constant 0 : i32
      %dma_start3A_22 = tpu.memref_slice %arg9[%dma_start3A_20, %dma_start3A_21] : memref<10000x16xf32, #tpu.memory_space<vmem_shared>> -> memref<10000x16xf32, #tpu.memory_space<vmem_shared>>
      %dma_start3A_23 = tpu.memref_slice %arg10[%dma_start3A] : memref<5x!tpu.dma_semaphore, #tpu.memory_space<semaphore_mem>> -> memref<1x!tpu.dma_semaphore, #tpu.memory_space<semaphore_mem>>
      %dma_start3A_24 = tpu.memref_squeeze %dma_start3A_23 : memref<1x!tpu.dma_semaphore, #tpu.memory_space<semaphore_mem>> -> memref<!tpu.dma_semaphore, #tpu.memory_space<semaphore_mem>>
      tpu.enqueue_indirect_dma source(%arg7 : memref<80x16xf32, #tpu.memory_space<vmem>>) target(%dma_start3A_22 : memref<10000x16xf32, #tpu.memory_space<vmem_shared>>) offsets(%dma_start3A_19 : memref<80xi32, #tpu.memory_space<vmem>>) semaphore(%dma_start3A_24 : memref<!tpu.dma_semaphore, #tpu.memory_space<semaphore_mem>>) {add = true}
      %add3A_25 = arith.constant 1 : i32
      %add3A_26 = arith.addi %mul3A_14, %add3A_25 : i32
      %dma_start3A_27 = arith.constant 1 : i32
      %dma_start3A_28 = arith.constant 0 : i32
      %dma_start3A_29 = tpu.memref_slice %arg6[%add3A_26, %dma_start3A_28] : memref<125x80xi32, #tpu.memory_space<vmem>> -> memref<1x80xi32, #tpu.memory_space<vmem>>
      %dma_start3A_30 = tpu.memref_squeeze %dma_start3A_29 : memref<1x80xi32, #tpu.memory_space<vmem>> -> memref<80xi32, #tpu.memory_space<vmem>>
      %dma_start3A_31 = arith.constant 0 : i32
      %dma_start3A_32 = arith.constant 0 : i32
      %dma_start3A_33 = tpu.memref_slice %arg9[%dma_start3A_31, %dma_start3A_32] : memref<10000x16xf32, #tpu.memory_space<vmem_shared>> -> memref<10000x16xf32, #tpu.memory_space<vmem_shared>>
      %dma_start3A_34 = tpu.memref_slice %arg10[%dma_start3A_27] : memref<5x!tpu.dma_semaphore, #tpu.memory_space<semaphore_mem>> -> memref<1x!tpu.dma_semaphore, #tpu.memory_space<semaphore_mem>>
      %dma_start3A_35 = tpu.memref_squeeze %dma_start3A_34 : memref<1x!tpu.dma_semaphore, #tpu.memory_space<semaphore_mem>> -> memref<!tpu.dma_semaphore, #tpu.memory_space<semaphore_mem>>
      tpu.enqueue_indirect_dma source(%arg7 : memref<80x16xf32, #tpu.memory_space<vmem>>) target(%dma_start3A_33 : memref<10000x16xf32, #tpu.memory_space<vmem_shared>>) offsets(%dma_start3A_30 : memref<80xi32, #tpu.memory_space<vmem>>) semaphore(%dma_start3A_35 : memref<!tpu.dma_semaphore, #tpu.memory_space<semaphore_mem>>) {add = true}
      %add3A_36 = arith.constant 2 : i32
      %add3A_37 = arith.addi %mul3A_14, %add3A_36 : i32
      %dma_start3A_38 = arith.constant 2 : i32
      %dma_start3A_39 = arith.constant 0 : i32
      %dma_start3A_40 = tpu.memref_slice %arg6[%add3A_37, %dma_start3A_39] : memref<125x80xi32, #tpu.memory_space<vmem>> -> memref<1x80xi32, #tpu.memory_space<vmem>>
      %dma_start3A_41 = tpu.memref_squeeze %dma_start3A_40 : memref<1x80xi32, #tpu.memory_space<vmem>> -> memref<80xi32, #tpu.memory_space<vmem>>
      %dma_start3A_42 = arith.constant 0 : i32
      %dma_start3A_43 = arith.constant 0 : i32
      %dma_start3A_44 = tpu.memref_slice %arg9[%dma_start3A_42, %dma_start3A_43] : memref<10000x16xf32, #tpu.memory_space<vmem_shared>> -> memref<10000x16xf32, #tpu.memory_space<vmem_shared>>
      %dma_start3A_45 = tpu.memref_slice %arg10[%dma_start3A_38] : memref<5x!tpu.dma_semaphore, #tpu.memory_space<semaphore_mem>> -> memref<1x!tpu.dma_semaphore, #tpu.memory_space<semaphore_mem>>
      %dma_start3A_46 = tpu.memref_squeeze %dma_start3A_45 : memref<1x!tpu.dma_semaphore, #tpu.memory_space<semaphore_mem>> -> memref<!tpu.dma_semaphore, #tpu.memory_space<semaphore_mem>>
      tpu.enqueue_indirect_dma source(%arg7 : memref<80x16xf32, #tpu.memory_space<vmem>>) target(%dma_start3A_44 : memref<10000x16xf32, #tpu.memory_space<vmem_shared>>) offsets(%dma_start3A_41 : memref<80xi32, #tpu.memory_space<vmem>>) semaphore(%dma_start3A_46 : memref<!tpu.dma_semaphore, #tpu.memory_space<semaphore_mem>>) {add = true}
      %add3A_47 = arith.constant 3 : i32
      %add3A_48 = arith.addi %mul3A_14, %add3A_47 : i32
      %dma_start3A_49 = arith.constant 3 : i32
      %dma_start3A_50 = arith.constant 0 : i32
      %dma_start3A_51 = tpu.memref_slice %arg6[%add3A_48, %dma_start3A_50] : memref<125x80xi32, #tpu.memory_space<vmem>> -> memref<1x80xi32, #tpu.memory_space<vmem>>
      %dma_start3A_52 = tpu.memref_squeeze %dma_start3A_51 : memref<1x80xi32, #tpu.memory_space<vmem>> -> memref<80xi32, #tpu.memory_space<vmem>>
      %dma_start3A_53 = arith.constant 0 : i32
      %dma_start3A_54 = arith.constant 0 : i32
      %dma_start3A_55 = tpu.memref_slice %arg9[%dma_start3A_53, %dma_start3A_54] : memref<10000x16xf32, #tpu.memory_space<vmem_shared>> -> memref<10000x16xf32, #tpu.memory_space<vmem_shared>>
      %dma_start3A_56 = tpu.memref_slice %arg10[%dma_start3A_49] : memref<5x!tpu.dma_semaphore, #tpu.memory_space<semaphore_mem>> -> memref<1x!tpu.dma_semaphore, #tpu.memory_space<semaphore_mem>>
      %dma_start3A_57 = tpu.memref_squeeze %dma_start3A_56 : memref<1x!tpu.dma_semaphore, #tpu.memory_space<semaphore_mem>> -> memref<!tpu.dma_semaphore, #tpu.memory_space<semaphore_mem>>
      tpu.enqueue_indirect_dma source(%arg7 : memref<80x16xf32, #tpu.memory_space<vmem>>) target(%dma_start3A_55 : memref<10000x16xf32, #tpu.memory_space<vmem_shared>>) offsets(%dma_start3A_52 : memref<80xi32, #tpu.memory_space<vmem>>) semaphore(%dma_start3A_57 : memref<!tpu.dma_semaphore, #tpu.memory_space<semaphore_mem>>) {add = true}
      %add3A_58 = arith.constant 4 : i32
      %add3A_59 = arith.addi %mul3A_14, %add3A_58 : i32
      %dma_start3A_60 = arith.constant 4 : i32
      %dma_start3A_61 = arith.constant 0 : i32
      %dma_start3A_62 = tpu.memref_slice %arg6[%add3A_59, %dma_start3A_61] : memref<125x80xi32, #tpu.memory_space<vmem>> -> memref<1x80xi32, #tpu.memory_space<vmem>>
      %dma_start3A_63 = tpu.memref_squeeze %dma_start3A_62 : memref<1x80xi32, #tpu.memory_space<vmem>> -> memref<80xi32, #tpu.memory_space<vmem>>
      %dma_start3A_64 = arith.constant 0 : i32
      %dma_start3A_65 = arith.constant 0 : i32
      %dma_start3A_66 = tpu.memref_slice %arg9[%dma_start3A_64, %dma_start3A_65] : memref<10000x16xf32, #tpu.memory_space<vmem_shared>> -> memref<10000x16xf32, #tpu.memory_space<vmem_shared>>
      %dma_start3A_67 = tpu.memref_slice %arg10[%dma_start3A_60] : memref<5x!tpu.dma_semaphore, #tpu.memory_space<semaphore_mem>> -> memref<1x!tpu.dma_semaphore, #tpu.memory_space<semaphore_mem>>
      %dma_start3A_68 = tpu.memref_squeeze %dma_start3A_67 : memref<1x!tpu.dma_semaphore, #tpu.memory_space<semaphore_mem>> -> memref<!tpu.dma_semaphore, #tpu.memory_space<semaphore_mem>>
      tpu.enqueue_indirect_dma source(%arg7 : memref<80x16xf32, #tpu.memory_space<vmem>>) target(%dma_start3A_66 : memref<10000x16xf32, #tpu.memory_space<vmem_shared>>) offsets(%dma_start3A_63 : memref<80xi32, #tpu.memory_space<vmem>>) semaphore(%dma_start3A_68 : memref<!tpu.dma_semaphore, #tpu.memory_space<semaphore_mem>>) {add = true}
      %dma_wait3A = arith.constant 0 : i32
      %dma_wait3A_69 = arith.constant 0 : i32
      %dma_wait3A_70 = tpu.memref_slice %arg6[%add3A_16, %dma_wait3A_69] : memref<125x80xi32, #tpu.memory_space<vmem>> -> memref<1x80xi32, #tpu.memory_space<vmem>>
      %dma_wait3A_71 = tpu.memref_squeeze %dma_wait3A_70 : memref<1x80xi32, #tpu.memory_space<vmem>> -> memref<80xi32, #tpu.memory_space<vmem>>
      %dma_wait3A_72 = arith.constant 0 : i32
      %dma_wait3A_73 = arith.constant 0 : i32
      %dma_wait3A_74 = tpu.memref_slice %arg9[%dma_wait3A_72, %dma_wait3A_73] : memref<10000x16xf32, #tpu.memory_space<vmem_shared>> -> memref<10000x16xf32, #tpu.memory_space<vmem_shared>>
      %dma_wait3A_75 = tpu.memref_slice %arg10[%dma_wait3A] : memref<5x!tpu.dma_semaphore, #tpu.memory_space<semaphore_mem>> -> memref<1x!tpu.dma_semaphore, #tpu.memory_space<semaphore_mem>>
      %dma_wait3A_76 = tpu.memref_squeeze %dma_wait3A_75 : memref<1x!tpu.dma_semaphore, #tpu.memory_space<semaphore_mem>> -> memref<!tpu.dma_semaphore, #tpu.memory_space<semaphore_mem>>
      tpu.wait_indirect_dma semaphore(%dma_wait3A_76 : memref<!tpu.dma_semaphore, #tpu.memory_space<semaphore_mem>>) src(%arg7 : memref<80x16xf32, #tpu.memory_space<vmem>>) dst(%dma_wait3A_74 : memref<10000x16xf32, #tpu.memory_space<vmem_shared>>)
      %dma_wait3A_77 = arith.constant 1 : i32
      %dma_wait3A_78 = arith.constant 0 : i32
      %dma_wait3A_79 = tpu.memref_slice %arg6[%add3A_26, %dma_wait3A_78] : memref<125x80xi32, #tpu.memory_space<vmem>> -> memref<1x80xi32, #tpu.memory_space<vmem>>
      %dma_wait3A_80 = tpu.memref_squeeze %dma_wait3A_79 : memref<1x80xi32, #tpu.memory_space<vmem>> -> memref<80xi32, #tpu.memory_space<vmem>>
      %dma_wait3A_81 = arith.constant 0 : i32
      %dma_wait3A_82 = arith.constant 0 : i32
      %dma_wait3A_83 = tpu.memref_slice %arg9[%dma_wait3A_81, %dma_wait3A_82] : memref<10000x16xf32, #tpu.memory_space<vmem_shared>> -> memref<10000x16xf32, #tpu.memory_space<vmem_shared>>
      %dma_wait3A_84 = tpu.memref_slice %arg10[%dma_wait3A_77] : memref<5x!tpu.dma_semaphore, #tpu.memory_space<semaphore_mem>> -> memref<1x!tpu.dma_semaphore, #tpu.memory_space<semaphore_mem>>
      %dma_wait3A_85 = tpu.memref_squeeze %dma_wait3A_84 : memref<1x!tpu.dma_semaphore, #tpu.memory_space<semaphore_mem>> -> memref<!tpu.dma_semaphore, #tpu.memory_space<semaphore_mem>>
      tpu.wait_indirect_dma semaphore(%dma_wait3A_85 : memref<!tpu.dma_semaphore, #tpu.memory_space<semaphore_mem>>) src(%arg7 : memref<80x16xf32, #tpu.memory_space<vmem>>) dst(%dma_wait3A_83 : memref<10000x16xf32, #tpu.memory_space<vmem_shared>>)
      %dma_wait3A_86 = arith.constant 2 : i32
      %dma_wait3A_87 = arith.constant 0 : i32
      %dma_wait3A_88 = tpu.memref_slice %arg6[%add3A_37, %dma_wait3A_87] : memref<125x80xi32, #tpu.memory_space<vmem>> -> memref<1x80xi32, #tpu.memory_space<vmem>>
      %dma_wait3A_89 = tpu.memref_squeeze %dma_wait3A_88 : memref<1x80xi32, #tpu.memory_space<vmem>> -> memref<80xi32, #tpu.memory_space<vmem>>
      %dma_wait3A_90 = arith.constant 0 : i32
      %dma_wait3A_91 = arith.constant 0 : i32
      %dma_wait3A_92 = tpu.memref_slice %arg9[%dma_wait3A_90, %dma_wait3A_91] : memref<10000x16xf32, #tpu.memory_space<vmem_shared>> -> memref<10000x16xf32, #tpu.memory_space<vmem_shared>>
      %dma_wait3A_93 = tpu.memref_slice %arg10[%dma_wait3A_86] : memref<5x!tpu.dma_semaphore, #tpu.memory_space<semaphore_mem>> -> memref<1x!tpu.dma_semaphore, #tpu.memory_space<semaphore_mem>>
      %dma_wait3A_94 = tpu.memref_squeeze %dma_wait3A_93 : memref<1x!tpu.dma_semaphore, #tpu.memory_space<semaphore_mem>> -> memref<!tpu.dma_semaphore, #tpu.memory_space<semaphore_mem>>
      tpu.wait_indirect_dma semaphore(%dma_wait3A_94 : memref<!tpu.dma_semaphore, #tpu.memory_space<semaphore_mem>>) src(%arg7 : memref<80x16xf32, #tpu.memory_space<vmem>>) dst(%dma_wait3A_92 : memref<10000x16xf32, #tpu.memory_space<vmem_shared>>)
      %dma_wait3A_95 = arith.constant 3 : i32
      %dma_wait3A_96 = arith.constant 0 : i32
      %dma_wait3A_97 = tpu.memref_slice %arg6[%add3A_48, %dma_wait3A_96] : memref<125x80xi32, #tpu.memory_space<vmem>> -> memref<1x80xi32, #tpu.memory_space<vmem>>
      %dma_wait3A_98 = tpu.memref_squeeze %dma_wait3A_97 : memref<1x80xi32, #tpu.memory_space<vmem>> -> memref<80xi32, #tpu.memory_space<vmem>>
      %dma_wait3A_99 = arith.constant 0 : i32
      %dma_wait3A_100 = arith.constant 0 : i32
      %dma_wait3A_101 = tpu.memref_slice %arg9[%dma_wait3A_99, %dma_wait3A_100] : memref<10000x16xf32, #tpu.memory_space<vmem_shared>> -> memref<10000x16xf32, #tpu.memory_space<vmem_shared>>
      %dma_wait3A_102 = tpu.memref_slice %arg10[%dma_wait3A_95] : memref<5x!tpu.dma_semaphore, #tpu.memory_space<semaphore_mem>> -> memref<1x!tpu.dma_semaphore, #tpu.memory_space<semaphore_mem>>
      %dma_wait3A_103 = tpu.memref_squeeze %dma_wait3A_102 : memref<1x!tpu.dma_semaphore, #tpu.memory_space<semaphore_mem>> -> memref<!tpu.dma_semaphore, #tpu.memory_space<semaphore_mem>>
      tpu.wait_indirect_dma semaphore(%dma_wait3A_103 : memref<!tpu.dma_semaphore, #tpu.memory_space<semaphore_mem>>) src(%arg7 : memref<80x16xf32, #tpu.memory_space<vmem>>) dst(%dma_wait3A_101 : memref<10000x16xf32, #tpu.memory_space<vmem_shared>>)
      %dma_wait3A_104 = arith.constant 4 : i32
      %dma_wait3A_105 = arith.constant 0 : i32
      %dma_wait3A_106 = tpu.memref_slice %arg6[%add3A_59, %dma_wait3A_105] : memref<125x80xi32, #tpu.memory_space<vmem>> -> memref<1x80xi32, #tpu.memory_space<vmem>>
      %dma_wait3A_107 = tpu.memref_squeeze %dma_wait3A_106 : memref<1x80xi32, #tpu.memory_space<vmem>> -> memref<80xi32, #tpu.memory_space<vmem>>
      %dma_wait3A_108 = arith.constant 0 : i32
      %dma_wait3A_109 = arith.constant 0 : i32
      %dma_wait3A_110 = tpu.memref_slice %arg9[%dma_wait3A_108, %dma_wait3A_109] : memref<10000x16xf32, #tpu.memory_space<vmem_shared>> -> memref<10000x16xf32, #tpu.memory_space<vmem_shared>>
      %dma_wait3A_111 = tpu.memref_slice %arg10[%dma_wait3A_104] : memref<5x!tpu.dma_semaphore, #tpu.memory_space<semaphore_mem>> -> memref<1x!tpu.dma_semaphore, #tpu.memory_space<semaphore_mem>>
      %dma_wait3A_112 = tpu.memref_squeeze %dma_wait3A_111 : memref<1x!tpu.dma_semaphore, #tpu.memory_space<semaphore_mem>> -> memref<!tpu.dma_semaphore, #tpu.memory_space<semaphore_mem>>
      tpu.wait_indirect_dma semaphore(%dma_wait3A_112 : memref<!tpu.dma_semaphore, #tpu.memory_space<semaphore_mem>>) src(%arg7 : memref<80x16xf32, #tpu.memory_space<vmem>>) dst(%dma_wait3A_110 : memref<10000x16xf32, #tpu.memory_space<vmem_shared>>)
    }
    %scan3A_6 = arith.constant 25 : i32
    %barrier3A_7 = arith.constant 0 : index
    tpu.barrier barrier_id(%barrier3A_7)
    "tpu.region"() ({
      %run_scoped3A = tpu.sem_alloc : memref<!tpu.dma_semaphore, #tpu.memory_space<semaphore_mem>>
      %dma_start3A = arith.constant 0 : i32
      %dma_start3A_8 = tpu.memref_slice %arg9[%mul3A_2, %dma_start3A] : memref<10000x16xf32, #tpu.memory_space<vmem_shared>> -> memref<625x16xf32, #tpu.memory_space<vmem_shared>>
      %dma_start3A_9 = arith.constant 0 : i32
      %dma_start3A_10 = tpu.memref_slice %arg9[%mul3A_2, %dma_start3A_9] : memref<10000x16xf32, #tpu.memory_space<vmem_shared>> -> memref<625x16xf32, #tpu.memory_space<vmem_shared>>
      tpu.enqueue_dma source(%dma_start3A_10 : memref<625x16xf32, #tpu.memory_space<vmem_shared>>) target(%arg8 : memref<625x16xf32, #tpu.memory_space<vmem>>) target_semaphore(%run_scoped3A : memref<!tpu.dma_semaphore, #tpu.memory_space<semaphore_mem>>)
      %dma_wait3A = arith.constant 0 : i32
      %dma_wait3A_11 = tpu.memref_slice %arg9[%mul3A_2, %dma_wait3A] : memref<10000x16xf32, #tpu.memory_space<vmem_shared>> -> memref<625x16xf32, #tpu.memory_space<vmem_shared>>
      %dma_wait3A_12 = arith.constant 0 : i32
      %dma_wait3A_13 = tpu.memref_slice %arg9[%mul3A_2, %dma_wait3A_12] : memref<10000x16xf32, #tpu.memory_space<vmem_shared>> -> memref<625x16xf32, #tpu.memory_space<vmem_shared>>
      tpu.wait_dma2 semaphore(%run_scoped3A : memref<!tpu.dma_semaphore, #tpu.memory_space<semaphore_mem>>) src(%dma_wait3A_13 : memref<625x16xf32, #tpu.memory_space<vmem_shared>>) dst(%arg8 : memref<625x16xf32, #tpu.memory_space<vmem>>)
      tpu.yield
    }) : () -> ()
    "tpu.region"() ({
      %run_scoped3A = tpu.sem_alloc : memref<!tpu.dma_semaphore, #tpu.memory_space<semaphore_mem>>
      %dma_start3A = arith.constant 0 : i32
      %dma_start3A_8 = arith.constant 0 : i32
      %dma_start3A_9 = tpu.memref_slice %arg5[%arg0, %arg1, %dma_start3A, %dma_start3A_8] : memref<2x16x625x16xf32, #tpu.memory_space<hbm>> -> memref<1x1x625x16xf32, #tpu.memory_space<hbm>>
      %dma_start3A_10 = tpu.memref_squeeze %dma_start3A_9 : memref<1x1x625x16xf32, #tpu.memory_space<hbm>> -> memref<625x16xf32, #tpu.memory_space<hbm>>
      %dma_start3A_11 = arith.constant 0 : i32
      %dma_start3A_12 = arith.constant 0 : i32
      %dma_start3A_13 = tpu.memref_slice %arg5[%arg0, %arg1, %dma_start3A_11, %dma_start3A_12] : memref<2x16x625x16xf32, #tpu.memory_space<hbm>> -> memref<1x1x625x16xf32, #tpu.memory_space<hbm>>
      %dma_start3A_14 = tpu.memref_squeeze %dma_start3A_13 : memref<1x1x625x16xf32, #tpu.memory_space<hbm>> -> memref<625x16xf32, #tpu.memory_space<hbm>>
      tpu.enqueue_dma source(%arg8 : memref<625x16xf32, #tpu.memory_space<vmem>>) target(%dma_start3A_14 : memref<625x16xf32, #tpu.memory_space<hbm>>) target_semaphore(%run_scoped3A : memref<!tpu.dma_semaphore, #tpu.memory_space<semaphore_mem>>)
      %dma_wait3A = arith.constant 0 : i32
      %dma_wait3A_15 = arith.constant 0 : i32
      %dma_wait3A_16 = tpu.memref_slice %arg5[%arg0, %arg1, %dma_wait3A, %dma_wait3A_15] : memref<2x16x625x16xf32, #tpu.memory_space<hbm>> -> memref<1x1x625x16xf32, #tpu.memory_space<hbm>>
      %dma_wait3A_17 = tpu.memref_squeeze %dma_wait3A_16 : memref<1x1x625x16xf32, #tpu.memory_space<hbm>> -> memref<625x16xf32, #tpu.memory_space<hbm>>
      %dma_wait3A_18 = arith.constant 0 : i32
      %dma_wait3A_19 = arith.constant 0 : i32
      %dma_wait3A_20 = tpu.memref_slice %arg5[%arg0, %arg1, %dma_wait3A_18, %dma_wait3A_19] : memref<2x16x625x16xf32, #tpu.memory_space<hbm>> -> memref<1x1x625x16xf32, #tpu.memory_space<hbm>>
      %dma_wait3A_21 = tpu.memref_squeeze %dma_wait3A_20 : memref<1x1x625x16xf32, #tpu.memory_space<hbm>> -> memref<625x16xf32, #tpu.memory_space<hbm>>
      tpu.wait_dma2 semaphore(%run_scoped3A : memref<!tpu.dma_semaphore, #tpu.memory_space<semaphore_mem>>) src(%arg8 : memref<625x16xf32, #tpu.memory_space<vmem>>) dst(%dma_wait3A_21 : memref<625x16xf32, #tpu.memory_space<hbm>>)
      tpu.yield
    }) : () -> ()
    return
  }
}

#map = affine_map<(d0, d1) -> (0, 0)>
#map1 = affine_map<(d0, d1) -> (0, 0, 0)>
#map2 = affine_map<(d0, d1) -> (0, 0, 0, 0)>
module attributes {stable_mosaic.version = 14 : i64} {
  func.func @_sc_segsum(%arg0: i32, %arg1: i32, %arg2: memref<10000x16xf32, #tpu.memory_space<hbm>>, %arg3: memref<32x10000xi32, #tpu.memory_space<hbm>>, %arg4: memref<32x125x80xi32, #tpu.memory_space<hbm>>, %arg5: memref<16x625x16xf32, #tpu.memory_space<hbm>>, %arg6: memref<2x16x625x16xf32, #tpu.memory_space<hbm>>, %arg7: memref<10000xi32, #tpu.memory_space<vmem>>, %arg8: memref<125x80xi32, #tpu.memory_space<vmem>>, %arg9: memref<5x80x16xf32, #tpu.memory_space<vmem>>, %arg10: memref<625x16xf32, #tpu.memory_space<vmem>>, %arg11: memref<10000x16xf32, #tpu.memory_space<vmem_shared>>, %arg12: memref<10000x16xf32, #tpu.memory_space<vmem_shared>>, %arg13: memref<5x!tpu.dma_semaphore, #tpu.memory_space<semaphore_mem>>, %arg14: memref<5x!tpu.dma_semaphore, #tpu.memory_space<semaphore_mem>>) attributes {dimension_semantics = [#tpu.dimension_semantics<core_parallel>, #tpu.dimension_semantics<subcore_parallel>], iteration_bounds = array<i64: 2, 16>, scalar_prefetch = 0 : i64, scratch_operands = 8 : i64, tpu.core_type = #tpu.core_type<sc_vector_subcore>, window_params = [{transform_indices = #map}, {transform_indices = #map}, {transform_indices = #map1}, {transform_indices = #map1}, {transform_indices = #map2}]} {
    %mul3A = arith.constant 2 : i32
    %mul3A_0 = arith.muli %arg1, %mul3A : i32
    %add3A = arith.addi %mul3A_0, %arg0 : i32
    %mul3A_1 = arith.constant 625 : i32
    %mul3A_2 = arith.muli %arg1, %mul3A_1 : i32
    "tpu.region"() ({
      %run_scoped3A = tpu.sem_alloc : memref<!tpu.dma_semaphore, #tpu.memory_space<semaphore_mem>>
      %dma_start3A_286 = arith.constant 0 : i32
      %dma_start3A_287 = arith.constant 0 : i32
      %dma_start3A_288 = tpu.memref_slice %arg5[%arg1, %dma_start3A_286, %dma_start3A_287] : memref<16x625x16xf32, #tpu.memory_space<hbm>> -> memref<1x625x16xf32, #tpu.memory_space<hbm>>
      %dma_start3A_289 = tpu.memref_squeeze %dma_start3A_288 : memref<1x625x16xf32, #tpu.memory_space<hbm>> -> memref<625x16xf32, #tpu.memory_space<hbm>>
      %dma_start3A_290 = arith.constant 0 : i32
      %dma_start3A_291 = arith.constant 0 : i32
      %dma_start3A_292 = tpu.memref_slice %arg5[%arg1, %dma_start3A_290, %dma_start3A_291] : memref<16x625x16xf32, #tpu.memory_space<hbm>> -> memref<1x625x16xf32, #tpu.memory_space<hbm>>
      %dma_start3A_293 = tpu.memref_squeeze %dma_start3A_292 : memref<1x625x16xf32, #tpu.memory_space<hbm>> -> memref<625x16xf32, #tpu.memory_space<hbm>>
      tpu.enqueue_dma source(%dma_start3A_293 : memref<625x16xf32, #tpu.memory_space<hbm>>) target(%arg10 : memref<625x16xf32, #tpu.memory_space<vmem>>) target_semaphore(%run_scoped3A : memref<!tpu.dma_semaphore, #tpu.memory_space<semaphore_mem>>)
      %dma_wait3A_294 = arith.constant 0 : i32
      %dma_wait3A_295 = arith.constant 0 : i32
      %dma_wait3A_296 = tpu.memref_slice %arg5[%arg1, %dma_wait3A_294, %dma_wait3A_295] : memref<16x625x16xf32, #tpu.memory_space<hbm>> -> memref<1x625x16xf32, #tpu.memory_space<hbm>>
      %dma_wait3A_297 = tpu.memref_squeeze %dma_wait3A_296 : memref<1x625x16xf32, #tpu.memory_space<hbm>> -> memref<625x16xf32, #tpu.memory_space<hbm>>
      %dma_wait3A_298 = arith.constant 0 : i32
      %dma_wait3A_299 = arith.constant 0 : i32
      %dma_wait3A_300 = tpu.memref_slice %arg5[%arg1, %dma_wait3A_298, %dma_wait3A_299] : memref<16x625x16xf32, #tpu.memory_space<hbm>> -> memref<1x625x16xf32, #tpu.memory_space<hbm>>
      %dma_wait3A_301 = tpu.memref_squeeze %dma_wait3A_300 : memref<1x625x16xf32, #tpu.memory_space<hbm>> -> memref<625x16xf32, #tpu.memory_space<hbm>>
      tpu.wait_dma2 semaphore(%run_scoped3A : memref<!tpu.dma_semaphore, #tpu.memory_space<semaphore_mem>>) src(%dma_wait3A_301 : memref<625x16xf32, #tpu.memory_space<hbm>>) dst(%arg10 : memref<625x16xf32, #tpu.memory_space<vmem>>)
      tpu.yield
    }) : () -> ()
    "tpu.region"() ({
      %run_scoped3A = tpu.sem_alloc : memref<!tpu.dma_semaphore, #tpu.memory_space<semaphore_mem>>
      %dma_start3A_286 = arith.constant 0 : i32
      %dma_start3A_287 = tpu.memref_slice %arg11[%mul3A_2, %dma_start3A_286] : memref<10000x16xf32, #tpu.memory_space<vmem_shared>> -> memref<625x16xf32, #tpu.memory_space<vmem_shared>>
      %dma_start3A_288 = arith.constant 0 : i32
      %dma_start3A_289 = tpu.memref_slice %arg11[%mul3A_2, %dma_start3A_288] : memref<10000x16xf32, #tpu.memory_space<vmem_shared>> -> memref<625x16xf32, #tpu.memory_space<vmem_shared>>
      tpu.enqueue_dma source(%arg10 : memref<625x16xf32, #tpu.memory_space<vmem>>) target(%dma_start3A_289 : memref<625x16xf32, #tpu.memory_space<vmem_shared>>) target_semaphore(%run_scoped3A : memref<!tpu.dma_semaphore, #tpu.memory_space<semaphore_mem>>)
      %dma_wait3A_290 = arith.constant 0 : i32
      %dma_wait3A_291 = tpu.memref_slice %arg11[%mul3A_2, %dma_wait3A_290] : memref<10000x16xf32, #tpu.memory_space<vmem_shared>> -> memref<625x16xf32, #tpu.memory_space<vmem_shared>>
      %dma_wait3A_292 = arith.constant 0 : i32
      %dma_wait3A_293 = tpu.memref_slice %arg11[%mul3A_2, %dma_wait3A_292] : memref<10000x16xf32, #tpu.memory_space<vmem_shared>> -> memref<625x16xf32, #tpu.memory_space<vmem_shared>>
      tpu.wait_dma2 semaphore(%run_scoped3A : memref<!tpu.dma_semaphore, #tpu.memory_space<semaphore_mem>>) src(%arg10 : memref<625x16xf32, #tpu.memory_space<vmem>>) dst(%dma_wait3A_293 : memref<625x16xf32, #tpu.memory_space<vmem_shared>>)
      tpu.yield
    }) : () -> ()
    "tpu.region"() ({
      %run_scoped3A = tpu.sem_alloc : memref<!tpu.dma_semaphore, #tpu.memory_space<semaphore_mem>>
      %dma_start3A_286 = arith.constant 0 : i32
      %dma_start3A_287 = tpu.memref_slice %arg2[%mul3A_2, %dma_start3A_286] : memref<10000x16xf32, #tpu.memory_space<hbm>> -> memref<625x16xf32, #tpu.memory_space<hbm>>
      %dma_start3A_288 = arith.constant 0 : i32
      %dma_start3A_289 = tpu.memref_slice %arg2[%mul3A_2, %dma_start3A_288] : memref<10000x16xf32, #tpu.memory_space<hbm>> -> memref<625x16xf32, #tpu.memory_space<hbm>>
      tpu.enqueue_dma source(%dma_start3A_289 : memref<625x16xf32, #tpu.memory_space<hbm>>) target(%arg10 : memref<625x16xf32, #tpu.memory_space<vmem>>) target_semaphore(%run_scoped3A : memref<!tpu.dma_semaphore, #tpu.memory_space<semaphore_mem>>)
      %dma_wait3A_290 = arith.constant 0 : i32
      %dma_wait3A_291 = tpu.memref_slice %arg2[%mul3A_2, %dma_wait3A_290] : memref<10000x16xf32, #tpu.memory_space<hbm>> -> memref<625x16xf32, #tpu.memory_space<hbm>>
      %dma_wait3A_292 = arith.constant 0 : i32
      %dma_wait3A_293 = tpu.memref_slice %arg2[%mul3A_2, %dma_wait3A_292] : memref<10000x16xf32, #tpu.memory_space<hbm>> -> memref<625x16xf32, #tpu.memory_space<hbm>>
      tpu.wait_dma2 semaphore(%run_scoped3A : memref<!tpu.dma_semaphore, #tpu.memory_space<semaphore_mem>>) src(%dma_wait3A_293 : memref<625x16xf32, #tpu.memory_space<hbm>>) dst(%arg10 : memref<625x16xf32, #tpu.memory_space<vmem>>)
      tpu.yield
    }) : () -> ()
    "tpu.region"() ({
      %run_scoped3A = tpu.sem_alloc : memref<!tpu.dma_semaphore, #tpu.memory_space<semaphore_mem>>
      %dma_start3A_286 = arith.constant 0 : i32
      %dma_start3A_287 = tpu.memref_slice %arg12[%mul3A_2, %dma_start3A_286] : memref<10000x16xf32, #tpu.memory_space<vmem_shared>> -> memref<625x16xf32, #tpu.memory_space<vmem_shared>>
      %dma_start3A_288 = arith.constant 0 : i32
      %dma_start3A_289 = tpu.memref_slice %arg12[%mul3A_2, %dma_start3A_288] : memref<10000x16xf32, #tpu.memory_space<vmem_shared>> -> memref<625x16xf32, #tpu.memory_space<vmem_shared>>
      tpu.enqueue_dma source(%arg10 : memref<625x16xf32, #tpu.memory_space<vmem>>) target(%dma_start3A_289 : memref<625x16xf32, #tpu.memory_space<vmem_shared>>) target_semaphore(%run_scoped3A : memref<!tpu.dma_semaphore, #tpu.memory_space<semaphore_mem>>)
      %dma_wait3A_290 = arith.constant 0 : i32
      %dma_wait3A_291 = tpu.memref_slice %arg12[%mul3A_2, %dma_wait3A_290] : memref<10000x16xf32, #tpu.memory_space<vmem_shared>> -> memref<625x16xf32, #tpu.memory_space<vmem_shared>>
      %dma_wait3A_292 = arith.constant 0 : i32
      %dma_wait3A_293 = tpu.memref_slice %arg12[%mul3A_2, %dma_wait3A_292] : memref<10000x16xf32, #tpu.memory_space<vmem_shared>> -> memref<625x16xf32, #tpu.memory_space<vmem_shared>>
      tpu.wait_dma2 semaphore(%run_scoped3A : memref<!tpu.dma_semaphore, #tpu.memory_space<semaphore_mem>>) src(%arg10 : memref<625x16xf32, #tpu.memory_space<vmem>>) dst(%dma_wait3A_293 : memref<625x16xf32, #tpu.memory_space<vmem_shared>>)
      tpu.yield
    }) : () -> ()
    "tpu.region"() ({
      %run_scoped3A = tpu.sem_alloc : memref<!tpu.dma_semaphore, #tpu.memory_space<semaphore_mem>>
      %dma_start3A_286 = arith.constant 0 : i32
      %dma_start3A_287 = tpu.memref_slice %arg3[%add3A, %dma_start3A_286] : memref<32x10000xi32, #tpu.memory_space<hbm>> -> memref<1x10000xi32, #tpu.memory_space<hbm>>
      %dma_start3A_288 = tpu.memref_squeeze %dma_start3A_287 : memref<1x10000xi32, #tpu.memory_space<hbm>> -> memref<10000xi32, #tpu.memory_space<hbm>>
      %dma_start3A_289 = arith.constant 0 : i32
      %dma_start3A_290 = tpu.memref_slice %arg3[%add3A, %dma_start3A_289] : memref<32x10000xi32, #tpu.memory_space<hbm>> -> memref<1x10000xi32, #tpu.memory_space<hbm>>
      %dma_start3A_291 = tpu.memref_squeeze %dma_start3A_290 : memref<1x10000xi32, #tpu.memory_space<hbm>> -> memref<10000xi32, #tpu.memory_space<hbm>>
      tpu.enqueue_dma source(%dma_start3A_291 : memref<10000xi32, #tpu.memory_space<hbm>>) target(%arg7 : memref<10000xi32, #tpu.memory_space<vmem>>) target_semaphore(%run_scoped3A : memref<!tpu.dma_semaphore, #tpu.memory_space<semaphore_mem>>)
      %dma_wait3A_292 = arith.constant 0 : i32
      %dma_wait3A_293 = tpu.memref_slice %arg3[%add3A, %dma_wait3A_292] : memref<32x10000xi32, #tpu.memory_space<hbm>> -> memref<1x10000xi32, #tpu.memory_space<hbm>>
      %dma_wait3A_294 = tpu.memref_squeeze %dma_wait3A_293 : memref<1x10000xi32, #tpu.memory_space<hbm>> -> memref<10000xi32, #tpu.memory_space<hbm>>
      %dma_wait3A_295 = arith.constant 0 : i32
      %dma_wait3A_296 = tpu.memref_slice %arg3[%add3A, %dma_wait3A_295] : memref<32x10000xi32, #tpu.memory_space<hbm>> -> memref<1x10000xi32, #tpu.memory_space<hbm>>
      %dma_wait3A_297 = tpu.memref_squeeze %dma_wait3A_296 : memref<1x10000xi32, #tpu.memory_space<hbm>> -> memref<10000xi32, #tpu.memory_space<hbm>>
      tpu.wait_dma2 semaphore(%run_scoped3A : memref<!tpu.dma_semaphore, #tpu.memory_space<semaphore_mem>>) src(%dma_wait3A_297 : memref<10000xi32, #tpu.memory_space<hbm>>) dst(%arg7 : memref<10000xi32, #tpu.memory_space<vmem>>)
      tpu.yield
    }) : () -> ()
    "tpu.region"() ({
      %run_scoped3A = tpu.sem_alloc : memref<!tpu.dma_semaphore, #tpu.memory_space<semaphore_mem>>
      %dma_start3A_286 = arith.constant 0 : i32
      %dma_start3A_287 = arith.constant 0 : i32
      %dma_start3A_288 = tpu.memref_slice %arg4[%add3A, %dma_start3A_286, %dma_start3A_287] : memref<32x125x80xi32, #tpu.memory_space<hbm>> -> memref<1x125x80xi32, #tpu.memory_space<hbm>>
      %dma_start3A_289 = tpu.memref_squeeze %dma_start3A_288 : memref<1x125x80xi32, #tpu.memory_space<hbm>> -> memref<125x80xi32, #tpu.memory_space<hbm>>
      %dma_start3A_290 = arith.constant 0 : i32
      %dma_start3A_291 = arith.constant 0 : i32
      %dma_start3A_292 = tpu.memref_slice %arg4[%add3A, %dma_start3A_290, %dma_start3A_291] : memref<32x125x80xi32, #tpu.memory_space<hbm>> -> memref<1x125x80xi32, #tpu.memory_space<hbm>>
      %dma_start3A_293 = tpu.memref_squeeze %dma_start3A_292 : memref<1x125x80xi32, #tpu.memory_space<hbm>> -> memref<125x80xi32, #tpu.memory_space<hbm>>
      tpu.enqueue_dma source(%dma_start3A_293 : memref<125x80xi32, #tpu.memory_space<hbm>>) target(%arg8 : memref<125x80xi32, #tpu.memory_space<vmem>>) target_semaphore(%run_scoped3A : memref<!tpu.dma_semaphore, #tpu.memory_space<semaphore_mem>>)
      %dma_wait3A_294 = arith.constant 0 : i32
      %dma_wait3A_295 = arith.constant 0 : i32
      %dma_wait3A_296 = tpu.memref_slice %arg4[%add3A, %dma_wait3A_294, %dma_wait3A_295] : memref<32x125x80xi32, #tpu.memory_space<hbm>> -> memref<1x125x80xi32, #tpu.memory_space<hbm>>
      %dma_wait3A_297 = tpu.memref_squeeze %dma_wait3A_296 : memref<1x125x80xi32, #tpu.memory_space<hbm>> -> memref<125x80xi32, #tpu.memory_space<hbm>>
      %dma_wait3A_298 = arith.constant 0 : i32
      %dma_wait3A_299 = arith.constant 0 : i32
      %dma_wait3A_300 = tpu.memref_slice %arg4[%add3A, %dma_wait3A_298, %dma_wait3A_299] : memref<32x125x80xi32, #tpu.memory_space<hbm>> -> memref<1x125x80xi32, #tpu.memory_space<hbm>>
      %dma_wait3A_301 = tpu.memref_squeeze %dma_wait3A_300 : memref<1x125x80xi32, #tpu.memory_space<hbm>> -> memref<125x80xi32, #tpu.memory_space<hbm>>
      tpu.wait_dma2 semaphore(%run_scoped3A : memref<!tpu.dma_semaphore, #tpu.memory_space<semaphore_mem>>) src(%dma_wait3A_301 : memref<125x80xi32, #tpu.memory_space<hbm>>) dst(%arg8 : memref<125x80xi32, #tpu.memory_space<vmem>>)
      tpu.yield
    }) : () -> ()
    %barrier3A = arith.constant 0 : index
    tpu.barrier barrier_id(%barrier3A)
    %dma_start3A = arith.constant 0 : i32
    %dma_start3A_3 = arith.constant 0 : i32
    %dma_start3A_4 = arith.constant 0 : i32
    %dma_start3A_5 = arith.constant 0 : i32
    %dma_start3A_6 = tpu.memref_slice %arg9[%dma_start3A, %dma_start3A_4, %dma_start3A_5] : memref<5x80x16xf32, #tpu.memory_space<vmem>> -> memref<1x80x16xf32, #tpu.memory_space<vmem>>
    %dma_start3A_7 = tpu.memref_squeeze %dma_start3A_6 : memref<1x80x16xf32, #tpu.memory_space<vmem>> -> memref<80x16xf32, #tpu.memory_space<vmem>>
    %dma_start3A_8 = arith.constant 0 : i32
    %dma_start3A_9 = tpu.memref_slice %arg7[%dma_start3A_8] : memref<10000xi32, #tpu.memory_space<vmem>> -> memref<80xi32, #tpu.memory_space<vmem>>
    %dma_start3A_10 = arith.constant 0 : i32
    %dma_start3A_11 = arith.constant 0 : i32
    %dma_start3A_12 = tpu.memref_slice %arg2[%dma_start3A_10, %dma_start3A_11] : memref<10000x16xf32, #tpu.memory_space<hbm>> -> memref<10000x16xf32, #tpu.memory_space<hbm>>
    %dma_start3A_13 = tpu.memref_slice %arg13[%dma_start3A_3] : memref<5x!tpu.dma_semaphore, #tpu.memory_space<semaphore_mem>> -> memref<1x!tpu.dma_semaphore, #tpu.memory_space<semaphore_mem>>
    %dma_start3A_14 = tpu.memref_squeeze %dma_start3A_13 : memref<1x!tpu.dma_semaphore, #tpu.memory_space<semaphore_mem>> -> memref<!tpu.dma_semaphore, #tpu.memory_space<semaphore_mem>>
    tpu.enqueue_indirect_dma source(%dma_start3A_12 : memref<10000x16xf32, #tpu.memory_space<hbm>>) target(%dma_start3A_7 : memref<80x16xf32, #tpu.memory_space<vmem>>) offsets(%dma_start3A_9 : memref<80xi32, #tpu.memory_space<vmem>>) semaphore(%dma_start3A_14 : memref<!tpu.dma_semaphore, #tpu.memory_space<semaphore_mem>>)
    %dma_start3A_15 = arith.constant 1 : i32
    %dma_start3A_16 = arith.constant 1 : i32
    %dma_start3A_17 = arith.constant 0 : i32
    %dma_start3A_18 = arith.constant 0 : i32
    %dma_start3A_19 = tpu.memref_slice %arg9[%dma_start3A_15, %dma_start3A_17, %dma_start3A_18] : memref<5x80x16xf32, #tpu.memory_space<vmem>> -> memref<1x80x16xf32, #tpu.memory_space<vmem>>
    %dma_start3A_20 = tpu.memref_squeeze %dma_start3A_19 : memref<1x80x16xf32, #tpu.memory_space<vmem>> -> memref<80x16xf32, #tpu.memory_space<vmem>>
    %dma_start3A_21 = arith.constant 80 : i32
    %dma_start3A_22 = tpu.memref_slice %arg7[%dma_start3A_21] : memref<10000xi32, #tpu.memory_space<vmem>> -> memref<80xi32, #tpu.memory_space<vmem>>
    %dma_start3A_23 = arith.constant 0 : i32
    %dma_start3A_24 = arith.constant 0 : i32
    %dma_start3A_25 = tpu.memref_slice %arg2[%dma_start3A_23, %dma_start3A_24] : memref<10000x16xf32, #tpu.memory_space<hbm>> -> memref<10000x16xf32, #tpu.memory_space<hbm>>
    %dma_start3A_26 = tpu.memref_slice %arg13[%dma_start3A_16] : memref<5x!tpu.dma_semaphore, #tpu.memory_space<semaphore_mem>> -> memref<1x!tpu.dma_semaphore, #tpu.memory_space<semaphore_mem>>
    %dma_start3A_27 = tpu.memref_squeeze %dma_start3A_26 : memref<1x!tpu.dma_semaphore, #tpu.memory_space<semaphore_mem>> -> memref<!tpu.dma_semaphore, #tpu.memory_space<semaphore_mem>>
    tpu.enqueue_indirect_dma source(%dma_start3A_25 : memref<10000x16xf32, #tpu.memory_space<hbm>>) target(%dma_start3A_20 : memref<80x16xf32, #tpu.memory_space<vmem>>) offsets(%dma_start3A_22 : memref<80xi32, #tpu.memory_space<vmem>>) semaphore(%dma_start3A_27 : memref<!tpu.dma_semaphore, #tpu.memory_space<semaphore_mem>>)
    %dma_start3A_28 = arith.constant 2 : i32
    %dma_start3A_29 = arith.constant 2 : i32
    %dma_start3A_30 = arith.constant 0 : i32
    %dma_start3A_31 = arith.constant 0 : i32
    %dma_start3A_32 = tpu.memref_slice %arg9[%dma_start3A_28, %dma_start3A_30, %dma_start3A_31] : memref<5x80x16xf32, #tpu.memory_space<vmem>> -> memref<1x80x16xf32, #tpu.memory_space<vmem>>
    %dma_start3A_33 = tpu.memref_squeeze %dma_start3A_32 : memref<1x80x16xf32, #tpu.memory_space<vmem>> -> memref<80x16xf32, #tpu.memory_space<vmem>>
    %dma_start3A_34 = arith.constant 160 : i32
    %dma_start3A_35 = tpu.memref_slice %arg7[%dma_start3A_34] : memref<10000xi32, #tpu.memory_space<vmem>> -> memref<80xi32, #tpu.memory_space<vmem>>
    %dma_start3A_36 = arith.constant 0 : i32
    %dma_start3A_37 = arith.constant 0 : i32
    %dma_start3A_38 = tpu.memref_slice %arg12[%dma_start3A_36, %dma_start3A_37] : memref<10000x16xf32, #tpu.memory_space<vmem_shared>> -> memref<10000x16xf32, #tpu.memory_space<vmem_shared>>
    %dma_start3A_39 = tpu.memref_slice %arg13[%dma_start3A_29] : memref<5x!tpu.dma_semaphore, #tpu.memory_space<semaphore_mem>> -> memref<1x!tpu.dma_semaphore, #tpu.memory_space<semaphore_mem>>
    %dma_start3A_40 = tpu.memref_squeeze %dma_start3A_39 : memref<1x!tpu.dma_semaphore, #tpu.memory_space<semaphore_mem>> -> memref<!tpu.dma_semaphore, #tpu.memory_space<semaphore_mem>>
    tpu.enqueue_indirect_dma source(%dma_start3A_38 : memref<10000x16xf32, #tpu.memory_space<vmem_shared>>) target(%dma_start3A_33 : memref<80x16xf32, #tpu.memory_space<vmem>>) offsets(%dma_start3A_35 : memref<80xi32, #tpu.memory_space<vmem>>) semaphore(%dma_start3A_40 : memref<!tpu.dma_semaphore, #tpu.memory_space<semaphore_mem>>)
    %dma_start3A_41 = arith.constant 3 : i32
    %dma_start3A_42 = arith.constant 3 : i32
    %dma_start3A_43 = arith.constant 0 : i32
    %dma_start3A_44 = arith.constant 0 : i32
    %dma_start3A_45 = tpu.memref_slice %arg9[%dma_start3A_41, %dma_start3A_43, %dma_start3A_44] : memref<5x80x16xf32, #tpu.memory_space<vmem>> -> memref<1x80x16xf32, #tpu.memory_space<vmem>>
    %dma_start3A_46 = tpu.memref_squeeze %dma_start3A_45 : memref<1x80x16xf32, #tpu.memory_space<vmem>> -> memref<80x16xf32, #tpu.memory_space<vmem>>
    %dma_start3A_47 = arith.constant 240 : i32
    %dma_start3A_48 = tpu.memref_slice %arg7[%dma_start3A_47] : memref<10000xi32, #tpu.memory_space<vmem>> -> memref<80xi32, #tpu.memory_space<vmem>>
    %dma_start3A_49 = arith.constant 0 : i32
    %dma_start3A_50 = arith.constant 0 : i32
    %dma_start3A_51 = tpu.memref_slice %arg12[%dma_start3A_49, %dma_start3A_50] : memref<10000x16xf32, #tpu.memory_space<vmem_shared>> -> memref<10000x16xf32, #tpu.memory_space<vmem_shared>>
    %dma_start3A_52 = tpu.memref_slice %arg13[%dma_start3A_42] : memref<5x!tpu.dma_semaphore, #tpu.memory_space<semaphore_mem>> -> memref<1x!tpu.dma_semaphore, #tpu.memory_space<semaphore_mem>>
    %dma_start3A_53 = tpu.memref_squeeze %dma_start3A_52 : memref<1x!tpu.dma_semaphore, #tpu.memory_space<semaphore_mem>> -> memref<!tpu.dma_semaphore, #tpu.memory_space<semaphore_mem>>
    tpu.enqueue_indirect_dma source(%dma_start3A_51 : memref<10000x16xf32, #tpu.memory_space<vmem_shared>>) target(%dma_start3A_46 : memref<80x16xf32, #tpu.memory_space<vmem>>) offsets(%dma_start3A_48 : memref<80xi32, #tpu.memory_space<vmem>>) semaphore(%dma_start3A_53 : memref<!tpu.dma_semaphore, #tpu.memory_space<semaphore_mem>>)
    %dma_start3A_54 = arith.constant 4 : i32
    %dma_start3A_55 = arith.constant 4 : i32
    %dma_start3A_56 = arith.constant 0 : i32
    %dma_start3A_57 = arith.constant 0 : i32
    %dma_start3A_58 = tpu.memref_slice %arg9[%dma_start3A_54, %dma_start3A_56, %dma_start3A_57] : memref<5x80x16xf32, #tpu.memory_space<vmem>> -> memref<1x80x16xf32, #tpu.memory_space<vmem>>
    %dma_start3A_59 = tpu.memref_squeeze %dma_start3A_58 : memref<1x80x16xf32, #tpu.memory_space<vmem>> -> memref<80x16xf32, #tpu.memory_space<vmem>>
    %dma_start3A_60 = arith.constant 320 : i32
    %dma_start3A_61 = tpu.memref_slice %arg7[%dma_start3A_60] : memref<10000xi32, #tpu.memory_space<vmem>> -> memref<80xi32, #tpu.memory_space<vmem>>
    %dma_start3A_62 = arith.constant 0 : i32
    %dma_start3A_63 = arith.constant 0 : i32
    %dma_start3A_64 = tpu.memref_slice %arg12[%dma_start3A_62, %dma_start3A_63] : memref<10000x16xf32, #tpu.memory_space<vmem_shared>> -> memref<10000x16xf32, #tpu.memory_space<vmem_shared>>
    %dma_start3A_65 = tpu.memref_slice %arg13[%dma_start3A_55] : memref<5x!tpu.dma_semaphore, #tpu.memory_space<semaphore_mem>> -> memref<1x!tpu.dma_semaphore, #tpu.memory_space<semaphore_mem>>
    %dma_start3A_66 = tpu.memref_squeeze %dma_start3A_65 : memref<1x!tpu.dma_semaphore, #tpu.memory_space<semaphore_mem>> -> memref<!tpu.dma_semaphore, #tpu.memory_space<semaphore_mem>>
    tpu.enqueue_indirect_dma source(%dma_start3A_64 : memref<10000x16xf32, #tpu.memory_space<vmem_shared>>) target(%dma_start3A_59 : memref<80x16xf32, #tpu.memory_space<vmem>>) offsets(%dma_start3A_61 : memref<80xi32, #tpu.memory_space<vmem>>) semaphore(%dma_start3A_66 : memref<!tpu.dma_semaphore, #tpu.memory_space<semaphore_mem>>)
    %scan3A = arith.constant 0 : i32
    %scan3A_67 = arith.constant 24 : i32
    %scan3A_68 = arith.addi %scan3A, %scan3A_67 : i32
    %scan3A_69 = arith.constant 1 : i32
    scf.for %scan3A_286 = %scan3A to %scan3A_68 step %scan3A_69  : i32 {
      %mul3A_287 = arith.constant 1 : i32
      %mul3A_288 = arith.muli %scan3A_286, %mul3A_287 : i32
      %add3A_289 = arith.constant 0 : i32
      %add3A_290 = arith.addi %add3A_289, %mul3A_288 : i32
      %mul3A_291 = arith.constant 5 : i32
      %mul3A_292 = arith.muli %add3A_290, %mul3A_291 : i32
      %dma_wait3A_293 = arith.constant 0 : i32
      %dma_wait3A_294 = arith.constant 0 : i32
      %dma_wait3A_295 = arith.constant 0 : i32
      %dma_wait3A_296 = arith.constant 0 : i32
      %dma_wait3A_297 = tpu.memref_slice %arg9[%dma_wait3A_293, %dma_wait3A_295, %dma_wait3A_296] : memref<5x80x16xf32, #tpu.memory_space<vmem>> -> memref<1x80x16xf32, #tpu.memory_space<vmem>>
      %dma_wait3A_298 = tpu.memref_squeeze %dma_wait3A_297 : memref<1x80x16xf32, #tpu.memory_space<vmem>> -> memref<80x16xf32, #tpu.memory_space<vmem>>
      %dma_wait3A_299 = arith.constant 0 : i32
      %dma_wait3A_300 = tpu.memref_slice %arg7[%dma_wait3A_299] : memref<10000xi32, #tpu.memory_space<vmem>> -> memref<80xi32, #tpu.memory_space<vmem>>
      %dma_wait3A_301 = arith.constant 0 : i32
      %dma_wait3A_302 = arith.constant 0 : i32
      %dma_wait3A_303 = tpu.memref_slice %arg2[%dma_wait3A_301, %dma_wait3A_302] : memref<10000x16xf32, #tpu.memory_space<hbm>> -> memref<10000x16xf32, #tpu.memory_space<hbm>>
      %dma_wait3A_304 = tpu.memref_slice %arg13[%dma_wait3A_294] : memref<5x!tpu.dma_semaphore, #tpu.memory_space<semaphore_mem>> -> memref<1x!tpu.dma_semaphore, #tpu.memory_space<semaphore_mem>>
      %dma_wait3A_305 = tpu.memref_squeeze %dma_wait3A_304 : memref<1x!tpu.dma_semaphore, #tpu.memory_space<semaphore_mem>> -> memref<!tpu.dma_semaphore, #tpu.memory_space<semaphore_mem>>
      tpu.wait_indirect_dma semaphore(%dma_wait3A_305 : memref<!tpu.dma_semaphore, #tpu.memory_space<semaphore_mem>>) src(%dma_wait3A_303 : memref<10000x16xf32, #tpu.memory_space<hbm>>) dst(%dma_wait3A_298 : memref<80x16xf32, #tpu.memory_space<vmem>>)
      %add3A_306 = arith.constant 0 : i32
      %add3A_307 = arith.addi %mul3A_292, %add3A_306 : i32
      %dma_start3A_308 = arith.constant 0 : i32
      %dma_start3A_309 = arith.constant 0 : i32
      %dma_start3A_310 = arith.constant 0 : i32
      %dma_start3A_311 = arith.constant 0 : i32
      %dma_start3A_312 = tpu.memref_slice %arg9[%dma_start3A_308, %dma_start3A_310, %dma_start3A_311] : memref<5x80x16xf32, #tpu.memory_space<vmem>> -> memref<1x80x16xf32, #tpu.memory_space<vmem>>
      %dma_start3A_313 = tpu.memref_squeeze %dma_start3A_312 : memref<1x80x16xf32, #tpu.memory_space<vmem>> -> memref<80x16xf32, #tpu.memory_space<vmem>>
      %dma_start3A_314 = arith.constant 0 : i32
      %dma_start3A_315 = tpu.memref_slice %arg8[%add3A_307, %dma_start3A_314] : memref<125x80xi32, #tpu.memory_space<vmem>> -> memref<1x80xi32, #tpu.memory_space<vmem>>
      %dma_start3A_316 = tpu.memref_squeeze %dma_start3A_315 : memref<1x80xi32, #tpu.memory_space<vmem>> -> memref<80xi32, #tpu.memory_space<vmem>>
      %dma_start3A_317 = arith.constant 0 : i32
      %dma_start3A_318 = arith.constant 0 : i32
      %dma_start3A_319 = tpu.memref_slice %arg11[%dma_start3A_317, %dma_start3A_318] : memref<10000x16xf32, #tpu.memory_space<vmem_shared>> -> memref<10000x16xf32, #tpu.memory_space<vmem_shared>>
      %dma_start3A_320 = tpu.memref_slice %arg14[%dma_start3A_309] : memref<5x!tpu.dma_semaphore, #tpu.memory_space<semaphore_mem>> -> memref<1x!tpu.dma_semaphore, #tpu.memory_space<semaphore_mem>>
      %dma_start3A_321 = tpu.memref_squeeze %dma_start3A_320 : memref<1x!tpu.dma_semaphore, #tpu.memory_space<semaphore_mem>> -> memref<!tpu.dma_semaphore, #tpu.memory_space<semaphore_mem>>
      tpu.enqueue_indirect_dma source(%dma_start3A_313 : memref<80x16xf32, #tpu.memory_space<vmem>>) target(%dma_start3A_319 : memref<10000x16xf32, #tpu.memory_space<vmem_shared>>) offsets(%dma_start3A_316 : memref<80xi32, #tpu.memory_space<vmem>>) semaphore(%dma_start3A_321 : memref<!tpu.dma_semaphore, #tpu.memory_space<semaphore_mem>>) {add = true}
      %dma_wait3A_322 = arith.constant 1 : i32
      %dma_wait3A_323 = arith.constant 1 : i32
      %dma_wait3A_324 = arith.constant 0 : i32
      %dma_wait3A_325 = arith.constant 0 : i32
      %dma_wait3A_326 = tpu.memref_slice %arg9[%dma_wait3A_322, %dma_wait3A_324, %dma_wait3A_325] : memref<5x80x16xf32, #tpu.memory_space<vmem>> -> memref<1x80x16xf32, #tpu.memory_space<vmem>>
      %dma_wait3A_327 = tpu.memref_squeeze %dma_wait3A_326 : memref<1x80x16xf32, #tpu.memory_space<vmem>> -> memref<80x16xf32, #tpu.memory_space<vmem>>
      %dma_wait3A_328 = arith.constant 0 : i32
      %dma_wait3A_329 = tpu.memref_slice %arg7[%dma_wait3A_328] : memref<10000xi32, #tpu.memory_space<vmem>> -> memref<80xi32, #tpu.memory_space<vmem>>
      %dma_wait3A_330 = arith.constant 0 : i32
      %dma_wait3A_331 = arith.constant 0 : i32
      %dma_wait3A_332 = tpu.memref_slice %arg2[%dma_wait3A_330, %dma_wait3A_331] : memref<10000x16xf32, #tpu.memory_space<hbm>> -> memref<10000x16xf32, #tpu.memory_space<hbm>>
      %dma_wait3A_333 = tpu.memref_slice %arg13[%dma_wait3A_323] : memref<5x!tpu.dma_semaphore, #tpu.memory_space<semaphore_mem>> -> memref<1x!tpu.dma_semaphore, #tpu.memory_space<semaphore_mem>>
      %dma_wait3A_334 = tpu.memref_squeeze %dma_wait3A_333 : memref<1x!tpu.dma_semaphore, #tpu.memory_space<semaphore_mem>> -> memref<!tpu.dma_semaphore, #tpu.memory_space<semaphore_mem>>
      tpu.wait_indirect_dma semaphore(%dma_wait3A_334 : memref<!tpu.dma_semaphore, #tpu.memory_space<semaphore_mem>>) src(%dma_wait3A_332 : memref<10000x16xf32, #tpu.memory_space<hbm>>) dst(%dma_wait3A_327 : memref<80x16xf32, #tpu.memory_space<vmem>>)
      %add3A_335 = arith.constant 1 : i32
      %add3A_336 = arith.addi %mul3A_292, %add3A_335 : i32
      %dma_start3A_337 = arith.constant 1 : i32
      %dma_start3A_338 = arith.constant 1 : i32
      %dma_start3A_339 = arith.constant 0 : i32
      %dma_start3A_340 = arith.constant 0 : i32
      %dma_start3A_341 = tpu.memref_slice %arg9[%dma_start3A_337, %dma_start3A_339, %dma_start3A_340] : memref<5x80x16xf32, #tpu.memory_space<vmem>> -> memref<1x80x16xf32, #tpu.memory_space<vmem>>
      %dma_start3A_342 = tpu.memref_squeeze %dma_start3A_341 : memref<1x80x16xf32, #tpu.memory_space<vmem>> -> memref<80x16xf32, #tpu.memory_space<vmem>>
      %dma_start3A_343 = arith.constant 0 : i32
      %dma_start3A_344 = tpu.memref_slice %arg8[%add3A_336, %dma_start3A_343] : memref<125x80xi32, #tpu.memory_space<vmem>> -> memref<1x80xi32, #tpu.memory_space<vmem>>
      %dma_start3A_345 = tpu.memref_squeeze %dma_start3A_344 : memref<1x80xi32, #tpu.memory_space<vmem>> -> memref<80xi32, #tpu.memory_space<vmem>>
      %dma_start3A_346 = arith.constant 0 : i32
      %dma_start3A_347 = arith.constant 0 : i32
      %dma_start3A_348 = tpu.memref_slice %arg11[%dma_start3A_346, %dma_start3A_347] : memref<10000x16xf32, #tpu.memory_space<vmem_shared>> -> memref<10000x16xf32, #tpu.memory_space<vmem_shared>>
      %dma_start3A_349 = tpu.memref_slice %arg14[%dma_start3A_338] : memref<5x!tpu.dma_semaphore, #tpu.memory_space<semaphore_mem>> -> memref<1x!tpu.dma_semaphore, #tpu.memory_space<semaphore_mem>>
      %dma_start3A_350 = tpu.memref_squeeze %dma_start3A_349 : memref<1x!tpu.dma_semaphore, #tpu.memory_space<semaphore_mem>> -> memref<!tpu.dma_semaphore, #tpu.memory_space<semaphore_mem>>
      tpu.enqueue_indirect_dma source(%dma_start3A_342 : memref<80x16xf32, #tpu.memory_space<vmem>>) target(%dma_start3A_348 : memref<10000x16xf32, #tpu.memory_space<vmem_shared>>) offsets(%dma_start3A_345 : memref<80xi32, #tpu.memory_space<vmem>>) semaphore(%dma_start3A_350 : memref<!tpu.dma_semaphore, #tpu.memory_space<semaphore_mem>>) {add = true}
      %dma_wait3A_351 = arith.constant 2 : i32
      %dma_wait3A_352 = arith.constant 2 : i32
      %dma_wait3A_353 = arith.constant 0 : i32
      %dma_wait3A_354 = arith.constant 0 : i32
      %dma_wait3A_355 = tpu.memref_slice %arg9[%dma_wait3A_351, %dma_wait3A_353, %dma_wait3A_354] : memref<5x80x16xf32, #tpu.memory_space<vmem>> -> memref<1x80x16xf32, #tpu.memory_space<vmem>>
      %dma_wait3A_356 = tpu.memref_squeeze %dma_wait3A_355 : memref<1x80x16xf32, #tpu.memory_space<vmem>> -> memref<80x16xf32, #tpu.memory_space<vmem>>
      %dma_wait3A_357 = arith.constant 0 : i32
      %dma_wait3A_358 = tpu.memref_slice %arg7[%dma_wait3A_357] : memref<10000xi32, #tpu.memory_space<vmem>> -> memref<80xi32, #tpu.memory_space<vmem>>
      %dma_wait3A_359 = arith.constant 0 : i32
      %dma_wait3A_360 = arith.constant 0 : i32
      %dma_wait3A_361 = tpu.memref_slice %arg12[%dma_wait3A_359, %dma_wait3A_360] : memref<10000x16xf32, #tpu.memory_space<vmem_shared>> -> memref<10000x16xf32, #tpu.memory_space<vmem_shared>>
      %dma_wait3A_362 = tpu.memref_slice %arg13[%dma_wait3A_352] : memref<5x!tpu.dma_semaphore, #tpu.memory_space<semaphore_mem>> -> memref<1x!tpu.dma_semaphore, #tpu.memory_space<semaphore_mem>>
      %dma_wait3A_363 = tpu.memref_squeeze %dma_wait3A_362 : memref<1x!tpu.dma_semaphore, #tpu.memory_space<semaphore_mem>> -> memref<!tpu.dma_semaphore, #tpu.memory_space<semaphore_mem>>
      tpu.wait_indirect_dma semaphore(%dma_wait3A_363 : memref<!tpu.dma_semaphore, #tpu.memory_space<semaphore_mem>>) src(%dma_wait3A_361 : memref<10000x16xf32, #tpu.memory_space<vmem_shared>>) dst(%dma_wait3A_356 : memref<80x16xf32, #tpu.memory_space<vmem>>)
      %add3A_364 = arith.constant 2 : i32
      %add3A_365 = arith.addi %mul3A_292, %add3A_364 : i32
      %dma_start3A_366 = arith.constant 2 : i32
      %dma_start3A_367 = arith.constant 2 : i32
      %dma_start3A_368 = arith.constant 0 : i32
      %dma_start3A_369 = arith.constant 0 : i32
      %dma_start3A_370 = tpu.memref_slice %arg9[%dma_start3A_366, %dma_start3A_368, %dma_start3A_369] : memref<5x80x16xf32, #tpu.memory_space<vmem>> -> memref<1x80x16xf32, #tpu.memory_space<vmem>>
      %dma_start3A_371 = tpu.memref_squeeze %dma_start3A_370 : memref<1x80x16xf32, #tpu.memory_space<vmem>> -> memref<80x16xf32, #tpu.memory_space<vmem>>
      %dma_start3A_372 = arith.constant 0 : i32
      %dma_start3A_373 = tpu.memref_slice %arg8[%add3A_365, %dma_start3A_372] : memref<125x80xi32, #tpu.memory_space<vmem>> -> memref<1x80xi32, #tpu.memory_space<vmem>>
      %dma_start3A_374 = tpu.memref_squeeze %dma_start3A_373 : memref<1x80xi32, #tpu.memory_space<vmem>> -> memref<80xi32, #tpu.memory_space<vmem>>
      %dma_start3A_375 = arith.constant 0 : i32
      %dma_start3A_376 = arith.constant 0 : i32
      %dma_start3A_377 = tpu.memref_slice %arg11[%dma_start3A_375, %dma_start3A_376] : memref<10000x16xf32, #tpu.memory_space<vmem_shared>> -> memref<10000x16xf32, #tpu.memory_space<vmem_shared>>
      %dma_start3A_378 = tpu.memref_slice %arg14[%dma_start3A_367] : memref<5x!tpu.dma_semaphore, #tpu.memory_space<semaphore_mem>> -> memref<1x!tpu.dma_semaphore, #tpu.memory_space<semaphore_mem>>
      %dma_start3A_379 = tpu.memref_squeeze %dma_start3A_378 : memref<1x!tpu.dma_semaphore, #tpu.memory_space<semaphore_mem>> -> memref<!tpu.dma_semaphore, #tpu.memory_space<semaphore_mem>>
      tpu.enqueue_indirect_dma source(%dma_start3A_371 : memref<80x16xf32, #tpu.memory_space<vmem>>) target(%dma_start3A_377 : memref<10000x16xf32, #tpu.memory_space<vmem_shared>>) offsets(%dma_start3A_374 : memref<80xi32, #tpu.memory_space<vmem>>) semaphore(%dma_start3A_379 : memref<!tpu.dma_semaphore, #tpu.memory_space<semaphore_mem>>) {add = true}
      %dma_wait3A_380 = arith.constant 3 : i32
      %dma_wait3A_381 = arith.constant 3 : i32
      %dma_wait3A_382 = arith.constant 0 : i32
      %dma_wait3A_383 = arith.constant 0 : i32
      %dma_wait3A_384 = tpu.memref_slice %arg9[%dma_wait3A_380, %dma_wait3A_382, %dma_wait3A_383] : memref<5x80x16xf32, #tpu.memory_space<vmem>> -> memref<1x80x16xf32, #tpu.memory_space<vmem>>
      %dma_wait3A_385 = tpu.memref_squeeze %dma_wait3A_384 : memref<1x80x16xf32, #tpu.memory_space<vmem>> -> memref<80x16xf32, #tpu.memory_space<vmem>>
      %dma_wait3A_386 = arith.constant 0 : i32
      %dma_wait3A_387 = tpu.memref_slice %arg7[%dma_wait3A_386] : memref<10000xi32, #tpu.memory_space<vmem>> -> memref<80xi32, #tpu.memory_space<vmem>>
      %dma_wait3A_388 = arith.constant 0 : i32
      %dma_wait3A_389 = arith.constant 0 : i32
      %dma_wait3A_390 = tpu.memref_slice %arg12[%dma_wait3A_388, %dma_wait3A_389] : memref<10000x16xf32, #tpu.memory_space<vmem_shared>> -> memref<10000x16xf32, #tpu.memory_space<vmem_shared>>
      %dma_wait3A_391 = tpu.memref_slice %arg13[%dma_wait3A_381] : memref<5x!tpu.dma_semaphore, #tpu.memory_space<semaphore_mem>> -> memref<1x!tpu.dma_semaphore, #tpu.memory_space<semaphore_mem>>
      %dma_wait3A_392 = tpu.memref_squeeze %dma_wait3A_391 : memref<1x!tpu.dma_semaphore, #tpu.memory_space<semaphore_mem>> -> memref<!tpu.dma_semaphore, #tpu.memory_space<semaphore_mem>>
      tpu.wait_indirect_dma semaphore(%dma_wait3A_392 : memref<!tpu.dma_semaphore, #tpu.memory_space<semaphore_mem>>) src(%dma_wait3A_390 : memref<10000x16xf32, #tpu.memory_space<vmem_shared>>) dst(%dma_wait3A_385 : memref<80x16xf32, #tpu.memory_space<vmem>>)
      %add3A_393 = arith.constant 3 : i32
      %add3A_394 = arith.addi %mul3A_292, %add3A_393 : i32
      %dma_start3A_395 = arith.constant 3 : i32
      %dma_start3A_396 = arith.constant 3 : i32
      %dma_start3A_397 = arith.constant 0 : i32
      %dma_start3A_398 = arith.constant 0 : i32
      %dma_start3A_399 = tpu.memref_slice %arg9[%dma_start3A_395, %dma_start3A_397, %dma_start3A_398] : memref<5x80x16xf32, #tpu.memory_space<vmem>> -> memref<1x80x16xf32, #tpu.memory_space<vmem>>
      %dma_start3A_400 = tpu.memref_squeeze %dma_start3A_399 : memref<1x80x16xf32, #tpu.memory_space<vmem>> -> memref<80x16xf32, #tpu.memory_space<vmem>>
      %dma_start3A_401 = arith.constant 0 : i32
      %dma_start3A_402 = tpu.memref_slice %arg8[%add3A_394, %dma_start3A_401] : memref<125x80xi32, #tpu.memory_space<vmem>> -> memref<1x80xi32, #tpu.memory_space<vmem>>
      %dma_start3A_403 = tpu.memref_squeeze %dma_start3A_402 : memref<1x80xi32, #tpu.memory_space<vmem>> -> memref<80xi32, #tpu.memory_space<vmem>>
      %dma_start3A_404 = arith.constant 0 : i32
      %dma_start3A_405 = arith.constant 0 : i32
      %dma_start3A_406 = tpu.memref_slice %arg11[%dma_start3A_404, %dma_start3A_405] : memref<10000x16xf32, #tpu.memory_space<vmem_shared>> -> memref<10000x16xf32, #tpu.memory_space<vmem_shared>>
      %dma_start3A_407 = tpu.memref_slice %arg14[%dma_start3A_396] : memref<5x!tpu.dma_semaphore, #tpu.memory_space<semaphore_mem>> -> memref<1x!tpu.dma_semaphore, #tpu.memory_space<semaphore_mem>>
      %dma_start3A_408 = tpu.memref_squeeze %dma_start3A_407 : memref<1x!tpu.dma_semaphore, #tpu.memory_space<semaphore_mem>> -> memref<!tpu.dma_semaphore, #tpu.memory_space<semaphore_mem>>
      tpu.enqueue_indirect_dma source(%dma_start3A_400 : memref<80x16xf32, #tpu.memory_space<vmem>>) target(%dma_start3A_406 : memref<10000x16xf32, #tpu.memory_space<vmem_shared>>) offsets(%dma_start3A_403 : memref<80xi32, #tpu.memory_space<vmem>>) semaphore(%dma_start3A_408 : memref<!tpu.dma_semaphore, #tpu.memory_space<semaphore_mem>>) {add = true}
      %dma_wait3A_409 = arith.constant 4 : i32
      %dma_wait3A_410 = arith.constant 4 : i32
      %dma_wait3A_411 = arith.constant 0 : i32
      %dma_wait3A_412 = arith.constant 0 : i32
      %dma_wait3A_413 = tpu.memref_slice %arg9[%dma_wait3A_409, %dma_wait3A_411, %dma_wait3A_412] : memref<5x80x16xf32, #tpu.memory_space<vmem>> -> memref<1x80x16xf32, #tpu.memory_space<vmem>>
      %dma_wait3A_414 = tpu.memref_squeeze %dma_wait3A_413 : memref<1x80x16xf32, #tpu.memory_space<vmem>> -> memref<80x16xf32, #tpu.memory_space<vmem>>
      %dma_wait3A_415 = arith.constant 0 : i32
      %dma_wait3A_416 = tpu.memref_slice %arg7[%dma_wait3A_415] : memref<10000xi32, #tpu.memory_space<vmem>> -> memref<80xi32, #tpu.memory_space<vmem>>
      %dma_wait3A_417 = arith.constant 0 : i32
      %dma_wait3A_418 = arith.constant 0 : i32
      %dma_wait3A_419 = tpu.memref_slice %arg12[%dma_wait3A_417, %dma_wait3A_418] : memref<10000x16xf32, #tpu.memory_space<vmem_shared>> -> memref<10000x16xf32, #tpu.memory_space<vmem_shared>>
      %dma_wait3A_420 = tpu.memref_slice %arg13[%dma_wait3A_410] : memref<5x!tpu.dma_semaphore, #tpu.memory_space<semaphore_mem>> -> memref<1x!tpu.dma_semaphore, #tpu.memory_space<semaphore_mem>>
      %dma_wait3A_421 = tpu.memref_squeeze %dma_wait3A_420 : memref<1x!tpu.dma_semaphore, #tpu.memory_space<semaphore_mem>> -> memref<!tpu.dma_semaphore, #tpu.memory_space<semaphore_mem>>
      tpu.wait_indirect_dma semaphore(%dma_wait3A_421 : memref<!tpu.dma_semaphore, #tpu.memory_space<semaphore_mem>>) src(%dma_wait3A_419 : memref<10000x16xf32, #tpu.memory_space<vmem_shared>>) dst(%dma_wait3A_414 : memref<80x16xf32, #tpu.memory_space<vmem>>)
      %add3A_422 = arith.constant 4 : i32
      %add3A_423 = arith.addi %mul3A_292, %add3A_422 : i32
      %dma_start3A_424 = arith.constant 4 : i32
      %dma_start3A_425 = arith.constant 4 : i32
      %dma_start3A_426 = arith.constant 0 : i32
      %dma_start3A_427 = arith.constant 0 : i32
      %dma_start3A_428 = tpu.memref_slice %arg9[%dma_start3A_424, %dma_start3A_426, %dma_start3A_427] : memref<5x80x16xf32, #tpu.memory_space<vmem>> -> memref<1x80x16xf32, #tpu.memory_space<vmem>>
      %dma_start3A_429 = tpu.memref_squeeze %dma_start3A_428 : memref<1x80x16xf32, #tpu.memory_space<vmem>> -> memref<80x16xf32, #tpu.memory_space<vmem>>
      %dma_start3A_430 = arith.constant 0 : i32
      %dma_start3A_431 = tpu.memref_slice %arg8[%add3A_423, %dma_start3A_430] : memref<125x80xi32, #tpu.memory_space<vmem>> -> memref<1x80xi32, #tpu.memory_space<vmem>>
      %dma_start3A_432 = tpu.memref_squeeze %dma_start3A_431 : memref<1x80xi32, #tpu.memory_space<vmem>> -> memref<80xi32, #tpu.memory_space<vmem>>
      %dma_start3A_433 = arith.constant 0 : i32
      %dma_start3A_434 = arith.constant 0 : i32
      %dma_start3A_435 = tpu.memref_slice %arg11[%dma_start3A_433, %dma_start3A_434] : memref<10000x16xf32, #tpu.memory_space<vmem_shared>> -> memref<10000x16xf32, #tpu.memory_space<vmem_shared>>
      %dma_start3A_436 = tpu.memref_slice %arg14[%dma_start3A_425] : memref<5x!tpu.dma_semaphore, #tpu.memory_space<semaphore_mem>> -> memref<1x!tpu.dma_semaphore, #tpu.memory_space<semaphore_mem>>
      %dma_start3A_437 = tpu.memref_squeeze %dma_start3A_436 : memref<1x!tpu.dma_semaphore, #tpu.memory_space<semaphore_mem>> -> memref<!tpu.dma_semaphore, #tpu.memory_space<semaphore_mem>>
      tpu.enqueue_indirect_dma source(%dma_start3A_429 : memref<80x16xf32, #tpu.memory_space<vmem>>) target(%dma_start3A_435 : memref<10000x16xf32, #tpu.memory_space<vmem_shared>>) offsets(%dma_start3A_432 : memref<80xi32, #tpu.memory_space<vmem>>) semaphore(%dma_start3A_437 : memref<!tpu.dma_semaphore, #tpu.memory_space<semaphore_mem>>) {add = true}
      %dma_wait3A_438 = arith.constant 0 : i32
      %dma_wait3A_439 = arith.constant 0 : i32
      %dma_wait3A_440 = arith.constant 0 : i32
      %dma_wait3A_441 = arith.constant 0 : i32
      %dma_wait3A_442 = tpu.memref_slice %arg9[%dma_wait3A_438, %dma_wait3A_440, %dma_wait3A_441] : memref<5x80x16xf32, #tpu.memory_space<vmem>> -> memref<1x80x16xf32, #tpu.memory_space<vmem>>
      %dma_wait3A_443 = tpu.memref_squeeze %dma_wait3A_442 : memref<1x80x16xf32, #tpu.memory_space<vmem>> -> memref<80x16xf32, #tpu.memory_space<vmem>>
      %dma_wait3A_444 = arith.constant 0 : i32
      %dma_wait3A_445 = tpu.memref_slice %arg8[%add3A_307, %dma_wait3A_444] : memref<125x80xi32, #tpu.memory_space<vmem>> -> memref<1x80xi32, #tpu.memory_space<vmem>>
      %dma_wait3A_446 = tpu.memref_squeeze %dma_wait3A_445 : memref<1x80xi32, #tpu.memory_space<vmem>> -> memref<80xi32, #tpu.memory_space<vmem>>
      %dma_wait3A_447 = arith.constant 0 : i32
      %dma_wait3A_448 = arith.constant 0 : i32
      %dma_wait3A_449 = tpu.memref_slice %arg11[%dma_wait3A_447, %dma_wait3A_448] : memref<10000x16xf32, #tpu.memory_space<vmem_shared>> -> memref<10000x16xf32, #tpu.memory_space<vmem_shared>>
      %dma_wait3A_450 = tpu.memref_slice %arg14[%dma_wait3A_439] : memref<5x!tpu.dma_semaphore, #tpu.memory_space<semaphore_mem>> -> memref<1x!tpu.dma_semaphore, #tpu.memory_space<semaphore_mem>>
      %dma_wait3A_451 = tpu.memref_squeeze %dma_wait3A_450 : memref<1x!tpu.dma_semaphore, #tpu.memory_space<semaphore_mem>> -> memref<!tpu.dma_semaphore, #tpu.memory_space<semaphore_mem>>
      tpu.wait_indirect_dma semaphore(%dma_wait3A_451 : memref<!tpu.dma_semaphore, #tpu.memory_space<semaphore_mem>>) src(%dma_wait3A_443 : memref<80x16xf32, #tpu.memory_space<vmem>>) dst(%dma_wait3A_449 : memref<10000x16xf32, #tpu.memory_space<vmem_shared>>)
      %add3A_452 = arith.constant 5 : i32
      %add3A_453 = arith.addi %mul3A_292, %add3A_452 : i32
      %add3A_454 = arith.constant 0 : i32
      %add3A_455 = arith.addi %add3A_453, %add3A_454 : i32
      %mul3A_456 = arith.constant 80 : i32
      %mul3A_457 = arith.muli %add3A_455, %mul3A_456 : i32
      %dma_start3A_458 = arith.constant 0 : i32
      %dma_start3A_459 = arith.constant 0 : i32
      %dma_start3A_460 = arith.constant 0 : i32
      %dma_start3A_461 = arith.constant 0 : i32
      %dma_start3A_462 = tpu.memref_slice %arg9[%dma_start3A_458, %dma_start3A_460, %dma_start3A_461] : memref<5x80x16xf32, #tpu.memory_space<vmem>> -> memref<1x80x16xf32, #tpu.memory_space<vmem>>
      %dma_start3A_463 = tpu.memref_squeeze %dma_start3A_462 : memref<1x80x16xf32, #tpu.memory_space<vmem>> -> memref<80x16xf32, #tpu.memory_space<vmem>>
      %dma_start3A_464 = tpu.memref_slice %arg7[%mul3A_457] : memref<10000xi32, #tpu.memory_space<vmem>> -> memref<80xi32, #tpu.memory_space<vmem>>
      %dma_start3A_465 = arith.constant 0 : i32
      %dma_start3A_466 = arith.constant 0 : i32
      %dma_start3A_467 = tpu.memref_slice %arg2[%dma_start3A_465, %dma_start3A_466] : memref<10000x16xf32, #tpu.memory_space<hbm>> -> memref<10000x16xf32, #tpu.memory_space<hbm>>
      %dma_start3A_468 = tpu.memref_slice %arg13[%dma_start3A_459] : memref<5x!tpu.dma_semaphore, #tpu.memory_space<semaphore_mem>> -> memref<1x!tpu.dma_semaphore, #tpu.memory_space<semaphore_mem>>
      %dma_start3A_469 = tpu.memref_squeeze %dma_start3A_468 : memref<1x!tpu.dma_semaphore, #tpu.memory_space<semaphore_mem>> -> memref<!tpu.dma_semaphore, #tpu.memory_space<semaphore_mem>>
      tpu.enqueue_indirect_dma source(%dma_start3A_467 : memref<10000x16xf32, #tpu.memory_space<hbm>>) target(%dma_start3A_463 : memref<80x16xf32, #tpu.memory_space<vmem>>) offsets(%dma_start3A_464 : memref<80xi32, #tpu.memory_space<vmem>>) semaphore(%dma_start3A_469 : memref<!tpu.dma_semaphore, #tpu.memory_space<semaphore_mem>>)
      %dma_wait3A_470 = arith.constant 1 : i32
      %dma_wait3A_471 = arith.constant 1 : i32
      %dma_wait3A_472 = arith.constant 0 : i32
      %dma_wait3A_473 = arith.constant 0 : i32
      %dma_wait3A_474 = tpu.memref_slice %arg9[%dma_wait3A_470, %dma_wait3A_472, %dma_wait3A_473] : memref<5x80x16xf32, #tpu.memory_space<vmem>> -> memref<1x80x16xf32, #tpu.memory_space<vmem>>
      %dma_wait3A_475 = tpu.memref_squeeze %dma_wait3A_474 : memref<1x80x16xf32, #tpu.memory_space<vmem>> -> memref<80x16xf32, #tpu.memory_space<vmem>>
      %dma_wait3A_476 = arith.constant 0 : i32
      %dma_wait3A_477 = tpu.memref_slice %arg8[%add3A_336, %dma_wait3A_476] : memref<125x80xi32, #tpu.memory_space<vmem>> -> memref<1x80xi32, #tpu.memory_space<vmem>>
      %dma_wait3A_478 = tpu.memref_squeeze %dma_wait3A_477 : memref<1x80xi32, #tpu.memory_space<vmem>> -> memref<80xi32, #tpu.memory_space<vmem>>
      %dma_wait3A_479 = arith.constant 0 : i32
      %dma_wait3A_480 = arith.constant 0 : i32
      %dma_wait3A_481 = tpu.memref_slice %arg11[%dma_wait3A_479, %dma_wait3A_480] : memref<10000x16xf32, #tpu.memory_space<vmem_shared>> -> memref<10000x16xf32, #tpu.memory_space<vmem_shared>>
      %dma_wait3A_482 = tpu.memref_slice %arg14[%dma_wait3A_471] : memref<5x!tpu.dma_semaphore, #tpu.memory_space<semaphore_mem>> -> memref<1x!tpu.dma_semaphore, #tpu.memory_space<semaphore_mem>>
      %dma_wait3A_483 = tpu.memref_squeeze %dma_wait3A_482 : memref<1x!tpu.dma_semaphore, #tpu.memory_space<semaphore_mem>> -> memref<!tpu.dma_semaphore, #tpu.memory_space<semaphore_mem>>
      tpu.wait_indirect_dma semaphore(%dma_wait3A_483 : memref<!tpu.dma_semaphore, #tpu.memory_space<semaphore_mem>>) src(%dma_wait3A_475 : memref<80x16xf32, #tpu.memory_space<vmem>>) dst(%dma_wait3A_481 : memref<10000x16xf32, #tpu.memory_space<vmem_shared>>)
      %add3A_484 = arith.constant 5 : i32
      %add3A_485 = arith.addi %mul3A_292, %add3A_484 : i32
      %add3A_486 = arith.constant 1 : i32
      %add3A_487 = arith.addi %add3A_485, %add3A_486 : i32
      %mul3A_488 = arith.constant 80 : i32
      %mul3A_489 = arith.muli %add3A_487, %mul3A_488 : i32
      %dma_start3A_490 = arith.constant 1 : i32
      %dma_start3A_491 = arith.constant 1 : i32
      %dma_start3A_492 = arith.constant 0 : i32
      %dma_start3A_493 = arith.constant 0 : i32
      %dma_start3A_494 = tpu.memref_slice %arg9[%dma_start3A_490, %dma_start3A_492, %dma_start3A_493] : memref<5x80x16xf32, #tpu.memory_space<vmem>> -> memref<1x80x16xf32, #tpu.memory_space<vmem>>
      %dma_start3A_495 = tpu.memref_squeeze %dma_start3A_494 : memref<1x80x16xf32, #tpu.memory_space<vmem>> -> memref<80x16xf32, #tpu.memory_space<vmem>>
      %dma_start3A_496 = tpu.memref_slice %arg7[%mul3A_489] : memref<10000xi32, #tpu.memory_space<vmem>> -> memref<80xi32, #tpu.memory_space<vmem>>
      %dma_start3A_497 = arith.constant 0 : i32
      %dma_start3A_498 = arith.constant 0 : i32
      %dma_start3A_499 = tpu.memref_slice %arg2[%dma_start3A_497, %dma_start3A_498] : memref<10000x16xf32, #tpu.memory_space<hbm>> -> memref<10000x16xf32, #tpu.memory_space<hbm>>
      %dma_start3A_500 = tpu.memref_slice %arg13[%dma_start3A_491] : memref<5x!tpu.dma_semaphore, #tpu.memory_space<semaphore_mem>> -> memref<1x!tpu.dma_semaphore, #tpu.memory_space<semaphore_mem>>
      %dma_start3A_501 = tpu.memref_squeeze %dma_start3A_500 : memref<1x!tpu.dma_semaphore, #tpu.memory_space<semaphore_mem>> -> memref<!tpu.dma_semaphore, #tpu.memory_space<semaphore_mem>>
      tpu.enqueue_indirect_dma source(%dma_start3A_499 : memref<10000x16xf32, #tpu.memory_space<hbm>>) target(%dma_start3A_495 : memref<80x16xf32, #tpu.memory_space<vmem>>) offsets(%dma_start3A_496 : memref<80xi32, #tpu.memory_space<vmem>>) semaphore(%dma_start3A_501 : memref<!tpu.dma_semaphore, #tpu.memory_space<semaphore_mem>>)
      %dma_wait3A_502 = arith.constant 2 : i32
      %dma_wait3A_503 = arith.constant 2 : i32
      %dma_wait3A_504 = arith.constant 0 : i32
      %dma_wait3A_505 = arith.constant 0 : i32
      %dma_wait3A_506 = tpu.memref_slice %arg9[%dma_wait3A_502, %dma_wait3A_504, %dma_wait3A_505] : memref<5x80x16xf32, #tpu.memory_space<vmem>> -> memref<1x80x16xf32, #tpu.memory_space<vmem>>
      %dma_wait3A_507 = tpu.memref_squeeze %dma_wait3A_506 : memref<1x80x16xf32, #tpu.memory_space<vmem>> -> memref<80x16xf32, #tpu.memory_space<vmem>>
      %dma_wait3A_508 = arith.constant 0 : i32
      %dma_wait3A_509 = tpu.memref_slice %arg8[%add3A_365, %dma_wait3A_508] : memref<125x80xi32, #tpu.memory_space<vmem>> -> memref<1x80xi32, #tpu.memory_space<vmem>>
      %dma_wait3A_510 = tpu.memref_squeeze %dma_wait3A_509 : memref<1x80xi32, #tpu.memory_space<vmem>> -> memref<80xi32, #tpu.memory_space<vmem>>
      %dma_wait3A_511 = arith.constant 0 : i32
      %dma_wait3A_512 = arith.constant 0 : i32
      %dma_wait3A_513 = tpu.memref_slice %arg11[%dma_wait3A_511, %dma_wait3A_512] : memref<10000x16xf32, #tpu.memory_space<vmem_shared>> -> memref<10000x16xf32, #tpu.memory_space<vmem_shared>>
      %dma_wait3A_514 = tpu.memref_slice %arg14[%dma_wait3A_503] : memref<5x!tpu.dma_semaphore, #tpu.memory_space<semaphore_mem>> -> memref<1x!tpu.dma_semaphore, #tpu.memory_space<semaphore_mem>>
      %dma_wait3A_515 = tpu.memref_squeeze %dma_wait3A_514 : memref<1x!tpu.dma_semaphore, #tpu.memory_space<semaphore_mem>> -> memref<!tpu.dma_semaphore, #tpu.memory_space<semaphore_mem>>
      tpu.wait_indirect_dma semaphore(%dma_wait3A_515 : memref<!tpu.dma_semaphore, #tpu.memory_space<semaphore_mem>>) src(%dma_wait3A_507 : memref<80x16xf32, #tpu.memory_space<vmem>>) dst(%dma_wait3A_513 : memref<10000x16xf32, #tpu.memory_space<vmem_shared>>)
      %add3A_516 = arith.constant 5 : i32
      %add3A_517 = arith.addi %mul3A_292, %add3A_516 : i32
      %add3A_518 = arith.constant 2 : i32
      %add3A_519 = arith.addi %add3A_517, %add3A_518 : i32
      %mul3A_520 = arith.constant 80 : i32
      %mul3A_521 = arith.muli %add3A_519, %mul3A_520 : i32
      %dma_start3A_522 = arith.constant 2 : i32
      %dma_start3A_523 = arith.constant 2 : i32
      %dma_start3A_524 = arith.constant 0 : i32
      %dma_start3A_525 = arith.constant 0 : i32
      %dma_start3A_526 = tpu.memref_slice %arg9[%dma_start3A_522, %dma_start3A_524, %dma_start3A_525] : memref<5x80x16xf32, #tpu.memory_space<vmem>> -> memref<1x80x16xf32, #tpu.memory_space<vmem>>
      %dma_start3A_527 = tpu.memref_squeeze %dma_start3A_526 : memref<1x80x16xf32, #tpu.memory_space<vmem>> -> memref<80x16xf32, #tpu.memory_space<vmem>>
      %dma_start3A_528 = tpu.memref_slice %arg7[%mul3A_521] : memref<10000xi32, #tpu.memory_space<vmem>> -> memref<80xi32, #tpu.memory_space<vmem>>
      %dma_start3A_529 = arith.constant 0 : i32
      %dma_start3A_530 = arith.constant 0 : i32
      %dma_start3A_531 = tpu.memref_slice %arg12[%dma_start3A_529, %dma_start3A_530] : memref<10000x16xf32, #tpu.memory_space<vmem_shared>> -> memref<10000x16xf32, #tpu.memory_space<vmem_shared>>
      %dma_start3A_532 = tpu.memref_slice %arg13[%dma_start3A_523] : memref<5x!tpu.dma_semaphore, #tpu.memory_space<semaphore_mem>> -> memref<1x!tpu.dma_semaphore, #tpu.memory_space<semaphore_mem>>
      %dma_start3A_533 = tpu.memref_squeeze %dma_start3A_532 : memref<1x!tpu.dma_semaphore, #tpu.memory_space<semaphore_mem>> -> memref<!tpu.dma_semaphore, #tpu.memory_space<semaphore_mem>>
      tpu.enqueue_indirect_dma source(%dma_start3A_531 : memref<10000x16xf32, #tpu.memory_space<vmem_shared>>) target(%dma_start3A_527 : memref<80x16xf32, #tpu.memory_space<vmem>>) offsets(%dma_start3A_528 : memref<80xi32, #tpu.memory_space<vmem>>) semaphore(%dma_start3A_533 : memref<!tpu.dma_semaphore, #tpu.memory_space<semaphore_mem>>)
      %dma_wait3A_534 = arith.constant 3 : i32
      %dma_wait3A_535 = arith.constant 3 : i32
      %dma_wait3A_536 = arith.constant 0 : i32
      %dma_wait3A_537 = arith.constant 0 : i32
      %dma_wait3A_538 = tpu.memref_slice %arg9[%dma_wait3A_534, %dma_wait3A_536, %dma_wait3A_537] : memref<5x80x16xf32, #tpu.memory_space<vmem>> -> memref<1x80x16xf32, #tpu.memory_space<vmem>>
      %dma_wait3A_539 = tpu.memref_squeeze %dma_wait3A_538 : memref<1x80x16xf32, #tpu.memory_space<vmem>> -> memref<80x16xf32, #tpu.memory_space<vmem>>
      %dma_wait3A_540 = arith.constant 0 : i32
      %dma_wait3A_541 = tpu.memref_slice %arg8[%add3A_394, %dma_wait3A_540] : memref<125x80xi32, #tpu.memory_space<vmem>> -> memref<1x80xi32, #tpu.memory_space<vmem>>
      %dma_wait3A_542 = tpu.memref_squeeze %dma_wait3A_541 : memref<1x80xi32, #tpu.memory_space<vmem>> -> memref<80xi32, #tpu.memory_space<vmem>>
      %dma_wait3A_543 = arith.constant 0 : i32
      %dma_wait3A_544 = arith.constant 0 : i32
      %dma_wait3A_545 = tpu.memref_slice %arg11[%dma_wait3A_543, %dma_wait3A_544] : memref<10000x16xf32, #tpu.memory_space<vmem_shared>> -> memref<10000x16xf32, #tpu.memory_space<vmem_shared>>
      %dma_wait3A_546 = tpu.memref_slice %arg14[%dma_wait3A_535] : memref<5x!tpu.dma_semaphore, #tpu.memory_space<semaphore_mem>> -> memref<1x!tpu.dma_semaphore, #tpu.memory_space<semaphore_mem>>
      %dma_wait3A_547 = tpu.memref_squeeze %dma_wait3A_546 : memref<1x!tpu.dma_semaphore, #tpu.memory_space<semaphore_mem>> -> memref<!tpu.dma_semaphore, #tpu.memory_space<semaphore_mem>>
      tpu.wait_indirect_dma semaphore(%dma_wait3A_547 : memref<!tpu.dma_semaphore, #tpu.memory_space<semaphore_mem>>) src(%dma_wait3A_539 : memref<80x16xf32, #tpu.memory_space<vmem>>) dst(%dma_wait3A_545 : memref<10000x16xf32, #tpu.memory_space<vmem_shared>>)
      %add3A_548 = arith.constant 5 : i32
      %add3A_549 = arith.addi %mul3A_292, %add3A_548 : i32
      %add3A_550 = arith.constant 3 : i32
      %add3A_551 = arith.addi %add3A_549, %add3A_550 : i32
      %mul3A_552 = arith.constant 80 : i32
      %mul3A_553 = arith.muli %add3A_551, %mul3A_552 : i32
      %dma_start3A_554 = arith.constant 3 : i32
      %dma_start3A_555 = arith.constant 3 : i32
      %dma_start3A_556 = arith.constant 0 : i32
      %dma_start3A_557 = arith.constant 0 : i32
      %dma_start3A_558 = tpu.memref_slice %arg9[%dma_start3A_554, %dma_start3A_556, %dma_start3A_557] : memref<5x80x16xf32, #tpu.memory_space<vmem>> -> memref<1x80x16xf32, #tpu.memory_space<vmem>>
      %dma_start3A_559 = tpu.memref_squeeze %dma_start3A_558 : memref<1x80x16xf32, #tpu.memory_space<vmem>> -> memref<80x16xf32, #tpu.memory_space<vmem>>
      %dma_start3A_560 = tpu.memref_slice %arg7[%mul3A_553] : memref<10000xi32, #tpu.memory_space<vmem>> -> memref<80xi32, #tpu.memory_space<vmem>>
      %dma_start3A_561 = arith.constant 0 : i32
      %dma_start3A_562 = arith.constant 0 : i32
      %dma_start3A_563 = tpu.memref_slice %arg12[%dma_start3A_561, %dma_start3A_562] : memref<10000x16xf32, #tpu.memory_space<vmem_shared>> -> memref<10000x16xf32, #tpu.memory_space<vmem_shared>>
      %dma_start3A_564 = tpu.memref_slice %arg13[%dma_start3A_555] : memref<5x!tpu.dma_semaphore, #tpu.memory_space<semaphore_mem>> -> memref<1x!tpu.dma_semaphore, #tpu.memory_space<semaphore_mem>>
      %dma_start3A_565 = tpu.memref_squeeze %dma_start3A_564 : memref<1x!tpu.dma_semaphore, #tpu.memory_space<semaphore_mem>> -> memref<!tpu.dma_semaphore, #tpu.memory_space<semaphore_mem>>
      tpu.enqueue_indirect_dma source(%dma_start3A_563 : memref<10000x16xf32, #tpu.memory_space<vmem_shared>>) target(%dma_start3A_559 : memref<80x16xf32, #tpu.memory_space<vmem>>) offsets(%dma_start3A_560 : memref<80xi32, #tpu.memory_space<vmem>>) semaphore(%dma_start3A_565 : memref<!tpu.dma_semaphore, #tpu.memory_space<semaphore_mem>>)
      %dma_wait3A_566 = arith.constant 4 : i32
      %dma_wait3A_567 = arith.constant 4 : i32
      %dma_wait3A_568 = arith.constant 0 : i32
      %dma_wait3A_569 = arith.constant 0 : i32
      %dma_wait3A_570 = tpu.memref_slice %arg9[%dma_wait3A_566, %dma_wait3A_568, %dma_wait3A_569] : memref<5x80x16xf32, #tpu.memory_space<vmem>> -> memref<1x80x16xf32, #tpu.memory_space<vmem>>
      %dma_wait3A_571 = tpu.memref_squeeze %dma_wait3A_570 : memref<1x80x16xf32, #tpu.memory_space<vmem>> -> memref<80x16xf32, #tpu.memory_space<vmem>>
      %dma_wait3A_572 = arith.constant 0 : i32
      %dma_wait3A_573 = tpu.memref_slice %arg8[%add3A_423, %dma_wait3A_572] : memref<125x80xi32, #tpu.memory_space<vmem>> -> memref<1x80xi32, #tpu.memory_space<vmem>>
      %dma_wait3A_574 = tpu.memref_squeeze %dma_wait3A_573 : memref<1x80xi32, #tpu.memory_space<vmem>> -> memref<80xi32, #tpu.memory_space<vmem>>
      %dma_wait3A_575 = arith.constant 0 : i32
      %dma_wait3A_576 = arith.constant 0 : i32
      %dma_wait3A_577 = tpu.memref_slice %arg11[%dma_wait3A_575, %dma_wait3A_576] : memref<10000x16xf32, #tpu.memory_space<vmem_shared>> -> memref<10000x16xf32, #tpu.memory_space<vmem_shared>>
      %dma_wait3A_578 = tpu.memref_slice %arg14[%dma_wait3A_567] : memref<5x!tpu.dma_semaphore, #tpu.memory_space<semaphore_mem>> -> memref<1x!tpu.dma_semaphore, #tpu.memory_space<semaphore_mem>>
      %dma_wait3A_579 = tpu.memref_squeeze %dma_wait3A_578 : memref<1x!tpu.dma_semaphore, #tpu.memory_space<semaphore_mem>> -> memref<!tpu.dma_semaphore, #tpu.memory_space<semaphore_mem>>
      tpu.wait_indirect_dma semaphore(%dma_wait3A_579 : memref<!tpu.dma_semaphore, #tpu.memory_space<semaphore_mem>>) src(%dma_wait3A_571 : memref<80x16xf32, #tpu.memory_space<vmem>>) dst(%dma_wait3A_577 : memref<10000x16xf32, #tpu.memory_space<vmem_shared>>)
      %add3A_580 = arith.constant 5 : i32
      %add3A_581 = arith.addi %mul3A_292, %add3A_580 : i32
      %add3A_582 = arith.constant 4 : i32
      %add3A_583 = arith.addi %add3A_581, %add3A_582 : i32
      %mul3A_584 = arith.constant 80 : i32
      %mul3A_585 = arith.muli %add3A_583, %mul3A_584 : i32
      %dma_start3A_586 = arith.constant 4 : i32
      %dma_start3A_587 = arith.constant 4 : i32
      %dma_start3A_588 = arith.constant 0 : i32
      %dma_start3A_589 = arith.constant 0 : i32
      %dma_start3A_590 = tpu.memref_slice %arg9[%dma_start3A_586, %dma_start3A_588, %dma_start3A_589] : memref<5x80x16xf32, #tpu.memory_space<vmem>> -> memref<1x80x16xf32, #tpu.memory_space<vmem>>
      %dma_start3A_591 = tpu.memref_squeeze %dma_start3A_590 : memref<1x80x16xf32, #tpu.memory_space<vmem>> -> memref<80x16xf32, #tpu.memory_space<vmem>>
      %dma_start3A_592 = tpu.memref_slice %arg7[%mul3A_585] : memref<10000xi32, #tpu.memory_space<vmem>> -> memref<80xi32, #tpu.memory_space<vmem>>
      %dma_start3A_593 = arith.constant 0 : i32
      %dma_start3A_594 = arith.constant 0 : i32
      %dma_start3A_595 = tpu.memref_slice %arg12[%dma_start3A_593, %dma_start3A_594] : memref<10000x16xf32, #tpu.memory_space<vmem_shared>> -> memref<10000x16xf32, #tpu.memory_space<vmem_shared>>
      %dma_start3A_596 = tpu.memref_slice %arg13[%dma_start3A_587] : memref<5x!tpu.dma_semaphore, #tpu.memory_space<semaphore_mem>> -> memref<1x!tpu.dma_semaphore, #tpu.memory_space<semaphore_mem>>
      %dma_start3A_597 = tpu.memref_squeeze %dma_start3A_596 : memref<1x!tpu.dma_semaphore, #tpu.memory_space<semaphore_mem>> -> memref<!tpu.dma_semaphore, #tpu.memory_space<semaphore_mem>>
      tpu.enqueue_indirect_dma source(%dma_start3A_595 : memref<10000x16xf32, #tpu.memory_space<vmem_shared>>) target(%dma_start3A_591 : memref<80x16xf32, #tpu.memory_space<vmem>>) offsets(%dma_start3A_592 : memref<80xi32, #tpu.memory_space<vmem>>) semaphore(%dma_start3A_597 : memref<!tpu.dma_semaphore, #tpu.memory_space<semaphore_mem>>)
    }
    %scan3A_70 = arith.constant 24 : i32
    %dma_wait3A = arith.constant 0 : i32
    %dma_wait3A_71 = arith.constant 0 : i32
    %dma_wait3A_72 = arith.constant 0 : i32
    %dma_wait3A_73 = arith.constant 0 : i32
    %dma_wait3A_74 = tpu.memref_slice %arg9[%dma_wait3A, %dma_wait3A_72, %dma_wait3A_73] : memref<5x80x16xf32, #tpu.memory_space<vmem>> -> memref<1x80x16xf32, #tpu.memory_space<vmem>>
    %dma_wait3A_75 = tpu.memref_squeeze %dma_wait3A_74 : memref<1x80x16xf32, #tpu.memory_space<vmem>> -> memref<80x16xf32, #tpu.memory_space<vmem>>
    %dma_wait3A_76 = arith.constant 0 : i32
    %dma_wait3A_77 = tpu.memref_slice %arg7[%dma_wait3A_76] : memref<10000xi32, #tpu.memory_space<vmem>> -> memref<80xi32, #tpu.memory_space<vmem>>
    %dma_wait3A_78 = arith.constant 0 : i32
    %dma_wait3A_79 = arith.constant 0 : i32
    %dma_wait3A_80 = tpu.memref_slice %arg2[%dma_wait3A_78, %dma_wait3A_79] : memref<10000x16xf32, #tpu.memory_space<hbm>> -> memref<10000x16xf32, #tpu.memory_space<hbm>>
    %dma_wait3A_81 = tpu.memref_slice %arg13[%dma_wait3A_71] : memref<5x!tpu.dma_semaphore, #tpu.memory_space<semaphore_mem>> -> memref<1x!tpu.dma_semaphore, #tpu.memory_space<semaphore_mem>>
    %dma_wait3A_82 = tpu.memref_squeeze %dma_wait3A_81 : memref<1x!tpu.dma_semaphore, #tpu.memory_space<semaphore_mem>> -> memref<!tpu.dma_semaphore, #tpu.memory_space<semaphore_mem>>
    tpu.wait_indirect_dma semaphore(%dma_wait3A_82 : memref<!tpu.dma_semaphore, #tpu.memory_space<semaphore_mem>>) src(%dma_wait3A_80 : memref<10000x16xf32, #tpu.memory_space<hbm>>) dst(%dma_wait3A_75 : memref<80x16xf32, #tpu.memory_space<vmem>>)
    %dma_start3A_83 = arith.constant 0 : i32
    %dma_start3A_84 = arith.constant 120 : i32
    %dma_start3A_85 = arith.constant 0 : i32
    %dma_start3A_86 = arith.constant 0 : i32
    %dma_start3A_87 = arith.constant 0 : i32
    %dma_start3A_88 = tpu.memref_slice %arg9[%dma_start3A_83, %dma_start3A_86, %dma_start3A_87] : memref<5x80x16xf32, #tpu.memory_space<vmem>> -> memref<1x80x16xf32, #tpu.memory_space<vmem>>
    %dma_start3A_89 = tpu.memref_squeeze %dma_start3A_88 : memref<1x80x16xf32, #tpu.memory_space<vmem>> -> memref<80x16xf32, #tpu.memory_space<vmem>>
    %dma_start3A_90 = arith.constant 0 : i32
    %dma_start3A_91 = tpu.memref_slice %arg8[%dma_start3A_84, %dma_start3A_90] : memref<125x80xi32, #tpu.memory_space<vmem>> -> memref<1x80xi32, #tpu.memory_space<vmem>>
    %dma_start3A_92 = tpu.memref_squeeze %dma_start3A_91 : memref<1x80xi32, #tpu.memory_space<vmem>> -> memref<80xi32, #tpu.memory_space<vmem>>
    %dma_start3A_93 = arith.constant 0 : i32
    %dma_start3A_94 = arith.constant 0 : i32
    %dma_start3A_95 = tpu.memref_slice %arg11[%dma_start3A_93, %dma_start3A_94] : memref<10000x16xf32, #tpu.memory_space<vmem_shared>> -> memref<10000x16xf32, #tpu.memory_space<vmem_shared>>
    %dma_start3A_96 = tpu.memref_slice %arg14[%dma_start3A_85] : memref<5x!tpu.dma_semaphore, #tpu.memory_space<semaphore_mem>> -> memref<1x!tpu.dma_semaphore, #tpu.memory_space<semaphore_mem>>
    %dma_start3A_97 = tpu.memref_squeeze %dma_start3A_96 : memref<1x!tpu.dma_semaphore, #tpu.memory_space<semaphore_mem>> -> memref<!tpu.dma_semaphore, #tpu.memory_space<semaphore_mem>>
    tpu.enqueue_indirect_dma source(%dma_start3A_89 : memref<80x16xf32, #tpu.memory_space<vmem>>) target(%dma_start3A_95 : memref<10000x16xf32, #tpu.memory_space<vmem_shared>>) offsets(%dma_start3A_92 : memref<80xi32, #tpu.memory_space<vmem>>) semaphore(%dma_start3A_97 : memref<!tpu.dma_semaphore, #tpu.memory_space<semaphore_mem>>) {add = true}
    %dma_wait3A_98 = arith.constant 1 : i32
    %dma_wait3A_99 = arith.constant 1 : i32
    %dma_wait3A_100 = arith.constant 0 : i32
    %dma_wait3A_101 = arith.constant 0 : i32
    %dma_wait3A_102 = tpu.memref_slice %arg9[%dma_wait3A_98, %dma_wait3A_100, %dma_wait3A_101] : memref<5x80x16xf32, #tpu.memory_space<vmem>> -> memref<1x80x16xf32, #tpu.memory_space<vmem>>
    %dma_wait3A_103 = tpu.memref_squeeze %dma_wait3A_102 : memref<1x80x16xf32, #tpu.memory_space<vmem>> -> memref<80x16xf32, #tpu.memory_space<vmem>>
    %dma_wait3A_104 = arith.constant 0 : i32
    %dma_wait3A_105 = tpu.memref_slice %arg7[%dma_wait3A_104] : memref<10000xi32, #tpu.memory_space<vmem>> -> memref<80xi32, #tpu.memory_space<vmem>>
    %dma_wait3A_106 = arith.constant 0 : i32
    %dma_wait3A_107 = arith.constant 0 : i32
    %dma_wait3A_108 = tpu.memref_slice %arg2[%dma_wait3A_106, %dma_wait3A_107] : memref<10000x16xf32, #tpu.memory_space<hbm>> -> memref<10000x16xf32, #tpu.memory_space<hbm>>
    %dma_wait3A_109 = tpu.memref_slice %arg13[%dma_wait3A_99] : memref<5x!tpu.dma_semaphore, #tpu.memory_space<semaphore_mem>> -> memref<1x!tpu.dma_semaphore, #tpu.memory_space<semaphore_mem>>
    %dma_wait3A_110 = tpu.memref_squeeze %dma_wait3A_109 : memref<1x!tpu.dma_semaphore, #tpu.memory_space<semaphore_mem>> -> memref<!tpu.dma_semaphore, #tpu.memory_space<semaphore_mem>>
    tpu.wait_indirect_dma semaphore(%dma_wait3A_110 : memref<!tpu.dma_semaphore, #tpu.memory_space<semaphore_mem>>) src(%dma_wait3A_108 : memref<10000x16xf32, #tpu.memory_space<hbm>>) dst(%dma_wait3A_103 : memref<80x16xf32, #tpu.memory_space<vmem>>)
    %dma_start3A_111 = arith.constant 1 : i32
    %dma_start3A_112 = arith.constant 121 : i32
    %dma_start3A_113 = arith.constant 1 : i32
    %dma_start3A_114 = arith.constant 0 : i32
    %dma_start3A_115 = arith.constant 0 : i32
    %dma_start3A_116 = tpu.memref_slice %arg9[%dma_start3A_111, %dma_start3A_114, %dma_start3A_115] : memref<5x80x16xf32, #tpu.memory_space<vmem>> -> memref<1x80x16xf32, #tpu.memory_space<vmem>>
    %dma_start3A_117 = tpu.memref_squeeze %dma_start3A_116 : memref<1x80x16xf32, #tpu.memory_space<vmem>> -> memref<80x16xf32, #tpu.memory_space<vmem>>
    %dma_start3A_118 = arith.constant 0 : i32
    %dma_start3A_119 = tpu.memref_slice %arg8[%dma_start3A_112, %dma_start3A_118] : memref<125x80xi32, #tpu.memory_space<vmem>> -> memref<1x80xi32, #tpu.memory_space<vmem>>
    %dma_start3A_120 = tpu.memref_squeeze %dma_start3A_119 : memref<1x80xi32, #tpu.memory_space<vmem>> -> memref<80xi32, #tpu.memory_space<vmem>>
    %dma_start3A_121 = arith.constant 0 : i32
    %dma_start3A_122 = arith.constant 0 : i32
    %dma_start3A_123 = tpu.memref_slice %arg11[%dma_start3A_121, %dma_start3A_122] : memref<10000x16xf32, #tpu.memory_space<vmem_shared>> -> memref<10000x16xf32, #tpu.memory_space<vmem_shared>>
    %dma_start3A_124 = tpu.memref_slice %arg14[%dma_start3A_113] : memref<5x!tpu.dma_semaphore, #tpu.memory_space<semaphore_mem>> -> memref<1x!tpu.dma_semaphore, #tpu.memory_space<semaphore_mem>>
    %dma_start3A_125 = tpu.memref_squeeze %dma_start3A_124 : memref<1x!tpu.dma_semaphore, #tpu.memory_space<semaphore_mem>> -> memref<!tpu.dma_semaphore, #tpu.memory_space<semaphore_mem>>
    tpu.enqueue_indirect_dma source(%dma_start3A_117 : memref<80x16xf32, #tpu.memory_space<vmem>>) target(%dma_start3A_123 : memref<10000x16xf32, #tpu.memory_space<vmem_shared>>) offsets(%dma_start3A_120 : memref<80xi32, #tpu.memory_space<vmem>>) semaphore(%dma_start3A_125 : memref<!tpu.dma_semaphore, #tpu.memory_space<semaphore_mem>>) {add = true}
    %dma_wait3A_126 = arith.constant 2 : i32
    %dma_wait3A_127 = arith.constant 2 : i32
    %dma_wait3A_128 = arith.constant 0 : i32
    %dma_wait3A_129 = arith.constant 0 : i32
    %dma_wait3A_130 = tpu.memref_slice %arg9[%dma_wait3A_126, %dma_wait3A_128, %dma_wait3A_129] : memref<5x80x16xf32, #tpu.memory_space<vmem>> -> memref<1x80x16xf32, #tpu.memory_space<vmem>>
    %dma_wait3A_131 = tpu.memref_squeeze %dma_wait3A_130 : memref<1x80x16xf32, #tpu.memory_space<vmem>> -> memref<80x16xf32, #tpu.memory_space<vmem>>
    %dma_wait3A_132 = arith.constant 0 : i32
    %dma_wait3A_133 = tpu.memref_slice %arg7[%dma_wait3A_132] : memref<10000xi32, #tpu.memory_space<vmem>> -> memref<80xi32, #tpu.memory_space<vmem>>
    %dma_wait3A_134 = arith.constant 0 : i32
    %dma_wait3A_135 = arith.constant 0 : i32
    %dma_wait3A_136 = tpu.memref_slice %arg12[%dma_wait3A_134, %dma_wait3A_135] : memref<10000x16xf32, #tpu.memory_space<vmem_shared>> -> memref<10000x16xf32, #tpu.memory_space<vmem_shared>>
    %dma_wait3A_137 = tpu.memref_slice %arg13[%dma_wait3A_127] : memref<5x!tpu.dma_semaphore, #tpu.memory_space<semaphore_mem>> -> memref<1x!tpu.dma_semaphore, #tpu.memory_space<semaphore_mem>>
    %dma_wait3A_138 = tpu.memref_squeeze %dma_wait3A_137 : memref<1x!tpu.dma_semaphore, #tpu.memory_space<semaphore_mem>> -> memref<!tpu.dma_semaphore, #tpu.memory_space<semaphore_mem>>
    tpu.wait_indirect_dma semaphore(%dma_wait3A_138 : memref<!tpu.dma_semaphore, #tpu.memory_space<semaphore_mem>>) src(%dma_wait3A_136 : memref<10000x16xf32, #tpu.memory_space<vmem_shared>>) dst(%dma_wait3A_131 : memref<80x16xf32, #tpu.memory_space<vmem>>)
    %dma_start3A_139 = arith.constant 2 : i32
    %dma_start3A_140 = arith.constant 122 : i32
    %dma_start3A_141 = arith.constant 2 : i32
    %dma_start3A_142 = arith.constant 0 : i32
    %dma_start3A_143 = arith.constant 0 : i32
    %dma_start3A_144 = tpu.memref_slice %arg9[%dma_start3A_139, %dma_start3A_142, %dma_start3A_143] : memref<5x80x16xf32, #tpu.memory_space<vmem>> -> memref<1x80x16xf32, #tpu.memory_space<vmem>>
    %dma_start3A_145 = tpu.memref_squeeze %dma_start3A_144 : memref<1x80x16xf32, #tpu.memory_space<vmem>> -> memref<80x16xf32, #tpu.memory_space<vmem>>
    %dma_start3A_146 = arith.constant 0 : i32
    %dma_start3A_147 = tpu.memref_slice %arg8[%dma_start3A_140, %dma_start3A_146] : memref<125x80xi32, #tpu.memory_space<vmem>> -> memref<1x80xi32, #tpu.memory_space<vmem>>
    %dma_start3A_148 = tpu.memref_squeeze %dma_start3A_147 : memref<1x80xi32, #tpu.memory_space<vmem>> -> memref<80xi32, #tpu.memory_space<vmem>>
    %dma_start3A_149 = arith.constant 0 : i32
    %dma_start3A_150 = arith.constant 0 : i32
    %dma_start3A_151 = tpu.memref_slice %arg11[%dma_start3A_149, %dma_start3A_150] : memref<10000x16xf32, #tpu.memory_space<vmem_shared>> -> memref<10000x16xf32, #tpu.memory_space<vmem_shared>>
    %dma_start3A_152 = tpu.memref_slice %arg14[%dma_start3A_141] : memref<5x!tpu.dma_semaphore, #tpu.memory_space<semaphore_mem>> -> memref<1x!tpu.dma_semaphore, #tpu.memory_space<semaphore_mem>>
    %dma_start3A_153 = tpu.memref_squeeze %dma_start3A_152 : memref<1x!tpu.dma_semaphore, #tpu.memory_space<semaphore_mem>> -> memref<!tpu.dma_semaphore, #tpu.memory_space<semaphore_mem>>
    tpu.enqueue_indirect_dma source(%dma_start3A_145 : memref<80x16xf32, #tpu.memory_space<vmem>>) target(%dma_start3A_151 : memref<10000x16xf32, #tpu.memory_space<vmem_shared>>) offsets(%dma_start3A_148 : memref<80xi32, #tpu.memory_space<vmem>>) semaphore(%dma_start3A_153 : memref<!tpu.dma_semaphore, #tpu.memory_space<semaphore_mem>>) {add = true}
    %dma_wait3A_154 = arith.constant 3 : i32
    %dma_wait3A_155 = arith.constant 3 : i32
    %dma_wait3A_156 = arith.constant 0 : i32
    %dma_wait3A_157 = arith.constant 0 : i32
    %dma_wait3A_158 = tpu.memref_slice %arg9[%dma_wait3A_154, %dma_wait3A_156, %dma_wait3A_157] : memref<5x80x16xf32, #tpu.memory_space<vmem>> -> memref<1x80x16xf32, #tpu.memory_space<vmem>>
    %dma_wait3A_159 = tpu.memref_squeeze %dma_wait3A_158 : memref<1x80x16xf32, #tpu.memory_space<vmem>> -> memref<80x16xf32, #tpu.memory_space<vmem>>
    %dma_wait3A_160 = arith.constant 0 : i32
    %dma_wait3A_161 = tpu.memref_slice %arg7[%dma_wait3A_160] : memref<10000xi32, #tpu.memory_space<vmem>> -> memref<80xi32, #tpu.memory_space<vmem>>
    %dma_wait3A_162 = arith.constant 0 : i32
    %dma_wait3A_163 = arith.constant 0 : i32
    %dma_wait3A_164 = tpu.memref_slice %arg12[%dma_wait3A_162, %dma_wait3A_163] : memref<10000x16xf32, #tpu.memory_space<vmem_shared>> -> memref<10000x16xf32, #tpu.memory_space<vmem_shared>>
    %dma_wait3A_165 = tpu.memref_slice %arg13[%dma_wait3A_155] : memref<5x!tpu.dma_semaphore, #tpu.memory_space<semaphore_mem>> -> memref<1x!tpu.dma_semaphore, #tpu.memory_space<semaphore_mem>>
    %dma_wait3A_166 = tpu.memref_squeeze %dma_wait3A_165 : memref<1x!tpu.dma_semaphore, #tpu.memory_space<semaphore_mem>> -> memref<!tpu.dma_semaphore, #tpu.memory_space<semaphore_mem>>
    tpu.wait_indirect_dma semaphore(%dma_wait3A_166 : memref<!tpu.dma_semaphore, #tpu.memory_space<semaphore_mem>>) src(%dma_wait3A_164 : memref<10000x16xf32, #tpu.memory_space<vmem_shared>>) dst(%dma_wait3A_159 : memref<80x16xf32, #tpu.memory_space<vmem>>)
    %dma_start3A_167 = arith.constant 3 : i32
    %dma_start3A_168 = arith.constant 123 : i32
    %dma_start3A_169 = arith.constant 3 : i32
    %dma_start3A_170 = arith.constant 0 : i32
    %dma_start3A_171 = arith.constant 0 : i32
    %dma_start3A_172 = tpu.memref_slice %arg9[%dma_start3A_167, %dma_start3A_170, %dma_start3A_171] : memref<5x80x16xf32, #tpu.memory_space<vmem>> -> memref<1x80x16xf32, #tpu.memory_space<vmem>>
    %dma_start3A_173 = tpu.memref_squeeze %dma_start3A_172 : memref<1x80x16xf32, #tpu.memory_space<vmem>> -> memref<80x16xf32, #tpu.memory_space<vmem>>
    %dma_start3A_174 = arith.constant 0 : i32
    %dma_start3A_175 = tpu.memref_slice %arg8[%dma_start3A_168, %dma_start3A_174] : memref<125x80xi32, #tpu.memory_space<vmem>> -> memref<1x80xi32, #tpu.memory_space<vmem>>
    %dma_start3A_176 = tpu.memref_squeeze %dma_start3A_175 : memref<1x80xi32, #tpu.memory_space<vmem>> -> memref<80xi32, #tpu.memory_space<vmem>>
    %dma_start3A_177 = arith.constant 0 : i32
    %dma_start3A_178 = arith.constant 0 : i32
    %dma_start3A_179 = tpu.memref_slice %arg11[%dma_start3A_177, %dma_start3A_178] : memref<10000x16xf32, #tpu.memory_space<vmem_shared>> -> memref<10000x16xf32, #tpu.memory_space<vmem_shared>>
    %dma_start3A_180 = tpu.memref_slice %arg14[%dma_start3A_169] : memref<5x!tpu.dma_semaphore, #tpu.memory_space<semaphore_mem>> -> memref<1x!tpu.dma_semaphore, #tpu.memory_space<semaphore_mem>>
    %dma_start3A_181 = tpu.memref_squeeze %dma_start3A_180 : memref<1x!tpu.dma_semaphore, #tpu.memory_space<semaphore_mem>> -> memref<!tpu.dma_semaphore, #tpu.memory_space<semaphore_mem>>
    tpu.enqueue_indirect_dma source(%dma_start3A_173 : memref<80x16xf32, #tpu.memory_space<vmem>>) target(%dma_start3A_179 : memref<10000x16xf32, #tpu.memory_space<vmem_shared>>) offsets(%dma_start3A_176 : memref<80xi32, #tpu.memory_space<vmem>>) semaphore(%dma_start3A_181 : memref<!tpu.dma_semaphore, #tpu.memory_space<semaphore_mem>>) {add = true}
    %dma_wait3A_182 = arith.constant 4 : i32
    %dma_wait3A_183 = arith.constant 4 : i32
    %dma_wait3A_184 = arith.constant 0 : i32
    %dma_wait3A_185 = arith.constant 0 : i32
    %dma_wait3A_186 = tpu.memref_slice %arg9[%dma_wait3A_182, %dma_wait3A_184, %dma_wait3A_185] : memref<5x80x16xf32, #tpu.memory_space<vmem>> -> memref<1x80x16xf32, #tpu.memory_space<vmem>>
    %dma_wait3A_187 = tpu.memref_squeeze %dma_wait3A_186 : memref<1x80x16xf32, #tpu.memory_space<vmem>> -> memref<80x16xf32, #tpu.memory_space<vmem>>
    %dma_wait3A_188 = arith.constant 0 : i32
    %dma_wait3A_189 = tpu.memref_slice %arg7[%dma_wait3A_188] : memref<10000xi32, #tpu.memory_space<vmem>> -> memref<80xi32, #tpu.memory_space<vmem>>
    %dma_wait3A_190 = arith.constant 0 : i32
    %dma_wait3A_191 = arith.constant 0 : i32
    %dma_wait3A_192 = tpu.memref_slice %arg12[%dma_wait3A_190, %dma_wait3A_191] : memref<10000x16xf32, #tpu.memory_space<vmem_shared>> -> memref<10000x16xf32, #tpu.memory_space<vmem_shared>>
    %dma_wait3A_193 = tpu.memref_slice %arg13[%dma_wait3A_183] : memref<5x!tpu.dma_semaphore, #tpu.memory_space<semaphore_mem>> -> memref<1x!tpu.dma_semaphore, #tpu.memory_space<semaphore_mem>>
    %dma_wait3A_194 = tpu.memref_squeeze %dma_wait3A_193 : memref<1x!tpu.dma_semaphore, #tpu.memory_space<semaphore_mem>> -> memref<!tpu.dma_semaphore, #tpu.memory_space<semaphore_mem>>
    tpu.wait_indirect_dma semaphore(%dma_wait3A_194 : memref<!tpu.dma_semaphore, #tpu.memory_space<semaphore_mem>>) src(%dma_wait3A_192 : memref<10000x16xf32, #tpu.memory_space<vmem_shared>>) dst(%dma_wait3A_187 : memref<80x16xf32, #tpu.memory_space<vmem>>)
    %dma_start3A_195 = arith.constant 4 : i32
    %dma_start3A_196 = arith.constant 124 : i32
    %dma_start3A_197 = arith.constant 4 : i32
    %dma_start3A_198 = arith.constant 0 : i32
    %dma_start3A_199 = arith.constant 0 : i32
    %dma_start3A_200 = tpu.memref_slice %arg9[%dma_start3A_195, %dma_start3A_198, %dma_start3A_199] : memref<5x80x16xf32, #tpu.memory_space<vmem>> -> memref<1x80x16xf32, #tpu.memory_space<vmem>>
    %dma_start3A_201 = tpu.memref_squeeze %dma_start3A_200 : memref<1x80x16xf32, #tpu.memory_space<vmem>> -> memref<80x16xf32, #tpu.memory_space<vmem>>
    %dma_start3A_202 = arith.constant 0 : i32
    %dma_start3A_203 = tpu.memref_slice %arg8[%dma_start3A_196, %dma_start3A_202] : memref<125x80xi32, #tpu.memory_space<vmem>> -> memref<1x80xi32, #tpu.memory_space<vmem>>
    %dma_start3A_204 = tpu.memref_squeeze %dma_start3A_203 : memref<1x80xi32, #tpu.memory_space<vmem>> -> memref<80xi32, #tpu.memory_space<vmem>>
    %dma_start3A_205 = arith.constant 0 : i32
    %dma_start3A_206 = arith.constant 0 : i32
    %dma_start3A_207 = tpu.memref_slice %arg11[%dma_start3A_205, %dma_start3A_206] : memref<10000x16xf32, #tpu.memory_space<vmem_shared>> -> memref<10000x16xf32, #tpu.memory_space<vmem_shared>>
    %dma_start3A_208 = tpu.memref_slice %arg14[%dma_start3A_197] : memref<5x!tpu.dma_semaphore, #tpu.memory_space<semaphore_mem>> -> memref<1x!tpu.dma_semaphore, #tpu.memory_space<semaphore_mem>>
    %dma_start3A_209 = tpu.memref_squeeze %dma_start3A_208 : memref<1x!tpu.dma_semaphore, #tpu.memory_space<semaphore_mem>> -> memref<!tpu.dma_semaphore, #tpu.memory_space<semaphore_mem>>
    tpu.enqueue_indirect_dma source(%dma_start3A_201 : memref<80x16xf32, #tpu.memory_space<vmem>>) target(%dma_start3A_207 : memref<10000x16xf32, #tpu.memory_space<vmem_shared>>) offsets(%dma_start3A_204 : memref<80xi32, #tpu.memory_space<vmem>>) semaphore(%dma_start3A_209 : memref<!tpu.dma_semaphore, #tpu.memory_space<semaphore_mem>>) {add = true}
    %dma_wait3A_210 = arith.constant 0 : i32
    %dma_wait3A_211 = arith.constant 120 : i32
    %dma_wait3A_212 = arith.constant 0 : i32
    %dma_wait3A_213 = arith.constant 0 : i32
    %dma_wait3A_214 = arith.constant 0 : i32
    %dma_wait3A_215 = tpu.memref_slice %arg9[%dma_wait3A_210, %dma_wait3A_213, %dma_wait3A_214] : memref<5x80x16xf32, #tpu.memory_space<vmem>> -> memref<1x80x16xf32, #tpu.memory_space<vmem>>
    %dma_wait3A_216 = tpu.memref_squeeze %dma_wait3A_215 : memref<1x80x16xf32, #tpu.memory_space<vmem>> -> memref<80x16xf32, #tpu.memory_space<vmem>>
    %dma_wait3A_217 = arith.constant 0 : i32
    %dma_wait3A_218 = tpu.memref_slice %arg8[%dma_wait3A_211, %dma_wait3A_217] : memref<125x80xi32, #tpu.memory_space<vmem>> -> memref<1x80xi32, #tpu.memory_space<vmem>>
    %dma_wait3A_219 = tpu.memref_squeeze %dma_wait3A_218 : memref<1x80xi32, #tpu.memory_space<vmem>> -> memref<80xi32, #tpu.memory_space<vmem>>
    %dma_wait3A_220 = arith.constant 0 : i32
    %dma_wait3A_221 = arith.constant 0 : i32
    %dma_wait3A_222 = tpu.memref_slice %arg11[%dma_wait3A_220, %dma_wait3A_221] : memref<10000x16xf32, #tpu.memory_space<vmem_shared>> -> memref<10000x16xf32, #tpu.memory_space<vmem_shared>>
    %dma_wait3A_223 = tpu.memref_slice %arg14[%dma_wait3A_212] : memref<5x!tpu.dma_semaphore, #tpu.memory_space<semaphore_mem>> -> memref<1x!tpu.dma_semaphore, #tpu.memory_space<semaphore_mem>>
    %dma_wait3A_224 = tpu.memref_squeeze %dma_wait3A_223 : memref<1x!tpu.dma_semaphore, #tpu.memory_space<semaphore_mem>> -> memref<!tpu.dma_semaphore, #tpu.memory_space<semaphore_mem>>
    tpu.wait_indirect_dma semaphore(%dma_wait3A_224 : memref<!tpu.dma_semaphore, #tpu.memory_space<semaphore_mem>>) src(%dma_wait3A_216 : memref<80x16xf32, #tpu.memory_space<vmem>>) dst(%dma_wait3A_222 : memref<10000x16xf32, #tpu.memory_space<vmem_shared>>)
    %dma_wait3A_225 = arith.constant 1 : i32
    %dma_wait3A_226 = arith.constant 121 : i32
    %dma_wait3A_227 = arith.constant 1 : i32
    %dma_wait3A_228 = arith.constant 0 : i32
    %dma_wait3A_229 = arith.constant 0 : i32
    %dma_wait3A_230 = tpu.memref_slice %arg9[%dma_wait3A_225, %dma_wait3A_228, %dma_wait3A_229] : memref<5x80x16xf32, #tpu.memory_space<vmem>> -> memref<1x80x16xf32, #tpu.memory_space<vmem>>
    %dma_wait3A_231 = tpu.memref_squeeze %dma_wait3A_230 : memref<1x80x16xf32, #tpu.memory_space<vmem>> -> memref<80x16xf32, #tpu.memory_space<vmem>>
    %dma_wait3A_232 = arith.constant 0 : i32
    %dma_wait3A_233 = tpu.memref_slice %arg8[%dma_wait3A_226, %dma_wait3A_232] : memref<125x80xi32, #tpu.memory_space<vmem>> -> memref<1x80xi32, #tpu.memory_space<vmem>>
    %dma_wait3A_234 = tpu.memref_squeeze %dma_wait3A_233 : memref<1x80xi32, #tpu.memory_space<vmem>> -> memref<80xi32, #tpu.memory_space<vmem>>
    %dma_wait3A_235 = arith.constant 0 : i32
    %dma_wait3A_236 = arith.constant 0 : i32
    %dma_wait3A_237 = tpu.memref_slice %arg11[%dma_wait3A_235, %dma_wait3A_236] : memref<10000x16xf32, #tpu.memory_space<vmem_shared>> -> memref<10000x16xf32, #tpu.memory_space<vmem_shared>>
    %dma_wait3A_238 = tpu.memref_slice %arg14[%dma_wait3A_227] : memref<5x!tpu.dma_semaphore, #tpu.memory_space<semaphore_mem>> -> memref<1x!tpu.dma_semaphore, #tpu.memory_space<semaphore_mem>>
    %dma_wait3A_239 = tpu.memref_squeeze %dma_wait3A_238 : memref<1x!tpu.dma_semaphore, #tpu.memory_space<semaphore_mem>> -> memref<!tpu.dma_semaphore, #tpu.memory_space<semaphore_mem>>
    tpu.wait_indirect_dma semaphore(%dma_wait3A_239 : memref<!tpu.dma_semaphore, #tpu.memory_space<semaphore_mem>>) src(%dma_wait3A_231 : memref<80x16xf32, #tpu.memory_space<vmem>>) dst(%dma_wait3A_237 : memref<10000x16xf32, #tpu.memory_space<vmem_shared>>)
    %dma_wait3A_240 = arith.constant 2 : i32
    %dma_wait3A_241 = arith.constant 122 : i32
    %dma_wait3A_242 = arith.constant 2 : i32
    %dma_wait3A_243 = arith.constant 0 : i32
    %dma_wait3A_244 = arith.constant 0 : i32
    %dma_wait3A_245 = tpu.memref_slice %arg9[%dma_wait3A_240, %dma_wait3A_243, %dma_wait3A_244] : memref<5x80x16xf32, #tpu.memory_space<vmem>> -> memref<1x80x16xf32, #tpu.memory_space<vmem>>
    %dma_wait3A_246 = tpu.memref_squeeze %dma_wait3A_245 : memref<1x80x16xf32, #tpu.memory_space<vmem>> -> memref<80x16xf32, #tpu.memory_space<vmem>>
    %dma_wait3A_247 = arith.constant 0 : i32
    %dma_wait3A_248 = tpu.memref_slice %arg8[%dma_wait3A_241, %dma_wait3A_247] : memref<125x80xi32, #tpu.memory_space<vmem>> -> memref<1x80xi32, #tpu.memory_space<vmem>>
    %dma_wait3A_249 = tpu.memref_squeeze %dma_wait3A_248 : memref<1x80xi32, #tpu.memory_space<vmem>> -> memref<80xi32, #tpu.memory_space<vmem>>
    %dma_wait3A_250 = arith.constant 0 : i32
    %dma_wait3A_251 = arith.constant 0 : i32
    %dma_wait3A_252 = tpu.memref_slice %arg11[%dma_wait3A_250, %dma_wait3A_251] : memref<10000x16xf32, #tpu.memory_space<vmem_shared>> -> memref<10000x16xf32, #tpu.memory_space<vmem_shared>>
    %dma_wait3A_253 = tpu.memref_slice %arg14[%dma_wait3A_242] : memref<5x!tpu.dma_semaphore, #tpu.memory_space<semaphore_mem>> -> memref<1x!tpu.dma_semaphore, #tpu.memory_space<semaphore_mem>>
    %dma_wait3A_254 = tpu.memref_squeeze %dma_wait3A_253 : memref<1x!tpu.dma_semaphore, #tpu.memory_space<semaphore_mem>> -> memref<!tpu.dma_semaphore, #tpu.memory_space<semaphore_mem>>
    tpu.wait_indirect_dma semaphore(%dma_wait3A_254 : memref<!tpu.dma_semaphore, #tpu.memory_space<semaphore_mem>>) src(%dma_wait3A_246 : memref<80x16xf32, #tpu.memory_space<vmem>>) dst(%dma_wait3A_252 : memref<10000x16xf32, #tpu.memory_space<vmem_shared>>)
    %dma_wait3A_255 = arith.constant 3 : i32
    %dma_wait3A_256 = arith.constant 123 : i32
    %dma_wait3A_257 = arith.constant 3 : i32
    %dma_wait3A_258 = arith.constant 0 : i32
    %dma_wait3A_259 = arith.constant 0 : i32
    %dma_wait3A_260 = tpu.memref_slice %arg9[%dma_wait3A_255, %dma_wait3A_258, %dma_wait3A_259] : memref<5x80x16xf32, #tpu.memory_space<vmem>> -> memref<1x80x16xf32, #tpu.memory_space<vmem>>
    %dma_wait3A_261 = tpu.memref_squeeze %dma_wait3A_260 : memref<1x80x16xf32, #tpu.memory_space<vmem>> -> memref<80x16xf32, #tpu.memory_space<vmem>>
    %dma_wait3A_262 = arith.constant 0 : i32
    %dma_wait3A_263 = tpu.memref_slice %arg8[%dma_wait3A_256, %dma_wait3A_262] : memref<125x80xi32, #tpu.memory_space<vmem>> -> memref<1x80xi32, #tpu.memory_space<vmem>>
    %dma_wait3A_264 = tpu.memref_squeeze %dma_wait3A_263 : memref<1x80xi32, #tpu.memory_space<vmem>> -> memref<80xi32, #tpu.memory_space<vmem>>
    %dma_wait3A_265 = arith.constant 0 : i32
    %dma_wait3A_266 = arith.constant 0 : i32
    %dma_wait3A_267 = tpu.memref_slice %arg11[%dma_wait3A_265, %dma_wait3A_266] : memref<10000x16xf32, #tpu.memory_space<vmem_shared>> -> memref<10000x16xf32, #tpu.memory_space<vmem_shared>>
    %dma_wait3A_268 = tpu.memref_slice %arg14[%dma_wait3A_257] : memref<5x!tpu.dma_semaphore, #tpu.memory_space<semaphore_mem>> -> memref<1x!tpu.dma_semaphore, #tpu.memory_space<semaphore_mem>>
    %dma_wait3A_269 = tpu.memref_squeeze %dma_wait3A_268 : memref<1x!tpu.dma_semaphore, #tpu.memory_space<semaphore_mem>> -> memref<!tpu.dma_semaphore, #tpu.memory_space<semaphore_mem>>
    tpu.wait_indirect_dma semaphore(%dma_wait3A_269 : memref<!tpu.dma_semaphore, #tpu.memory_space<semaphore_mem>>) src(%dma_wait3A_261 : memref<80x16xf32, #tpu.memory_space<vmem>>) dst(%dma_wait3A_267 : memref<10000x16xf32, #tpu.memory_space<vmem_shared>>)
    %dma_wait3A_270 = arith.constant 4 : i32
    %dma_wait3A_271 = arith.constant 124 : i32
    %dma_wait3A_272 = arith.constant 4 : i32
    %dma_wait3A_273 = arith.constant 0 : i32
    %dma_wait3A_274 = arith.constant 0 : i32
    %dma_wait3A_275 = tpu.memref_slice %arg9[%dma_wait3A_270, %dma_wait3A_273, %dma_wait3A_274] : memref<5x80x16xf32, #tpu.memory_space<vmem>> -> memref<1x80x16xf32, #tpu.memory_space<vmem>>
    %dma_wait3A_276 = tpu.memref_squeeze %dma_wait3A_275 : memref<1x80x16xf32, #tpu.memory_space<vmem>> -> memref<80x16xf32, #tpu.memory_space<vmem>>
    %dma_wait3A_277 = arith.constant 0 : i32
    %dma_wait3A_278 = tpu.memref_slice %arg8[%dma_wait3A_271, %dma_wait3A_277] : memref<125x80xi32, #tpu.memory_space<vmem>> -> memref<1x80xi32, #tpu.memory_space<vmem>>
    %dma_wait3A_279 = tpu.memref_squeeze %dma_wait3A_278 : memref<1x80xi32, #tpu.memory_space<vmem>> -> memref<80xi32, #tpu.memory_space<vmem>>
    %dma_wait3A_280 = arith.constant 0 : i32
    %dma_wait3A_281 = arith.constant 0 : i32
    %dma_wait3A_282 = tpu.memref_slice %arg11[%dma_wait3A_280, %dma_wait3A_281] : memref<10000x16xf32, #tpu.memory_space<vmem_shared>> -> memref<10000x16xf32, #tpu.memory_space<vmem_shared>>
    %dma_wait3A_283 = tpu.memref_slice %arg14[%dma_wait3A_272] : memref<5x!tpu.dma_semaphore, #tpu.memory_space<semaphore_mem>> -> memref<1x!tpu.dma_semaphore, #tpu.memory_space<semaphore_mem>>
    %dma_wait3A_284 = tpu.memref_squeeze %dma_wait3A_283 : memref<1x!tpu.dma_semaphore, #tpu.memory_space<semaphore_mem>> -> memref<!tpu.dma_semaphore, #tpu.memory_space<semaphore_mem>>
    tpu.wait_indirect_dma semaphore(%dma_wait3A_284 : memref<!tpu.dma_semaphore, #tpu.memory_space<semaphore_mem>>) src(%dma_wait3A_276 : memref<80x16xf32, #tpu.memory_space<vmem>>) dst(%dma_wait3A_282 : memref<10000x16xf32, #tpu.memory_space<vmem_shared>>)
    %barrier3A_285 = arith.constant 0 : index
    tpu.barrier barrier_id(%barrier3A_285)
    "tpu.region"() ({
      %run_scoped3A = tpu.sem_alloc : memref<!tpu.dma_semaphore, #tpu.memory_space<semaphore_mem>>
      %dma_start3A_286 = arith.constant 0 : i32
      %dma_start3A_287 = tpu.memref_slice %arg11[%mul3A_2, %dma_start3A_286] : memref<10000x16xf32, #tpu.memory_space<vmem_shared>> -> memref<625x16xf32, #tpu.memory_space<vmem_shared>>
      %dma_start3A_288 = arith.constant 0 : i32
      %dma_start3A_289 = tpu.memref_slice %arg11[%mul3A_2, %dma_start3A_288] : memref<10000x16xf32, #tpu.memory_space<vmem_shared>> -> memref<625x16xf32, #tpu.memory_space<vmem_shared>>
      tpu.enqueue_dma source(%dma_start3A_289 : memref<625x16xf32, #tpu.memory_space<vmem_shared>>) target(%arg10 : memref<625x16xf32, #tpu.memory_space<vmem>>) target_semaphore(%run_scoped3A : memref<!tpu.dma_semaphore, #tpu.memory_space<semaphore_mem>>)
      %dma_wait3A_290 = arith.constant 0 : i32
      %dma_wait3A_291 = tpu.memref_slice %arg11[%mul3A_2, %dma_wait3A_290] : memref<10000x16xf32, #tpu.memory_space<vmem_shared>> -> memref<625x16xf32, #tpu.memory_space<vmem_shared>>
      %dma_wait3A_292 = arith.constant 0 : i32
      %dma_wait3A_293 = tpu.memref_slice %arg11[%mul3A_2, %dma_wait3A_292] : memref<10000x16xf32, #tpu.memory_space<vmem_shared>> -> memref<625x16xf32, #tpu.memory_space<vmem_shared>>
      tpu.wait_dma2 semaphore(%run_scoped3A : memref<!tpu.dma_semaphore, #tpu.memory_space<semaphore_mem>>) src(%dma_wait3A_293 : memref<625x16xf32, #tpu.memory_space<vmem_shared>>) dst(%arg10 : memref<625x16xf32, #tpu.memory_space<vmem>>)
      tpu.yield
    }) : () -> ()
    "tpu.region"() ({
      %run_scoped3A = tpu.sem_alloc : memref<!tpu.dma_semaphore, #tpu.memory_space<semaphore_mem>>
      %dma_start3A_286 = arith.constant 0 : i32
      %dma_start3A_287 = arith.constant 0 : i32
      %dma_start3A_288 = tpu.memref_slice %arg6[%arg0, %arg1, %dma_start3A_286, %dma_start3A_287] : memref<2x16x625x16xf32, #tpu.memory_space<hbm>> -> memref<1x1x625x16xf32, #tpu.memory_space<hbm>>
      %dma_start3A_289 = tpu.memref_squeeze %dma_start3A_288 : memref<1x1x625x16xf32, #tpu.memory_space<hbm>> -> memref<625x16xf32, #tpu.memory_space<hbm>>
      %dma_start3A_290 = arith.constant 0 : i32
      %dma_start3A_291 = arith.constant 0 : i32
      %dma_start3A_292 = tpu.memref_slice %arg6[%arg0, %arg1, %dma_start3A_290, %dma_start3A_291] : memref<2x16x625x16xf32, #tpu.memory_space<hbm>> -> memref<1x1x625x16xf32, #tpu.memory_space<hbm>>
      %dma_start3A_293 = tpu.memref_squeeze %dma_start3A_292 : memref<1x1x625x16xf32, #tpu.memory_space<hbm>> -> memref<625x16xf32, #tpu.memory_space<hbm>>
      tpu.enqueue_dma source(%arg10 : memref<625x16xf32, #tpu.memory_space<vmem>>) target(%dma_start3A_293 : memref<625x16xf32, #tpu.memory_space<hbm>>) target_semaphore(%run_scoped3A : memref<!tpu.dma_semaphore, #tpu.memory_space<semaphore_mem>>)
      %dma_wait3A_294 = arith.constant 0 : i32
      %dma_wait3A_295 = arith.constant 0 : i32
      %dma_wait3A_296 = tpu.memref_slice %arg6[%arg0, %arg1, %dma_wait3A_294, %dma_wait3A_295] : memref<2x16x625x16xf32, #tpu.memory_space<hbm>> -> memref<1x1x625x16xf32, #tpu.memory_space<hbm>>
      %dma_wait3A_297 = tpu.memref_squeeze %dma_wait3A_296 : memref<1x1x625x16xf32, #tpu.memory_space<hbm>> -> memref<625x16xf32, #tpu.memory_space<hbm>>
      %dma_wait3A_298 = arith.constant 0 : i32
      %dma_wait3A_299 = arith.constant 0 : i32
      %dma_wait3A_300 = tpu.memref_slice %arg6[%arg0, %arg1, %dma_wait3A_298, %dma_wait3A_299] : memref<2x16x625x16xf32, #tpu.memory_space<hbm>> -> memref<1x1x625x16xf32, #tpu.memory_space<hbm>>
      %dma_wait3A_301 = tpu.memref_squeeze %dma_wait3A_300 : memref<1x1x625x16xf32, #tpu.memory_space<hbm>> -> memref<625x16xf32, #tpu.memory_space<hbm>>
      tpu.wait_dma2 semaphore(%run_scoped3A : memref<!tpu.dma_semaphore, #tpu.memory_space<semaphore_mem>>) src(%arg10 : memref<625x16xf32, #tpu.memory_space<vmem>>) dst(%dma_wait3A_301 : memref<625x16xf32, #tpu.memory_space<hbm>>)
      tpu.yield
    }) : () -> ()
    return
  }
}

module attributes {stable_mosaic.version = 14 : i64} {
  func.func @_tc1_body(%arg0: i32, %arg1: memref<2x2000x16xf32, #tpu.memory_space<vmem>>, %arg2: memref<2000x128xf32, #tpu.memory_space<vmem>>, %arg3: memref<128x16xf32, #tpu.memory_space<vmem>>, %arg4: memref<2000x1xf32, #tpu.memory_space<vmem>>, %arg5: memref<2000x16xf32, #tpu.memory_space<vmem>>) attributes {dimension_semantics = [#tpu.dimension_semantics<arbitrary>], iteration_bounds = array<i64: 5>, scalar_prefetch = 0 : i64, scratch_operands = 0 : i64, tpu.core_type = #tpu.core_type<tc>, window_params = [{transform_indices = @transform_0, window_bounds = array<i64: 2, 2000, 16>}, {transform_indices = @transform_1, window_bounds = array<i64: 2000, 128>}, {pipeline_mode = #tpu.pipeline_mode<synchronous>, transform_indices = @transform_2, window_bounds = array<i64: 128, 16>}, {transform_indices = @transform_3, window_bounds = array<i64: 2000, 1>}, {transform_indices = @transform_4, window_bounds = array<i64: 2000, 16>}]} {
    %get3A = arith.constant 0 : index
    %get3A_0 = arith.constant 0 : index
    %get3A_1 = arith.constant 0 : index
    %get3A_2 = vector.load %arg1[%get3A, %get3A_0, %get3A_1] : memref<2x2000x16xf32, #tpu.memory_space<vmem>>, vector<1x2000x1xf32>
    %get3A_3 = vector.shape_cast %get3A_2 : vector<1x2000x1xf32> to vector<2000x1xf32>
    %get3A_4 = arith.constant 1 : index
    %get3A_5 = arith.constant 0 : index
    %get3A_6 = arith.constant 0 : index
    %get3A_7 = vector.load %arg1[%get3A_4, %get3A_5, %get3A_6] : memref<2x2000x16xf32, #tpu.memory_space<vmem>>, vector<1x2000x1xf32>
    %get3A_8 = vector.shape_cast %get3A_7 : vector<1x2000x1xf32> to vector<2000x1xf32>
    %add3A = arith.addf %get3A_3, %get3A_8 : vector<2000x1xf32>
    %add3A_9 = arith.constant 1.000000e+00 : f32
    %add3A_10 = vector.broadcast %add3A_9 : f32 to vector<2000x1xf32>
    %add3A_11 = arith.addf %add3A, %add3A_10 : vector<2000x1xf32>
    %rsqrt3A = math.rsqrt %add3A_11 : vector<2000x1xf32>
    %get3A_12 = arith.constant 0 : index
    %get3A_13 = arith.constant 0 : index
    %get3A_14 = vector.load %arg2[%get3A_12, %get3A_13] : memref<2000x128xf32, #tpu.memory_space<vmem>>, vector<2000x128xf32>
    %get3A_15 = arith.constant 0 : index
    %get3A_16 = arith.constant 0 : index
    %get3A_17 = vector.load %arg3[%get3A_15, %get3A_16] : memref<128x16xf32, #tpu.memory_space<vmem>>, vector<128x16xf32>
    %dot_general3A = arith.constant dense<0.000000e+00> : vector<2000x16xf32>
    %dot_general3A_18 = tpu.matmul %get3A_14, %get3A_17, %dot_general3A {dimension_numbers = #tpu.dot_dimension_numbers<[1], [0], [0], [1], [0, 0, 1, 1], [], []>, transpose_lhs_hint = false} : vector<2000x128xf32>, vector<128x16xf32>, vector<2000x16xf32> -> vector<2000x16xf32>
    %swap3A = arith.constant 0 : index
    %swap3A_19 = arith.constant 0 : index
    %swap3A_20 = vector.load %arg4[%swap3A, %swap3A_19] : memref<2000x1xf32, #tpu.memory_space<vmem>>, vector<2000x1xf32>
    tpu.vector_store %arg4[%swap3A, %swap3A_19], %rsqrt3A {strides = array<i32>} : memref<2000x1xf32, #tpu.memory_space<vmem>>, vector<2000x1xf32>,
    %mul3A = vector.broadcast %rsqrt3A : vector<2000x1xf32> to vector<2000x16xf32>
    %mul3A_21 = arith.mulf %dot_general3A_18, %mul3A : vector<2000x16xf32>
    %swap3A_22 = arith.constant 0 : index
    %swap3A_23 = arith.constant 0 : index
    %swap3A_24 = vector.load %arg5[%swap3A_22, %swap3A_23] : memref<2000x16xf32, #tpu.memory_space<vmem>>, vector<2000x16xf32>
    tpu.vector_store %arg5[%swap3A_22, %swap3A_23], %mul3A_21 {strides = array<i32>} : memref<2000x16xf32, #tpu.memory_space<vmem>>, vector<2000x16xf32>,
    return
  }
  func.func @transform_0(%arg0: i32) -> (i32, i32, i32) {
    %c0_i32 = arith.constant 0 : i32
    %c0_i32_0 = arith.constant 0 : i32
    %c0_i32_1 = arith.constant 0 : i32
    return %c0_i32, %arg0, %c0_i32_0 : i32, i32, i32
  }
  func.func @transform_1(%arg0: i32) -> (i32, i32) {
    %c0_i32 = arith.constant 0 : i32
    %c0_i32_0 = arith.constant 0 : i32
    return %arg0, %c0_i32 : i32, i32
  }
  func.func @transform_2(%arg0: i32) -> (i32, i32) {
    %c0_i32 = arith.constant 0 : i32
    %c0_i32_0 = arith.constant 0 : i32
    %c0_i32_1 = arith.constant 0 : i32
    return %c0_i32, %c0_i32_0 : i32, i32
  }
  func.func @transform_3(%arg0: i32) -> (i32, i32) {
    %c0_i32 = arith.constant 0 : i32
    %c0_i32_0 = arith.constant 0 : i32
    return %arg0, %c0_i32 : i32, i32
  }
  func.func @transform_4(%arg0: i32) -> (i32, i32) {
    %c0_i32 = arith.constant 0 : i32
    %c0_i32_0 = arith.constant 0 : i32
    return %arg0, %c0_i32 : i32, i32
  }
}

module attributes {stable_mosaic.version = 14 : i64} {
  func.func @_tc2_body(%arg0: i32, %arg1: memref<2x2000x16xf32, #tpu.memory_space<vmem>>, %arg2: memref<2000x16xf32, #tpu.memory_space<vmem>>, %arg3: memref<2000x1xf32, #tpu.memory_space<vmem>>, %arg4: memref<1x16xf32, #tpu.memory_space<vmem>>, %arg5: memref<16x16xf32, #tpu.memory_space<vmem>>, %arg6: memref<2000x16xf32, #tpu.memory_space<vmem>>, %arg7: memref<2000x16xf32, #tpu.memory_space<vmem>>) attributes {dimension_semantics = [#tpu.dimension_semantics<arbitrary>], iteration_bounds = array<i64: 5>, scalar_prefetch = 0 : i64, scratch_operands = 0 : i64, tpu.core_type = #tpu.core_type<tc>, window_params = [{transform_indices = @transform_0, window_bounds = array<i64: 2, 2000, 16>}, {transform_indices = @transform_1, window_bounds = array<i64: 2000, 16>}, {transform_indices = @transform_2, window_bounds = array<i64: 2000, 1>}, {pipeline_mode = #tpu.pipeline_mode<synchronous>, transform_indices = @transform_3, window_bounds = array<i64: 1, 16>}, {pipeline_mode = #tpu.pipeline_mode<synchronous>, transform_indices = @transform_4, window_bounds = array<i64: 16, 16>}, {transform_indices = @transform_5, window_bounds = array<i64: 2000, 16>}, {transform_indices = @transform_6, window_bounds = array<i64: 2000, 16>}]} {
    %get3A = arith.constant 0 : index
    %get3A_0 = arith.constant 0 : index
    %get3A_1 = vector.load %arg3[%get3A, %get3A_0] : memref<2000x1xf32, #tpu.memory_space<vmem>>, vector<2000x1xf32>
    %get3A_2 = arith.constant 0 : index
    %get3A_3 = arith.constant 0 : index
    %get3A_4 = arith.constant 0 : index
    %get3A_5 = vector.load %arg1[%get3A_2, %get3A_3, %get3A_4] : memref<2x2000x16xf32, #tpu.memory_space<vmem>>, vector<1x2000x16xf32>
    %get3A_6 = vector.shape_cast %get3A_5 : vector<1x2000x16xf32> to vector<2000x16xf32>
    %get3A_7 = arith.constant 1 : index
    %get3A_8 = arith.constant 0 : index
    %get3A_9 = arith.constant 0 : index
    %get3A_10 = vector.load %arg1[%get3A_7, %get3A_8, %get3A_9] : memref<2x2000x16xf32, #tpu.memory_space<vmem>>, vector<1x2000x16xf32>
    %get3A_11 = vector.shape_cast %get3A_10 : vector<1x2000x16xf32> to vector<2000x16xf32>
    %add3A = arith.addf %get3A_6, %get3A_11 : vector<2000x16xf32>
    %get3A_12 = arith.constant 0 : index
    %get3A_13 = arith.constant 0 : index
    %get3A_14 = vector.load %arg2[%get3A_12, %get3A_13] : memref<2000x16xf32, #tpu.memory_space<vmem>>, vector<2000x16xf32>
    %mul3A = vector.broadcast %get3A_1 : vector<2000x1xf32> to vector<2000x16xf32>
    %mul3A_15 = arith.mulf %mul3A, %get3A_14 : vector<2000x16xf32>
    %add3A_16 = arith.addf %add3A, %mul3A_15 : vector<2000x16xf32>
    %mul3A_17 = vector.broadcast %get3A_1 : vector<2000x1xf32> to vector<2000x16xf32>
    %mul3A_18 = arith.mulf %add3A_16, %mul3A_17 : vector<2000x16xf32>
    %get3A_19 = arith.constant 0 : index
    %get3A_20 = arith.constant 0 : index
    %get3A_21 = vector.load %arg4[%get3A_19, %get3A_20] : memref<1x16xf32, #tpu.memory_space<vmem>>, vector<1x16xf32>
    %add3A_22 = vector.broadcast %get3A_21 : vector<1x16xf32> to vector<2000x16xf32>
    %add3A_23 = arith.addf %mul3A_18, %add3A_22 : vector<2000x16xf32>
    %max3A = arith.constant 0.000000e+00 : f32
    %max3A_24 = vector.broadcast %max3A : f32 to vector<2000x16xf32>
    %max3A_25 = arith.maximumf %add3A_23, %max3A_24 : vector<2000x16xf32>
    %swap3A = arith.constant 0 : index
    %swap3A_26 = arith.constant 0 : index
    %swap3A_27 = vector.load %arg6[%swap3A, %swap3A_26] : memref<2000x16xf32, #tpu.memory_space<vmem>>, vector<2000x16xf32>
    tpu.vector_store %arg6[%swap3A, %swap3A_26], %max3A_25 {strides = array<i32>} : memref<2000x16xf32, #tpu.memory_space<vmem>>, vector<2000x16xf32>,
    %get3A_28 = arith.constant 0 : index
    %get3A_29 = arith.constant 0 : index
    %get3A_30 = vector.load %arg5[%get3A_28, %get3A_29] : memref<16x16xf32, #tpu.memory_space<vmem>>, vector<16x16xf32>
    %dot_general3A = arith.constant dense<0.000000e+00> : vector<2000x16xf32>
    %dot_general3A_31 = tpu.matmul %max3A_25, %get3A_30, %dot_general3A {dimension_numbers = #tpu.dot_dimension_numbers<[1], [0], [0], [1], [0, 0, 1, 1], [], []>, transpose_lhs_hint = false} : vector<2000x16xf32>, vector<16x16xf32>, vector<2000x16xf32> -> vector<2000x16xf32>
    %mul3A_32 = vector.broadcast %get3A_1 : vector<2000x1xf32> to vector<2000x16xf32>
    %mul3A_33 = arith.mulf %dot_general3A_31, %mul3A_32 : vector<2000x16xf32>
    %swap3A_34 = arith.constant 0 : index
    %swap3A_35 = arith.constant 0 : index
    %swap3A_36 = vector.load %arg7[%swap3A_34, %swap3A_35] : memref<2000x16xf32, #tpu.memory_space<vmem>>, vector<2000x16xf32>
    tpu.vector_store %arg7[%swap3A_34, %swap3A_35], %mul3A_33 {strides = array<i32>} : memref<2000x16xf32, #tpu.memory_space<vmem>>, vector<2000x16xf32>,
    return
  }
  func.func @transform_0(%arg0: i32) -> (i32, i32, i32) {
    %c0_i32 = arith.constant 0 : i32
    %c0_i32_0 = arith.constant 0 : i32
    %c0_i32_1 = arith.constant 0 : i32
    return %c0_i32, %arg0, %c0_i32_0 : i32, i32, i32
  }
  func.func @transform_1(%arg0: i32) -> (i32, i32) {
    %c0_i32 = arith.constant 0 : i32
    %c0_i32_0 = arith.constant 0 : i32
    return %arg0, %c0_i32 : i32, i32
  }
  func.func @transform_2(%arg0: i32) -> (i32, i32) {
    %c0_i32 = arith.constant 0 : i32
    %c0_i32_0 = arith.constant 0 : i32
    return %arg0, %c0_i32 : i32, i32
  }
  func.func @transform_3(%arg0: i32) -> (i32, i32) {
    %c0_i32 = arith.constant 0 : i32
    %c0_i32_0 = arith.constant 0 : i32
    %c0_i32_1 = arith.constant 0 : i32
    return %c0_i32, %c0_i32_0 : i32, i32
  }
  func.func @transform_4(%arg0: i32) -> (i32, i32) {
    %c0_i32 = arith.constant 0 : i32
    %c0_i32_0 = arith.constant 0 : i32
    %c0_i32_1 = arith.constant 0 : i32
    return %c0_i32, %c0_i32_0 : i32, i32
  }
  func.func @transform_5(%arg0: i32) -> (i32, i32) {
    %c0_i32 = arith.constant 0 : i32
    %c0_i32_0 = arith.constant 0 : i32
    return %arg0, %c0_i32 : i32, i32
  }
  func.func @transform_6(%arg0: i32) -> (i32, i32) {
    %c0_i32 = arith.constant 0 : i32
    %c0_i32_0 = arith.constant 0 : i32
    return %arg0, %c0_i32 : i32, i32
  }
}

module attributes {stable_mosaic.version = 14 : i64} {
  func.func @_tc3_body(%arg0: i32, %arg1: memref<2x2000x16xf32, #tpu.memory_space<vmem>>, %arg2: memref<2000x16xf32, #tpu.memory_space<vmem>>, %arg3: memref<2000x1xf32, #tpu.memory_space<vmem>>, %arg4: memref<1x16xf32, #tpu.memory_space<vmem>>, %arg5: memref<2000x16xf32, #tpu.memory_space<vmem>>, %arg6: memref<128x16xf32, #tpu.memory_space<vmem>>, %arg7: memref<128x32xf32, #tpu.memory_space<vmem>>, %arg8: memref<1x128xf32, #tpu.memory_space<vmem>>, %arg9: memref<1x128xf32, #tpu.memory_space<vmem>>, %arg10: memref<128x16xf32, #tpu.memory_space<vmem>>, %arg11: memref<128x32xf32, #tpu.memory_space<vmem>>, %arg12: memref<1x128xf32, #tpu.memory_space<vmem>>, %arg13: memref<1x128xf32, #tpu.memory_space<vmem>>, %arg14: memref<64x1xf32, #tpu.memory_space<vmem>>, %arg15: memref<1x1xf32, #tpu.memory_space<vmem>>, %arg16: memref<2000x16xf32, #tpu.memory_space<vmem>>) attributes {dimension_semantics = [#tpu.dimension_semantics<arbitrary>], iteration_bounds = array<i64: 5>, scalar_prefetch = 0 : i64, scratch_operands = 0 : i64, tpu.core_type = #tpu.core_type<tc>, window_params = [{transform_indices = @transform_0, window_bounds = array<i64: 2, 2000, 16>}, {transform_indices = @transform_1, window_bounds = array<i64: 2000, 16>}, {transform_indices = @transform_2, window_bounds = array<i64: 2000, 1>}, {pipeline_mode = #tpu.pipeline_mode<synchronous>, transform_indices = @transform_3, window_bounds = array<i64: 1, 16>}, {transform_indices = @transform_4, window_bounds = array<i64: 2000, 16>}, {pipeline_mode = #tpu.pipeline_mode<synchronous>, transform_indices = @transform_5, window_bounds = array<i64: 128, 16>}, {pipeline_mode = #tpu.pipeline_mode<synchronous>, transform_indices = @transform_6, window_bounds = array<i64: 128, 32>}, {pipeline_mode = #tpu.pipeline_mode<synchronous>, transform_indices = @transform_7, window_bounds = array<i64: 1, 128>}, {pipeline_mode = #tpu.pipeline_mode<synchronous>, transform_indices = @transform_8, window_bounds = array<i64: 1, 128>}, {pipeline_mode = #tpu.pipeline_mode<synchronous>, transform_indices = @transform_9, window_bounds = array<i64: 128, 16>}, {pipeline_mode = #tpu.pipeline_mode<synchronous>, transform_indices = @transform_10, window_bounds = array<i64: 128, 32>}, {pipeline_mode = #tpu.pipeline_mode<synchronous>, transform_indices = @transform_11, window_bounds = array<i64: 1, 128>}, {pipeline_mode = #tpu.pipeline_mode<synchronous>, transform_indices = @transform_12, window_bounds = array<i64: 1, 128>}, {pipeline_mode = #tpu.pipeline_mode<synchronous>, transform_indices = @transform_13, window_bounds = array<i64: 64, 1>}, {pipeline_mode = #tpu.pipeline_mode<synchronous>, transform_indices = @transform_14, window_bounds = array<i64: 1, 1>}, {transform_indices = @transform_15, window_bounds = array<i64: 2000, 16>}]} {
    %get3A = arith.constant 0 : index
    %get3A_0 = arith.constant 0 : index
    %get3A_1 = vector.load %arg3[%get3A, %get3A_0] : memref<2000x1xf32, #tpu.memory_space<vmem>>, vector<2000x1xf32>
    %get3A_2 = arith.constant 0 : index
    %get3A_3 = arith.constant 0 : index
    %get3A_4 = vector.load %arg5[%get3A_2, %get3A_3] : memref<2000x16xf32, #tpu.memory_space<vmem>>, vector<2000x16xf32>
    %get3A_5 = arith.constant 0 : index
    %get3A_6 = arith.constant 0 : index
    %get3A_7 = arith.constant 0 : index
    %get3A_8 = vector.load %arg1[%get3A_5, %get3A_6, %get3A_7] : memref<2x2000x16xf32, #tpu.memory_space<vmem>>, vector<1x2000x16xf32>
    %get3A_9 = vector.shape_cast %get3A_8 : vector<1x2000x16xf32> to vector<2000x16xf32>
    %get3A_10 = arith.constant 1 : index
    %get3A_11 = arith.constant 0 : index
    %get3A_12 = arith.constant 0 : index
    %get3A_13 = vector.load %arg1[%get3A_10, %get3A_11, %get3A_12] : memref<2x2000x16xf32, #tpu.memory_space<vmem>>, vector<1x2000x16xf32>
    %get3A_14 = vector.shape_cast %get3A_13 : vector<1x2000x16xf32> to vector<2000x16xf32>
    %add3A = arith.addf %get3A_9, %get3A_14 : vector<2000x16xf32>
    %get3A_15 = arith.constant 0 : index
    %get3A_16 = arith.constant 0 : index
    %get3A_17 = vector.load %arg2[%get3A_15, %get3A_16] : memref<2000x16xf32, #tpu.memory_space<vmem>>, vector<2000x16xf32>
    %mul3A = vector.broadcast %get3A_1 : vector<2000x1xf32> to vector<2000x16xf32>
    %mul3A_18 = arith.mulf %mul3A, %get3A_17 : vector<2000x16xf32>
    %add3A_19 = arith.addf %add3A, %mul3A_18 : vector<2000x16xf32>
    %mul3A_20 = vector.broadcast %get3A_1 : vector<2000x1xf32> to vector<2000x16xf32>
    %mul3A_21 = arith.mulf %add3A_19, %mul3A_20 : vector<2000x16xf32>
    %get3A_22 = arith.constant 0 : index
    %get3A_23 = arith.constant 0 : index
    %get3A_24 = vector.load %arg4[%get3A_22, %get3A_23] : memref<1x16xf32, #tpu.memory_space<vmem>>, vector<1x16xf32>
    %add3A_25 = vector.broadcast %get3A_24 : vector<1x16xf32> to vector<2000x16xf32>
    %add3A_26 = arith.addf %mul3A_21, %add3A_25 : vector<2000x16xf32>
    %max3A = arith.constant 0.000000e+00 : f32
    %max3A_27 = vector.broadcast %max3A : f32 to vector<2000x16xf32>
    %max3A_28 = arith.maximumf %add3A_26, %max3A_27 : vector<2000x16xf32>
    %broadcast_in_dim3A = arith.constant 0.000000e+00 : f32
    %broadcast_in_dim3A_29 = vector.broadcast %broadcast_in_dim3A : f32 to vector<2000x32xf32>
    %get3A_30 = arith.constant 0 : index
    %get3A_31 = arith.constant 0 : index
    %get3A_32 = vector.load %arg8[%get3A_30, %get3A_31] : memref<1x128xf32, #tpu.memory_space<vmem>>, vector<1x128xf32>
    %get3A_33 = arith.constant 0 : index
    %get3A_34 = arith.constant 0 : index
    %get3A_35 = vector.load %arg9[%get3A_33, %get3A_34] : memref<1x128xf32, #tpu.memory_space<vmem>>, vector<1x128xf32>
    %add3A_36 = arith.addf %get3A_32, %get3A_35 : vector<1x128xf32>
    %get3A_37 = arith.constant 0 : index
    %get3A_38 = arith.constant 0 : index
    %get3A_39 = vector.load %arg12[%get3A_37, %get3A_38] : memref<1x128xf32, #tpu.memory_space<vmem>>, vector<1x128xf32>
    %get3A_40 = arith.constant 0 : index
    %get3A_41 = arith.constant 0 : index
    %get3A_42 = vector.load %arg13[%get3A_40, %get3A_41] : memref<1x128xf32, #tpu.memory_space<vmem>>, vector<1x128xf32>
    %add3A_43 = arith.addf %get3A_39, %get3A_42 : vector<1x128xf32>
    %get3A_44 = arith.constant 0 : index
    %get3A_45 = arith.constant 0 : index
    %get3A_46 = vector.load %arg6[%get3A_44, %get3A_45] : memref<128x16xf32, #tpu.memory_space<vmem>>, vector<128x16xf32>
    %dot_general3A = arith.constant dense<0.000000e+00> : vector<2000x128xf32>
    %dot_general3A_47 = tpu.matmul %get3A_4, %get3A_46, %dot_general3A {dimension_numbers = #tpu.dot_dimension_numbers<[1], [1], [0], [0], [0, 0, 1, 0], [], []>, transpose_lhs_hint = false} : vector<2000x16xf32>, vector<128x16xf32>, vector<2000x128xf32> -> vector<2000x128xf32>
    %get3A_48 = arith.constant 0 : index
    %get3A_49 = arith.constant 0 : index
    %get3A_50 = vector.load %arg7[%get3A_48, %get3A_49] : memref<128x32xf32, #tpu.memory_space<vmem>>, vector<128x32xf32>
    %dot_general3A_51 = arith.constant dense<0.000000e+00> : vector<2000x128xf32>
    %dot_general3A_52 = tpu.matmul %broadcast_in_dim3A_29, %get3A_50, %dot_general3A_51 {dimension_numbers = #tpu.dot_dimension_numbers<[1], [1], [0], [0], [0, 0, 1, 0], [], []>, transpose_lhs_hint = false} : vector<2000x32xf32>, vector<128x32xf32>, vector<2000x128xf32> -> vector<2000x128xf32>
    %add3A_53 = arith.addf %dot_general3A_47, %dot_general3A_52 : vector<2000x128xf32>
    %add3A_54 = vector.broadcast %add3A_36 : vector<1x128xf32> to vector<2000x128xf32>
    %add3A_55 = arith.addf %add3A_53, %add3A_54 : vector<2000x128xf32>
    %slice3A = vector.extract_strided_slice %add3A_55 {offsets = [0, 0], sizes = [2000, 32], strides = [1, 1]} : vector<2000x128xf32> to vector<2000x32xf32>
    %logistic3A = arith.negf %slice3A : vector<2000x32xf32>
    %logistic3A_56 = math.exp %logistic3A : vector<2000x32xf32>
    %logistic3A_57 = arith.constant 1.000000e+00 : f32
    %logistic3A_58 = vector.broadcast %logistic3A_57 : f32 to vector<2000x32xf32>
    %logistic3A_59 = arith.addf %logistic3A_58, %logistic3A_56 : vector<2000x32xf32>
    %logistic3A_60 = arith.divf %logistic3A_58, %logistic3A_59 : vector<2000x32xf32>
    %slice3A_61 = vector.extract_strided_slice %add3A_55 {offsets = [0, 32], sizes = [2000, 32], strides = [1, 1]} : vector<2000x128xf32> to vector<2000x32xf32>
    %logistic3A_62 = arith.negf %slice3A_61 : vector<2000x32xf32>
    %logistic3A_63 = math.exp %logistic3A_62 : vector<2000x32xf32>
    %logistic3A_64 = arith.constant 1.000000e+00 : f32
    %logistic3A_65 = vector.broadcast %logistic3A_64 : f32 to vector<2000x32xf32>
    %logistic3A_66 = arith.addf %logistic3A_65, %logistic3A_63 : vector<2000x32xf32>
    %logistic3A_67 = arith.divf %logistic3A_65, %logistic3A_66 : vector<2000x32xf32>
    %slice3A_68 = vector.extract_strided_slice %add3A_55 {offsets = [0, 64], sizes = [2000, 32], strides = [1, 1]} : vector<2000x128xf32> to vector<2000x32xf32>
    %tanh3A = math.tanh %slice3A_68 : vector<2000x32xf32>
    %slice3A_69 = vector.extract_strided_slice %add3A_55 {offsets = [0, 96], sizes = [2000, 32], strides = [1, 1]} : vector<2000x128xf32> to vector<2000x32xf32>
    %logistic3A_70 = arith.negf %slice3A_69 : vector<2000x32xf32>
    %logistic3A_71 = math.exp %logistic3A_70 : vector<2000x32xf32>
    %logistic3A_72 = arith.constant 1.000000e+00 : f32
    %logistic3A_73 = vector.broadcast %logistic3A_72 : f32 to vector<2000x32xf32>
    %logistic3A_74 = arith.addf %logistic3A_73, %logistic3A_71 : vector<2000x32xf32>
    %logistic3A_75 = arith.divf %logistic3A_73, %logistic3A_74 : vector<2000x32xf32>
    %mul3A_76 = arith.mulf %logistic3A_67, %broadcast_in_dim3A_29 : vector<2000x32xf32>
    %mul3A_77 = arith.mulf %logistic3A_60, %tanh3A : vector<2000x32xf32>
    %add3A_78 = arith.addf %mul3A_76, %mul3A_77 : vector<2000x32xf32>
    %tanh3A_79 = math.tanh %add3A_78 : vector<2000x32xf32>
    %mul3A_80 = arith.mulf %logistic3A_75, %tanh3A_79 : vector<2000x32xf32>
    %get3A_81 = arith.constant 0 : index
    %get3A_82 = arith.constant 0 : index
    %get3A_83 = vector.load %arg6[%get3A_81, %get3A_82] : memref<128x16xf32, #tpu.memory_space<vmem>>, vector<128x16xf32>
    %dot_general3A_84 = arith.constant dense<0.000000e+00> : vector<2000x128xf32>
    %dot_general3A_85 = tpu.matmul %max3A_28, %get3A_83, %dot_general3A_84 {dimension_numbers = #tpu.dot_dimension_numbers<[1], [1], [0], [0], [0, 0, 1, 0], [], []>, transpose_lhs_hint = false} : vector<2000x16xf32>, vector<128x16xf32>, vector<2000x128xf32> -> vector<2000x128xf32>
    %get3A_86 = arith.constant 0 : index
    %get3A_87 = arith.constant 0 : index
    %get3A_88 = vector.load %arg7[%get3A_86, %get3A_87] : memref<128x32xf32, #tpu.memory_space<vmem>>, vector<128x32xf32>
    %dot_general3A_89 = arith.constant dense<0.000000e+00> : vector<2000x128xf32>
    %dot_general3A_90 = tpu.matmul %mul3A_80, %get3A_88, %dot_general3A_89 {dimension_numbers = #tpu.dot_dimension_numbers<[1], [1], [0], [0], [0, 0, 1, 0], [], []>, transpose_lhs_hint = false} : vector<2000x32xf32>, vector<128x32xf32>, vector<2000x128xf32> -> vector<2000x128xf32>
    %add3A_91 = arith.addf %dot_general3A_85, %dot_general3A_90 : vector<2000x128xf32>
    %add3A_92 = vector.broadcast %add3A_36 : vector<1x128xf32> to vector<2000x128xf32>
    %add3A_93 = arith.addf %add3A_91, %add3A_92 : vector<2000x128xf32>
    %slice3A_94 = vector.extract_strided_slice %add3A_93 {offsets = [0, 0], sizes = [2000, 32], strides = [1, 1]} : vector<2000x128xf32> to vector<2000x32xf32>
    %logistic3A_95 = arith.negf %slice3A_94 : vector<2000x32xf32>
    %logistic3A_96 = math.exp %logistic3A_95 : vector<2000x32xf32>
    %logistic3A_97 = arith.constant 1.000000e+00 : f32
    %logistic3A_98 = vector.broadcast %logistic3A_97 : f32 to vector<2000x32xf32>
    %logistic3A_99 = arith.addf %logistic3A_98, %logistic3A_96 : vector<2000x32xf32>
    %logistic3A_100 = arith.divf %logistic3A_98, %logistic3A_99 : vector<2000x32xf32>
    %slice3A_101 = vector.extract_strided_slice %add3A_93 {offsets = [0, 32], sizes = [2000, 32], strides = [1, 1]} : vector<2000x128xf32> to vector<2000x32xf32>
    %logistic3A_102 = arith.negf %slice3A_101 : vector<2000x32xf32>
    %logistic3A_103 = math.exp %logistic3A_102 : vector<2000x32xf32>
    %logistic3A_104 = arith.constant 1.000000e+00 : f32
    %logistic3A_105 = vector.broadcast %logistic3A_104 : f32 to vector<2000x32xf32>
    %logistic3A_106 = arith.addf %logistic3A_105, %logistic3A_103 : vector<2000x32xf32>
    %logistic3A_107 = arith.divf %logistic3A_105, %logistic3A_106 : vector<2000x32xf32>
    %slice3A_108 = vector.extract_strided_slice %add3A_93 {offsets = [0, 64], sizes = [2000, 32], strides = [1, 1]} : vector<2000x128xf32> to vector<2000x32xf32>
    %tanh3A_109 = math.tanh %slice3A_108 : vector<2000x32xf32>
    %slice3A_110 = vector.extract_strided_slice %add3A_93 {offsets = [0, 96], sizes = [2000, 32], strides = [1, 1]} : vector<2000x128xf32> to vector<2000x32xf32>
    %logistic3A_111 = arith.negf %slice3A_110 : vector<2000x32xf32>
    %logistic3A_112 = math.exp %logistic3A_111 : vector<2000x32xf32>
    %logistic3A_113 = arith.constant 1.000000e+00 : f32
    %logistic3A_114 = vector.broadcast %logistic3A_113 : f32 to vector<2000x32xf32>
    %logistic3A_115 = arith.addf %logistic3A_114, %logistic3A_112 : vector<2000x32xf32>
    %logistic3A_116 = arith.divf %logistic3A_114, %logistic3A_115 : vector<2000x32xf32>
    %mul3A_117 = arith.mulf %logistic3A_107, %add3A_78 : vector<2000x32xf32>
    %mul3A_118 = arith.mulf %logistic3A_100, %tanh3A_109 : vector<2000x32xf32>
    %add3A_119 = arith.addf %mul3A_117, %mul3A_118 : vector<2000x32xf32>
    %tanh3A_120 = math.tanh %add3A_119 : vector<2000x32xf32>
    %mul3A_121 = arith.mulf %logistic3A_116, %tanh3A_120 : vector<2000x32xf32>
    %get3A_122 = arith.constant 0 : index
    %get3A_123 = arith.constant 0 : index
    %get3A_124 = vector.load %arg10[%get3A_122, %get3A_123] : memref<128x16xf32, #tpu.memory_space<vmem>>, vector<128x16xf32>
    %dot_general3A_125 = arith.constant dense<0.000000e+00> : vector<2000x128xf32>
    %dot_general3A_126 = tpu.matmul %max3A_28, %get3A_124, %dot_general3A_125 {dimension_numbers = #tpu.dot_dimension_numbers<[1], [1], [0], [0], [0, 0, 1, 0], [], []>, transpose_lhs_hint = false} : vector<2000x16xf32>, vector<128x16xf32>, vector<2000x128xf32> -> vector<2000x128xf32>
    %get3A_127 = arith.constant 0 : index
    %get3A_128 = arith.constant 0 : index
    %get3A_129 = vector.load %arg11[%get3A_127, %get3A_128] : memref<128x32xf32, #tpu.memory_space<vmem>>, vector<128x32xf32>
    %dot_general3A_130 = arith.constant dense<0.000000e+00> : vector<2000x128xf32>
    %dot_general3A_131 = tpu.matmul %broadcast_in_dim3A_29, %get3A_129, %dot_general3A_130 {dimension_numbers = #tpu.dot_dimension_numbers<[1], [1], [0], [0], [0, 0, 1, 0], [], []>, transpose_lhs_hint = false} : vector<2000x32xf32>, vector<128x32xf32>, vector<2000x128xf32> -> vector<2000x128xf32>
    %add3A_132 = arith.addf %dot_general3A_126, %dot_general3A_131 : vector<2000x128xf32>
    %add3A_133 = vector.broadcast %add3A_43 : vector<1x128xf32> to vector<2000x128xf32>
    %add3A_134 = arith.addf %add3A_132, %add3A_133 : vector<2000x128xf32>
    %slice3A_135 = vector.extract_strided_slice %add3A_134 {offsets = [0, 0], sizes = [2000, 32], strides = [1, 1]} : vector<2000x128xf32> to vector<2000x32xf32>
    %logistic3A_136 = arith.negf %slice3A_135 : vector<2000x32xf32>
    %logistic3A_137 = math.exp %logistic3A_136 : vector<2000x32xf32>
    %logistic3A_138 = arith.constant 1.000000e+00 : f32
    %logistic3A_139 = vector.broadcast %logistic3A_138 : f32 to vector<2000x32xf32>
    %logistic3A_140 = arith.addf %logistic3A_139, %logistic3A_137 : vector<2000x32xf32>
    %logistic3A_141 = arith.divf %logistic3A_139, %logistic3A_140 : vector<2000x32xf32>
    %slice3A_142 = vector.extract_strided_slice %add3A_134 {offsets = [0, 32], sizes = [2000, 32], strides = [1, 1]} : vector<2000x128xf32> to vector<2000x32xf32>
    %logistic3A_143 = arith.negf %slice3A_142 : vector<2000x32xf32>
    %logistic3A_144 = math.exp %logistic3A_143 : vector<2000x32xf32>
    %logistic3A_145 = arith.constant 1.000000e+00 : f32
    %logistic3A_146 = vector.broadcast %logistic3A_145 : f32 to vector<2000x32xf32>
    %logistic3A_147 = arith.addf %logistic3A_146, %logistic3A_144 : vector<2000x32xf32>
    %logistic3A_148 = arith.divf %logistic3A_146, %logistic3A_147 : vector<2000x32xf32>
    %slice3A_149 = vector.extract_strided_slice %add3A_134 {offsets = [0, 64], sizes = [2000, 32], strides = [1, 1]} : vector<2000x128xf32> to vector<2000x32xf32>
    %tanh3A_150 = math.tanh %slice3A_149 : vector<2000x32xf32>
    %slice3A_151 = vector.extract_strided_slice %add3A_134 {offsets = [0, 96], sizes = [2000, 32], strides = [1, 1]} : vector<2000x128xf32> to vector<2000x32xf32>
    %logistic3A_152 = arith.negf %slice3A_151 : vector<2000x32xf32>
    %logistic3A_153 = math.exp %logistic3A_152 : vector<2000x32xf32>
    %logistic3A_154 = arith.constant 1.000000e+00 : f32
    %logistic3A_155 = vector.broadcast %logistic3A_154 : f32 to vector<2000x32xf32>
    %logistic3A_156 = arith.addf %logistic3A_155, %logistic3A_153 : vector<2000x32xf32>
    %logistic3A_157 = arith.divf %logistic3A_155, %logistic3A_156 : vector<2000x32xf32>
    %mul3A_158 = arith.mulf %logistic3A_148, %broadcast_in_dim3A_29 : vector<2000x32xf32>
    %mul3A_159 = arith.mulf %logistic3A_141, %tanh3A_150 : vector<2000x32xf32>
    %add3A_160 = arith.addf %mul3A_158, %mul3A_159 : vector<2000x32xf32>
    %tanh3A_161 = math.tanh %add3A_160 : vector<2000x32xf32>
    %mul3A_162 = arith.mulf %logistic3A_157, %tanh3A_161 : vector<2000x32xf32>
    %get3A_163 = arith.constant 0 : index
    %get3A_164 = arith.constant 0 : index
    %get3A_165 = vector.load %arg10[%get3A_163, %get3A_164] : memref<128x16xf32, #tpu.memory_space<vmem>>, vector<128x16xf32>
    %dot_general3A_166 = arith.constant dense<0.000000e+00> : vector<2000x128xf32>
    %dot_general3A_167 = tpu.matmul %get3A_4, %get3A_165, %dot_general3A_166 {dimension_numbers = #tpu.dot_dimension_numbers<[1], [1], [0], [0], [0, 0, 1, 0], [], []>, transpose_lhs_hint = false} : vector<2000x16xf32>, vector<128x16xf32>, vector<2000x128xf32> -> vector<2000x128xf32>
    %get3A_168 = arith.constant 0 : index
    %get3A_169 = arith.constant 0 : index
    %get3A_170 = vector.load %arg11[%get3A_168, %get3A_169] : memref<128x32xf32, #tpu.memory_space<vmem>>, vector<128x32xf32>
    %dot_general3A_171 = arith.constant dense<0.000000e+00> : vector<2000x128xf32>
    %dot_general3A_172 = tpu.matmul %mul3A_162, %get3A_170, %dot_general3A_171 {dimension_numbers = #tpu.dot_dimension_numbers<[1], [1], [0], [0], [0, 0, 1, 0], [], []>, transpose_lhs_hint = false} : vector<2000x32xf32>, vector<128x32xf32>, vector<2000x128xf32> -> vector<2000x128xf32>
    %add3A_173 = arith.addf %dot_general3A_167, %dot_general3A_172 : vector<2000x128xf32>
    %add3A_174 = vector.broadcast %add3A_43 : vector<1x128xf32> to vector<2000x128xf32>
    %add3A_175 = arith.addf %add3A_173, %add3A_174 : vector<2000x128xf32>
    %slice3A_176 = vector.extract_strided_slice %add3A_175 {offsets = [0, 0], sizes = [2000, 32], strides = [1, 1]} : vector<2000x128xf32> to vector<2000x32xf32>
    %logistic3A_177 = arith.negf %slice3A_176 : vector<2000x32xf32>
    %logistic3A_178 = math.exp %logistic3A_177 : vector<2000x32xf32>
    %logistic3A_179 = arith.constant 1.000000e+00 : f32
    %logistic3A_180 = vector.broadcast %logistic3A_179 : f32 to vector<2000x32xf32>
    %logistic3A_181 = arith.addf %logistic3A_180, %logistic3A_178 : vector<2000x32xf32>
    %logistic3A_182 = arith.divf %logistic3A_180, %logistic3A_181 : vector<2000x32xf32>
    %slice3A_183 = vector.extract_strided_slice %add3A_175 {offsets = [0, 32], sizes = [2000, 32], strides = [1, 1]} : vector<2000x128xf32> to vector<2000x32xf32>
    %logistic3A_184 = arith.negf %slice3A_183 : vector<2000x32xf32>
    %logistic3A_185 = math.exp %logistic3A_184 : vector<2000x32xf32>
    %logistic3A_186 = arith.constant 1.000000e+00 : f32
    %logistic3A_187 = vector.broadcast %logistic3A_186 : f32 to vector<2000x32xf32>
    %logistic3A_188 = arith.addf %logistic3A_187, %logistic3A_185 : vector<2000x32xf32>
    %logistic3A_189 = arith.divf %logistic3A_187, %logistic3A_188 : vector<2000x32xf32>
    %slice3A_190 = vector.extract_strided_slice %add3A_175 {offsets = [0, 64], sizes = [2000, 32], strides = [1, 1]} : vector<2000x128xf32> to vector<2000x32xf32>
    %tanh3A_191 = math.tanh %slice3A_190 : vector<2000x32xf32>
    %slice3A_192 = vector.extract_strided_slice %add3A_175 {offsets = [0, 96], sizes = [2000, 32], strides = [1, 1]} : vector<2000x128xf32> to vector<2000x32xf32>
    %logistic3A_193 = arith.negf %slice3A_192 : vector<2000x32xf32>
    %logistic3A_194 = math.exp %logistic3A_193 : vector<2000x32xf32>
    %logistic3A_195 = arith.constant 1.000000e+00 : f32
    %logistic3A_196 = vector.broadcast %logistic3A_195 : f32 to vector<2000x32xf32>
    %logistic3A_197 = arith.addf %logistic3A_196, %logistic3A_194 : vector<2000x32xf32>
    %logistic3A_198 = arith.divf %logistic3A_196, %logistic3A_197 : vector<2000x32xf32>
    %mul3A_199 = arith.mulf %logistic3A_189, %add3A_160 : vector<2000x32xf32>
    %mul3A_200 = arith.mulf %logistic3A_182, %tanh3A_191 : vector<2000x32xf32>
    %add3A_201 = arith.addf %mul3A_199, %mul3A_200 : vector<2000x32xf32>
    %tanh3A_202 = math.tanh %add3A_201 : vector<2000x32xf32>
    %mul3A_203 = arith.mulf %logistic3A_198, %tanh3A_202 : vector<2000x32xf32>
    %concatenate3A = tpu.concatenate %mul3A_80, %mul3A_203 in 1 : vector<2000x32xf32>, vector<2000x32xf32> -> vector<2000x64xf32>
    %concatenate3A_204 = tpu.concatenate %mul3A_121, %mul3A_162 in 1 : vector<2000x32xf32>, vector<2000x32xf32> -> vector<2000x64xf32>
    %get3A_205 = arith.constant 0 : index
    %get3A_206 = arith.constant 0 : index
    %get3A_207 = vector.load %arg14[%get3A_205, %get3A_206] : memref<64x1xf32, #tpu.memory_space<vmem>>, vector<64x1xf32>
    %dot_general3A_208 = arith.constant dense<0.000000e+00> : vector<2000x1xf32>
    %dot_general3A_209 = tpu.matmul %concatenate3A, %get3A_207, %dot_general3A_208 {dimension_numbers = #tpu.dot_dimension_numbers<[1], [0], [0], [1], [0, 0, 1, 1], [], []>, transpose_lhs_hint = false} : vector<2000x64xf32>, vector<64x1xf32>, vector<2000x1xf32> -> vector<2000x1xf32>
    %get3A_210 = arith.constant 0 : index
    %get3A_211 = arith.constant 0 : index
    %get3A_212 = vector.load %arg15[%get3A_210, %get3A_211] : memref<1x1xf32, #tpu.memory_space<vmem>>, vector<1x1xf32>
    %add3A_213 = vector.broadcast %get3A_212 : vector<1x1xf32> to vector<2000x1xf32>
    %add3A_214 = arith.addf %dot_general3A_209, %add3A_213 : vector<2000x1xf32>
    %get3A_215 = arith.constant 0 : index
    %get3A_216 = arith.constant 0 : index
    %get3A_217 = vector.load %arg14[%get3A_215, %get3A_216] : memref<64x1xf32, #tpu.memory_space<vmem>>, vector<64x1xf32>
    %dot_general3A_218 = arith.constant dense<0.000000e+00> : vector<2000x1xf32>
    %dot_general3A_219 = tpu.matmul %concatenate3A_204, %get3A_217, %dot_general3A_218 {dimension_numbers = #tpu.dot_dimension_numbers<[1], [0], [0], [1], [0, 0, 1, 1], [], []>, transpose_lhs_hint = false} : vector<2000x64xf32>, vector<64x1xf32>, vector<2000x1xf32> -> vector<2000x1xf32>
    %get3A_220 = arith.constant 0 : index
    %get3A_221 = arith.constant 0 : index
    %get3A_222 = vector.load %arg15[%get3A_220, %get3A_221] : memref<1x1xf32, #tpu.memory_space<vmem>>, vector<1x1xf32>
    %add3A_223 = vector.broadcast %get3A_222 : vector<1x1xf32> to vector<2000x1xf32>
    %add3A_224 = arith.addf %dot_general3A_219, %add3A_223 : vector<2000x1xf32>
    %max3A_225 = arith.maximumf %add3A_214, %add3A_224 : vector<2000x1xf32>
    %sub3A = arith.subf %add3A_214, %max3A_225 : vector<2000x1xf32>
    %exp3A = math.exp %sub3A : vector<2000x1xf32>
    %sub3A_226 = arith.subf %add3A_224, %max3A_225 : vector<2000x1xf32>
    %exp3A_227 = math.exp %sub3A_226 : vector<2000x1xf32>
    %mul3A_228 = vector.broadcast %exp3A : vector<2000x1xf32> to vector<2000x16xf32>
    %mul3A_229 = arith.mulf %mul3A_228, %get3A_4 : vector<2000x16xf32>
    %mul3A_230 = vector.broadcast %exp3A_227 : vector<2000x1xf32> to vector<2000x16xf32>
    %mul3A_231 = arith.mulf %mul3A_230, %max3A_28 : vector<2000x16xf32>
    %add3A_232 = arith.addf %mul3A_229, %mul3A_231 : vector<2000x16xf32>
    %add3A_233 = arith.addf %exp3A, %exp3A_227 : vector<2000x1xf32>
    %div3A = vector.broadcast %add3A_233 : vector<2000x1xf32> to vector<2000x16xf32>
    %div3A_234 = arith.divf %add3A_232, %div3A : vector<2000x16xf32>
    %mul3A_235 = vector.broadcast %get3A_1 : vector<2000x1xf32> to vector<2000x16xf32>
    %mul3A_236 = arith.mulf %div3A_234, %mul3A_235 : vector<2000x16xf32>
    %swap3A = arith.constant 0 : index
    %swap3A_237 = arith.constant 0 : index
    %swap3A_238 = vector.load %arg16[%swap3A, %swap3A_237] : memref<2000x16xf32, #tpu.memory_space<vmem>>, vector<2000x16xf32>
    tpu.vector_store %arg16[%swap3A, %swap3A_237], %mul3A_236 {strides = array<i32>} : memref<2000x16xf32, #tpu.memory_space<vmem>>, vector<2000x16xf32>,
    return
  }
  func.func @transform_0(%arg0: i32) -> (i32, i32, i32) {
    %c0_i32 = arith.constant 0 : i32
    %c0_i32_0 = arith.constant 0 : i32
    %c0_i32_1 = arith.constant 0 : i32
    return %c0_i32, %arg0, %c0_i32_0 : i32, i32, i32
  }
  func.func @transform_1(%arg0: i32) -> (i32, i32) {
    %c0_i32 = arith.constant 0 : i32
    %c0_i32_0 = arith.constant 0 : i32
    return %arg0, %c0_i32 : i32, i32
  }
  func.func @transform_2(%arg0: i32) -> (i32, i32) {
    %c0_i32 = arith.constant 0 : i32
    %c0_i32_0 = arith.constant 0 : i32
    return %arg0, %c0_i32 : i32, i32
  }
  func.func @transform_3(%arg0: i32) -> (i32, i32) {
    %c0_i32 = arith.constant 0 : i32
    %c0_i32_0 = arith.constant 0 : i32
    %c0_i32_1 = arith.constant 0 : i32
    return %c0_i32, %c0_i32_0 : i32, i32
  }
  func.func @transform_4(%arg0: i32) -> (i32, i32) {
    %c0_i32 = arith.constant 0 : i32
    %c0_i32_0 = arith.constant 0 : i32
    return %arg0, %c0_i32 : i32, i32
  }
  func.func @transform_5(%arg0: i32) -> (i32, i32) {
    %c0_i32 = arith.constant 0 : i32
    %c0_i32_0 = arith.constant 0 : i32
    %c0_i32_1 = arith.constant 0 : i32
    return %c0_i32, %c0_i32_0 : i32, i32
  }
  func.func @transform_6(%arg0: i32) -> (i32, i32) {
    %c0_i32 = arith.constant 0 : i32
    %c0_i32_0 = arith.constant 0 : i32
    %c0_i32_1 = arith.constant 0 : i32
    return %c0_i32, %c0_i32_0 : i32, i32
  }
  func.func @transform_7(%arg0: i32) -> (i32, i32) {
    %c0_i32 = arith.constant 0 : i32
    %c0_i32_0 = arith.constant 0 : i32
    %c0_i32_1 = arith.constant 0 : i32
    return %c0_i32, %c0_i32_0 : i32, i32
  }
  func.func @transform_8(%arg0: i32) -> (i32, i32) {
    %c0_i32 = arith.constant 0 : i32
    %c0_i32_0 = arith.constant 0 : i32
    %c0_i32_1 = arith.constant 0 : i32
    return %c0_i32, %c0_i32_0 : i32, i32
  }
  func.func @transform_9(%arg0: i32) -> (i32, i32) {
    %c0_i32 = arith.constant 0 : i32
    %c0_i32_0 = arith.constant 0 : i32
    %c0_i32_1 = arith.constant 0 : i32
    return %c0_i32, %c0_i32_0 : i32, i32
  }
  func.func @transform_10(%arg0: i32) -> (i32, i32) {
    %c0_i32 = arith.constant 0 : i32
    %c0_i32_0 = arith.constant 0 : i32
    %c0_i32_1 = arith.constant 0 : i32
    return %c0_i32, %c0_i32_0 : i32, i32
  }
  func.func @transform_11(%arg0: i32) -> (i32, i32) {
    %c0_i32 = arith.constant 0 : i32
    %c0_i32_0 = arith.constant 0 : i32
    %c0_i32_1 = arith.constant 0 : i32
    return %c0_i32, %c0_i32_0 : i32, i32
  }
  func.func @transform_12(%arg0: i32) -> (i32, i32) {
    %c0_i32 = arith.constant 0 : i32
    %c0_i32_0 = arith.constant 0 : i32
    %c0_i32_1 = arith.constant 0 : i32
    return %c0_i32, %c0_i32_0 : i32, i32
  }
  func.func @transform_13(%arg0: i32) -> (i32, i32) {
    %c0_i32 = arith.constant 0 : i32
    %c0_i32_0 = arith.constant 0 : i32
    %c0_i32_1 = arith.constant 0 : i32
    return %c0_i32, %c0_i32_0 : i32, i32
  }
  func.func @transform_14(%arg0: i32) -> (i32, i32) {
    %c0_i32 = arith.constant 0 : i32
    %c0_i32_0 = arith.constant 0 : i32
    %c0_i32_1 = arith.constant 0 : i32
    return %c0_i32, %c0_i32_0 : i32, i32
  }
  func.func @transform_15(%arg0: i32) -> (i32, i32) {
    %c0_i32 = arith.constant 0 : i32
    %c0_i32_0 = arith.constant 0 : i32
    return %arg0, %c0_i32 : i32, i32
  }
}

module attributes {stable_mosaic.version = 14 : i64} {
  func.func @_tc4_body(%arg0: i32, %arg1: memref<2x2000x16xf32, #tpu.memory_space<vmem>>, %arg2: memref<2000x16xf32, #tpu.memory_space<vmem>>, %arg3: memref<2000x1xf32, #tpu.memory_space<vmem>>, %arg4: memref<16x40xf32, #tpu.memory_space<vmem>>, %arg5: memref<1x40xf32, #tpu.memory_space<vmem>>, %arg6: memref<2000x40xf32, #tpu.memory_space<vmem>>) attributes {dimension_semantics = [#tpu.dimension_semantics<arbitrary>], iteration_bounds = array<i64: 5>, scalar_prefetch = 0 : i64, scratch_operands = 0 : i64, tpu.core_type = #tpu.core_type<tc>, window_params = [{transform_indices = @transform_0, window_bounds = array<i64: 2, 2000, 16>}, {transform_indices = @transform_1, window_bounds = array<i64: 2000, 16>}, {transform_indices = @transform_2, window_bounds = array<i64: 2000, 1>}, {pipeline_mode = #tpu.pipeline_mode<synchronous>, transform_indices = @transform_3, window_bounds = array<i64: 16, 40>}, {pipeline_mode = #tpu.pipeline_mode<synchronous>, transform_indices = @transform_4, window_bounds = array<i64: 1, 40>}, {transform_indices = @transform_5, window_bounds = array<i64: 2000, 40>}]} {
    %get3A = arith.constant 0 : index
    %get3A_0 = arith.constant 0 : index
    %get3A_1 = vector.load %arg3[%get3A, %get3A_0] : memref<2000x1xf32, #tpu.memory_space<vmem>>, vector<2000x1xf32>
    %get3A_2 = arith.constant 0 : index
    %get3A_3 = arith.constant 0 : index
    %get3A_4 = arith.constant 0 : index
    %get3A_5 = vector.load %arg1[%get3A_2, %get3A_3, %get3A_4] : memref<2x2000x16xf32, #tpu.memory_space<vmem>>, vector<1x2000x16xf32>
    %get3A_6 = vector.shape_cast %get3A_5 : vector<1x2000x16xf32> to vector<2000x16xf32>
    %get3A_7 = arith.constant 1 : index
    %get3A_8 = arith.constant 0 : index
    %get3A_9 = arith.constant 0 : index
    %get3A_10 = vector.load %arg1[%get3A_7, %get3A_8, %get3A_9] : memref<2x2000x16xf32, #tpu.memory_space<vmem>>, vector<1x2000x16xf32>
    %get3A_11 = vector.shape_cast %get3A_10 : vector<1x2000x16xf32> to vector<2000x16xf32>
    %add3A = arith.addf %get3A_6, %get3A_11 : vector<2000x16xf32>
    %get3A_12 = arith.constant 0 : index
    %get3A_13 = arith.constant 0 : index
    %get3A_14 = vector.load %arg2[%get3A_12, %get3A_13] : memref<2000x16xf32, #tpu.memory_space<vmem>>, vector<2000x16xf32>
    %mul3A = vector.broadcast %get3A_1 : vector<2000x1xf32> to vector<2000x16xf32>
    %mul3A_15 = arith.mulf %mul3A, %get3A_14 : vector<2000x16xf32>
    %add3A_16 = arith.addf %add3A, %mul3A_15 : vector<2000x16xf32>
    %mul3A_17 = vector.broadcast %get3A_1 : vector<2000x1xf32> to vector<2000x16xf32>
    %mul3A_18 = arith.mulf %add3A_16, %mul3A_17 : vector<2000x16xf32>
    %get3A_19 = arith.constant 0 : index
    %get3A_20 = arith.constant 0 : index
    %get3A_21 = vector.load %arg4[%get3A_19, %get3A_20] : memref<16x40xf32, #tpu.memory_space<vmem>>, vector<16x40xf32>
    %dot_general3A = arith.constant dense<0.000000e+00> : vector<2000x40xf32>
    %dot_general3A_22 = tpu.matmul %mul3A_18, %get3A_21, %dot_general3A {dimension_numbers = #tpu.dot_dimension_numbers<[1], [0], [0], [1], [0, 0, 1, 1], [], []>, transpose_lhs_hint = false} : vector<2000x16xf32>, vector<16x40xf32>, vector<2000x40xf32> -> vector<2000x40xf32>
    %get3A_23 = arith.constant 0 : index
    %get3A_24 = arith.constant 0 : index
    %get3A_25 = vector.load %arg5[%get3A_23, %get3A_24] : memref<1x40xf32, #tpu.memory_space<vmem>>, vector<1x40xf32>
    %add3A_26 = vector.broadcast %get3A_25 : vector<1x40xf32> to vector<2000x40xf32>
    %add3A_27 = arith.addf %dot_general3A_22, %add3A_26 : vector<2000x40xf32>
    %reduce_max3A = arith.constant dense<0xFF800000> : vector<2000xf32>
    %reduce_max3A_28 = vector.multi_reduction <maximumf>, %add3A_27, %reduce_max3A [1] : vector<2000x40xf32> to vector<2000xf32>
    %broadcast_in_dim3A = vector.shape_cast %reduce_max3A_28 : vector<2000xf32> to vector<2000x1xf32>
    %sub3A = vector.broadcast %broadcast_in_dim3A : vector<2000x1xf32> to vector<2000x40xf32>
    %sub3A_29 = arith.subf %add3A_27, %sub3A : vector<2000x40xf32>
    %exp3A = math.exp %sub3A_29 : vector<2000x40xf32>
    %reduce_sum3A = arith.constant dense<0.000000e+00> : vector<2000xf32>
    %reduce_sum3A_30 = vector.multi_reduction <add>, %exp3A, %reduce_sum3A [1] : vector<2000x40xf32> to vector<2000xf32>
    %broadcast_in_dim3A_31 = vector.shape_cast %reduce_sum3A_30 : vector<2000xf32> to vector<2000x1xf32>
    %log3A = math.log %broadcast_in_dim3A_31 : vector<2000x1xf32>
    %add3A_32 = arith.addf %log3A, %broadcast_in_dim3A : vector<2000x1xf32>
    %sub3A_33 = vector.broadcast %add3A_32 : vector<2000x1xf32> to vector<2000x40xf32>
    %sub3A_34 = arith.subf %add3A_27, %sub3A_33 : vector<2000x40xf32>
    %swap3A = arith.constant 0 : index
    %swap3A_35 = arith.constant 0 : index
    %swap3A_36 = vector.load %arg6[%swap3A, %swap3A_35] : memref<2000x40xf32, #tpu.memory_space<vmem>>, vector<2000x40xf32>
    tpu.vector_store %arg6[%swap3A, %swap3A_35], %sub3A_34 {strides = array<i32>} : memref<2000x40xf32, #tpu.memory_space<vmem>>, vector<2000x40xf32>,
    return
  }
  func.func @transform_0(%arg0: i32) -> (i32, i32, i32) {
    %c0_i32 = arith.constant 0 : i32
    %c0_i32_0 = arith.constant 0 : i32
    %c0_i32_1 = arith.constant 0 : i32
    return %c0_i32, %arg0, %c0_i32_0 : i32, i32, i32
  }
  func.func @transform_1(%arg0: i32) -> (i32, i32) {
    %c0_i32 = arith.constant 0 : i32
    %c0_i32_0 = arith.constant 0 : i32
    return %arg0, %c0_i32 : i32, i32
  }
  func.func @transform_2(%arg0: i32) -> (i32, i32) {
    %c0_i32 = arith.constant 0 : i32
    %c0_i32_0 = arith.constant 0 : i32
    return %arg0, %c0_i32 : i32, i32
  }
  func.func @transform_3(%arg0: i32) -> (i32, i32) {
    %c0_i32 = arith.constant 0 : i32
    %c0_i32_0 = arith.constant 0 : i32
    %c0_i32_1 = arith.constant 0 : i32
    return %c0_i32, %c0_i32_0 : i32, i32
  }
  func.func @transform_4(%arg0: i32) -> (i32, i32) {
    %c0_i32 = arith.constant 0 : i32
    %c0_i32_0 = arith.constant 0 : i32
    %c0_i32_1 = arith.constant 0 : i32
    return %c0_i32, %c0_i32_0 : i32, i32
  }
  func.func @transform_5(%arg0: i32) -> (i32, i32) {
    %c0_i32 = arith.constant 0 : i32
    %c0_i32_0 = arith.constant 0 : i32
    return %arg0, %c0_i32 : i32, i32
  }
}

</mosaic_0001>

<sc_bundles>
// kernel: kernel.10.cloned.1.call-start
scs
__scs_entry_jumppad:
0x0: {  	(pc) =	sbr.rel $0x88, $3  }
0x1: {  	(tag) =	ssettag $0x0;
	lr =	simm.s32 $0x1  }
0x2: {  	[smem:$0x3F8F] =	sst lr;
	_ =	strace $0xD0000000  }
0x3: {  	_ = 	snop  }
0x4: {  	_ = 	snop  }
0x5: {  	_ = 	snop  }
0x6: {  	_ = 	snop  }
0x7: {  	_ = 	snop  }
__scs_overlays_trampoline_lowered:
0x8: {  	[smem:$0x3F9E] =	sst s0  }
0x9: {  	[smem:$0x3F9F] =	sst s1  }
0xa: {  	[smem:$0x3FA0] =	sst s2  }
0xb: {  	[smem:$0x3FA1] =	sst s3  }
0xc: {  	[smem:$0x3FA2] =	sst s4  }
0xd: {  	[smem:$0x3FA3] =	sst s5  }
0xe: {  	[smem:$0x3FA4] =	sst s6  }
0xf: {  	[smem:$0x3FA5] =	sst s7  }
0x10: {  	[smem:$0x3FA6] =	sst s8  }
0x11: {  	[smem:$0x3FA7] =	sst s9;
	s0 =	simm.s32 @!p0 $0x0  }
0x12: {  	s1 =	sld [smem:$0x3F8D];
	s0 =	simm.s32 @p0 $0x1  }
0x13: {  	[smem:$0x3FA8] =	sst s0;
	s0 =	simm.s32 @!p1 $0x0  }
0x14: {  	s2 =	sld [smem:$0x3F8C];
	s0 =	simm.s32 @p1 $0x1  }
0x15: {  	[smem:$0x3FA9] =	sst s0;
	s0 =	simm.s32 @!p2 $0x0  }
0x16: {  	s3 =	sld [smem:$0x3FDB];
	s0 =	simm.s32 @p2 $0x1  }
0x17: {  	s4 =	simm.s32 $0x1BF5;
	[smem:$0x3FAB] =	sst s0  }
0x18: {  	s0 =	sld [smem:$0x3F8E];
	_ =	swait.ge [sflag:s4], $0x0  }
0x19: {  	s7 =	sld [smem:$0x3F8F]  }
0x1a: {  	s8 =	sadd.s32 $0xFFFFE003, lr  }
0x1b: {  	s9 =	sadd.s32 $0xFFFFFEF7, lr;
	s5 =	simm.s32 $0xFFFFFFFF;
	p2 =	slt.u32 s8, $0xFFFFF086  }
0x1c: {  	p1 =	slt.u32 s9, $0xF7A;
	s5 =	simm.s32 @!p2 $0x0  }
0x1d: {  	s5 =	simm.s32 @p1 $0x1;
	p0 =	seq.s32 s7, s2  }
0x1e: {  	s7 =	smul.u32 @!p0 $0xF7A, s2;
	p2 =	seq.s32 @!p0 s5, $0x0  }
0x1f: {  	s9 =	smul.u32 $0xF7A, s1;
	s8 =	simm.s32 @!p0 $0x1BF5;
	p2 =	por !p2, p0  }
0x20: {  	[sflag:s8] =	ssyncset.s32 @!p0 $0xFFFFF086;
	s6 =	sadd.s32 @!p0 s3, s7;
	s7 =	simm.s32 @!p0 $0x108  }
0x21: {  	s3 =	sadd.s32 s3, s9;
	s6 =	sadd.s32 @!p0 $0x88, s6;
	s7 =	simm.s32 @p2 $0x1082  }
0x22: {  	[simem:s7], [sflag:s8] =	dma.local @!p0 [hbm:s6], $0xF7A  }
0x23: {  	s9 =	sor.u32 $0xD0000000, s2;
	s6 =	simm.s32 $0x108;
	_ =	swait.ge @!p0 [sflag:s8], $0x0  }
0x24: {  	s3 =	sadd.s32 $0x88, s3;
	s6 =	simm.s32 @!p1 $0x1082;
	[sflag:s4] =	ssyncset.s32 $0xFFFFF086  }
0x25: {  	[simem:s6], [sflag:s4] =	dma.local [hbm:s3], $0xF7A  }
0x26: {  	[smem:$0x3F8F] =	sst s1;
	(tag) =	ssettag s2;
	_ =	strace s9  }
0x27: {  	s1 =	sld [smem:$0x3F9F]  }
0x28: {  	s2 =	sld [smem:$0x3FA0]  }
0x29: {  	s4 =	sld [smem:$0x3FA2]  }
0x2a: {  	p0 =	seq.s32 s5, $0x0;
	s5 =	sld [smem:$0x3FA3]  }
0x2b: {  	s6 =	sld [smem:$0x3FA4]  }
0x2c: {  	s7 =	sld [smem:$0x3FA5]  }
0x2d: {  	s3 =	simm.s32 $0x108;
	s8 =	sld [smem:$0x3FA6]  }
0x2e: {  	s3 =	simm.s32 @!p0 $0x1082;
	s9 =	sld [smem:$0x3FA7]  }
0x2f: {  	lr =	sadd.s32 s0, s3;
	s0 =	sld [smem:$0x3F9E]  }
0x30: {  	s3 =	sld [smem:$0x3FA1]  }
0x31: {  	[smem:$0x3FAA] =	sst s10  }
0x32: {  	s10 =	sld [smem:$0x3FA8];
	_ =	sdelay $0x3  }
0x33: {  	p0 =	seq.s32 s10, $0x1;
	s10 =	sld [smem:$0x3FAA];
	_ =	sdelay $0x3  }
0x34: {  	[smem:$0x3FAA] =	sst s10  }
0x35: {  	s10 =	sld [smem:$0x3FA9];
	_ =	sdelay $0x3  }
0x36: {  	p1 =	seq.s32 s10, $0x1;
	s10 =	sld [smem:$0x3FAA];
	_ =	sdelay $0x3  }
0x37: {  	[smem:$0x3FAA] =	sst s10  }
0x38: {  	s10 =	sld [smem:$0x3FAB]  }
0x39: {  	_ = 	snop;
	(pc) =	sbr.ind lr, $3  }
0x3a: {  	_ = 	snop  }
0x3b: {  	_ = 	snop  }
0x3c: {  	p2 =	seq.s32 s10, $0x1;
	s10 =	sld [smem:$0x3FAA]  }
0x3d: {  	_ =	shalt  }
0x3e: {  	_ =	shalt  }
0x3f: {  	_ =	shalt  }
0x40: {  	_ =	shalt  }
0x41: {  	_ =	shalt  }
0x42: {  	_ =	shalt  }
0x43: {  	_ =	shalt  }
0x44: {  	_ =	shalt  }
0x45: {  	_ =	shalt  }
0x46: {  	_ =	shalt  }
0x47: {  	_ =	shalt  }
0x48: {  	_ =	shalt  }
0x49: {  	_ =	shalt  }
0x4a: {  	_ =	shalt  }
0x4b: {  	_ =	shalt  }
0x4c: {  	_ =	shalt  }
0x4d: {  	_ =	shalt  }
0x4e: {  	_ =	shalt  }
0x4f: {  	_ =	shalt  }
0x50: {  	_ =	shalt  }
0x51: {  	_ =	shalt  }
0x52: {  	_ =	shalt  }
0x53: {  	_ =	shalt  }
0x54: {  	_ =	shalt  }
0x55: {  	_ =	shalt  }
0x56: {  	_ =	shalt  }
0x57: {  	_ =	shalt  }
0x58: {  	_ =	shalt  }
0x59: {  	_ =	shalt  }
0x5a: {  	_ =	shalt  }
0x5b: {  	_ =	shalt  }
0x5c: {  	_ =	shalt  }
0x5d: {  	_ =	shalt  }
0x5e: {  	_ =	shalt  }
0x5f: {  	_ =	shalt  }
0x60: {  	_ =	shalt  }
0x61: {  	_ =	shalt  }
0x62: {  	_ =	shalt  }
0x63: {  	_ =	shalt  }
0x64: {  	_ =	shalt  }
0x65: {  	_ =	shalt  }
0x66: {  	_ =	shalt  }
0x67: {  	_ =	shalt  }
0x68: {  	_ =	shalt  }
0x69: {  	_ =	shalt  }
0x6a: {  	_ =	shalt  }
0x6b: {  	_ =	shalt  }
0x6c: {  	_ =	shalt  }
0x6d: {  	_ =	shalt  }
0x6e: {  	_ =	shalt  }
0x6f: {  	_ =	shalt  }
0x70: {  	_ =	shalt  }
0x71: {  	_ =	shalt  }
0x72: {  	_ =	shalt  }
0x73: {  	_ =	shalt  }
0x74: {  	_ =	shalt  }
0x75: {  	_ =	shalt  }
0x76: {  	_ =	shalt  }
0x77: {  	_ =	shalt  }
0x78: {  	_ =	shalt  }
0x79: {  	_ =	shalt  }
0x7a: {  	_ =	shalt  }
0x7b: {  	_ =	shalt  }
0x7c: {  	_ =	shalt  }
0x7d: {  	_ =	shalt  }
0x7e: {  	_ =	shalt  }
0x7f: {  	_ =	shalt  }
0x80: {  	_ =	shalt  }
0x81: {  	_ =	shalt  }
0x82: {  	_ =	shalt  }
0x83: {  	_ =	shalt  }
0x84: {  	_ =	shalt  }
0x85: {  	_ =	shalt  }
0x86: {  	_ =	shalt  }
0x87: {  	_ =	shalt  }
.Lfunc_end0:
.L_simem_size_0:
called_computation_lowered:
.L_overlay_start_0:
0x88: {  	s2 =	sld [smem:$0x3FD9]  }
0x89: {  	s3 =	sld [smem:$0x3FFE];
	_ =	sdelay $0x1  }
0x8a: {  	s1 =	srdreg.scid  }
0x8b: {  	s0 =	sand.u32 $0x1, s1  }
0x8c: {  	s16 =	sshll.u32 s0, $0xA;
	s2 =	sadd.s32 s3, s2  }
0x8d: {  	s2 =	sadd.s32 s2, s16  }
0x8e: {  	[smem:$0x3FB6] =	sst s2  }
0x8f: {  	_ = 	snop  }
0x90: {  	(tm) =	ssettm $0x1  }
0x91: {  	s17 =	sld [smem:$0x3FFB];
	_ =	sdelay $0x3  }
0x92: {  	_ =	strace s17  }
0x93: {  	s2 =	sld [smem:$0x3FFC];
	_ =	sdelay $0x3  }
0x94: {  	_ =	strace s2  }
0x95: {  	s2 =	sld [smem:$0x3FFD];
	_ =	sdelay $0x3  }
0x96: {  	_ =	strace s2  }
0x97: {  	_ =	strace $0x8FFFFFFF  }
0x98: {  	s18 =	sld [smem:$0x3FDB];
	_ =	sdelay $0x1  }
0x99: {  	s19 =	simm.s32 $_scs_section_size  }
0x9a: {  	s4 =	simm.s32 $_size__tile_overlayer_lowered;
	s5 =	simm.s32 $_tile_overlayer_lowered  }
0x9b: {  	s22 =	simm.s32 $0x1BFF;
	s21 =	sshll.u32 s5, $0x1;
	s2 =	sadd.s32 s19, s18  }
0x9c: {  	s6 =	simm.s32 $0x0;
	s20 =	sshll.u32 s4, $0x1;
	s4 =	sadd.s32 s21, s2  }
0x9d: {  	[timem:s6], [sflag:s22] =	dma.local [hbm:s4], s20  }
0x9e: {  	_ =	swait.ge [sflag:s22], s20  }
0x9f: {  	s3 =	ssub.s32 $0x0, s20;
	[sflag:s22] =	ssyncset.done $0x0  }
0xa0: {  	[sflag:s22] =	ssyncadd.s32 s3;
	_ =	sdelay $0x1  }
0xa1: {  	s23 =	simm.s32 $0x1B8B  }
0xa2: {  	_ =	swait.ge [sflag:s23], $0x1  }
0xa3: {  	[sflag:s23] =	ssyncset.done $0x0  }
0xa4: {  	s25 =	simm.s32 $0x1B8E;
	s24 =	sld [smem:$0x3FFE];
	[sflag:s23] =	ssyncadd.s32 $0xFFFFFFFF  }
0xa5: {  	s26 =	simm.s32 $execute0_lowered;
	[smem:$0x3FD2] =	sst s25  }
0xa6: {  	s4 =	sshll.u32 s26, $0x1;
	_ =	strace $0x80000046;
	[dreg:$0x1] =	wrdreg $0xFFFFFFFF  }
0xa7: {  	s28 =	simm.s32 $_size_execute0_lowered;
	s2 =	sadd.s32 s2, s4;
	[dreg:$0x0] =	wrdreg $0x0  }
0xa8: {  	s4 =	sshll.u32 s28, $0x1;
	[dreg:$0x2] =	wrdreg s2  }
0xa9: {  	[dreg:$0x3] =	wrdreg s4  }
0xaa: {  	[dreg:$0x4] =	wrdreg $0xC0  }
0xab: {  	_ =	task [dreg:s6], $0x5FFFF  }
0xac: {  	[dreg:$0x1] =	wrdreg $0xFFFFFFFF  }
0xad: {  	[dreg:$0x0] =	wrdreg $0x60  }
0xae: {  	[dreg:$0x2] =	wrdreg s24  }
0xaf: {  	[dreg:$0x3] =	wrdreg $0x53200  }
0xb0: {  	[dreg:$0x4] =	wrdreg $0x9  }
0xb1: {  	_ =	task.clear_ibuf [dreg:s6], $0x5FFFF;
	_ =	strace $0x90000046  }
0xb2: {  	s29 =	simm.s32 $0x9;
	_ =	strace $0x80000048  }
0xb3: {  	_ =	swait.ge [sflag:s29], $0x1  }
0xb4: {  	[sflag:s29] =	ssyncadd.s32 $0xFFFFFFFF  }
0xb5: {  	_ =	strace $0x90000048  }
0xb6: {  	_ =	sfence  }
0xb7: {  	s30 =	sld [smem:$0x0];
	_ =	sdelay $0x2  }
0xb8: {  	s31 =	sshll.u32 s1, $0xD;
	s1 =	sshrl.u32 s1, $0x2  }
0xb9: {  	s3 =	sand.u32 $0x4000, s31;
	s1 =	sadd.s32 s1, s30  }
0xba: {  	s0 =	sor.u32 s3, s0;
	s1 =	sshll.u32 s1, $0x11  }
0xbb: {  	s0 =	sor.u32 s1, s0  }
0xbc: {  	s0 =	sadd.s32 $0x8F2B, s0  }
0xbd: {  	[sflag:s0] =	ssyncadd.remote.s32 $0x1  }
0xbe: {  	_ =	sfence.sel $0xFFFF  }
0xbf: {  	[dreg:$0x0] =	wrdreg $0xFFFFFFFF;
	(pc) =	sbr.abs _section_cstart, $3  }
0xc0: {  	[dreg:$0x1] =	wrdreg $0xFFFFFFFF  }
0xc1: {  	_ =	task.clear_ibuf [dreg:s6], $0x2FFFF;
	_ =	strace $0x9FFFFFFF  }
0xc2: {  	(tm) =	ssettm $0x7FFFFFFF  }
0xc3: {  	_ =	shalt  }
tec
execute0_lowered:
.L_overlay_start_1:
0x0: {  	(tag) =	ssettag $0x1  }
0x1: {  	s1 =	srdreg.scid;
	s5 =	rddreg [dreg:$0x0]  }
0x2: {  	s0 =	stileid.u32;
	s2 =	rddreg [dreg:$0x1];
	s3 =	simm.s32 $0x0  }
0x3: {  	s13 =	simm.s32 $0x50;
	s14 =	simm.s32 $0x1;
	s15 =	simm.s32 $0x2  }
0x4: {  	s16 =	simm.s32 $0x3;
	s17 =	simm.s32 $0x4;
	s18 =	simm.s32 $0x5  }
0x5: {  	s19 =	simm.s32 $0x0;
	s6 =	sand.u32 $0x1, s1;
	s7 =	smul.u32 $0x2710, s0  }
0x6: {  	s29 =	sshll.u32 s0, $0x1;
	s1 =	rddreg [dreg:$0x2];
	s30 =	smul.u32 $0x9C40, s0  }
0x7: {  	[smem:$0x7FF] =	sst s3;
	s4 =	sor.u32 s6, s29;
	s8 =	smul.u32 $0x27100, s6  }
0x8: {  	_ =	strace $0x80000047;
	s6 =	ssub.s32 $0x2, s6;
	s4 =	smul.u32 $0x4E2, s4  }
0x9: {  	s10 =	sshrl.u32 s7, $0x3;
	s11 =	sshrl.u32 s6, $0x1;
	s31 =	sshrl.u32 s30, $0x2  }
0xa: {  	s7 =	sadd.s32 s7, s8;
	s10 =	sadd.s32 s10, s5;
	s11 =	ssub.s32 s6, s11  }
0xb: {  	s6 =	sadd.s32 s31, s2;
	s9 =	sadd.s32 s4, s5;
	s7 =	sshrl.u32 s7, $0x3  }
0xc: {  	s4 =	sadd.s32 $0x12000, s5;
	s12 =	sadd.s32 s7, s5;
	s5 =	sadd.s32 $0xD000, s10  }
0xd: {  	s7 =	sadd.s32 $0x3200, s9;
	s9 =	smax.u32 s11, $0x1;
	s10 =	simm.s32 $0x2C10  }
0xe: {  	s11 =	simm.s32 $0x6;
	s8 =	sadd.s32 $0x12200, s12;
	s12 =	simm.s32 $0x2710  }
.LBB2_1:
0xf: {  	[tilespmem:s10], [sflag:$0x6] =	stream.linear.gather [hbm4b:s5+s3], $0x2710, $0x38;
	[tilespmem:$0x7A30] =	vst v63  }
0x10: {  	_ =	swait.ge [sflag:s11], $0x2710  }
0x11: {  	[sflag:s11] =	ssyncset.done $0x0  }
0x12: {  	[sflag:s11] =	ssyncadd.s32 $0xFFFFD8F0  }
0x13: {  	[spmem:s6] =	stream.linear.scatter [tilespmem:s10], [sflag:$0x6], $0x2710, $0x38;
	[tilespmem:$0x7A30] =	vst v63  }
0x14: {  	_ =	swait.ge [sflag:s11], $0x2710  }
0x15: {  	[sflag:s11] =	ssyncset.done $0x0  }
0x16: {  	[sflag:s11] =	ssyncadd.s32 $0xFFFFD8F0  }
0x17: {  	[tilespmem:s12], [sflag:$0x6] =	stream.linear.gather [hbm4b:s4+s3], $0x500, $0x38;
	[tilespmem:$0x7A30] =	vst v63  }
0x18: {  	_ =	swait.ge [sflag:s11], $0x500  }
0x19: {  	[sflag:s11] =	ssyncset.done $0x0  }
0x1a: {  	[sflag:s11] =	ssyncadd.s32 $0xFFFFFB00  }
0x1b: {  	[tilespmem:s3], [sflag:$0x6] =	stream.linear.gather [hbm4b:s7+s3], $0x2710, $0x38;
	[tilespmem:$0x7A30] =	vst v63  }
0x1c: {  	_ =	swait.ge [sflag:s11], $0x2710  }
0x1d: {  	[sflag:s11] =	ssyncset.done $0x0  }
0x1e: {  	[sflag:s11] =	ssyncadd.s32 $0xFFFFD8F0  }
0x1f: {  	s20 =	simm.s32 $0x0;
	[bflag:$0x0] =	sbarrier.arrive $0xFFFF  }
0x20: {  	[spmem:s2] =	stream.indirect.scatter.add.f32 [tilespmem:s12], [sflag:$0x1], $0x10, s20, s13, $0xb8;
	[tilespmem:$0x7A30] =	vst v63  }
0x21: {  	s28 =	simm.s32 $0x50  }
0x22: {  	[spmem:s2] =	stream.indirect.scatter.add.f32 [tilespmem:s12], [sflag:$0x2], $0x10, s28, s13, $0xb8;
	[tilespmem:$0x7A30] =	vst v63  }
0x23: {  	s29 =	simm.s32 $0xA0  }
0x24: {  	[spmem:s2] =	stream.indirect.scatter.add.f32 [tilespmem:s12], [sflag:$0x3], $0x10, s29, s13, $0xb8;
	[tilespmem:$0x7A30] =	vst v63  }
0x25: {  	s30 =	simm.s32 $0xF0  }
0x26: {  	[spmem:s2] =	stream.indirect.scatter.add.f32 [tilespmem:s12], [sflag:$0x4], $0x10, s30, s13, $0xb8;
	[tilespmem:$0x7A30] =	vst v63  }
0x27: {  	s31 =	simm.s32 $0x140  }
0x28: {  	[spmem:s2] =	stream.indirect.scatter.add.f32 [tilespmem:s12], [sflag:$0x5], $0x10, s31, s13, $0xb8;
	[tilespmem:$0x7A30] =	vst v63  }
0x29: {  	_ =	swait.ge [sflag:s14], $0x500  }
0x2a: {  	[sflag:s14] =	ssyncset.done $0x0  }
0x2b: {  	[sflag:s14] =	ssyncadd.s32 $0xFFFFFB00  }
0x2c: {  	_ =	swait.ge [sflag:s15], $0x500  }
0x2d: {  	[sflag:s15] =	ssyncset.done $0x0  }
0x2e: {  	[sflag:s15] =	ssyncadd.s32 $0xFFFFFB00  }
0x2f: {  	_ =	swait.ge [sflag:s16], $0x500  }
0x30: {  	[sflag:s16] =	ssyncset.done $0x0  }
0x31: {  	[sflag:s16] =	ssyncadd.s32 $0xFFFFFB00  }
0x32: {  	_ =	swait.ge [sflag:s17], $0x500  }
0x33: {  	[sflag:s17] =	ssyncset.done $0x0  }
0x34: {  	[sflag:s17] =	ssyncadd.s32 $0xFFFFFB00  }
0x35: {  	_ =	swait.ge [sflag:s18], $0x500  }
0x36: {  	s21 =	simm.s32 $0xC80;
	s20 =	simm.s32 $0x640;
	[sflag:s18] =	ssyncset.done $0x0  }
.LBB2_2:
0x37: {  	s22 =	sshra.s32 s20, $0x2  }
0x38: {  	[sflag:s18] =	ssyncadd.s32 $0xFFFFFB00;
	s20 =	smov.u32 s21;
	s23 =	sadd.s32 $0x640, s21  }
0x39: {  	[spmem:s2] =	stream.indirect.scatter.add.f32 [tilespmem:s12], [sflag:$0x1], $0x10, s22, s13, $0xb8;
	[tilespmem:$0x7A30] =	vst v63  }
0x3a: {  	p0 =	sne.s32 s21, $0x9600;
	s21 =	sadd.s32 $0x50, s22  }
0x3b: {  	[spmem:s2] =	stream.indirect.scatter.add.f32 [tilespmem:s12], [sflag:$0x2], $0x10, s21, s13, $0xb8;
	[tilespmem:$0x7A30] =	vst v63  }
0x3c: {  	s21 =	sadd.s32 $0xA0, s22  }
0x3d: {  	[spmem:s2] =	stream.indirect.scatter.add.f32 [tilespmem:s12], [sflag:$0x3], $0x10, s21, s13, $0xb8;
	[tilespmem:$0x7A30] =	vst v63  }
0x3e: {  	s21 =	sadd.s32 $0xF0, s22  }
0x3f: {  	[spmem:s2] =	stream.indirect.scatter.add.f32 [tilespmem:s12], [sflag:$0x4], $0x10, s21, s13, $0xb8;
	[tilespmem:$0x7A30] =	vst v63  }
0x40: {  	s21 =	sadd.s32 $0x140, s22  }
0x41: {  	[spmem:s2] =	stream.indirect.scatter.add.f32 [tilespmem:s12], [sflag:$0x5], $0x10, s21, s13, $0xb8;
	[tilespmem:$0x7A30] =	vst v63  }
0x42: {  	_ =	swait.ge [sflag:s14], $0x500  }
0x43: {  	[sflag:s14] =	ssyncset.done $0x0  }
0x44: {  	[sflag:s14] =	ssyncadd.s32 $0xFFFFFB00  }
0x45: {  	_ =	swait.ge [sflag:s15], $0x500  }
0x46: {  	[sflag:s15] =	ssyncset.done $0x0  }
0x47: {  	[sflag:s15] =	ssyncadd.s32 $0xFFFFFB00  }
0x48: {  	_ =	swait.ge [sflag:s16], $0x500  }
0x49: {  	[sflag:s16] =	ssyncset.done $0x0  }
0x4a: {  	[sflag:s16] =	ssyncadd.s32 $0xFFFFFB00  }
.Ltmp0:
0x4b: {  	_ =	swait.ge [sflag:s17], $0x500;
	(pc) =	sbr.rel @p0 .LBB2_2-.Ltmp0, $4  }
0x4c: {  	[sflag:s17] =	ssyncset.done $0x0  }
0x4d: {  	[sflag:s17] =	ssyncadd.s32 $0xFFFFFB00  }
0x4e: {  	_ =	swait.ge [sflag:s18], $0x500  }
0x4f: {  	s21 =	smov.u32 s23;
	[sflag:s18] =	ssyncset.done $0x0  }
0x50: {  	s20 =	sshra.s32 s20, $0x2;
	[sflag:s18] =	ssyncadd.s32 $0xFFFFFB00  }
0x51: {  	[spmem:s2] =	stream.indirect.scatter.add.f32 [tilespmem:s12], [sflag:$0x1], $0x10, s20, s13, $0xb8;
	[tilespmem:$0x7A30] =	vst v63  }
0x52: {  	s21 =	sadd.s32 $0x50, s20  }
0x53: {  	[spmem:s2] =	stream.indirect.scatter.add.f32 [tilespmem:s12], [sflag:$0x2], $0x10, s21, s13, $0xb8;
	[tilespmem:$0x7A30] =	vst v63  }
0x54: {  	s30 =	sadd.s32 $0xA0, s20  }
0x55: {  	[spmem:s2] =	stream.indirect.scatter.add.f32 [tilespmem:s12], [sflag:$0x3], $0x10, s30, s13, $0xb8;
	[tilespmem:$0x7A30] =	vst v63  }
0x56: {  	s31 =	sadd.s32 $0xF0, s20  }
0x57: {  	[spmem:s2] =	stream.indirect.scatter.add.f32 [tilespmem:s12], [sflag:$0x4], $0x10, s31, s13, $0xb8;
	[tilespmem:$0x7A30] =	vst v63  }
0x58: {  	s20 =	sadd.s32 $0x140, s20  }
0x59: {  	[spmem:s2] =	stream.indirect.scatter.add.f32 [tilespmem:s12], [sflag:$0x5], $0x10, s20, s13, $0xb8;
	[tilespmem:$0x7A30] =	vst v63  }
0x5a: {  	_ =	swait.ge [sflag:s14], $0x500  }
0x5b: {  	[sflag:s14] =	ssyncset.done $0x0  }
0x5c: {  	[sflag:s14] =	ssyncadd.s32 $0xFFFFFB00  }
0x5d: {  	_ =	swait.ge [sflag:s15], $0x500  }
0x5e: {  	[sflag:s15] =	ssyncset.done $0x0  }
0x5f: {  	[sflag:s15] =	ssyncadd.s32 $0xFFFFFB00  }
0x60: {  	_ =	swait.ge [sflag:s16], $0x500  }
0x61: {  	[sflag:s16] =	ssyncset.done $0x0  }
0x62: {  	[sflag:s16] =	ssyncadd.s32 $0xFFFFFB00  }
0x63: {  	_ =	swait.ge [sflag:s17], $0x500  }
0x64: {  	[sflag:s17] =	ssyncset.done $0x0  }
0x65: {  	[sflag:s17] =	ssyncadd.s32 $0xFFFFFB00  }
0x66: {  	_ =	swait.ge [sflag:s18], $0x500  }
0x67: {  	[sflag:s18] =	ssyncset.done $0x0  }
0x68: {  	[sflag:s18] =	ssyncadd.s32 $0xFFFFFB00  }
0x69: {  	[bflag:$0x0] =	sbarrier.arrive $0xFFFF  }
0x6a: {  	[tilespmem:s10], [sflag:$0x6] =	stream.linear.gather [spmem:s6], $0x2710, $0x38;
	[tilespmem:$0x7A30] =	vst v63  }
0x6b: {  	s19 =	sadd.s32 $0x1, s19;
	_ =	swait.ge [sflag:s11], $0x2710  }
0x6c: {  	p0 =	sne.s32 s19, s9;
	[sflag:s11] =	ssyncset.done $0x0  }
.Ltmp1:
0x6d: {  	[sflag:s11] =	ssyncadd.s32 $0xFFFFD8F0;
	(pc) =	sbr.rel @p0 .LBB2_1-.Ltmp1, $4  }
0x6e: {  	[hbm4b:s8+s3] =	stream.linear.scatter [tilespmem:s10], [sflag:$0x6], $0x2710, $0x38;
	[tilespmem:$0x7A30] =	vst v63  }
0x6f: {  	_ =	swait.ge [sflag:s11], $0x2710  }
0x70: {  	[sflag:s11] =	ssyncset.done $0x0  }
0x71: {  	[sflag:s11] =	ssyncadd.s32 $0xFFFFD8F0  }
0x72: {  	_ =	sfence.sel $0x180000  }
0x73: {  	[bflag:$0x0] =	sbarrier.arrive $0xFFFF  }
0x74: {  	p0 =	sne.s32 s0, $0x0;
	_ =	strace $0x90000047  }
0x75: {  	s0 =	sadd.s32 @!p0 $0x100000, s1;
	[bflag:$0x2] =	sbarrier.arrive $0xFFFF  }
0x76: {  	[sflag:s0] =	ssyncadd.tile.s32 @!p0 $0x1;
	_ =	shalt  }
.Lfunc_end2:
_tile_overlayer_lowered:
.L_overlay_start_2:
0x77: {  	(tag) =	ssettag $0x2  }
0x78: {  	s0 =	rddreg [dreg:$0x0];
	s2 =	stileid.u32  }
0x79: {  	s1 =	rddreg [dreg:$0x1];
	p0 =	sne.s32 s2, $0x0  }
0x7a: {  	s3 =	rddreg [dreg:$0x2];
	[bflag:$0x3] =	sbarrier.arrive $0xFFFF;
	s2 =	simm.s32 @!p0 $0x1C06  }
0x7b: {  	[timem:s3], [sflag:s2] =	dma.local @!p0 [hbm:s0], s1  }
0x7c: {  	s0 =	simm.s32 @!p0 $0x6  }
0x7d: {  	_ =	swait.ge @!p0 [sflag:s0], s1  }
0x7e: {  	s1 =	ssub.s32 @!p0 $0x0, s1;
	[sflag:s0] =	ssyncset.done @!p0 $0x0  }
0x7f: {  	[sflag:s0] =	ssyncadd.s32 @!p0 s1  }
0x80: {  	[bflag:$0x3] =	sbarrier.arrive $0xFFFF  }
0x81: {  	_ =	shalt  }

// kernel: kernel.13.cloned.1.call-start
scs
__scs_entry_jumppad:
0x0: {  	(pc) =	sbr.rel $0x88, $3  }
0x1: {  	(tag) =	ssettag $0x0;
	lr =	simm.s32 $0x1  }
0x2: {  	[smem:$0x3F8F] =	sst lr;
	_ =	strace $0xD0000000  }
0x3: {  	_ = 	snop  }
0x4: {  	_ = 	snop  }
0x5: {  	_ = 	snop  }
0x6: {  	_ = 	snop  }
0x7: {  	_ = 	snop  }
__scs_overlays_trampoline_lowered:
0x8: {  	[smem:$0x3F9E] =	sst s0  }
0x9: {  	[smem:$0x3F9F] =	sst s1  }
0xa: {  	[smem:$0x3FA0] =	sst s2  }
0xb: {  	[smem:$0x3FA1] =	sst s3  }
0xc: {  	[smem:$0x3FA2] =	sst s4  }
0xd: {  	[smem:$0x3FA3] =	sst s5  }
0xe: {  	[smem:$0x3FA4] =	sst s6  }
0xf: {  	[smem:$0x3FA5] =	sst s7  }
0x10: {  	[smem:$0x3FA6] =	sst s8  }
0x11: {  	[smem:$0x3FA7] =	sst s9;
	s0 =	simm.s32 @!p0 $0x0  }
0x12: {  	s1 =	sld [smem:$0x3F8D];
	s0 =	simm.s32 @p0 $0x1  }
0x13: {  	[smem:$0x3FA8] =	sst s0;
	s0 =	simm.s32 @!p1 $0x0  }
0x14: {  	s2 =	sld [smem:$0x3F8C];
	s0 =	simm.s32 @p1 $0x1  }
0x15: {  	[smem:$0x3FA9] =	sst s0;
	s0 =	simm.s32 @!p2 $0x0  }
0x16: {  	s3 =	sld [smem:$0x3FDB];
	s0 =	simm.s32 @p2 $0x1  }
0x17: {  	s4 =	simm.s32 $0x1BF5;
	[smem:$0x3FAB] =	sst s0  }
0x18: {  	s0 =	sld [smem:$0x3F8E];
	_ =	swait.ge [sflag:s4], $0x0  }
0x19: {  	s7 =	sld [smem:$0x3F8F]  }
0x1a: {  	s8 =	sadd.s32 $0xFFFFE003, lr  }
0x1b: {  	s9 =	sadd.s32 $0xFFFFFEF7, lr;
	s5 =	simm.s32 $0xFFFFFFFF;
	p2 =	slt.u32 s8, $0xFFFFF086  }
0x1c: {  	p1 =	slt.u32 s9, $0xF7A;
	s5 =	simm.s32 @!p2 $0x0  }
0x1d: {  	s5 =	simm.s32 @p1 $0x1;
	p0 =	seq.s32 s7, s2  }
0x1e: {  	s7 =	smul.u32 @!p0 $0xF7A, s2;
	p2 =	seq.s32 @!p0 s5, $0x0  }
0x1f: {  	s9 =	smul.u32 $0xF7A, s1;
	s8 =	simm.s32 @!p0 $0x1BF5;
	p2 =	por !p2, p0  }
0x20: {  	[sflag:s8] =	ssyncset.s32 @!p0 $0xFFFFF086;
	s6 =	sadd.s32 @!p0 s3, s7;
	s7 =	simm.s32 @!p0 $0x108  }
0x21: {  	s3 =	sadd.s32 s3, s9;
	s6 =	sadd.s32 @!p0 $0x88, s6;
	s7 =	simm.s32 @p2 $0x1082  }
0x22: {  	[simem:s7], [sflag:s8] =	dma.local @!p0 [hbm:s6], $0xF7A  }
0x23: {  	s9 =	sor.u32 $0xD0000000, s2;
	s6 =	simm.s32 $0x108;
	_ =	swait.ge @!p0 [sflag:s8], $0x0  }
0x24: {  	s3 =	sadd.s32 $0x88, s3;
	s6 =	simm.s32 @!p1 $0x1082;
	[sflag:s4] =	ssyncset.s32 $0xFFFFF086  }
0x25: {  	[simem:s6], [sflag:s4] =	dma.local [hbm:s3], $0xF7A  }
0x26: {  	[smem:$0x3F8F] =	sst s1;
	(tag) =	ssettag s2;
	_ =	strace s9  }
0x27: {  	s1 =	sld [smem:$0x3F9F]  }
0x28: {  	s2 =	sld [smem:$0x3FA0]  }
0x29: {  	s4 =	sld [smem:$0x3FA2]  }
0x2a: {  	p0 =	seq.s32 s5, $0x0;
	s5 =	sld [smem:$0x3FA3]  }
0x2b: {  	s6 =	sld [smem:$0x3FA4]  }
0x2c: {  	s7 =	sld [smem:$0x3FA5]  }
0x2d: {  	s3 =	simm.s32 $0x108;
	s8 =	sld [smem:$0x3FA6]  }
0x2e: {  	s3 =	simm.s32 @!p0 $0x1082;
	s9 =	sld [smem:$0x3FA7]  }
0x2f: {  	lr =	sadd.s32 s0, s3;
	s0 =	sld [smem:$0x3F9E]  }
0x30: {  	s3 =	sld [smem:$0x3FA1]  }
0x31: {  	[smem:$0x3FAA] =	sst s10  }
0x32: {  	s10 =	sld [smem:$0x3FA8];
	_ =	sdelay $0x3  }
0x33: {  	p0 =	seq.s32 s10, $0x1;
	s10 =	sld [smem:$0x3FAA];
	_ =	sdelay $0x3  }
0x34: {  	[smem:$0x3FAA] =	sst s10  }
0x35: {  	s10 =	sld [smem:$0x3FA9];
	_ =	sdelay $0x3  }
0x36: {  	p1 =	seq.s32 s10, $0x1;
	s10 =	sld [smem:$0x3FAA];
	_ =	sdelay $0x3  }
0x37: {  	[smem:$0x3FAA] =	sst s10  }
0x38: {  	s10 =	sld [smem:$0x3FAB]  }
0x39: {  	_ = 	snop;
	(pc) =	sbr.ind lr, $3  }
0x3a: {  	_ = 	snop  }
0x3b: {  	_ = 	snop  }
0x3c: {  	p2 =	seq.s32 s10, $0x1;
	s10 =	sld [smem:$0x3FAA]  }
0x3d: {  	_ =	shalt  }
0x3e: {  	_ =	shalt  }
0x3f: {  	_ =	shalt  }
0x40: {  	_ =	shalt  }
0x41: {  	_ =	shalt  }
0x42: {  	_ =	shalt  }
0x43: {  	_ =	shalt  }
0x44: {  	_ =	shalt  }
0x45: {  	_ =	shalt  }
0x46: {  	_ =	shalt  }
0x47: {  	_ =	shalt  }
0x48: {  	_ =	shalt  }
0x49: {  	_ =	shalt  }
0x4a: {  	_ =	shalt  }
0x4b: {  	_ =	shalt  }
0x4c: {  	_ =	shalt  }
0x4d: {  	_ =	shalt  }
0x4e: {  	_ =	shalt  }
0x4f: {  	_ =	shalt  }
0x50: {  	_ =	shalt  }
0x51: {  	_ =	shalt  }
0x52: {  	_ =	shalt  }
0x53: {  	_ =	shalt  }
0x54: {  	_ =	shalt  }
0x55: {  	_ =	shalt  }
0x56: {  	_ =	shalt  }
0x57: {  	_ =	shalt  }
0x58: {  	_ =	shalt  }
0x59: {  	_ =	shalt  }
0x5a: {  	_ =	shalt  }
0x5b: {  	_ =	shalt  }
0x5c: {  	_ =	shalt  }
0x5d: {  	_ =	shalt  }
0x5e: {  	_ =	shalt  }
0x5f: {  	_ =	shalt  }
0x60: {  	_ =	shalt  }
0x61: {  	_ =	shalt  }
0x62: {  	_ =	shalt  }
0x63: {  	_ =	shalt  }
0x64: {  	_ =	shalt  }
0x65: {  	_ =	shalt  }
0x66: {  	_ =	shalt  }
0x67: {  	_ =	shalt  }
0x68: {  	_ =	shalt  }
0x69: {  	_ =	shalt  }
0x6a: {  	_ =	shalt  }
0x6b: {  	_ =	shalt  }
0x6c: {  	_ =	shalt  }
0x6d: {  	_ =	shalt  }
0x6e: {  	_ =	shalt  }
0x6f: {  	_ =	shalt  }
0x70: {  	_ =	shalt  }
0x71: {  	_ =	shalt  }
0x72: {  	_ =	shalt  }
0x73: {  	_ =	shalt  }
0x74: {  	_ =	shalt  }
0x75: {  	_ =	shalt  }
0x76: {  	_ =	shalt  }
0x77: {  	_ =	shalt  }
0x78: {  	_ =	shalt  }
0x79: {  	_ =	shalt  }
0x7a: {  	_ =	shalt  }
0x7b: {  	_ =	shalt  }
0x7c: {  	_ =	shalt  }
0x7d: {  	_ =	shalt  }
0x7e: {  	_ =	shalt  }
0x7f: {  	_ =	shalt  }
0x80: {  	_ =	shalt  }
0x81: {  	_ =	shalt  }
0x82: {  	_ =	shalt  }
0x83: {  	_ =	shalt  }
0x84: {  	_ =	shalt  }
0x85: {  	_ =	shalt  }
0x86: {  	_ =	shalt  }
0x87: {  	_ =	shalt  }
.Lfunc_end0:
.L_simem_size_0:
called_computation.1_lowered:
.L_overlay_start_0:
0x88: {  	s2 =	sld [smem:$0x3FD9]  }
0x89: {  	s3 =	sld [smem:$0x3FFE];
	_ =	sdelay $0x1  }
0x8a: {  	s1 =	srdreg.scid  }
0x8b: {  	s0 =	sand.u32 $0x1, s1  }
0x8c: {  	s17 =	sshll.u32 s0, $0xA;
	s2 =	sadd.s32 s3, s2  }
0x8d: {  	s2 =	sadd.s32 s2, s17  }
0x8e: {  	[smem:$0x3FB6] =	sst s2  }
0x8f: {  	_ = 	snop  }
0x90: {  	s2 =	sld [smem:$0x3FD0];
	(tm) =	ssettm $0x1  }
0x91: {  	s18 =	sld [smem:$0x3FFB];
	_ =	sdelay $0x3  }
0x92: {  	_ =	strace s18  }
0x93: {  	s3 =	sld [smem:$0x3FFC];
	_ =	sdelay $0x3  }
0x94: {  	_ =	strace s3  }
0x95: {  	s3 =	sld [smem:$0x3FFD];
	_ =	sdelay $0x3  }
0x96: {  	_ =	strace s3  }
0x97: {  	_ =	strace $0x8FFFFFFF  }
0x98: {  	s19 =	sld [smem:$0x3FDB];
	_ =	sdelay $0x1  }
0x99: {  	s4 =	simm.s32 $_scs_section_size  }
0x9a: {  	s5 =	simm.s32 $_size__tile_overlayer_lowered;
	s6 =	simm.s32 $_tile_overlayer_lowered  }
0x9b: {  	s22 =	simm.s32 $0x1BFF;
	s21 =	sshll.u32 s6, $0x1;
	s3 =	sadd.s32 s4, s19  }
0x9c: {  	s7 =	simm.s32 $0x0;
	s20 =	sshll.u32 s5, $0x1;
	s5 =	sadd.s32 s21, s3  }
0x9d: {  	[timem:s7], [sflag:s22] =	dma.local [hbm:s5], s20  }
0x9e: {  	_ =	swait.ge [sflag:s22], s20  }
0x9f: {  	s4 =	ssub.s32 $0x0, s20;
	[sflag:s22] =	ssyncset.done $0x0  }
0xa0: {  	[sflag:s22] =	ssyncadd.s32 s4;
	_ =	sdelay $0x1  }
0xa1: {  	s23 =	simm.s32 $0x1B8B  }
0xa2: {  	_ =	swait.ge [sflag:s23], $0x1  }
0xa3: {  	[sflag:s23] =	ssyncset.done $0x0  }
0xa4: {  	s25 =	simm.s32 $0x1B8E;
	s24 =	sld [smem:$0x3FFE];
	[sflag:s23] =	ssyncadd.s32 $0xFFFFFFFF  }
0xa5: {  	s26 =	simm.s32 $execute0_lowered;
	[smem:$0x3FD2] =	sst s25  }
0xa6: {  	s5 =	sshll.u32 s26, $0x1;
	_ =	strace $0x80000049;
	[dreg:$0x1] =	wrdreg $0xFFFFFFFF  }
0xa7: {  	s28 =	simm.s32 $_size_execute0_lowered;
	s3 =	sadd.s32 s3, s5;
	[dreg:$0x0] =	wrdreg $0x0  }
0xa8: {  	s5 =	sshll.u32 s28, $0x1;
	[dreg:$0x2] =	wrdreg s3  }
0xa9: {  	[dreg:$0x3] =	wrdreg s5  }
0xaa: {  	[dreg:$0x4] =	wrdreg $0xC0  }
0xab: {  	_ =	task [dreg:s7], $0x5FFFF  }
0xac: {  	[dreg:$0x1] =	wrdreg $0xFFFFFFFF  }
0xad: {  	[dreg:$0x0] =	wrdreg $0x60  }
0xae: {  	[dreg:$0x2] =	wrdreg s24  }
0xaf: {  	[dreg:$0x3] =	wrdreg s2  }
0xb0: {  	[dreg:$0x4] =	wrdreg $0x8E300  }
0xb1: {  	[dreg:$0x5] =	wrdreg $0xB5400  }
0xb2: {  	[dreg:$0x6] =	wrdreg $0x9  }
0xb3: {  	_ =	task.clear_ibuf [dreg:s7], $0x7FFFF;
	_ =	strace $0x90000049  }
0xb4: {  	s29 =	simm.s32 $0x9;
	_ =	strace $0x8000004B  }
0xb5: {  	_ =	swait.ge [sflag:s29], $0x1  }
0xb6: {  	[sflag:s29] =	ssyncadd.s32 $0xFFFFFFFF  }
0xb7: {  	_ =	strace $0x9000004B  }
0xb8: {  	_ =	sfence  }
0xb9: {  	s30 =	sld [smem:$0x0];
	_ =	sdelay $0x2  }
0xba: {  	s31 =	sshll.u32 s1, $0xD;
	s1 =	sshrl.u32 s1, $0x2  }
0xbb: {  	s3 =	sand.u32 $0x4000, s31;
	s1 =	sadd.s32 s1, s30  }
0xbc: {  	s0 =	sor.u32 s3, s0;
	s1 =	sshll.u32 s1, $0x11  }
0xbd: {  	s0 =	sor.u32 s1, s0  }
0xbe: {  	s0 =	sadd.s32 $0x8F2B, s0  }
0xbf: {  	[sflag:s0] =	ssyncadd.remote.s32 $0x1  }
0xc0: {  	_ =	sfence.sel $0xFFFF  }
0xc1: {  	[dreg:$0x0] =	wrdreg $0xFFFFFFFF;
	(pc) =	sbr.abs _section_cstart, $3  }
0xc2: {  	[dreg:$0x1] =	wrdreg $0xFFFFFFFF  }
0xc3: {  	_ =	task.clear_ibuf [dreg:s7], $0x2FFFF;
	_ =	strace $0x9FFFFFFF  }
0xc4: {  	(tm) =	ssettm $0x7FFFFFFF  }
0xc5: {  	_ =	shalt  }
tec
execute0_lowered:
.L_overlay_start_1:
0x0: {  	(tag) =	ssettag $0x1  }
0x1: {  	s0 =	rddreg [dreg:$0x0];
	s1 =	srdreg.scid  }
0x2: {  	s5 =	stileid.u32;
	s6 =	rddreg [dreg:$0x1]  }
0x3: {  	s2 =	rddreg [dreg:$0x2];
	s14 =	simm.s32 $0x6720;
	s15 =	simm.s32 $0xB  }
0x4: {  	s17 =	simm.s32 $0x50;
	s18 =	simm.s32 $0x4E20;
	s19 =	simm.s32 $0x5320  }
0x5: {  	s21 =	simm.s32 $0x5820;
	s23 =	simm.s32 $0x5D20;
	s25 =	simm.s32 $0x6220  }
0x6: {  	s28 =	simm.s32 $0x2;
	s29 =	simm.s32 $0x3;
	s30 =	simm.s32 $0x4  }
0x7: {  	s31 =	simm.s32 $0x5;
	s16 =	simm.s32 $0x8;
	s20 =	simm.s32 $0x9  }
0x8: {  	s22 =	simm.s32 $0xA;
	s24 =	simm.s32 $0x0;
	s1 =	sand.u32 $0x1, s1  }
0x9: {  	s3 =	sshll.u32 s5, $0x1;
	s9 =	smul.u32 $0x2710, s5;
	s5 =	sadd.s32 $0x12000, s0  }
0xa: {  	s4 =	sor.u32 s1, s3;
	s3 =	rddreg [dreg:$0x3];
	s7 =	smul.u32 $0x27100, s1  }
0xb: {  	s1 =	ssub.s32 $0x2, s1;
	s8 =	smul.u32 $0x4E2, s4;
	s4 =	simm.s32 $0x0  }
0xc: {  	s10 =	sshrl.u32 s9, $0x3;
	s12 =	sshrl.u32 s1, $0x1;
	[smem:$0x7FF] =	sst s4  }
0xd: {  	s7 =	sadd.s32 s9, s7;
	s13 =	sadd.s32 s10, s0;
	s1 =	ssub.s32 s1, s12  }
0xe: {  	s10 =	sadd.s32 s5, s10;
	_ =	strace $0x8000004A;
	s11 =	sadd.s32 s8, s0  }
0xf: {  	s7 =	sshrl.u32 s7, $0x3;
	s26 =	sadd.s32 $0xD000, s13;
	[dreg:$0x6] =	wrdreg s10  }
0x10: {  	s10 =	sadd.s32 s6, s8;
	s13 =	smax.u32 s1, $0x1;
	s1 =	simm.s32 $0x6  }
0x11: {  	s0 =	sadd.s32 s7, s0;
	[dreg:$0x5] =	wrdreg s26;
	s7 =	sadd.s32 s9, s2  }
0x12: {  	s9 =	sadd.s32 s9, s3;
	s11 =	sadd.s32 $0x3200, s11;
	s26 =	simm.s32 $0x1  }
0x13: {  	[dreg:$0x7] =	wrdreg s9;
	s12 =	sadd.s32 $0x17000, s0;
	s0 =	simm.s32 $0x7  }
.LBB2_1:
0x14: {  	s6 =	rddreg [dreg:$0x5]  }
0x15: {  	[tilespmem:s14], [sflag:$0xB] =	stream.linear.gather [hbm4b:s6+s4], $0x2710, $0x38;
	[tilespmem:$0xDC50] =	vst v63  }
0x16: {  	_ =	swait.ge [sflag:s15], $0x2710  }
0x17: {  	[sflag:s15] =	ssyncset.done $0x0  }
0x18: {  	[sflag:s15] =	ssyncadd.s32 $0xFFFFD8F0  }
0x19: {  	[spmem:s7] =	stream.linear.scatter [tilespmem:s14], [sflag:$0xB], $0x2710, $0x38;
	[tilespmem:$0xDC50] =	vst v63  }
0x1a: {  	_ =	swait.ge [sflag:s15], $0x2710  }
0x1b: {  	[sflag:s15] =	ssyncset.done $0x0  }
0x1c: {  	s9 =	rddreg [dreg:$0x6];
	[sflag:s15] =	ssyncadd.s32 $0xFFFFD8F0  }
0x1d: {  	[tilespmem:s14], [sflag:$0xB] =	stream.linear.gather [hbm4b:s9+s4], $0x2710, $0x38;
	[tilespmem:$0xDC50] =	vst v63  }
0x1e: {  	_ =	swait.ge [sflag:s15], $0x2710  }
0x1f: {  	[sflag:s15] =	ssyncset.done $0x0  }
0x20: {  	s8 =	rddreg [dreg:$0x7];
	[sflag:s15] =	ssyncadd.s32 $0xFFFFD8F0  }
0x21: {  	[spmem:s8] =	stream.linear.scatter [tilespmem:s14], [sflag:$0xB], $0x2710, $0x38;
	[tilespmem:$0xDC50] =	vst v63  }
0x22: {  	_ =	swait.ge [sflag:s15], $0x2710  }
0x23: {  	[sflag:s15] =	ssyncset.done $0x0  }
0x24: {  	[sflag:s15] =	ssyncadd.s32 $0xFFFFD8F0  }
0x25: {  	[tilespmem:s4], [sflag:$0xB] =	stream.linear.gather [hbm4b:s10+s4], $0x2710, $0x38;
	[tilespmem:$0xDC50] =	vst v63  }
0x26: {  	_ =	swait.ge [sflag:s15], $0x2710  }
0x27: {  	[sflag:s15] =	ssyncset.done $0x0  }
0x28: {  	s9 =	simm.s32 $0x2710;
	[sflag:s15] =	ssyncadd.s32 $0xFFFFD8F0  }
0x29: {  	[tilespmem:s9], [sflag:$0xB] =	stream.linear.gather [hbm4b:s11+s4], $0x2710, $0x38;
	[tilespmem:$0xDC50] =	vst v63  }
0x2a: {  	_ =	swait.ge [sflag:s15], $0x2710  }
0x2b: {  	[sflag:s15] =	ssyncset.done $0x0  }
0x2c: {  	[sflag:s15] =	ssyncadd.s32 $0xFFFFD8F0  }
0x2d: {  	[bflag:$0x0] =	sbarrier.arrive $0xFFFF  }
0x2e: {  	[tilespmem:s18], [sflag:$0x1] =	stream.indirect.gather [hbm4b:s5+s17], $0x10, s4, s17, $0xb8;
	[tilespmem:$0xDC50] =	vst v63  }
0x2f: {  	_ = 	snop  }
0x30: {  	[tilespmem:s19], [sflag:$0x2] =	stream.indirect.gather [hbm4b:s5+s17], $0x10, s17, s17, $0xb8;
	[tilespmem:$0xDC50] =	vst v63  }
0x31: {  	s8 =	simm.s32 $0xA0  }
0x32: {  	[tilespmem:s21], [sflag:$0x3] =	stream.indirect.gather [spmem:s3], $0x10, s8, s17, $0xb8;
	[tilespmem:$0xDC50] =	vst v63  }
0x33: {  	s9 =	simm.s32 $0xF0  }
0x34: {  	[tilespmem:s23], [sflag:$0x4] =	stream.indirect.gather [spmem:s3], $0x10, s9, s17, $0xb8;
	[tilespmem:$0xDC50] =	vst v63  }
0x35: {  	s8 =	simm.s32 $0x140  }
0x36: {  	[tilespmem:s25], [sflag:$0x5] =	stream.indirect.gather [spmem:s3], $0x10, s8, s17, $0xb8;
	[tilespmem:$0xDC50] =	vst v63  }
0x37: {  	_ =	swait.ge [sflag:s26], $0x500  }
0x38: {  	[sflag:s26] =	ssyncset.done $0x0  }
0x39: {  	s9 =	simm.s32 $0x2710;
	[sflag:s26] =	ssyncadd.s32 $0xFFFFFB00  }
0x3a: {  	[spmem:s2] =	stream.indirect.scatter.add.f32 [tilespmem:s18], [sflag:$0x6], $0x10, s9, s17, $0xb8;
	[tilespmem:$0xDC50] =	vst v63  }
0x3b: {  	_ =	swait.ge [sflag:s28], $0x500  }
0x3c: {  	[sflag:s28] =	ssyncset.done $0x0  }
0x3d: {  	s8 =	simm.s32 $0x2760;
	[sflag:s28] =	ssyncadd.s32 $0xFFFFFB00  }
0x3e: {  	[spmem:s2] =	stream.indirect.scatter.add.f32 [tilespmem:s19], [sflag:$0x7], $0x10, s8, s17, $0xb8;
	[tilespmem:$0xDC50] =	vst v63  }
0x3f: {  	_ =	swait.ge [sflag:s29], $0x500  }
0x40: {  	[sflag:s29] =	ssyncset.done $0x0  }
0x41: {  	s9 =	simm.s32 $0x27B0;
	[sflag:s29] =	ssyncadd.s32 $0xFFFFFB00  }
0x42: {  	[spmem:s2] =	stream.indirect.scatter.add.f32 [tilespmem:s21], [sflag:$0x8], $0x10, s9, s17, $0xb8;
	[tilespmem:$0xDC50] =	vst v63  }
0x43: {  	_ =	swait.ge [sflag:s30], $0x500  }
0x44: {  	[sflag:s30] =	ssyncset.done $0x0  }
0x45: {  	s8 =	simm.s32 $0x2800;
	[sflag:s30] =	ssyncadd.s32 $0xFFFFFB00  }
0x46: {  	[spmem:s2] =	stream.indirect.scatter.add.f32 [tilespmem:s23], [sflag:$0x9], $0x10, s8, s17, $0xb8;
	[tilespmem:$0xDC50] =	vst v63  }
0x47: {  	_ =	swait.ge [sflag:s31], $0x500  }
0x48: {  	[sflag:s31] =	ssyncset.done $0x0  }
0x49: {  	s9 =	simm.s32 $0x2850;
	[sflag:s31] =	ssyncadd.s32 $0xFFFFFB00  }
0x4a: {  	[spmem:s2] =	stream.indirect.scatter.add.f32 [tilespmem:s25], [sflag:$0xA], $0x10, s9, s17, $0xb8;
	[tilespmem:$0xDC50] =	vst v63  }
0x4b: {  	_ =	swait.ge [sflag:s1], $0x500  }
0x4c: {  	[sflag:s1] =	ssyncset.done $0x0  }
0x4d: {  	s8 =	simm.s32 $0x190;
	[sflag:s1] =	ssyncadd.s32 $0xFFFFFB00  }
0x4e: {  	[tilespmem:s18], [sflag:$0x1] =	stream.indirect.gather [hbm4b:s5+s17], $0x10, s8, s17, $0xb8;
	[tilespmem:$0xDC50] =	vst v63  }
0x4f: {  	_ =	swait.ge [sflag:s0], $0x500  }
0x50: {  	[sflag:s0] =	ssyncset.done $0x0  }
0x51: {  	s9 =	simm.s32 $0x1E0;
	[sflag:s0] =	ssyncadd.s32 $0xFFFFFB00  }
0x52: {  	[tilespmem:s19], [sflag:$0x2] =	stream.indirect.gather [hbm4b:s5+s17], $0x10, s9, s17, $0xb8;
	[tilespmem:$0xDC50] =	vst v63  }
0x53: {  	_ =	swait.ge [sflag:s16], $0x500  }
0x54: {  	[sflag:s16] =	ssyncset.done $0x0  }
0x55: {  	s8 =	simm.s32 $0x230;
	[sflag:s16] =	ssyncadd.s32 $0xFFFFFB00  }
0x56: {  	[tilespmem:s21], [sflag:$0x3] =	stream.indirect.gather [spmem:s3], $0x10, s8, s17, $0xb8;
	[tilespmem:$0xDC50] =	vst v63  }
0x57: {  	_ =	swait.ge [sflag:s20], $0x500  }
0x58: {  	[sflag:s20] =	ssyncset.done $0x0  }
0x59: {  	s9 =	simm.s32 $0x280;
	[sflag:s20] =	ssyncadd.s32 $0xFFFFFB00  }
0x5a: {  	[tilespmem:s23], [sflag:$0x4] =	stream.indirect.gather [spmem:s3], $0x10, s9, s17, $0xb8;
	[tilespmem:$0xDC50] =	vst v63  }
0x5b: {  	_ =	swait.ge [sflag:s22], $0x500  }
0x5c: {  	[sflag:s22] =	ssyncset.done $0x0  }
0x5d: {  	s6 =	simm.s32 $0x640;
	s8 =	simm.s32 $0x2D0;
	[sflag:s22] =	ssyncadd.s32 $0xFFFFFB00  }
.LBB2_2:
0x5e: {  	[tilespmem:s25], [sflag:$0x5] =	stream.indirect.gather [spmem:s3], $0x10, s8, s17, $0xb8;
	[tilespmem:$0xDC50] =	vst v63  }
0x5f: {  	s8 =	smov.u32 s6  }
0x60: {  	p0 =	sne.s32 s6, $0x8FC0;
	s6 =	sadd.s32 $0x640, s6;
	_ =	swait.ge [sflag:s26], $0x500  }
0x61: {  	s8 =	sshra.s32 s8, $0x2;
	[sflag:s26] =	ssyncset.done $0x0  }
0x62: {  	s9 =	sadd.s32 $0x2710, s8;
	[sflag:s26] =	ssyncadd.s32 $0xFFFFFB00  }
0x63: {  	[spmem:s2] =	stream.indirect.scatter.add.f32 [tilespmem:s18], [sflag:$0x6], $0x10, s9, s17, $0xb8;
	[tilespmem:$0xDC50] =	vst v63  }
0x64: {  	_ =	swait.ge [sflag:s28], $0x500  }
0x65: {  	[sflag:s28] =	ssyncset.done $0x0  }
0x66: {  	s9 =	sadd.s32 $0x2760, s8;
	[sflag:s28] =	ssyncadd.s32 $0xFFFFFB00  }
0x67: {  	[spmem:s2] =	stream.indirect.scatter.add.f32 [tilespmem:s19], [sflag:$0x7], $0x10, s9, s17, $0xb8;
	[tilespmem:$0xDC50] =	vst v63  }
0x68: {  	_ =	swait.ge [sflag:s29], $0x500  }
0x69: {  	[sflag:s29] =	ssyncset.done $0x0  }
0x6a: {  	s9 =	sadd.s32 $0x27B0, s8;
	[sflag:s29] =	ssyncadd.s32 $0xFFFFFB00  }
0x6b: {  	[spmem:s2] =	stream.indirect.scatter.add.f32 [tilespmem:s21], [sflag:$0x8], $0x10, s9, s17, $0xb8;
	[tilespmem:$0xDC50] =	vst v63  }
0x6c: {  	_ =	swait.ge [sflag:s30], $0x500  }
0x6d: {  	[sflag:s30] =	ssyncset.done $0x0  }
0x6e: {  	s9 =	sadd.s32 $0x2800, s8;
	[sflag:s30] =	ssyncadd.s32 $0xFFFFFB00  }
0x6f: {  	[spmem:s2] =	stream.indirect.scatter.add.f32 [tilespmem:s23], [sflag:$0x9], $0x10, s9, s17, $0xb8;
	[tilespmem:$0xDC50] =	vst v63  }
0x70: {  	_ =	swait.ge [sflag:s31], $0x500  }
0x71: {  	[sflag:s31] =	ssyncset.done $0x0  }
0x72: {  	s9 =	sadd.s32 $0x2850, s8;
	[sflag:s31] =	ssyncadd.s32 $0xFFFFFB00  }
0x73: {  	[spmem:s2] =	stream.indirect.scatter.add.f32 [tilespmem:s25], [sflag:$0xA], $0x10, s9, s17, $0xb8;
	[tilespmem:$0xDC50] =	vst v63  }
0x74: {  	_ =	swait.ge [sflag:s1], $0x500  }
0x75: {  	[sflag:s1] =	ssyncset.done $0x0  }
0x76: {  	s9 =	sadd.s32 $0x190, s8;
	[sflag:s1] =	ssyncadd.s32 $0xFFFFFB00  }
0x77: {  	[tilespmem:s18], [sflag:$0x1] =	stream.indirect.gather [hbm4b:s5+s17], $0x10, s9, s17, $0xb8;
	[tilespmem:$0xDC50] =	vst v63  }
0x78: {  	_ =	swait.ge [sflag:s0], $0x500  }
0x79: {  	[sflag:s0] =	ssyncset.done $0x0  }
0x7a: {  	s9 =	sadd.s32 $0x1E0, s8;
	[sflag:s0] =	ssyncadd.s32 $0xFFFFFB00  }
0x7b: {  	[tilespmem:s19], [sflag:$0x2] =	stream.indirect.gather [hbm4b:s5+s17], $0x10, s9, s17, $0xb8;
	[tilespmem:$0xDC50] =	vst v63  }
0x7c: {  	_ =	swait.ge [sflag:s16], $0x500  }
0x7d: {  	[sflag:s16] =	ssyncset.done $0x0  }
0x7e: {  	s9 =	sadd.s32 $0x230, s8;
	[sflag:s16] =	ssyncadd.s32 $0xFFFFFB00  }
0x7f: {  	[tilespmem:s21], [sflag:$0x3] =	stream.indirect.gather [spmem:s3], $0x10, s9, s17, $0xb8;
	[tilespmem:$0xDC50] =	vst v63  }
0x80: {  	_ =	swait.ge [sflag:s20], $0x500  }
0x81: {  	[sflag:s20] =	ssyncset.done $0x0  }
.Ltmp0:
0x82: {  	s9 =	sadd.s32 $0x280, s8;
	[sflag:s20] =	ssyncadd.s32 $0xFFFFFB00;
	(pc) =	sbr.rel @p0 .LBB2_2-.Ltmp0, $4  }
0x83: {  	[tilespmem:s23], [sflag:$0x4] =	stream.indirect.gather [spmem:s3], $0x10, s9, s17, $0xb8;
	[tilespmem:$0xDC50] =	vst v63  }
0x84: {  	_ =	swait.ge [sflag:s22], $0x500  }
0x85: {  	[sflag:s22] =	ssyncset.done $0x0  }
0x86: {  	s8 =	sadd.s32 $0x2D0, s8;
	[sflag:s22] =	ssyncadd.s32 $0xFFFFFB00  }
0x87: {  	[tilespmem:s25], [sflag:$0x5] =	stream.indirect.gather [spmem:s3], $0x10, s8, s17, $0xb8;
	[tilespmem:$0xDC50] =	vst v63  }
0x88: {  	_ =	swait.ge [sflag:s26], $0x500  }
0x89: {  	[sflag:s26] =	ssyncset.done $0x0  }
0x8a: {  	s6 =	simm.s32 $0x4C90;
	[sflag:s26] =	ssyncadd.s32 $0xFFFFFB00  }
0x8b: {  	[spmem:s2] =	stream.indirect.scatter.add.f32 [tilespmem:s18], [sflag:$0x6], $0x10, s6, s17, $0xb8;
	[tilespmem:$0xDC50] =	vst v63  }
0x8c: {  	_ =	swait.ge [sflag:s28], $0x500  }
0x8d: {  	[sflag:s28] =	ssyncset.done $0x0  }
0x8e: {  	s8 =	simm.s32 $0x4CE0;
	[sflag:s28] =	ssyncadd.s32 $0xFFFFFB00  }
0x8f: {  	[spmem:s2] =	stream.indirect.scatter.add.f32 [tilespmem:s19], [sflag:$0x7], $0x10, s8, s17, $0xb8;
	[tilespmem:$0xDC50] =	vst v63  }
0x90: {  	_ =	swait.ge [sflag:s29], $0x500  }
0x91: {  	[sflag:s29] =	ssyncset.done $0x0  }
0x92: {  	s9 =	simm.s32 $0x4D30;
	[sflag:s29] =	ssyncadd.s32 $0xFFFFFB00  }
0x93: {  	[spmem:s2] =	stream.indirect.scatter.add.f32 [tilespmem:s21], [sflag:$0x8], $0x10, s9, s17, $0xb8;
	[tilespmem:$0xDC50] =	vst v63  }
0x94: {  	_ =	swait.ge [sflag:s30], $0x500  }
0x95: {  	[sflag:s30] =	ssyncset.done $0x0  }
0x96: {  	s8 =	simm.s32 $0x4D80;
	[sflag:s30] =	ssyncadd.s32 $0xFFFFFB00  }
0x97: {  	[spmem:s2] =	stream.indirect.scatter.add.f32 [tilespmem:s23], [sflag:$0x9], $0x10, s8, s17, $0xb8;
	[tilespmem:$0xDC50] =	vst v63  }
0x98: {  	_ =	swait.ge [sflag:s31], $0x500  }
0x99: {  	[sflag:s31] =	ssyncset.done $0x0  }
0x9a: {  	s9 =	simm.s32 $0x4DD0;
	[sflag:s31] =	ssyncadd.s32 $0xFFFFFB00  }
0x9b: {  	[spmem:s2] =	stream.indirect.scatter.add.f32 [tilespmem:s25], [sflag:$0xA], $0x10, s9, s17, $0xb8;
	[tilespmem:$0xDC50] =	vst v63  }
0x9c: {  	_ =	swait.ge [sflag:s1], $0x500  }
0x9d: {  	[sflag:s1] =	ssyncset.done $0x0  }
0x9e: {  	[sflag:s1] =	ssyncadd.s32 $0xFFFFFB00  }
0x9f: {  	_ =	swait.ge [sflag:s0], $0x500  }
0xa0: {  	[sflag:s0] =	ssyncset.done $0x0  }
0xa1: {  	[sflag:s0] =	ssyncadd.s32 $0xFFFFFB00  }
0xa2: {  	_ =	swait.ge [sflag:s16], $0x500  }
0xa3: {  	[sflag:s16] =	ssyncset.done $0x0  }
0xa4: {  	[sflag:s16] =	ssyncadd.s32 $0xFFFFFB00  }
0xa5: {  	_ =	swait.ge [sflag:s20], $0x500  }
0xa6: {  	[sflag:s20] =	ssyncset.done $0x0  }
0xa7: {  	[sflag:s20] =	ssyncadd.s32 $0xFFFFFB00  }
0xa8: {  	_ =	swait.ge [sflag:s22], $0x500  }
0xa9: {  	[sflag:s22] =	ssyncset.done $0x0  }
0xaa: {  	[sflag:s22] =	ssyncadd.s32 $0xFFFFFB00  }
0xab: {  	[bflag:$0x0] =	sbarrier.arrive $0xFFFF  }
0xac: {  	[tilespmem:s14], [sflag:$0xB] =	stream.linear.gather [spmem:s7], $0x2710, $0x38;
	[tilespmem:$0xDC50] =	vst v63  }
0xad: {  	s24 =	sadd.s32 $0x1, s24;
	_ =	swait.ge [sflag:s15], $0x2710  }
0xae: {  	p0 =	sne.s32 s24, s13;
	[sflag:s15] =	ssyncset.done $0x0  }
.Ltmp1:
0xaf: {  	[sflag:s15] =	ssyncadd.s32 $0xFFFFD8F0;
	(pc) =	sbr.rel @p0 .LBB2_1-.Ltmp1, $4  }
0xb0: {  	[hbm4b:s12+s4] =	stream.linear.scatter [tilespmem:s14], [sflag:$0xB], $0x2710, $0x38;
	[tilespmem:$0xDC50] =	vst v63  }
0xb1: {  	_ =	swait.ge [sflag:s15], $0x2710  }
0xb2: {  	[sflag:s15] =	ssyncset.done $0x0  }
0xb3: {  	[sflag:s15] =	ssyncadd.s32 $0xFFFFD8F0  }
0xb4: {  	_ =	sfence.sel $0x180000  }
0xb5: {  	[bflag:$0x0] =	sbarrier.arrive $0xFFFF  }
0xb6: {  	_ =	strace $0x9000004A  }
0xb7: {  	s0 =	stileid.u32;
	[bflag:$0x2] =	sbarrier.arrive $0xFFFF  }
0xb8: {  	p0 =	sne.s32 s0, $0x0;
	s0 =	rddreg [dreg:$0x4]  }
0xb9: {  	s0 =	sadd.s32 @!p0 $0x100000, s0  }
0xba: {  	[sflag:s0] =	ssyncadd.tile.s32 @!p0 $0x1;
	_ =	shalt  }
.Lfunc_end2:
_tile_overlayer_lowered:
.L_overlay_start_2:
0xbb: {  	(tag) =	ssettag $0x2  }
0xbc: {  	s0 =	rddreg [dreg:$0x0];
	s2 =	stileid.u32  }
0xbd: {  	s1 =	rddreg [dreg:$0x1];
	p0 =	sne.s32 s2, $0x0  }
0xbe: {  	s3 =	rddreg [dreg:$0x2];
	[bflag:$0x3] =	sbarrier.arrive $0xFFFF;
	s2 =	simm.s32 @!p0 $0x1C0B  }
0xbf: {  	[timem:s3], [sflag:s2] =	dma.local @!p0 [hbm:s0], s1  }
0xc0: {  	s0 =	simm.s32 @!p0 $0xB  }
0xc1: {  	_ =	swait.ge @!p0 [sflag:s0], s1  }
0xc2: {  	s1 =	ssub.s32 @!p0 $0x0, s1;
	[sflag:s0] =	ssyncset.done @!p0 $0x0  }
0xc3: {  	[sflag:s0] =	ssyncadd.s32 @!p0 s1  }
0xc4: {  	[bflag:$0x3] =	sbarrier.arrive $0xFFFF  }
0xc5: {  	_ =	shalt  }

// kernel: kernel.16.cloned.1.call-start
scs
__scs_entry_jumppad:
0x0: {  	(pc) =	sbr.rel $0x88, $3  }
0x1: {  	(tag) =	ssettag $0x0;
	lr =	simm.s32 $0x1  }
0x2: {  	[smem:$0x3F8F] =	sst lr;
	_ =	strace $0xD0000000  }
0x3: {  	_ = 	snop  }
0x4: {  	_ = 	snop  }
0x5: {  	_ = 	snop  }
0x6: {  	_ = 	snop  }
0x7: {  	_ = 	snop  }
__scs_overlays_trampoline_lowered:
0x8: {  	[smem:$0x3F9E] =	sst s0  }
0x9: {  	[smem:$0x3F9F] =	sst s1  }
0xa: {  	[smem:$0x3FA0] =	sst s2  }
0xb: {  	[smem:$0x3FA1] =	sst s3  }
0xc: {  	[smem:$0x3FA2] =	sst s4  }
0xd: {  	[smem:$0x3FA3] =	sst s5  }
0xe: {  	[smem:$0x3FA4] =	sst s6  }
0xf: {  	[smem:$0x3FA5] =	sst s7  }
0x10: {  	[smem:$0x3FA6] =	sst s8  }
0x11: {  	[smem:$0x3FA7] =	sst s9;
	s0 =	simm.s32 @!p0 $0x0  }
0x12: {  	s1 =	sld [smem:$0x3F8D];
	s0 =	simm.s32 @p0 $0x1  }
0x13: {  	[smem:$0x3FA8] =	sst s0;
	s0 =	simm.s32 @!p1 $0x0  }
0x14: {  	s2 =	sld [smem:$0x3F8C];
	s0 =	simm.s32 @p1 $0x1  }
0x15: {  	[smem:$0x3FA9] =	sst s0;
	s0 =	simm.s32 @!p2 $0x0  }
0x16: {  	s3 =	sld [smem:$0x3FDB];
	s0 =	simm.s32 @p2 $0x1  }
0x17: {  	s4 =	simm.s32 $0x1BF5;
	[smem:$0x3FAB] =	sst s0  }
0x18: {  	s0 =	sld [smem:$0x3F8E];
	_ =	swait.ge [sflag:s4], $0x0  }
0x19: {  	s7 =	sld [smem:$0x3F8F]  }
0x1a: {  	s8 =	sadd.s32 $0xFFFFE003, lr  }
0x1b: {  	s9 =	sadd.s32 $0xFFFFFEF7, lr;
	s5 =	simm.s32 $0xFFFFFFFF;
	p2 =	slt.u32 s8, $0xFFFFF086  }
0x1c: {  	p1 =	slt.u32 s9, $0xF7A;
	s5 =	simm.s32 @!p2 $0x0  }
0x1d: {  	s5 =	simm.s32 @p1 $0x1;
	p0 =	seq.s32 s7, s2  }
0x1e: {  	s7 =	smul.u32 @!p0 $0xF7A, s2;
	p2 =	seq.s32 @!p0 s5, $0x0  }
0x1f: {  	s9 =	smul.u32 $0xF7A, s1;
	s8 =	simm.s32 @!p0 $0x1BF5;
	p2 =	por !p2, p0  }
0x20: {  	[sflag:s8] =	ssyncset.s32 @!p0 $0xFFFFF086;
	s6 =	sadd.s32 @!p0 s3, s7;
	s7 =	simm.s32 @!p0 $0x108  }
0x21: {  	s3 =	sadd.s32 s3, s9;
	s6 =	sadd.s32 @!p0 $0x88, s6;
	s7 =	simm.s32 @p2 $0x1082  }
0x22: {  	[simem:s7], [sflag:s8] =	dma.local @!p0 [hbm:s6], $0xF7A  }
0x23: {  	s9 =	sor.u32 $0xD0000000, s2;
	s6 =	simm.s32 $0x108;
	_ =	swait.ge @!p0 [sflag:s8], $0x0  }
0x24: {  	s3 =	sadd.s32 $0x88, s3;
	s6 =	simm.s32 @!p1 $0x1082;
	[sflag:s4] =	ssyncset.s32 $0xFFFFF086  }
0x25: {  	[simem:s6], [sflag:s4] =	dma.local [hbm:s3], $0xF7A  }
0x26: {  	[smem:$0x3F8F] =	sst s1;
	(tag) =	ssettag s2;
	_ =	strace s9  }
0x27: {  	s1 =	sld [smem:$0x3F9F]  }
0x28: {  	s2 =	sld [smem:$0x3FA0]  }
0x29: {  	s4 =	sld [smem:$0x3FA2]  }
0x2a: {  	p0 =	seq.s32 s5, $0x0;
	s5 =	sld [smem:$0x3FA3]  }
0x2b: {  	s6 =	sld [smem:$0x3FA4]  }
0x2c: {  	s7 =	sld [smem:$0x3FA5]  }
0x2d: {  	s3 =	simm.s32 $0x108;
	s8 =	sld [smem:$0x3FA6]  }
0x2e: {  	s3 =	simm.s32 @!p0 $0x1082;
	s9 =	sld [smem:$0x3FA7]  }
0x2f: {  	lr =	sadd.s32 s0, s3;
	s0 =	sld [smem:$0x3F9E]  }
0x30: {  	s3 =	sld [smem:$0x3FA1]  }
0x31: {  	[smem:$0x3FAA] =	sst s10  }
0x32: {  	s10 =	sld [smem:$0x3FA8];
	_ =	sdelay $0x3  }
0x33: {  	p0 =	seq.s32 s10, $0x1;
	s10 =	sld [smem:$0x3FAA];
	_ =	sdelay $0x3  }
0x34: {  	[smem:$0x3FAA] =	sst s10  }
0x35: {  	s10 =	sld [smem:$0x3FA9];
	_ =	sdelay $0x3  }
0x36: {  	p1 =	seq.s32 s10, $0x1;
	s10 =	sld [smem:$0x3FAA];
	_ =	sdelay $0x3  }
0x37: {  	[smem:$0x3FAA] =	sst s10  }
0x38: {  	s10 =	sld [smem:$0x3FAB]  }
0x39: {  	_ = 	snop;
	(pc) =	sbr.ind lr, $3  }
0x3a: {  	_ = 	snop  }
0x3b: {  	_ = 	snop  }
0x3c: {  	p2 =	seq.s32 s10, $0x1;
	s10 =	sld [smem:$0x3FAA]  }
0x3d: {  	_ =	shalt  }
0x3e: {  	_ =	shalt  }
0x3f: {  	_ =	shalt  }
0x40: {  	_ =	shalt  }
0x41: {  	_ =	shalt  }
0x42: {  	_ =	shalt  }
0x43: {  	_ =	shalt  }
0x44: {  	_ =	shalt  }
0x45: {  	_ =	shalt  }
0x46: {  	_ =	shalt  }
0x47: {  	_ =	shalt  }
0x48: {  	_ =	shalt  }
0x49: {  	_ =	shalt  }
0x4a: {  	_ =	shalt  }
0x4b: {  	_ =	shalt  }
0x4c: {  	_ =	shalt  }
0x4d: {  	_ =	shalt  }
0x4e: {  	_ =	shalt  }
0x4f: {  	_ =	shalt  }
0x50: {  	_ =	shalt  }
0x51: {  	_ =	shalt  }
0x52: {  	_ =	shalt  }
0x53: {  	_ =	shalt  }
0x54: {  	_ =	shalt  }
0x55: {  	_ =	shalt  }
0x56: {  	_ =	shalt  }
0x57: {  	_ =	shalt  }
0x58: {  	_ =	shalt  }
0x59: {  	_ =	shalt  }
0x5a: {  	_ =	shalt  }
0x5b: {  	_ =	shalt  }
0x5c: {  	_ =	shalt  }
0x5d: {  	_ =	shalt  }
0x5e: {  	_ =	shalt  }
0x5f: {  	_ =	shalt  }
0x60: {  	_ =	shalt  }
0x61: {  	_ =	shalt  }
0x62: {  	_ =	shalt  }
0x63: {  	_ =	shalt  }
0x64: {  	_ =	shalt  }
0x65: {  	_ =	shalt  }
0x66: {  	_ =	shalt  }
0x67: {  	_ =	shalt  }
0x68: {  	_ =	shalt  }
0x69: {  	_ =	shalt  }
0x6a: {  	_ =	shalt  }
0x6b: {  	_ =	shalt  }
0x6c: {  	_ =	shalt  }
0x6d: {  	_ =	shalt  }
0x6e: {  	_ =	shalt  }
0x6f: {  	_ =	shalt  }
0x70: {  	_ =	shalt  }
0x71: {  	_ =	shalt  }
0x72: {  	_ =	shalt  }
0x73: {  	_ =	shalt  }
0x74: {  	_ =	shalt  }
0x75: {  	_ =	shalt  }
0x76: {  	_ =	shalt  }
0x77: {  	_ =	shalt  }
0x78: {  	_ =	shalt  }
0x79: {  	_ =	shalt  }
0x7a: {  	_ =	shalt  }
0x7b: {  	_ =	shalt  }
0x7c: {  	_ =	shalt  }
0x7d: {  	_ =	shalt  }
0x7e: {  	_ =	shalt  }
0x7f: {  	_ =	shalt  }
0x80: {  	_ =	shalt  }
0x81: {  	_ =	shalt  }
0x82: {  	_ =	shalt  }
0x83: {  	_ =	shalt  }
0x84: {  	_ =	shalt  }
0x85: {  	_ =	shalt  }
0x86: {  	_ =	shalt  }
0x87: {  	_ =	shalt  }
.Lfunc_end0:
.L_simem_size_0:
called_computation.2_lowered:
.L_overlay_start_0:
0x88: {  	s2 =	sld [smem:$0x3FD9]  }
0x89: {  	s3 =	sld [smem:$0x3FFE];
	_ =	sdelay $0x1  }
0x8a: {  	s1 =	srdreg.scid  }
0x8b: {  	s0 =	sand.u32 $0x1, s1  }
0x8c: {  	s17 =	sshll.u32 s0, $0xA;
	s2 =	sadd.s32 s3, s2  }
0x8d: {  	s2 =	sadd.s32 s2, s17  }
0x8e: {  	[smem:$0x3FB6] =	sst s2  }
0x8f: {  	_ = 	snop  }
0x90: {  	s2 =	sld [smem:$0x3FD0];
	(tm) =	ssettm $0x1  }
0x91: {  	s18 =	sld [smem:$0x3FFB];
	_ =	sdelay $0x3  }
0x92: {  	_ =	strace s18  }
0x93: {  	s3 =	sld [smem:$0x3FFC];
	_ =	sdelay $0x3  }
0x94: {  	_ =	strace s3  }
0x95: {  	s3 =	sld [smem:$0x3FFD];
	_ =	sdelay $0x3  }
0x96: {  	_ =	strace s3  }
0x97: {  	_ =	strace $0x8FFFFFFF  }
0x98: {  	s19 =	sld [smem:$0x3FDB];
	_ =	sdelay $0x1  }
0x99: {  	s4 =	simm.s32 $_scs_section_size  }
0x9a: {  	s5 =	simm.s32 $_size__tile_overlayer_lowered;
	s6 =	simm.s32 $_tile_overlayer_lowered  }
0x9b: {  	s22 =	simm.s32 $0x1BFF;
	s21 =	sshll.u32 s6, $0x1;
	s3 =	sadd.s32 s4, s19  }
0x9c: {  	s7 =	simm.s32 $0x0;
	s20 =	sshll.u32 s5, $0x1;
	s5 =	sadd.s32 s21, s3  }
0x9d: {  	[timem:s7], [sflag:s22] =	dma.local [hbm:s5], s20  }
0x9e: {  	_ =	swait.ge [sflag:s22], s20  }
0x9f: {  	s4 =	ssub.s32 $0x0, s20;
	[sflag:s22] =	ssyncset.done $0x0  }
0xa0: {  	[sflag:s22] =	ssyncadd.s32 s4;
	_ =	sdelay $0x1  }
0xa1: {  	s23 =	simm.s32 $0x1B8B  }
0xa2: {  	_ =	swait.ge [sflag:s23], $0x1  }
0xa3: {  	[sflag:s23] =	ssyncset.done $0x0  }
0xa4: {  	s25 =	simm.s32 $0x1B8E;
	s24 =	sld [smem:$0x3FFE];
	[sflag:s23] =	ssyncadd.s32 $0xFFFFFFFF  }
0xa5: {  	s26 =	simm.s32 $execute0_lowered;
	[smem:$0x3FD2] =	sst s25  }
0xa6: {  	s5 =	sshll.u32 s26, $0x1;
	_ =	strace $0x8000004C;
	[dreg:$0x1] =	wrdreg $0xFFFFFFFF  }
0xa7: {  	s28 =	simm.s32 $_size_execute0_lowered;
	s3 =	sadd.s32 s3, s5;
	[dreg:$0x0] =	wrdreg $0x0  }
0xa8: {  	s5 =	sshll.u32 s28, $0x1;
	[dreg:$0x2] =	wrdreg s3  }
0xa9: {  	[dreg:$0x3] =	wrdreg s5  }
0xaa: {  	[dreg:$0x4] =	wrdreg $0xC0  }
0xab: {  	_ =	task [dreg:s7], $0x5FFFF  }
0xac: {  	[dreg:$0x1] =	wrdreg $0xFFFFFFFF  }
0xad: {  	[dreg:$0x0] =	wrdreg $0x60  }
0xae: {  	[dreg:$0x2] =	wrdreg s24  }
0xaf: {  	[dreg:$0x3] =	wrdreg s2  }
0xb0: {  	[dreg:$0x4] =	wrdreg $0x8E300  }
0xb1: {  	[dreg:$0x5] =	wrdreg $0xB5400  }
0xb2: {  	[dreg:$0x6] =	wrdreg $0x9  }
0xb3: {  	_ =	task.clear_ibuf [dreg:s7], $0x7FFFF;
	_ =	strace $0x9000004C  }
0xb4: {  	s29 =	simm.s32 $0x9;
	_ =	strace $0x8000004E  }
0xb5: {  	_ =	swait.ge [sflag:s29], $0x1  }
0xb6: {  	[sflag:s29] =	ssyncadd.s32 $0xFFFFFFFF  }
0xb7: {  	_ =	strace $0x9000004E  }
0xb8: {  	_ =	sfence  }
0xb9: {  	s30 =	sld [smem:$0x0];
	_ =	sdelay $0x2  }
0xba: {  	s31 =	sshll.u32 s1, $0xD;
	s1 =	sshrl.u32 s1, $0x2  }
0xbb: {  	s3 =	sand.u32 $0x4000, s31;
	s1 =	sadd.s32 s1, s30  }
0xbc: {  	s0 =	sor.u32 s3, s0;
	s1 =	sshll.u32 s1, $0x11  }
0xbd: {  	s0 =	sor.u32 s1, s0  }
0xbe: {  	s0 =	sadd.s32 $0x8F2B, s0  }
0xbf: {  	[sflag:s0] =	ssyncadd.remote.s32 $0x1  }
0xc0: {  	_ =	sfence.sel $0xFFFF  }
0xc1: {  	[dreg:$0x0] =	wrdreg $0xFFFFFFFF;
	(pc) =	sbr.abs _section_cstart, $3  }
0xc2: {  	[dreg:$0x1] =	wrdreg $0xFFFFFFFF  }
0xc3: {  	_ =	task.clear_ibuf [dreg:s7], $0x2FFFF;
	_ =	strace $0x9FFFFFFF  }
0xc4: {  	(tm) =	ssettm $0x7FFFFFFF  }
0xc5: {  	_ =	shalt  }
tec
execute0_lowered:
.L_overlay_start_1:
0x0: {  	(tag) =	ssettag $0x1  }
0x1: {  	s0 =	rddreg [dreg:$0x0];
	s1 =	srdreg.scid  }
0x2: {  	s5 =	stileid.u32;
	s6 =	rddreg [dreg:$0x1]  }
0x3: {  	s2 =	rddreg [dreg:$0x2];
	s14 =	simm.s32 $0x6720;
	s15 =	simm.s32 $0xB  }
0x4: {  	s17 =	simm.s32 $0x50;
	s18 =	simm.s32 $0x4E20;
	s19 =	simm.s32 $0x5320  }
0x5: {  	s21 =	simm.s32 $0x5820;
	s23 =	simm.s32 $0x5D20;
	s25 =	simm.s32 $0x6220  }
0x6: {  	s28 =	simm.s32 $0x2;
	s29 =	simm.s32 $0x3;
	s30 =	simm.s32 $0x4  }
0x7: {  	s31 =	simm.s32 $0x5;
	s16 =	simm.s32 $0x8;
	s20 =	simm.s32 $0x9  }
0x8: {  	s22 =	simm.s32 $0xA;
	s24 =	simm.s32 $0x0;
	s1 =	sand.u32 $0x1, s1  }
0x9: {  	s3 =	sshll.u32 s5, $0x1;
	s9 =	smul.u32 $0x2710, s5;
	s5 =	sadd.s32 $0x12000, s0  }
0xa: {  	s4 =	sor.u32 s1, s3;
	s3 =	rddreg [dreg:$0x3];
	s7 =	smul.u32 $0x27100, s1  }
0xb: {  	s1 =	ssub.s32 $0x2, s1;
	s8 =	smul.u32 $0x4E2, s4;
	s4 =	simm.s32 $0x0  }
0xc: {  	s10 =	sshrl.u32 s9, $0x3;
	s12 =	sshrl.u32 s1, $0x1;
	[smem:$0x7FF] =	sst s4  }
0xd: {  	s7 =	sadd.s32 s9, s7;
	s13 =	sadd.s32 s10, s0;
	s1 =	ssub.s32 s1, s12  }
0xe: {  	s10 =	sadd.s32 s5, s10;
	_ =	strace $0x8000004D;
	s11 =	sadd.s32 s8, s0  }
0xf: {  	s7 =	sshrl.u32 s7, $0x3;
	s26 =	sadd.s32 $0xD000, s13;
	[dreg:$0x6] =	wrdreg s10  }
0x10: {  	s10 =	sadd.s32 s6, s8;
	s13 =	smax.u32 s1, $0x1;
	s1 =	simm.s32 $0x6  }
0x11: {  	s0 =	sadd.s32 s7, s0;
	[dreg:$0x5] =	wrdreg s26;
	s7 =	sadd.s32 s9, s2  }
0x12: {  	s9 =	sadd.s32 s9, s3;
	s11 =	sadd.s32 $0x3200, s11;
	s26 =	simm.s32 $0x1  }
0x13: {  	[dreg:$0x7] =	wrdreg s9;
	s12 =	sadd.s32 $0x17000, s0;
	s0 =	simm.s32 $0x7  }
.LBB2_1:
0x14: {  	s6 =	rddreg [dreg:$0x5]  }
0x15: {  	[tilespmem:s14], [sflag:$0xB] =	stream.linear.gather [hbm4b:s6+s4], $0x2710, $0x38;
	[tilespmem:$0xDC50] =	vst v63  }
0x16: {  	_ =	swait.ge [sflag:s15], $0x2710  }
0x17: {  	[sflag:s15] =	ssyncset.done $0x0  }
0x18: {  	[sflag:s15] =	ssyncadd.s32 $0xFFFFD8F0  }
0x19: {  	[spmem:s7] =	stream.linear.scatter [tilespmem:s14], [sflag:$0xB], $0x2710, $0x38;
	[tilespmem:$0xDC50] =	vst v63  }
0x1a: {  	_ =	swait.ge [sflag:s15], $0x2710  }
0x1b: {  	[sflag:s15] =	ssyncset.done $0x0  }
0x1c: {  	s9 =	rddreg [dreg:$0x6];
	[sflag:s15] =	ssyncadd.s32 $0xFFFFD8F0  }
0x1d: {  	[tilespmem:s14], [sflag:$0xB] =	stream.linear.gather [hbm4b:s9+s4], $0x2710, $0x38;
	[tilespmem:$0xDC50] =	vst v63  }
0x1e: {  	_ =	swait.ge [sflag:s15], $0x2710  }
0x1f: {  	[sflag:s15] =	ssyncset.done $0x0  }
0x20: {  	s8 =	rddreg [dreg:$0x7];
	[sflag:s15] =	ssyncadd.s32 $0xFFFFD8F0  }
0x21: {  	[spmem:s8] =	stream.linear.scatter [tilespmem:s14], [sflag:$0xB], $0x2710, $0x38;
	[tilespmem:$0xDC50] =	vst v63  }
0x22: {  	_ =	swait.ge [sflag:s15], $0x2710  }
0x23: {  	[sflag:s15] =	ssyncset.done $0x0  }
0x24: {  	[sflag:s15] =	ssyncadd.s32 $0xFFFFD8F0  }
0x25: {  	[tilespmem:s4], [sflag:$0xB] =	stream.linear.gather [hbm4b:s10+s4], $0x2710, $0x38;
	[tilespmem:$0xDC50] =	vst v63  }
0x26: {  	_ =	swait.ge [sflag:s15], $0x2710  }
0x27: {  	[sflag:s15] =	ssyncset.done $0x0  }
0x28: {  	s9 =	simm.s32 $0x2710;
	[sflag:s15] =	ssyncadd.s32 $0xFFFFD8F0  }
0x29: {  	[tilespmem:s9], [sflag:$0xB] =	stream.linear.gather [hbm4b:s11+s4], $0x2710, $0x38;
	[tilespmem:$0xDC50] =	vst v63  }
0x2a: {  	_ =	swait.ge [sflag:s15], $0x2710  }
0x2b: {  	[sflag:s15] =	ssyncset.done $0x0  }
0x2c: {  	[sflag:s15] =	ssyncadd.s32 $0xFFFFD8F0  }
0x2d: {  	[bflag:$0x0] =	sbarrier.arrive $0xFFFF  }
0x2e: {  	[tilespmem:s18], [sflag:$0x1] =	stream.indirect.gather [hbm4b:s5+s17], $0x10, s4, s17, $0xb8;
	[tilespmem:$0xDC50] =	vst v63  }
0x2f: {  	_ = 	snop  }
0x30: {  	[tilespmem:s19], [sflag:$0x2] =	stream.indirect.gather [hbm4b:s5+s17], $0x10, s17, s17, $0xb8;
	[tilespmem:$0xDC50] =	vst v63  }
0x31: {  	s8 =	simm.s32 $0xA0  }
0x32: {  	[tilespmem:s21], [sflag:$0x3] =	stream.indirect.gather [spmem:s3], $0x10, s8, s17, $0xb8;
	[tilespmem:$0xDC50] =	vst v63  }
0x33: {  	s9 =	simm.s32 $0xF0  }
0x34: {  	[tilespmem:s23], [sflag:$0x4] =	stream.indirect.gather [spmem:s3], $0x10, s9, s17, $0xb8;
	[tilespmem:$0xDC50] =	vst v63  }
0x35: {  	s8 =	simm.s32 $0x140  }
0x36: {  	[tilespmem:s25], [sflag:$0x5] =	stream.indirect.gather [spmem:s3], $0x10, s8, s17, $0xb8;
	[tilespmem:$0xDC50] =	vst v63  }
0x37: {  	_ =	swait.ge [sflag:s26], $0x500  }
0x38: {  	[sflag:s26] =	ssyncset.done $0x0  }
0x39: {  	s9 =	simm.s32 $0x2710;
	[sflag:s26] =	ssyncadd.s32 $0xFFFFFB00  }
0x3a: {  	[spmem:s2] =	stream.indirect.scatter.add.f32 [tilespmem:s18], [sflag:$0x6], $0x10, s9, s17, $0xb8;
	[tilespmem:$0xDC50] =	vst v63  }
0x3b: {  	_ =	swait.ge [sflag:s28], $0x500  }
0x3c: {  	[sflag:s28] =	ssyncset.done $0x0  }
0x3d: {  	s8 =	simm.s32 $0x2760;
	[sflag:s28] =	ssyncadd.s32 $0xFFFFFB00  }
0x3e: {  	[spmem:s2] =	stream.indirect.scatter.add.f32 [tilespmem:s19], [sflag:$0x7], $0x10, s8, s17, $0xb8;
	[tilespmem:$0xDC50] =	vst v63  }
0x3f: {  	_ =	swait.ge [sflag:s29], $0x500  }
0x40: {  	[sflag:s29] =	ssyncset.done $0x0  }
0x41: {  	s9 =	simm.s32 $0x27B0;
	[sflag:s29] =	ssyncadd.s32 $0xFFFFFB00  }
0x42: {  	[spmem:s2] =	stream.indirect.scatter.add.f32 [tilespmem:s21], [sflag:$0x8], $0x10, s9, s17, $0xb8;
	[tilespmem:$0xDC50] =	vst v63  }
0x43: {  	_ =	swait.ge [sflag:s30], $0x500  }
0x44: {  	[sflag:s30] =	ssyncset.done $0x0  }
0x45: {  	s8 =	simm.s32 $0x2800;
	[sflag:s30] =	ssyncadd.s32 $0xFFFFFB00  }
0x46: {  	[spmem:s2] =	stream.indirect.scatter.add.f32 [tilespmem:s23], [sflag:$0x9], $0x10, s8, s17, $0xb8;
	[tilespmem:$0xDC50] =	vst v63  }
0x47: {  	_ =	swait.ge [sflag:s31], $0x500  }
0x48: {  	[sflag:s31] =	ssyncset.done $0x0  }
0x49: {  	s9 =	simm.s32 $0x2850;
	[sflag:s31] =	ssyncadd.s32 $0xFFFFFB00  }
0x4a: {  	[spmem:s2] =	stream.indirect.scatter.add.f32 [tilespmem:s25], [sflag:$0xA], $0x10, s9, s17, $0xb8;
	[tilespmem:$0xDC50] =	vst v63  }
0x4b: {  	_ =	swait.ge [sflag:s1], $0x500  }
0x4c: {  	[sflag:s1] =	ssyncset.done $0x0  }
0x4d: {  	s8 =	simm.s32 $0x190;
	[sflag:s1] =	ssyncadd.s32 $0xFFFFFB00  }
0x4e: {  	[tilespmem:s18], [sflag:$0x1] =	stream.indirect.gather [hbm4b:s5+s17], $0x10, s8, s17, $0xb8;
	[tilespmem:$0xDC50] =	vst v63  }
0x4f: {  	_ =	swait.ge [sflag:s0], $0x500  }
0x50: {  	[sflag:s0] =	ssyncset.done $0x0  }
0x51: {  	s9 =	simm.s32 $0x1E0;
	[sflag:s0] =	ssyncadd.s32 $0xFFFFFB00  }
0x52: {  	[tilespmem:s19], [sflag:$0x2] =	stream.indirect.gather [hbm4b:s5+s17], $0x10, s9, s17, $0xb8;
	[tilespmem:$0xDC50] =	vst v63  }
0x53: {  	_ =	swait.ge [sflag:s16], $0x500  }
0x54: {  	[sflag:s16] =	ssyncset.done $0x0  }
0x55: {  	s8 =	simm.s32 $0x230;
	[sflag:s16] =	ssyncadd.s32 $0xFFFFFB00  }
0x56: {  	[tilespmem:s21], [sflag:$0x3] =	stream.indirect.gather [spmem:s3], $0x10, s8, s17, $0xb8;
	[tilespmem:$0xDC50] =	vst v63  }
0x57: {  	_ =	swait.ge [sflag:s20], $0x500  }
0x58: {  	[sflag:s20] =	ssyncset.done $0x0  }
0x59: {  	s9 =	simm.s32 $0x280;
	[sflag:s20] =	ssyncadd.s32 $0xFFFFFB00  }
0x5a: {  	[tilespmem:s23], [sflag:$0x4] =	stream.indirect.gather [spmem:s3], $0x10, s9, s17, $0xb8;
	[tilespmem:$0xDC50] =	vst v63  }
0x5b: {  	_ =	swait.ge [sflag:s22], $0x500  }
0x5c: {  	[sflag:s22] =	ssyncset.done $0x0  }
0x5d: {  	s6 =	simm.s32 $0x640;
	s8 =	simm.s32 $0x2D0;
	[sflag:s22] =	ssyncadd.s32 $0xFFFFFB00  }
.LBB2_2:
0x5e: {  	[tilespmem:s25], [sflag:$0x5] =	stream.indirect.gather [spmem:s3], $0x10, s8, s17, $0xb8;
	[tilespmem:$0xDC50] =	vst v63  }
0x5f: {  	s8 =	smov.u32 s6  }
0x60: {  	p0 =	sne.s32 s6, $0x8FC0;
	s6 =	sadd.s32 $0x640, s6;
	_ =	swait.ge [sflag:s26], $0x500  }
0x61: {  	s8 =	sshra.s32 s8, $0x2;
	[sflag:s26] =	ssyncset.done $0x0  }
0x62: {  	s9 =	sadd.s32 $0x2710, s8;
	[sflag:s26] =	ssyncadd.s32 $0xFFFFFB00  }
0x63: {  	[spmem:s2] =	stream.indirect.scatter.add.f32 [tilespmem:s18], [sflag:$0x6], $0x10, s9, s17, $0xb8;
	[tilespmem:$0xDC50] =	vst v63  }
0x64: {  	_ =	swait.ge [sflag:s28], $0x500  }
0x65: {  	[sflag:s28] =	ssyncset.done $0x0  }
0x66: {  	s9 =	sadd.s32 $0x2760, s8;
	[sflag:s28] =	ssyncadd.s32 $0xFFFFFB00  }
0x67: {  	[spmem:s2] =	stream.indirect.scatter.add.f32 [tilespmem:s19], [sflag:$0x7], $0x10, s9, s17, $0xb8;
	[tilespmem:$0xDC50] =	vst v63  }
0x68: {  	_ =	swait.ge [sflag:s29], $0x500  }
0x69: {  	[sflag:s29] =	ssyncset.done $0x0  }
0x6a: {  	s9 =	sadd.s32 $0x27B0, s8;
	[sflag:s29] =	ssyncadd.s32 $0xFFFFFB00  }
0x6b: {  	[spmem:s2] =	stream.indirect.scatter.add.f32 [tilespmem:s21], [sflag:$0x8], $0x10, s9, s17, $0xb8;
	[tilespmem:$0xDC50] =	vst v63  }
0x6c: {  	_ =	swait.ge [sflag:s30], $0x500  }
0x6d: {  	[sflag:s30] =	ssyncset.done $0x0  }
0x6e: {  	s9 =	sadd.s32 $0x2800, s8;
	[sflag:s30] =	ssyncadd.s32 $0xFFFFFB00  }
0x6f: {  	[spmem:s2] =	stream.indirect.scatter.add.f32 [tilespmem:s23], [sflag:$0x9], $0x10, s9, s17, $0xb8;
	[tilespmem:$0xDC50] =	vst v63  }
0x70: {  	_ =	swait.ge [sflag:s31], $0x500  }
0x71: {  	[sflag:s31] =	ssyncset.done $0x0  }
0x72: {  	s9 =	sadd.s32 $0x2850, s8;
	[sflag:s31] =	ssyncadd.s32 $0xFFFFFB00  }
0x73: {  	[spmem:s2] =	stream.indirect.scatter.add.f32 [tilespmem:s25], [sflag:$0xA], $0x10, s9, s17, $0xb8;
	[tilespmem:$0xDC50] =	vst v63  }
0x74: {  	_ =	swait.ge [sflag:s1], $0x500  }
0x75: {  	[sflag:s1] =	ssyncset.done $0x0  }
0x76: {  	s9 =	sadd.s32 $0x190, s8;
	[sflag:s1] =	ssyncadd.s32 $0xFFFFFB00  }
0x77: {  	[tilespmem:s18], [sflag:$0x1] =	stream.indirect.gather [hbm4b:s5+s17], $0x10, s9, s17, $0xb8;
	[tilespmem:$0xDC50] =	vst v63  }
0x78: {  	_ =	swait.ge [sflag:s0], $0x500  }
0x79: {  	[sflag:s0] =	ssyncset.done $0x0  }
0x7a: {  	s9 =	sadd.s32 $0x1E0, s8;
	[sflag:s0] =	ssyncadd.s32 $0xFFFFFB00  }
0x7b: {  	[tilespmem:s19], [sflag:$0x2] =	stream.indirect.gather [hbm4b:s5+s17], $0x10, s9, s17, $0xb8;
	[tilespmem:$0xDC50] =	vst v63  }
0x7c: {  	_ =	swait.ge [sflag:s16], $0x500  }
0x7d: {  	[sflag:s16] =	ssyncset.done $0x0  }
0x7e: {  	s9 =	sadd.s32 $0x230, s8;
	[sflag:s16] =	ssyncadd.s32 $0xFFFFFB00  }
0x7f: {  	[tilespmem:s21], [sflag:$0x3] =	stream.indirect.gather [spmem:s3], $0x10, s9, s17, $0xb8;
	[tilespmem:$0xDC50] =	vst v63  }
0x80: {  	_ =	swait.ge [sflag:s20], $0x500  }
0x81: {  	[sflag:s20] =	ssyncset.done $0x0  }
.Ltmp0:
0x82: {  	s9 =	sadd.s32 $0x280, s8;
	[sflag:s20] =	ssyncadd.s32 $0xFFFFFB00;
	(pc) =	sbr.rel @p0 .LBB2_2-.Ltmp0, $4  }
0x83: {  	[tilespmem:s23], [sflag:$0x4] =	stream.indirect.gather [spmem:s3], $0x10, s9, s17, $0xb8;
	[tilespmem:$0xDC50] =	vst v63  }
0x84: {  	_ =	swait.ge [sflag:s22], $0x500  }
0x85: {  	[sflag:s22] =	ssyncset.done $0x0  }
0x86: {  	s8 =	sadd.s32 $0x2D0, s8;
	[sflag:s22] =	ssyncadd.s32 $0xFFFFFB00  }
0x87: {  	[tilespmem:s25], [sflag:$0x5] =	stream.indirect.gather [spmem:s3], $0x10, s8, s17, $0xb8;
	[tilespmem:$0xDC50] =	vst v63  }
0x88: {  	_ =	swait.ge [sflag:s26], $0x500  }
0x89: {  	[sflag:s26] =	ssyncset.done $0x0  }
0x8a: {  	s6 =	simm.s32 $0x4C90;
	[sflag:s26] =	ssyncadd.s32 $0xFFFFFB00  }
0x8b: {  	[spmem:s2] =	stream.indirect.scatter.add.f32 [tilespmem:s18], [sflag:$0x6], $0x10, s6, s17, $0xb8;
	[tilespmem:$0xDC50] =	vst v63  }
0x8c: {  	_ =	swait.ge [sflag:s28], $0x500  }
0x8d: {  	[sflag:s28] =	ssyncset.done $0x0  }
0x8e: {  	s8 =	simm.s32 $0x4CE0;
	[sflag:s28] =	ssyncadd.s32 $0xFFFFFB00  }
0x8f: {  	[spmem:s2] =	stream.indirect.scatter.add.f32 [tilespmem:s19], [sflag:$0x7], $0x10, s8, s17, $0xb8;
	[tilespmem:$0xDC50] =	vst v63  }
0x90: {  	_ =	swait.ge [sflag:s29], $0x500  }
0x91: {  	[sflag:s29] =	ssyncset.done $0x0  }
0x92: {  	s9 =	simm.s32 $0x4D30;
	[sflag:s29] =	ssyncadd.s32 $0xFFFFFB00  }
0x93: {  	[spmem:s2] =	stream.indirect.scatter.add.f32 [tilespmem:s21], [sflag:$0x8], $0x10, s9, s17, $0xb8;
	[tilespmem:$0xDC50] =	vst v63  }
0x94: {  	_ =	swait.ge [sflag:s30], $0x500  }
0x95: {  	[sflag:s30] =	ssyncset.done $0x0  }
0x96: {  	s8 =	simm.s32 $0x4D80;
	[sflag:s30] =	ssyncadd.s32 $0xFFFFFB00  }
0x97: {  	[spmem:s2] =	stream.indirect.scatter.add.f32 [tilespmem:s23], [sflag:$0x9], $0x10, s8, s17, $0xb8;
	[tilespmem:$0xDC50] =	vst v63  }
0x98: {  	_ =	swait.ge [sflag:s31], $0x500  }
0x99: {  	[sflag:s31] =	ssyncset.done $0x0  }
0x9a: {  	s9 =	simm.s32 $0x4DD0;
	[sflag:s31] =	ssyncadd.s32 $0xFFFFFB00  }
0x9b: {  	[spmem:s2] =	stream.indirect.scatter.add.f32 [tilespmem:s25], [sflag:$0xA], $0x10, s9, s17, $0xb8;
	[tilespmem:$0xDC50] =	vst v63  }
0x9c: {  	_ =	swait.ge [sflag:s1], $0x500  }
0x9d: {  	[sflag:s1] =	ssyncset.done $0x0  }
0x9e: {  	[sflag:s1] =	ssyncadd.s32 $0xFFFFFB00  }
0x9f: {  	_ =	swait.ge [sflag:s0], $0x500  }
0xa0: {  	[sflag:s0] =	ssyncset.done $0x0  }
0xa1: {  	[sflag:s0] =	ssyncadd.s32 $0xFFFFFB00  }
0xa2: {  	_ =	swait.ge [sflag:s16], $0x500  }
0xa3: {  	[sflag:s16] =	ssyncset.done $0x0  }
0xa4: {  	[sflag:s16] =	ssyncadd.s32 $0xFFFFFB00  }
0xa5: {  	_ =	swait.ge [sflag:s20], $0x500  }
0xa6: {  	[sflag:s20] =	ssyncset.done $0x0  }
0xa7: {  	[sflag:s20] =	ssyncadd.s32 $0xFFFFFB00  }
0xa8: {  	_ =	swait.ge [sflag:s22], $0x500  }
0xa9: {  	[sflag:s22] =	ssyncset.done $0x0  }
0xaa: {  	[sflag:s22] =	ssyncadd.s32 $0xFFFFFB00  }
0xab: {  	[bflag:$0x0] =	sbarrier.arrive $0xFFFF  }
0xac: {  	[tilespmem:s14], [sflag:$0xB] =	stream.linear.gather [spmem:s7], $0x2710, $0x38;
	[tilespmem:$0xDC50] =	vst v63  }
0xad: {  	s24 =	sadd.s32 $0x1, s24;
	_ =	swait.ge [sflag:s15], $0x2710  }
0xae: {  	p0 =	sne.s32 s24, s13;
	[sflag:s15] =	ssyncset.done $0x0  }
.Ltmp1:
0xaf: {  	[sflag:s15] =	ssyncadd.s32 $0xFFFFD8F0;
	(pc) =	sbr.rel @p0 .LBB2_1-.Ltmp1, $4  }
0xb0: {  	[hbm4b:s12+s4] =	stream.linear.scatter [tilespmem:s14], [sflag:$0xB], $0x2710, $0x38;
	[tilespmem:$0xDC50] =	vst v63  }
0xb1: {  	_ =	swait.ge [sflag:s15], $0x2710  }
0xb2: {  	[sflag:s15] =	ssyncset.done $0x0  }
0xb3: {  	[sflag:s15] =	ssyncadd.s32 $0xFFFFD8F0  }
0xb4: {  	_ =	sfence.sel $0x180000  }
0xb5: {  	[bflag:$0x0] =	sbarrier.arrive $0xFFFF  }
0xb6: {  	_ =	strace $0x9000004D  }
0xb7: {  	s0 =	stileid.u32;
	[bflag:$0x2] =	sbarrier.arrive $0xFFFF  }
0xb8: {  	p0 =	sne.s32 s0, $0x0;
	s0 =	rddreg [dreg:$0x4]  }
0xb9: {  	s0 =	sadd.s32 @!p0 $0x100000, s0  }
0xba: {  	[sflag:s0] =	ssyncadd.tile.s32 @!p0 $0x1;
	_ =	shalt  }
.Lfunc_end2:
_tile_overlayer_lowered:
.L_overlay_start_2:
0xbb: {  	(tag) =	ssettag $0x2  }
0xbc: {  	s0 =	rddreg [dreg:$0x0];
	s2 =	stileid.u32  }
0xbd: {  	s1 =	rddreg [dreg:$0x1];
	p0 =	sne.s32 s2, $0x0  }
0xbe: {  	s3 =	rddreg [dreg:$0x2];
	[bflag:$0x3] =	sbarrier.arrive $0xFFFF;
	s2 =	simm.s32 @!p0 $0x1C0B  }
0xbf: {  	[timem:s3], [sflag:s2] =	dma.local @!p0 [hbm:s0], s1  }
0xc0: {  	s0 =	simm.s32 @!p0 $0xB  }
0xc1: {  	_ =	swait.ge @!p0 [sflag:s0], s1  }
0xc2: {  	s1 =	ssub.s32 @!p0 $0x0, s1;
	[sflag:s0] =	ssyncset.done @!p0 $0x0  }
0xc3: {  	[sflag:s0] =	ssyncadd.s32 @!p0 s1  }
0xc4: {  	[bflag:$0x3] =	sbarrier.arrive $0xFFFF  }
0xc5: {  	_ =	shalt  }

// kernel: kernel.19.cloned.1.call-start
scs
__scs_entry_jumppad:
0x0: {  	(pc) =	sbr.rel $0x88, $3  }
0x1: {  	(tag) =	ssettag $0x0;
	lr =	simm.s32 $0x1  }
0x2: {  	[smem:$0x3F8F] =	sst lr;
	_ =	strace $0xD0000000  }
0x3: {  	_ = 	snop  }
0x4: {  	_ = 	snop  }
0x5: {  	_ = 	snop  }
0x6: {  	_ = 	snop  }
0x7: {  	_ = 	snop  }
__scs_overlays_trampoline_lowered:
0x8: {  	[smem:$0x3F9E] =	sst s0  }
0x9: {  	[smem:$0x3F9F] =	sst s1  }
0xa: {  	[smem:$0x3FA0] =	sst s2  }
0xb: {  	[smem:$0x3FA1] =	sst s3  }
0xc: {  	[smem:$0x3FA2] =	sst s4  }
0xd: {  	[smem:$0x3FA3] =	sst s5  }
0xe: {  	[smem:$0x3FA4] =	sst s6  }
0xf: {  	[smem:$0x3FA5] =	sst s7  }
0x10: {  	[smem:$0x3FA6] =	sst s8  }
0x11: {  	[smem:$0x3FA7] =	sst s9;
	s0 =	simm.s32 @!p0 $0x0  }
0x12: {  	s1 =	sld [smem:$0x3F8D];
	s0 =	simm.s32 @p0 $0x1  }
0x13: {  	[smem:$0x3FA8] =	sst s0;
	s0 =	simm.s32 @!p1 $0x0  }
0x14: {  	s2 =	sld [smem:$0x3F8C];
	s0 =	simm.s32 @p1 $0x1  }
0x15: {  	[smem:$0x3FA9] =	sst s0;
	s0 =	simm.s32 @!p2 $0x0  }
0x16: {  	s3 =	sld [smem:$0x3FDB];
	s0 =	simm.s32 @p2 $0x1  }
0x17: {  	s4 =	simm.s32 $0x1BF5;
	[smem:$0x3FAB] =	sst s0  }
0x18: {  	s0 =	sld [smem:$0x3F8E];
	_ =	swait.ge [sflag:s4], $0x0  }
0x19: {  	s7 =	sld [smem:$0x3F8F]  }
0x1a: {  	s8 =	sadd.s32 $0xFFFFE003, lr  }
0x1b: {  	s9 =	sadd.s32 $0xFFFFFEF7, lr;
	s5 =	simm.s32 $0xFFFFFFFF;
	p2 =	slt.u32 s8, $0xFFFFF086  }
0x1c: {  	p1 =	slt.u32 s9, $0xF7A;
	s5 =	simm.s32 @!p2 $0x0  }
0x1d: {  	s5 =	simm.s32 @p1 $0x1;
	p0 =	seq.s32 s7, s2  }
0x1e: {  	s7 =	smul.u32 @!p0 $0xF7A, s2;
	p2 =	seq.s32 @!p0 s5, $0x0  }
0x1f: {  	s9 =	smul.u32 $0xF7A, s1;
	s8 =	simm.s32 @!p0 $0x1BF5;
	p2 =	por !p2, p0  }
0x20: {  	[sflag:s8] =	ssyncset.s32 @!p0 $0xFFFFF086;
	s6 =	sadd.s32 @!p0 s3, s7;
	s7 =	simm.s32 @!p0 $0x108  }
0x21: {  	s3 =	sadd.s32 s3, s9;
	s6 =	sadd.s32 @!p0 $0x88, s6;
	s7 =	simm.s32 @p2 $0x1082  }
0x22: {  	[simem:s7], [sflag:s8] =	dma.local @!p0 [hbm:s6], $0xF7A  }
0x23: {  	s9 =	sor.u32 $0xD0000000, s2;
	s6 =	simm.s32 $0x108;
	_ =	swait.ge @!p0 [sflag:s8], $0x0  }
0x24: {  	s3 =	sadd.s32 $0x88, s3;
	s6 =	simm.s32 @!p1 $0x1082;
	[sflag:s4] =	ssyncset.s32 $0xFFFFF086  }
0x25: {  	[simem:s6], [sflag:s4] =	dma.local [hbm:s3], $0xF7A  }
0x26: {  	[smem:$0x3F8F] =	sst s1;
	(tag) =	ssettag s2;
	_ =	strace s9  }
0x27: {  	s1 =	sld [smem:$0x3F9F]  }
0x28: {  	s2 =	sld [smem:$0x3FA0]  }
0x29: {  	s4 =	sld [smem:$0x3FA2]  }
0x2a: {  	p0 =	seq.s32 s5, $0x0;
	s5 =	sld [smem:$0x3FA3]  }
0x2b: {  	s6 =	sld [smem:$0x3FA4]  }
0x2c: {  	s7 =	sld [smem:$0x3FA5]  }
0x2d: {  	s3 =	simm.s32 $0x108;
	s8 =	sld [smem:$0x3FA6]  }
0x2e: {  	s3 =	simm.s32 @!p0 $0x1082;
	s9 =	sld [smem:$0x3FA7]  }
0x2f: {  	lr =	sadd.s32 s0, s3;
	s0 =	sld [smem:$0x3F9E]  }
0x30: {  	s3 =	sld [smem:$0x3FA1]  }
0x31: {  	[smem:$0x3FAA] =	sst s10  }
0x32: {  	s10 =	sld [smem:$0x3FA8];
	_ =	sdelay $0x3  }
0x33: {  	p0 =	seq.s32 s10, $0x1;
	s10 =	sld [smem:$0x3FAA];
	_ =	sdelay $0x3  }
0x34: {  	[smem:$0x3FAA] =	sst s10  }
0x35: {  	s10 =	sld [smem:$0x3FA9];
	_ =	sdelay $0x3  }
0x36: {  	p1 =	seq.s32 s10, $0x1;
	s10 =	sld [smem:$0x3FAA];
	_ =	sdelay $0x3  }
0x37: {  	[smem:$0x3FAA] =	sst s10  }
0x38: {  	s10 =	sld [smem:$0x3FAB]  }
0x39: {  	_ = 	snop;
	(pc) =	sbr.ind lr, $3  }
0x3a: {  	_ = 	snop  }
0x3b: {  	_ = 	snop  }
0x3c: {  	p2 =	seq.s32 s10, $0x1;
	s10 =	sld [smem:$0x3FAA]  }
0x3d: {  	_ =	shalt  }
0x3e: {  	_ =	shalt  }
0x3f: {  	_ =	shalt  }
0x40: {  	_ =	shalt  }
0x41: {  	_ =	shalt  }
0x42: {  	_ =	shalt  }
0x43: {  	_ =	shalt  }
0x44: {  	_ =	shalt  }
0x45: {  	_ =	shalt  }
0x46: {  	_ =	shalt  }
0x47: {  	_ =	shalt  }
0x48: {  	_ =	shalt  }
0x49: {  	_ =	shalt  }
0x4a: {  	_ =	shalt  }
0x4b: {  	_ =	shalt  }
0x4c: {  	_ =	shalt  }
0x4d: {  	_ =	shalt  }
0x4e: {  	_ =	shalt  }
0x4f: {  	_ =	shalt  }
0x50: {  	_ =	shalt  }
0x51: {  	_ =	shalt  }
0x52: {  	_ =	shalt  }
0x53: {  	_ =	shalt  }
0x54: {  	_ =	shalt  }
0x55: {  	_ =	shalt  }
0x56: {  	_ =	shalt  }
0x57: {  	_ =	shalt  }
0x58: {  	_ =	shalt  }
0x59: {  	_ =	shalt  }
0x5a: {  	_ =	shalt  }
0x5b: {  	_ =	shalt  }
0x5c: {  	_ =	shalt  }
0x5d: {  	_ =	shalt  }
0x5e: {  	_ =	shalt  }
0x5f: {  	_ =	shalt  }
0x60: {  	_ =	shalt  }
0x61: {  	_ =	shalt  }
0x62: {  	_ =	shalt  }
0x63: {  	_ =	shalt  }
0x64: {  	_ =	shalt  }
0x65: {  	_ =	shalt  }
0x66: {  	_ =	shalt  }
0x67: {  	_ =	shalt  }
0x68: {  	_ =	shalt  }
0x69: {  	_ =	shalt  }
0x6a: {  	_ =	shalt  }
0x6b: {  	_ =	shalt  }
0x6c: {  	_ =	shalt  }
0x6d: {  	_ =	shalt  }
0x6e: {  	_ =	shalt  }
0x6f: {  	_ =	shalt  }
0x70: {  	_ =	shalt  }
0x71: {  	_ =	shalt  }
0x72: {  	_ =	shalt  }
0x73: {  	_ =	shalt  }
0x74: {  	_ =	shalt  }
0x75: {  	_ =	shalt  }
0x76: {  	_ =	shalt  }
0x77: {  	_ =	shalt  }
0x78: {  	_ =	shalt  }
0x79: {  	_ =	shalt  }
0x7a: {  	_ =	shalt  }
0x7b: {  	_ =	shalt  }
0x7c: {  	_ =	shalt  }
0x7d: {  	_ =	shalt  }
0x7e: {  	_ =	shalt  }
0x7f: {  	_ =	shalt  }
0x80: {  	_ =	shalt  }
0x81: {  	_ =	shalt  }
0x82: {  	_ =	shalt  }
0x83: {  	_ =	shalt  }
0x84: {  	_ =	shalt  }
0x85: {  	_ =	shalt  }
0x86: {  	_ =	shalt  }
0x87: {  	_ =	shalt  }
.Lfunc_end0:
.L_simem_size_0:
called_computation.3_lowered:
.L_overlay_start_0:
0x88: {  	s2 =	sld [smem:$0x3FD9]  }
0x89: {  	s3 =	sld [smem:$0x3FFE];
	_ =	sdelay $0x1  }
0x8a: {  	s1 =	srdreg.scid  }
0x8b: {  	s0 =	sand.u32 $0x1, s1  }
0x8c: {  	s17 =	sshll.u32 s0, $0xA;
	s2 =	sadd.s32 s3, s2  }
0x8d: {  	s2 =	sadd.s32 s2, s17  }
0x8e: {  	[smem:$0x3FB6] =	sst s2  }
0x8f: {  	_ = 	snop  }
0x90: {  	s2 =	sld [smem:$0x3FD0];
	(tm) =	ssettm $0x1  }
0x91: {  	s18 =	sld [smem:$0x3FFB];
	_ =	sdelay $0x3  }
0x92: {  	_ =	strace s18  }
0x93: {  	s3 =	sld [smem:$0x3FFC];
	_ =	sdelay $0x3  }
0x94: {  	_ =	strace s3  }
0x95: {  	s3 =	sld [smem:$0x3FFD];
	_ =	sdelay $0x3  }
0x96: {  	_ =	strace s3  }
0x97: {  	_ =	strace $0x8FFFFFFF  }
0x98: {  	s19 =	sld [smem:$0x3FDB];
	_ =	sdelay $0x1  }
0x99: {  	s4 =	simm.s32 $_scs_section_size  }
0x9a: {  	s5 =	simm.s32 $_size__tile_overlayer_lowered;
	s6 =	simm.s32 $_tile_overlayer_lowered  }
0x9b: {  	s22 =	simm.s32 $0x1BFF;
	s21 =	sshll.u32 s6, $0x1;
	s3 =	sadd.s32 s4, s19  }
0x9c: {  	s7 =	simm.s32 $0x0;
	s20 =	sshll.u32 s5, $0x1;
	s5 =	sadd.s32 s21, s3  }
0x9d: {  	[timem:s7], [sflag:s22] =	dma.local [hbm:s5], s20  }
0x9e: {  	_ =	swait.ge [sflag:s22], s20  }
0x9f: {  	s4 =	ssub.s32 $0x0, s20;
	[sflag:s22] =	ssyncset.done $0x0  }
0xa0: {  	[sflag:s22] =	ssyncadd.s32 s4;
	_ =	sdelay $0x1  }
0xa1: {  	s23 =	simm.s32 $0x1B8B  }
0xa2: {  	_ =	swait.ge [sflag:s23], $0x1  }
0xa3: {  	[sflag:s23] =	ssyncset.done $0x0  }
0xa4: {  	s25 =	simm.s32 $0x1B8E;
	s24 =	sld [smem:$0x3FFE];
	[sflag:s23] =	ssyncadd.s32 $0xFFFFFFFF  }
0xa5: {  	s26 =	simm.s32 $execute0_lowered;
	[smem:$0x3FD2] =	sst s25  }
0xa6: {  	s5 =	sshll.u32 s26, $0x1;
	_ =	strace $0x8000004F;
	[dreg:$0x1] =	wrdreg $0xFFFFFFFF  }
0xa7: {  	s28 =	simm.s32 $_size_execute0_lowered;
	s3 =	sadd.s32 s3, s5;
	[dreg:$0x0] =	wrdreg $0x0  }
0xa8: {  	s5 =	sshll.u32 s28, $0x1;
	[dreg:$0x2] =	wrdreg s3  }
0xa9: {  	[dreg:$0x3] =	wrdreg s5  }
0xaa: {  	[dreg:$0x4] =	wrdreg $0xC0  }
0xab: {  	_ =	task [dreg:s7], $0x5FFFF  }
0xac: {  	[dreg:$0x1] =	wrdreg $0xFFFFFFFF  }
0xad: {  	[dreg:$0x0] =	wrdreg $0x60  }
0xae: {  	[dreg:$0x2] =	wrdreg s24  }
0xaf: {  	[dreg:$0x3] =	wrdreg s2  }
0xb0: {  	[dreg:$0x4] =	wrdreg $0x8E300  }
0xb1: {  	[dreg:$0x5] =	wrdreg $0xB5400  }
0xb2: {  	[dreg:$0x6] =	wrdreg $0x9  }
0xb3: {  	_ =	task.clear_ibuf [dreg:s7], $0x7FFFF;
	_ =	strace $0x9000004F  }
0xb4: {  	s29 =	simm.s32 $0x9;
	_ =	strace $0x80000051  }
0xb5: {  	_ =	swait.ge [sflag:s29], $0x1  }
0xb6: {  	[sflag:s29] =	ssyncadd.s32 $0xFFFFFFFF  }
0xb7: {  	_ =	strace $0x90000051  }
0xb8: {  	_ =	sfence  }
0xb9: {  	s30 =	sld [smem:$0x0];
	_ =	sdelay $0x2  }
0xba: {  	s31 =	sshll.u32 s1, $0xD;
	s1 =	sshrl.u32 s1, $0x2  }
0xbb: {  	s3 =	sand.u32 $0x4000, s31;
	s1 =	sadd.s32 s1, s30  }
0xbc: {  	s0 =	sor.u32 s3, s0;
	s1 =	sshll.u32 s1, $0x11  }
0xbd: {  	s0 =	sor.u32 s1, s0  }
0xbe: {  	s0 =	sadd.s32 $0x8F2B, s0  }
0xbf: {  	[sflag:s0] =	ssyncadd.remote.s32 $0x1  }
0xc0: {  	_ =	sfence.sel $0xFFFF  }
0xc1: {  	[dreg:$0x0] =	wrdreg $0xFFFFFFFF;
	(pc) =	sbr.abs _section_cstart, $3  }
0xc2: {  	[dreg:$0x1] =	wrdreg $0xFFFFFFFF  }
0xc3: {  	_ =	task.clear_ibuf [dreg:s7], $0x2FFFF;
	_ =	strace $0x9FFFFFFF  }
0xc4: {  	(tm) =	ssettm $0x7FFFFFFF  }
0xc5: {  	_ =	shalt  }
tec
execute0_lowered:
.L_overlay_start_1:
0x0: {  	(tag) =	ssettag $0x1  }
0x1: {  	s0 =	rddreg [dreg:$0x0];
	s1 =	srdreg.scid  }
0x2: {  	s5 =	stileid.u32;
	s6 =	rddreg [dreg:$0x1]  }
0x3: {  	s2 =	rddreg [dreg:$0x2];
	s14 =	simm.s32 $0x6720;
	s15 =	simm.s32 $0xB  }
0x4: {  	s17 =	simm.s32 $0x50;
	s18 =	simm.s32 $0x4E20;
	s19 =	simm.s32 $0x5320  }
0x5: {  	s21 =	simm.s32 $0x5820;
	s23 =	simm.s32 $0x5D20;
	s25 =	simm.s32 $0x6220  }
0x6: {  	s28 =	simm.s32 $0x2;
	s29 =	simm.s32 $0x3;
	s30 =	simm.s32 $0x4  }
0x7: {  	s31 =	simm.s32 $0x5;
	s16 =	simm.s32 $0x8;
	s20 =	simm.s32 $0x9  }
0x8: {  	s22 =	simm.s32 $0xA;
	s24 =	simm.s32 $0x0;
	s1 =	sand.u32 $0x1, s1  }
0x9: {  	s3 =	sshll.u32 s5, $0x1;
	s9 =	smul.u32 $0x2710, s5;
	s5 =	sadd.s32 $0x12000, s0  }
0xa: {  	s4 =	sor.u32 s1, s3;
	s3 =	rddreg [dreg:$0x3];
	s7 =	smul.u32 $0x27100, s1  }
0xb: {  	s1 =	ssub.s32 $0x2, s1;
	s8 =	smul.u32 $0x4E2, s4;
	s4 =	simm.s32 $0x0  }
0xc: {  	s10 =	sshrl.u32 s9, $0x3;
	s12 =	sshrl.u32 s1, $0x1;
	[smem:$0x7FF] =	sst s4  }
0xd: {  	s7 =	sadd.s32 s9, s7;
	s13 =	sadd.s32 s10, s0;
	s1 =	ssub.s32 s1, s12  }
0xe: {  	s10 =	sadd.s32 s5, s10;
	_ =	strace $0x80000050;
	s11 =	sadd.s32 s8, s0  }
0xf: {  	s7 =	sshrl.u32 s7, $0x3;
	s26 =	sadd.s32 $0xD000, s13;
	[dreg:$0x6] =	wrdreg s10  }
0x10: {  	s10 =	sadd.s32 s6, s8;
	s13 =	smax.u32 s1, $0x1;
	s1 =	simm.s32 $0x6  }
0x11: {  	s0 =	sadd.s32 s7, s0;
	[dreg:$0x5] =	wrdreg s26;
	s7 =	sadd.s32 s9, s2  }
0x12: {  	s9 =	sadd.s32 s9, s3;
	s11 =	sadd.s32 $0x3200, s11;
	s26 =	simm.s32 $0x1  }
0x13: {  	[dreg:$0x7] =	wrdreg s9;
	s12 =	sadd.s32 $0x17000, s0;
	s0 =	simm.s32 $0x7  }
.LBB2_1:
0x14: {  	s6 =	rddreg [dreg:$0x5]  }
0x15: {  	[tilespmem:s14], [sflag:$0xB] =	stream.linear.gather [hbm4b:s6+s4], $0x2710, $0x38;
	[tilespmem:$0xDC50] =	vst v63  }
0x16: {  	_ =	swait.ge [sflag:s15], $0x2710  }
0x17: {  	[sflag:s15] =	ssyncset.done $0x0  }
0x18: {  	[sflag:s15] =	ssyncadd.s32 $0xFFFFD8F0  }
0x19: {  	[spmem:s7] =	stream.linear.scatter [tilespmem:s14], [sflag:$0xB], $0x2710, $0x38;
	[tilespmem:$0xDC50] =	vst v63  }
0x1a: {  	_ =	swait.ge [sflag:s15], $0x2710  }
0x1b: {  	[sflag:s15] =	ssyncset.done $0x0  }
0x1c: {  	s9 =	rddreg [dreg:$0x6];
	[sflag:s15] =	ssyncadd.s32 $0xFFFFD8F0  }
0x1d: {  	[tilespmem:s14], [sflag:$0xB] =	stream.linear.gather [hbm4b:s9+s4], $0x2710, $0x38;
	[tilespmem:$0xDC50] =	vst v63  }
0x1e: {  	_ =	swait.ge [sflag:s15], $0x2710  }
0x1f: {  	[sflag:s15] =	ssyncset.done $0x0  }
0x20: {  	s8 =	rddreg [dreg:$0x7];
	[sflag:s15] =	ssyncadd.s32 $0xFFFFD8F0  }
0x21: {  	[spmem:s8] =	stream.linear.scatter [tilespmem:s14], [sflag:$0xB], $0x2710, $0x38;
	[tilespmem:$0xDC50] =	vst v63  }
0x22: {  	_ =	swait.ge [sflag:s15], $0x2710  }
0x23: {  	[sflag:s15] =	ssyncset.done $0x0  }
0x24: {  	[sflag:s15] =	ssyncadd.s32 $0xFFFFD8F0  }
0x25: {  	[tilespmem:s4], [sflag:$0xB] =	stream.linear.gather [hbm4b:s10+s4], $0x2710, $0x38;
	[tilespmem:$0xDC50] =	vst v63  }
0x26: {  	_ =	swait.ge [sflag:s15], $0x2710  }
0x27: {  	[sflag:s15] =	ssyncset.done $0x0  }
0x28: {  	s9 =	simm.s32 $0x2710;
	[sflag:s15] =	ssyncadd.s32 $0xFFFFD8F0  }
0x29: {  	[tilespmem:s9], [sflag:$0xB] =	stream.linear.gather [hbm4b:s11+s4], $0x2710, $0x38;
	[tilespmem:$0xDC50] =	vst v63  }
0x2a: {  	_ =	swait.ge [sflag:s15], $0x2710  }
0x2b: {  	[sflag:s15] =	ssyncset.done $0x0  }
0x2c: {  	[sflag:s15] =	ssyncadd.s32 $0xFFFFD8F0  }
0x2d: {  	[bflag:$0x0] =	sbarrier.arrive $0xFFFF  }
0x2e: {  	[tilespmem:s18], [sflag:$0x1] =	stream.indirect.gather [hbm4b:s5+s17], $0x10, s4, s17, $0xb8;
	[tilespmem:$0xDC50] =	vst v63  }
0x2f: {  	_ = 	snop  }
0x30: {  	[tilespmem:s19], [sflag:$0x2] =	stream.indirect.gather [hbm4b:s5+s17], $0x10, s17, s17, $0xb8;
	[tilespmem:$0xDC50] =	vst v63  }
0x31: {  	s8 =	simm.s32 $0xA0  }
0x32: {  	[tilespmem:s21], [sflag:$0x3] =	stream.indirect.gather [spmem:s3], $0x10, s8, s17, $0xb8;
	[tilespmem:$0xDC50] =	vst v63  }
0x33: {  	s9 =	simm.s32 $0xF0  }
0x34: {  	[tilespmem:s23], [sflag:$0x4] =	stream.indirect.gather [spmem:s3], $0x10, s9, s17, $0xb8;
	[tilespmem:$0xDC50] =	vst v63  }
0x35: {  	s8 =	simm.s32 $0x140  }
0x36: {  	[tilespmem:s25], [sflag:$0x5] =	stream.indirect.gather [spmem:s3], $0x10, s8, s17, $0xb8;
	[tilespmem:$0xDC50] =	vst v63  }
0x37: {  	_ =	swait.ge [sflag:s26], $0x500  }
0x38: {  	[sflag:s26] =	ssyncset.done $0x0  }
0x39: {  	s9 =	simm.s32 $0x2710;
	[sflag:s26] =	ssyncadd.s32 $0xFFFFFB00  }
0x3a: {  	[spmem:s2] =	stream.indirect.scatter.add.f32 [tilespmem:s18], [sflag:$0x6], $0x10, s9, s17, $0xb8;
	[tilespmem:$0xDC50] =	vst v63  }
0x3b: {  	_ =	swait.ge [sflag:s28], $0x500  }
0x3c: {  	[sflag:s28] =	ssyncset.done $0x0  }
0x3d: {  	s8 =	simm.s32 $0x2760;
	[sflag:s28] =	ssyncadd.s32 $0xFFFFFB00  }
0x3e: {  	[spmem:s2] =	stream.indirect.scatter.add.f32 [tilespmem:s19], [sflag:$0x7], $0x10, s8, s17, $0xb8;
	[tilespmem:$0xDC50] =	vst v63  }
0x3f: {  	_ =	swait.ge [sflag:s29], $0x500  }
0x40: {  	[sflag:s29] =	ssyncset.done $0x0  }
0x41: {  	s9 =	simm.s32 $0x27B0;
	[sflag:s29] =	ssyncadd.s32 $0xFFFFFB00  }
0x42: {  	[spmem:s2] =	stream.indirect.scatter.add.f32 [tilespmem:s21], [sflag:$0x8], $0x10, s9, s17, $0xb8;
	[tilespmem:$0xDC50] =	vst v63  }
0x43: {  	_ =	swait.ge [sflag:s30], $0x500  }
0x44: {  	[sflag:s30] =	ssyncset.done $0x0  }
0x45: {  	s8 =	simm.s32 $0x2800;
	[sflag:s30] =	ssyncadd.s32 $0xFFFFFB00  }
0x46: {  	[spmem:s2] =	stream.indirect.scatter.add.f32 [tilespmem:s23], [sflag:$0x9], $0x10, s8, s17, $0xb8;
	[tilespmem:$0xDC50] =	vst v63  }
0x47: {  	_ =	swait.ge [sflag:s31], $0x500  }
0x48: {  	[sflag:s31] =	ssyncset.done $0x0  }
0x49: {  	s9 =	simm.s32 $0x2850;
	[sflag:s31] =	ssyncadd.s32 $0xFFFFFB00  }
0x4a: {  	[spmem:s2] =	stream.indirect.scatter.add.f32 [tilespmem:s25], [sflag:$0xA], $0x10, s9, s17, $0xb8;
	[tilespmem:$0xDC50] =	vst v63  }
0x4b: {  	_ =	swait.ge [sflag:s1], $0x500  }
0x4c: {  	[sflag:s1] =	ssyncset.done $0x0  }
0x4d: {  	s8 =	simm.s32 $0x190;
	[sflag:s1] =	ssyncadd.s32 $0xFFFFFB00  }
0x4e: {  	[tilespmem:s18], [sflag:$0x1] =	stream.indirect.gather [hbm4b:s5+s17], $0x10, s8, s17, $0xb8;
	[tilespmem:$0xDC50] =	vst v63  }
0x4f: {  	_ =	swait.ge [sflag:s0], $0x500  }
0x50: {  	[sflag:s0] =	ssyncset.done $0x0  }
0x51: {  	s9 =	simm.s32 $0x1E0;
	[sflag:s0] =	ssyncadd.s32 $0xFFFFFB00  }
0x52: {  	[tilespmem:s19], [sflag:$0x2] =	stream.indirect.gather [hbm4b:s5+s17], $0x10, s9, s17, $0xb8;
	[tilespmem:$0xDC50] =	vst v63  }
0x53: {  	_ =	swait.ge [sflag:s16], $0x500  }
0x54: {  	[sflag:s16] =	ssyncset.done $0x0  }
0x55: {  	s8 =	simm.s32 $0x230;
	[sflag:s16] =	ssyncadd.s32 $0xFFFFFB00  }
0x56: {  	[tilespmem:s21], [sflag:$0x3] =	stream.indirect.gather [spmem:s3], $0x10, s8, s17, $0xb8;
	[tilespmem:$0xDC50] =	vst v63  }
0x57: {  	_ =	swait.ge [sflag:s20], $0x500  }
0x58: {  	[sflag:s20] =	ssyncset.done $0x0  }
0x59: {  	s9 =	simm.s32 $0x280;
	[sflag:s20] =	ssyncadd.s32 $0xFFFFFB00  }
0x5a: {  	[tilespmem:s23], [sflag:$0x4] =	stream.indirect.gather [spmem:s3], $0x10, s9, s17, $0xb8;
	[tilespmem:$0xDC50] =	vst v63  }
0x5b: {  	_ =	swait.ge [sflag:s22], $0x500  }
0x5c: {  	[sflag:s22] =	ssyncset.done $0x0  }
0x5d: {  	s6 =	simm.s32 $0x640;
	s8 =	simm.s32 $0x2D0;
	[sflag:s22] =	ssyncadd.s32 $0xFFFFFB00  }
.LBB2_2:
0x5e: {  	[tilespmem:s25], [sflag:$0x5] =	stream.indirect.gather [spmem:s3], $0x10, s8, s17, $0xb8;
	[tilespmem:$0xDC50] =	vst v63  }
0x5f: {  	s8 =	smov.u32 s6  }
0x60: {  	p0 =	sne.s32 s6, $0x8FC0;
	s6 =	sadd.s32 $0x640, s6;
	_ =	swait.ge [sflag:s26], $0x500  }
0x61: {  	s8 =	sshra.s32 s8, $0x2;
	[sflag:s26] =	ssyncset.done $0x0  }
0x62: {  	s9 =	sadd.s32 $0x2710, s8;
	[sflag:s26] =	ssyncadd.s32 $0xFFFFFB00  }
0x63: {  	[spmem:s2] =	stream.indirect.scatter.add.f32 [tilespmem:s18], [sflag:$0x6], $0x10, s9, s17, $0xb8;
	[tilespmem:$0xDC50] =	vst v63  }
0x64: {  	_ =	swait.ge [sflag:s28], $0x500  }
0x65: {  	[sflag:s28] =	ssyncset.done $0x0  }
0x66: {  	s9 =	sadd.s32 $0x2760, s8;
	[sflag:s28] =	ssyncadd.s32 $0xFFFFFB00  }
0x67: {  	[spmem:s2] =	stream.indirect.scatter.add.f32 [tilespmem:s19], [sflag:$0x7], $0x10, s9, s17, $0xb8;
	[tilespmem:$0xDC50] =	vst v63  }
0x68: {  	_ =	swait.ge [sflag:s29], $0x500  }
0x69: {  	[sflag:s29] =	ssyncset.done $0x0  }
0x6a: {  	s9 =	sadd.s32 $0x27B0, s8;
	[sflag:s29] =	ssyncadd.s32 $0xFFFFFB00  }
0x6b: {  	[spmem:s2] =	stream.indirect.scatter.add.f32 [tilespmem:s21], [sflag:$0x8], $0x10, s9, s17, $0xb8;
	[tilespmem:$0xDC50] =	vst v63  }
0x6c: {  	_ =	swait.ge [sflag:s30], $0x500  }
0x6d: {  	[sflag:s30] =	ssyncset.done $0x0  }
0x6e: {  	s9 =	sadd.s32 $0x2800, s8;
	[sflag:s30] =	ssyncadd.s32 $0xFFFFFB00  }
0x6f: {  	[spmem:s2] =	stream.indirect.scatter.add.f32 [tilespmem:s23], [sflag:$0x9], $0x10, s9, s17, $0xb8;
	[tilespmem:$0xDC50] =	vst v63  }
0x70: {  	_ =	swait.ge [sflag:s31], $0x500  }
0x71: {  	[sflag:s31] =	ssyncset.done $0x0  }
0x72: {  	s9 =	sadd.s32 $0x2850, s8;
	[sflag:s31] =	ssyncadd.s32 $0xFFFFFB00  }
0x73: {  	[spmem:s2] =	stream.indirect.scatter.add.f32 [tilespmem:s25], [sflag:$0xA], $0x10, s9, s17, $0xb8;
	[tilespmem:$0xDC50] =	vst v63  }
0x74: {  	_ =	swait.ge [sflag:s1], $0x500  }
0x75: {  	[sflag:s1] =	ssyncset.done $0x0  }
0x76: {  	s9 =	sadd.s32 $0x190, s8;
	[sflag:s1] =	ssyncadd.s32 $0xFFFFFB00  }
0x77: {  	[tilespmem:s18], [sflag:$0x1] =	stream.indirect.gather [hbm4b:s5+s17], $0x10, s9, s17, $0xb8;
	[tilespmem:$0xDC50] =	vst v63  }
0x78: {  	_ =	swait.ge [sflag:s0], $0x500  }
0x79: {  	[sflag:s0] =	ssyncset.done $0x0  }
0x7a: {  	s9 =	sadd.s32 $0x1E0, s8;
	[sflag:s0] =	ssyncadd.s32 $0xFFFFFB00  }
0x7b: {  	[tilespmem:s19], [sflag:$0x2] =	stream.indirect.gather [hbm4b:s5+s17], $0x10, s9, s17, $0xb8;
	[tilespmem:$0xDC50] =	vst v63  }
0x7c: {  	_ =	swait.ge [sflag:s16], $0x500  }
0x7d: {  	[sflag:s16] =	ssyncset.done $0x0  }
0x7e: {  	s9 =	sadd.s32 $0x230, s8;
	[sflag:s16] =	ssyncadd.s32 $0xFFFFFB00  }
0x7f: {  	[tilespmem:s21], [sflag:$0x3] =	stream.indirect.gather [spmem:s3], $0x10, s9, s17, $0xb8;
	[tilespmem:$0xDC50] =	vst v63  }
0x80: {  	_ =	swait.ge [sflag:s20], $0x500  }
0x81: {  	[sflag:s20] =	ssyncset.done $0x0  }
.Ltmp0:
0x82: {  	s9 =	sadd.s32 $0x280, s8;
	[sflag:s20] =	ssyncadd.s32 $0xFFFFFB00;
	(pc) =	sbr.rel @p0 .LBB2_2-.Ltmp0, $4  }
0x83: {  	[tilespmem:s23], [sflag:$0x4] =	stream.indirect.gather [spmem:s3], $0x10, s9, s17, $0xb8;
	[tilespmem:$0xDC50] =	vst v63  }
0x84: {  	_ =	swait.ge [sflag:s22], $0x500  }
0x85: {  	[sflag:s22] =	ssyncset.done $0x0  }
0x86: {  	s8 =	sadd.s32 $0x2D0, s8;
	[sflag:s22] =	ssyncadd.s32 $0xFFFFFB00  }
0x87: {  	[tilespmem:s25], [sflag:$0x5] =	stream.indirect.gather [spmem:s3], $0x10, s8, s17, $0xb8;
	[tilespmem:$0xDC50] =	vst v63  }
0x88: {  	_ =	swait.ge [sflag:s26], $0x500  }
0x89: {  	[sflag:s26] =	ssyncset.done $0x0  }
0x8a: {  	s6 =	simm.s32 $0x4C90;
	[sflag:s26] =	ssyncadd.s32 $0xFFFFFB00  }
0x8b: {  	[spmem:s2] =	stream.indirect.scatter.add.f32 [tilespmem:s18], [sflag:$0x6], $0x10, s6, s17, $0xb8;
	[tilespmem:$0xDC50] =	vst v63  }
0x8c: {  	_ =	swait.ge [sflag:s28], $0x500  }
0x8d: {  	[sflag:s28] =	ssyncset.done $0x0  }
0x8e: {  	s8 =	simm.s32 $0x4CE0;
	[sflag:s28] =	ssyncadd.s32 $0xFFFFFB00  }
0x8f: {  	[spmem:s2] =	stream.indirect.scatter.add.f32 [tilespmem:s19], [sflag:$0x7], $0x10, s8, s17, $0xb8;
	[tilespmem:$0xDC50] =	vst v63  }
0x90: {  	_ =	swait.ge [sflag:s29], $0x500  }
0x91: {  	[sflag:s29] =	ssyncset.done $0x0  }
0x92: {  	s9 =	simm.s32 $0x4D30;
	[sflag:s29] =	ssyncadd.s32 $0xFFFFFB00  }
0x93: {  	[spmem:s2] =	stream.indirect.scatter.add.f32 [tilespmem:s21], [sflag:$0x8], $0x10, s9, s17, $0xb8;
	[tilespmem:$0xDC50] =	vst v63  }
0x94: {  	_ =	swait.ge [sflag:s30], $0x500  }
0x95: {  	[sflag:s30] =	ssyncset.done $0x0  }
0x96: {  	s8 =	simm.s32 $0x4D80;
	[sflag:s30] =	ssyncadd.s32 $0xFFFFFB00  }
0x97: {  	[spmem:s2] =	stream.indirect.scatter.add.f32 [tilespmem:s23], [sflag:$0x9], $0x10, s8, s17, $0xb8;
	[tilespmem:$0xDC50] =	vst v63  }
0x98: {  	_ =	swait.ge [sflag:s31], $0x500  }
0x99: {  	[sflag:s31] =	ssyncset.done $0x0  }
0x9a: {  	s9 =	simm.s32 $0x4DD0;
	[sflag:s31] =	ssyncadd.s32 $0xFFFFFB00  }
0x9b: {  	[spmem:s2] =	stream.indirect.scatter.add.f32 [tilespmem:s25], [sflag:$0xA], $0x10, s9, s17, $0xb8;
	[tilespmem:$0xDC50] =	vst v63  }
0x9c: {  	_ =	swait.ge [sflag:s1], $0x500  }
0x9d: {  	[sflag:s1] =	ssyncset.done $0x0  }
0x9e: {  	[sflag:s1] =	ssyncadd.s32 $0xFFFFFB00  }
0x9f: {  	_ =	swait.ge [sflag:s0], $0x500  }
0xa0: {  	[sflag:s0] =	ssyncset.done $0x0  }
0xa1: {  	[sflag:s0] =	ssyncadd.s32 $0xFFFFFB00  }
0xa2: {  	_ =	swait.ge [sflag:s16], $0x500  }
0xa3: {  	[sflag:s16] =	ssyncset.done $0x0  }
0xa4: {  	[sflag:s16] =	ssyncadd.s32 $0xFFFFFB00  }
0xa5: {  	_ =	swait.ge [sflag:s20], $0x500  }
0xa6: {  	[sflag:s20] =	ssyncset.done $0x0  }
0xa7: {  	[sflag:s20] =	ssyncadd.s32 $0xFFFFFB00  }
0xa8: {  	_ =	swait.ge [sflag:s22], $0x500  }
0xa9: {  	[sflag:s22] =	ssyncset.done $0x0  }
0xaa: {  	[sflag:s22] =	ssyncadd.s32 $0xFFFFFB00  }
0xab: {  	[bflag:$0x0] =	sbarrier.arrive $0xFFFF  }
0xac: {  	[tilespmem:s14], [sflag:$0xB] =	stream.linear.gather [spmem:s7], $0x2710, $0x38;
	[tilespmem:$0xDC50] =	vst v63  }
0xad: {  	s24 =	sadd.s32 $0x1, s24;
	_ =	swait.ge [sflag:s15], $0x2710  }
0xae: {  	p0 =	sne.s32 s24, s13;
	[sflag:s15] =	ssyncset.done $0x0  }
.Ltmp1:
0xaf: {  	[sflag:s15] =	ssyncadd.s32 $0xFFFFD8F0;
	(pc) =	sbr.rel @p0 .LBB2_1-.Ltmp1, $4  }
0xb0: {  	[hbm4b:s12+s4] =	stream.linear.scatter [tilespmem:s14], [sflag:$0xB], $0x2710, $0x38;
	[tilespmem:$0xDC50] =	vst v63  }
0xb1: {  	_ =	swait.ge [sflag:s15], $0x2710  }
0xb2: {  	[sflag:s15] =	ssyncset.done $0x0  }
0xb3: {  	[sflag:s15] =	ssyncadd.s32 $0xFFFFD8F0  }
0xb4: {  	_ =	sfence.sel $0x180000  }
0xb5: {  	[bflag:$0x0] =	sbarrier.arrive $0xFFFF  }
0xb6: {  	_ =	strace $0x90000050  }
0xb7: {  	s0 =	stileid.u32;
	[bflag:$0x2] =	sbarrier.arrive $0xFFFF  }
0xb8: {  	p0 =	sne.s32 s0, $0x0;
	s0 =	rddreg [dreg:$0x4]  }
0xb9: {  	s0 =	sadd.s32 @!p0 $0x100000, s0  }
0xba: {  	[sflag:s0] =	ssyncadd.tile.s32 @!p0 $0x1;
	_ =	shalt  }
.Lfunc_end2:
_tile_overlayer_lowered:
.L_overlay_start_2:
0xbb: {  	(tag) =	ssettag $0x2  }
0xbc: {  	s0 =	rddreg [dreg:$0x0];
	s2 =	stileid.u32  }
0xbd: {  	s1 =	rddreg [dreg:$0x1];
	p0 =	sne.s32 s2, $0x0  }
0xbe: {  	s3 =	rddreg [dreg:$0x2];
	[bflag:$0x3] =	sbarrier.arrive $0xFFFF;
	s2 =	simm.s32 @!p0 $0x1C0B  }
0xbf: {  	[timem:s3], [sflag:s2] =	dma.local @!p0 [hbm:s0], s1  }
0xc0: {  	s0 =	simm.s32 @!p0 $0xB  }
0xc1: {  	_ =	swait.ge @!p0 [sflag:s0], s1  }
0xc2: {  	s1 =	ssub.s32 @!p0 $0x0, s1;
	[sflag:s0] =	ssyncset.done @!p0 $0x0  }
0xc3: {  	[sflag:s0] =	ssyncadd.s32 @!p0 s1  }
0xc4: {  	[bflag:$0x3] =	sbarrier.arrive $0xFFFF  }
0xc5: {  	_ =	shalt  }

</sc_bundles>
